<compile_context>
chip_gen: v7x
topology: tpu7x:2x2x1
jax: 0.10.2.dev20260603
libtpu: 0.0.44.dev20260713+nightly
codegen_flags: <defaults>
</compile_context>

<pallas_src>
import functools

import jax
import jax.numpy as jnp
from jax import lax
from jax.experimental import pallas as pl
from jax.experimental.pallas import tpu as pltpu
from jax.experimental.pallas import tpu_sc as plsc

B = 16384
L = 50
D = 64
NC = 2
NS = 16
NW = NC * NS
PW = B // NW
NID = PW * L
NLANE = 16
ND = D // NLANE
CH = 64
NCH = PW // CH
SPP = 16
RING = SPP * L
NP = PW // SPP
HALF = RING // 2
GROUP = 200
SPLITS = ((0, 104), (104, 96))


def _qenc_body(idst_hbm, w_hbm, out_hbm,
               stage0, stage1, idsf_v, inv_v, ring_v, out_v,
               semS0, semS1, semA, semB):
    wid = lax.axis_index("s") * NC + lax.axis_index("c")
    sbase = wid * PW
    lane = lax.iota(jnp.int32, NLANE)
    lane50 = lane * L

    stages = (stage0, stage1)
    sems = (semS0, semS1)

    def stage_copy(c, buf, sem):
        return pltpu.async_copy(
            idst_hbm.at[:, pl.ds(sbase + CH * c, CH)], buf, sem)

    stage_copy(0, stages[0], sems[0])
    for c in range(NCH):
        buf, sem = stages[c % 2], sems[c % 2]
        if c + 1 < NCH:
            stage_copy(c + 1, stages[(c + 1) % 2], sems[(c + 1) % 2])
        pltpu.make_async_copy(
            idst_hbm.at[:, pl.ds(sbase + CH * c, CH)], buf, sem).wait()
        for k in range(CH // NLANE):
            base50 = (CH * c + NLANE * k) * L

            def tl(l, cnt, _k=k, _base50=base50, _buf=buf):
                v = _buf[l, pl.ds(NLANE * _k, NLANE)]
                plsc.store_scatter(idsf_v, [lane50 + (_base50 + l)], v)
                return cnt + jnp.where(v != 0, 1.0, 0.0)

            cnt = lax.fori_loop(
                0, L, tl, jnp.zeros((NLANE,), jnp.float32))
            inv_v[pl.ds(CH * c + NLANE * k, NLANE)] = (
                1.0 / jnp.maximum(cnt, 1.0))

    def half_streams(p, half):
        base = pl.multiple_of(RING * p + HALF * half, 8)
        out = []
        for g in range(HALF // GROUP):
            for off, size in SPLITS:
                src = w_hbm.at[idsf_v.at[pl.ds(base + GROUP * g + off, size)]]
                dst = ring_v.at[pl.ds(HALF * half + GROUP * g + off, size)]
                out.append((src, dst))
        return out

    def issue(p, half, sem):
        for src, dst in half_streams(p, half):
            pltpu.async_copy(src, dst, sem)

    def drain(p, half, sem):
        for src, dst in half_streams(p, half):
            pltpu.make_async_copy(src, dst, sem).wait()

    def reduce_half(p, half):
        def one(j, carry):
            rb = HALF * half + L * j
            accs = [ring_v[rb, pl.ds(d * NLANE, NLANE)] for d in range(ND)]
            for l in range(1, L):
                for d in range(ND):
                    accs[d] = accs[d] + ring_v[rb + l, pl.ds(d * NLANE, NLANE)]
            s = SPP * p + 8 * half + j
            inv = plsc.load_gather(inv_v, [jnp.zeros((NLANE,), jnp.int32) + s])
            for d in range(ND):
                out_v[s, pl.ds(d * NLANE, NLANE)] = accs[d] * inv
            return carry

        lax.fori_loop(0, SPP // 2, one, 0)

    issue(0, 0, semA)
    issue(0, 1, semB)

    def body(p, carry):
        drain(p, 0, semA)
        reduce_half(p, 0)

        @pl.when(p + 1 < NP)
        def _():
            issue(p + 1, 0, semA)

        drain(p, 1, semB)
        reduce_half(p, 1)

        @pl.when(p + 1 < NP)
        def _():
            issue(p + 1, 1, semB)

        return carry

    lax.fori_loop(0, NP, body, 0)
    pltpu.sync_copy(out_v, out_hbm.at[pl.ds(sbase, PW)])


@jax.jit
def _qenc(ids_t, w):
    mesh = plsc.VectorSubcoreMesh(core_axis_name="c", subcore_axis_name="s")
    f = functools.partial(
        pl.kernel,
        mesh=mesh,
        compiler_params=pltpu.CompilerParams(
            needs_layout_passes=False, use_tc_tiling_on_sc=False),
        out_type=jax.ShapeDtypeStruct((B, D), jnp.float32),
        scratch_types=[
            pltpu.VMEM((L, CH), jnp.int32),
            pltpu.VMEM((L, CH), jnp.int32),
            pltpu.VMEM((NID,), jnp.int32),
            pltpu.VMEM((PW,), jnp.float32),
            pltpu.VMEM((RING, D), jnp.float32),
            pltpu.VMEM((PW, D), jnp.float32),
            pltpu.SemaphoreType.DMA,
            pltpu.SemaphoreType.DMA,
            pltpu.SemaphoreType.DMA,
            pltpu.SemaphoreType.DMA,
        ],
    )(_qenc_body)
    return f(ids_t, w)


def kernel(seqs, W):
    return _qenc(seqs.T, W)

# --- scband reference (transcript-rebuilt; emitter-appended) ---
"""Pipeline reference for scband-query-encoder-30150670418292 (READ-ONLY COPY).

The authoritative reference and input builder live on the scoring server;
editing this copy changes nothing except your own understanding.
"""

import jax, jax.numpy as jnp
import numpy as np

VOCAB = 1000000
DIM = 64
B = 16384
L = 50

def setup_inputs(seed: int = 0) -> dict:
    key = jax.random.key(seed)
    k1, k2 = jax.random.split(key)
    seqs = jax.random.randint(k1, (B, L), 0, VOCAB, dtype=jnp.int32)
    # xavier normal init for embedding table, padding row 0 zeroed
    std = float(np.sqrt(2.0 / (VOCAB + DIM)))
    W = jax.random.normal(k2, (VOCAB, DIM), dtype=jnp.float32) * std
    W = W.at[0].set(0.0)
    return {"seqs": seqs, "W": W}

def reference(seqs, W):
    seqs_mask = seqs == 0
    seqs_emb = jnp.take(W, seqs, axis=0)                      # [B, L, D] gather
    seqs_len = (~seqs_mask).sum(axis=1, keepdims=True).astype(W.dtype)  # [B, 1]
    output = jnp.where(seqs_mask[:, :, None], 0.0, seqs_emb)  # masked_fill
    sum_emb = output.sum(axis=1)                              # [B, D]
    safe_len = jnp.where(seqs_len == 0, 1.0, seqs_len)
    mean_emb = sum_emb / safe_len
    mean_emb = jnp.where(seqs_len == 0, 0.0, mean_emb)        # masked_fill(len==0, 0)
    return jnp.squeeze(mean_emb)

if __name__ == "__main__":
    import jax
    _d = setup_inputs()
    print(jax.jit(kernel)(*tuple(_d.values())))

</pallas_src>

<mosaic_0001>
#map = affine_map<(d0, d1) -> (0, 0)>
module attributes {stable_mosaic.version = 14 : i64} {
  func.func @_qenc_body(%arg0: i32, %arg1: i32, %arg2: memref<50x16384xi32, #tpu.memory_space<hbm>>, %arg3: memref<1000000x64xf32, #tpu.memory_space<hbm>>, %arg4: memref<16384x64xf32, #tpu.memory_space<hbm>>, %arg5: memref<50x64xi32, #tpu.memory_space<vmem>>, %arg6: memref<50x64xi32, #tpu.memory_space<vmem>>, %arg7: memref<25600xi32, #tpu.memory_space<vmem>>, %arg8: memref<512xf32, #tpu.memory_space<vmem>>, %arg9: memref<800x64xf32, #tpu.memory_space<vmem>>, %arg10: memref<512x64xf32, #tpu.memory_space<vmem>>, %arg11: memref<!tpu.dma_semaphore, #tpu.memory_space<semaphore_mem>>, %arg12: memref<!tpu.dma_semaphore, #tpu.memory_space<semaphore_mem>>, %arg13: memref<!tpu.dma_semaphore, #tpu.memory_space<semaphore_mem>>, %arg14: memref<!tpu.dma_semaphore, #tpu.memory_space<semaphore_mem>>) attributes {dimension_semantics = [#tpu.dimension_semantics<core_parallel>, #tpu.dimension_semantics<subcore_parallel>], iteration_bounds = array<i64: 2, 16>, scalar_prefetch = 0 : i64, scratch_operands = 10 : i64, tpu.core_type = #tpu.core_type<sc_vector_subcore>, window_params = [{transform_indices = #map}, {transform_indices = #map}, {transform_indices = #map}]} {
    %mul3A = arith.constant 2 : i32
    %mul3A_0 = arith.muli %arg1, %mul3A : i32
    %add3A = arith.addi %mul3A_0, %arg0 : i32
    %mul3A_1 = arith.constant 512 : i32
    %mul3A_2 = arith.muli %add3A, %mul3A_1 : i32
    %iota3A = tpu.iota {dimensions = array<i32: 0>} : vector<16xi32>
    %mul3A_3 = arith.constant 50 : i32
    %mul3A_4 = vector.broadcast %mul3A_3 : i32 to vector<16xi32>
    %mul3A_5 = arith.muli %iota3A, %mul3A_4 : vector<16xi32>
    %add3A_6 = arith.constant 0 : i32
    %add3A_7 = arith.addi %mul3A_2, %add3A_6 : i32
    %dma_start3A = arith.constant 0 : i32
    %dma_start3A_8 = tpu.memref_slice %arg2[%dma_start3A, %add3A_7] : memref<50x16384xi32, #tpu.memory_space<hbm>> -> memref<50x64xi32, #tpu.memory_space<hbm>>
    %dma_start3A_9 = arith.constant 0 : i32
    %dma_start3A_10 = tpu.memref_slice %arg2[%dma_start3A_9, %add3A_7] : memref<50x16384xi32, #tpu.memory_space<hbm>> -> memref<50x64xi32, #tpu.memory_space<hbm>>
    tpu.enqueue_dma source(%dma_start3A_10 : memref<50x64xi32, #tpu.memory_space<hbm>>) target(%arg5 : memref<50x64xi32, #tpu.memory_space<vmem>>) target_semaphore(%arg11 : memref<!tpu.dma_semaphore, #tpu.memory_space<semaphore_mem>>)
    %add3A_11 = arith.constant 64 : i32
    %add3A_12 = arith.addi %mul3A_2, %add3A_11 : i32
    %dma_start3A_13 = arith.constant 0 : i32
    %dma_start3A_14 = tpu.memref_slice %arg2[%dma_start3A_13, %add3A_12] : memref<50x16384xi32, #tpu.memory_space<hbm>> -> memref<50x64xi32, #tpu.memory_space<hbm>>
    %dma_start3A_15 = arith.constant 0 : i32
    %dma_start3A_16 = tpu.memref_slice %arg2[%dma_start3A_15, %add3A_12] : memref<50x16384xi32, #tpu.memory_space<hbm>> -> memref<50x64xi32, #tpu.memory_space<hbm>>
    tpu.enqueue_dma source(%dma_start3A_16 : memref<50x64xi32, #tpu.memory_space<hbm>>) target(%arg6 : memref<50x64xi32, #tpu.memory_space<vmem>>) target_semaphore(%arg12 : memref<!tpu.dma_semaphore, #tpu.memory_space<semaphore_mem>>)
    %add3A_17 = arith.constant 0 : i32
    %add3A_18 = arith.addi %mul3A_2, %add3A_17 : i32
    %dma_wait3A = arith.constant 0 : i32
    %dma_wait3A_19 = tpu.memref_slice %arg2[%dma_wait3A, %add3A_18] : memref<50x16384xi32, #tpu.memory_space<hbm>> -> memref<50x64xi32, #tpu.memory_space<hbm>>
    %dma_wait3A_20 = arith.constant 0 : i32
    %dma_wait3A_21 = tpu.memref_slice %arg2[%dma_wait3A_20, %add3A_18] : memref<50x16384xi32, #tpu.memory_space<hbm>> -> memref<50x64xi32, #tpu.memory_space<hbm>>
    tpu.wait_dma2 semaphore(%arg11 : memref<!tpu.dma_semaphore, #tpu.memory_space<semaphore_mem>>) src(%dma_wait3A_21 : memref<50x64xi32, #tpu.memory_space<hbm>>) dst(%arg5 : memref<50x64xi32, #tpu.memory_space<vmem>>)
    %broadcast_in_dim3A = arith.constant 0.000000e+00 : f32
    %broadcast_in_dim3A_22 = vector.broadcast %broadcast_in_dim3A : f32 to vector<16xf32>
    %scan3A = arith.constant 0 : i32
    %scan3A_23 = arith.constant 50 : i32
    %scan3A_24 = arith.addi %scan3A, %scan3A_23 : i32
    %scan3A_25 = arith.constant 1 : i32
    %scan3A_26 = scf.for %scan3A_704 = %scan3A to %scan3A_24 step %scan3A_25 iter_args(%scan3A_705 = %broadcast_in_dim3A_22) -> (vector<16xf32>)  : i32 {
      %get3A = arith.index_cast %scan3A_704 : i32 to index
      %get3A_706 = arith.constant 0 : index
      %get3A_707 = tpu.vector_load %arg5[%get3A, %get3A_706] {strides = array<i32>} : memref<50x64xi32, #tpu.memory_space<vmem>>, vector<16xi32>,
      %add3A_708 = arith.constant 0 : i32
      %add3A_709 = arith.addi %add3A_708, %scan3A_704 : i32
      %add3A_710 = vector.broadcast %add3A_709 : i32 to vector<16xi32>
      %add3A_711 = arith.addi %mul3A_5, %add3A_710 : vector<16xi32>
      tpu.vector_store_idx %arg7[%add3A_711], %get3A_707 : memref<25600xi32, #tpu.memory_space<vmem>>[vector<16xi32>], vector<16xi32>,
      %ne3A = arith.constant 0 : i32
      %ne3A_712 = vector.broadcast %ne3A : i32 to vector<16xi32>
      %ne3A_713 = arith.cmpi ne, %get3A_707, %ne3A_712 : vector<16xi32>
      %jit3A = arith.constant 1.000000e+00 : f32
      %jit3A_714 = arith.constant 0.000000e+00 : f32
      %broadcast_in_dim3A_715 = vector.broadcast %jit3A : f32 to vector<16xf32>
      %broadcast_in_dim3A_716 = vector.broadcast %jit3A_714 : f32 to vector<16xf32>
      %select_n3A = arith.select %ne3A_713, %broadcast_in_dim3A_715, %broadcast_in_dim3A_716 : vector<16xi1>, vector<16xf32>
      %add3A_717 = arith.addf %scan3A_705, %select_n3A : vector<16xf32>
      scf.yield %add3A_717 : vector<16xf32>
    }
    %scan3A_27 = arith.constant 50 : i32
    %max3A = arith.constant 1.000000e+00 : f32
    %max3A_28 = vector.broadcast %max3A : f32 to vector<16xf32>
    %max3A_29 = arith.maximumf %scan3A_26, %max3A_28 : vector<16xf32>
    %div3A = arith.constant 1.000000e+00 : f32
    %div3A_30 = vector.broadcast %div3A : f32 to vector<16xf32>
    %div3A_31 = arith.divf %div3A_30, %max3A_29 : vector<16xf32>
    %swap3A = arith.constant 0 : index
    %swap3A_32 = tpu.vector_load %arg8[%swap3A] {strides = array<i32>} : memref<512xf32, #tpu.memory_space<vmem>>, vector<16xf32>,
    tpu.vector_store %arg8[%swap3A], %div3A_31 {strides = array<i32>} : memref<512xf32, #tpu.memory_space<vmem>>, vector<16xf32>,
    %broadcast_in_dim3A_33 = arith.constant 0.000000e+00 : f32
    %broadcast_in_dim3A_34 = vector.broadcast %broadcast_in_dim3A_33 : f32 to vector<16xf32>
    %scan3A_35 = arith.constant 0 : i32
    %scan3A_36 = arith.constant 50 : i32
    %scan3A_37 = arith.addi %scan3A_35, %scan3A_36 : i32
    %scan3A_38 = arith.constant 1 : i32
    %scan3A_39 = scf.for %scan3A_704 = %scan3A_35 to %scan3A_37 step %scan3A_38 iter_args(%scan3A_705 = %broadcast_in_dim3A_34) -> (vector<16xf32>)  : i32 {
      %get3A = arith.index_cast %scan3A_704 : i32 to index
      %get3A_706 = arith.constant 16 : index
      %get3A_707 = tpu.vector_load %arg5[%get3A, %get3A_706] {strides = array<i32>} : memref<50x64xi32, #tpu.memory_space<vmem>>, vector<16xi32>,
      %add3A_708 = arith.constant 800 : i32
      %add3A_709 = arith.addi %add3A_708, %scan3A_704 : i32
      %add3A_710 = vector.broadcast %add3A_709 : i32 to vector<16xi32>
      %add3A_711 = arith.addi %mul3A_5, %add3A_710 : vector<16xi32>
      tpu.vector_store_idx %arg7[%add3A_711], %get3A_707 : memref<25600xi32, #tpu.memory_space<vmem>>[vector<16xi32>], vector<16xi32>,
      %ne3A = arith.constant 0 : i32
      %ne3A_712 = vector.broadcast %ne3A : i32 to vector<16xi32>
      %ne3A_713 = arith.cmpi ne, %get3A_707, %ne3A_712 : vector<16xi32>
      %jit3A = arith.constant 1.000000e+00 : f32
      %jit3A_714 = arith.constant 0.000000e+00 : f32
      %broadcast_in_dim3A_715 = vector.broadcast %jit3A : f32 to vector<16xf32>
      %broadcast_in_dim3A_716 = vector.broadcast %jit3A_714 : f32 to vector<16xf32>
      %select_n3A = arith.select %ne3A_713, %broadcast_in_dim3A_715, %broadcast_in_dim3A_716 : vector<16xi1>, vector<16xf32>
      %add3A_717 = arith.addf %scan3A_705, %select_n3A : vector<16xf32>
      scf.yield %add3A_717 : vector<16xf32>
    }
    %scan3A_40 = arith.constant 50 : i32
    %max3A_41 = arith.constant 1.000000e+00 : f32
    %max3A_42 = vector.broadcast %max3A_41 : f32 to vector<16xf32>
    %max3A_43 = arith.maximumf %scan3A_39, %max3A_42 : vector<16xf32>
    %div3A_44 = arith.constant 1.000000e+00 : f32
    %div3A_45 = vector.broadcast %div3A_44 : f32 to vector<16xf32>
    %div3A_46 = arith.divf %div3A_45, %max3A_43 : vector<16xf32>
    %swap3A_47 = arith.constant 16 : index
    %swap3A_48 = tpu.vector_load %arg8[%swap3A_47] {strides = array<i32>} : memref<512xf32, #tpu.memory_space<vmem>>, vector<16xf32>,
    tpu.vector_store %arg8[%swap3A_47], %div3A_46 {strides = array<i32>} : memref<512xf32, #tpu.memory_space<vmem>>, vector<16xf32>,
    %broadcast_in_dim3A_49 = arith.constant 0.000000e+00 : f32
    %broadcast_in_dim3A_50 = vector.broadcast %broadcast_in_dim3A_49 : f32 to vector<16xf32>
    %scan3A_51 = arith.constant 0 : i32
    %scan3A_52 = arith.constant 50 : i32
    %scan3A_53 = arith.addi %scan3A_51, %scan3A_52 : i32
    %scan3A_54 = arith.constant 1 : i32
    %scan3A_55 = scf.for %scan3A_704 = %scan3A_51 to %scan3A_53 step %scan3A_54 iter_args(%scan3A_705 = %broadcast_in_dim3A_50) -> (vector<16xf32>)  : i32 {
      %get3A = arith.index_cast %scan3A_704 : i32 to index
      %get3A_706 = arith.constant 32 : index
      %get3A_707 = tpu.vector_load %arg5[%get3A, %get3A_706] {strides = array<i32>} : memref<50x64xi32, #tpu.memory_space<vmem>>, vector<16xi32>,
      %add3A_708 = arith.constant 1600 : i32
      %add3A_709 = arith.addi %add3A_708, %scan3A_704 : i32
      %add3A_710 = vector.broadcast %add3A_709 : i32 to vector<16xi32>
      %add3A_711 = arith.addi %mul3A_5, %add3A_710 : vector<16xi32>
      tpu.vector_store_idx %arg7[%add3A_711], %get3A_707 : memref<25600xi32, #tpu.memory_space<vmem>>[vector<16xi32>], vector<16xi32>,
      %ne3A = arith.constant 0 : i32
      %ne3A_712 = vector.broadcast %ne3A : i32 to vector<16xi32>
      %ne3A_713 = arith.cmpi ne, %get3A_707, %ne3A_712 : vector<16xi32>
      %jit3A = arith.constant 1.000000e+00 : f32
      %jit3A_714 = arith.constant 0.000000e+00 : f32
      %broadcast_in_dim3A_715 = vector.broadcast %jit3A : f32 to vector<16xf32>
      %broadcast_in_dim3A_716 = vector.broadcast %jit3A_714 : f32 to vector<16xf32>
      %select_n3A = arith.select %ne3A_713, %broadcast_in_dim3A_715, %broadcast_in_dim3A_716 : vector<16xi1>, vector<16xf32>
      %add3A_717 = arith.addf %scan3A_705, %select_n3A : vector<16xf32>
      scf.yield %add3A_717 : vector<16xf32>
    }
    %scan3A_56 = arith.constant 50 : i32
    %max3A_57 = arith.constant 1.000000e+00 : f32
    %max3A_58 = vector.broadcast %max3A_57 : f32 to vector<16xf32>
    %max3A_59 = arith.maximumf %scan3A_55, %max3A_58 : vector<16xf32>
    %div3A_60 = arith.constant 1.000000e+00 : f32
    %div3A_61 = vector.broadcast %div3A_60 : f32 to vector<16xf32>
    %div3A_62 = arith.divf %div3A_61, %max3A_59 : vector<16xf32>
    %swap3A_63 = arith.constant 32 : index
    %swap3A_64 = tpu.vector_load %arg8[%swap3A_63] {strides = array<i32>} : memref<512xf32, #tpu.memory_space<vmem>>, vector<16xf32>,
    tpu.vector_store %arg8[%swap3A_63], %div3A_62 {strides = array<i32>} : memref<512xf32, #tpu.memory_space<vmem>>, vector<16xf32>,
    %broadcast_in_dim3A_65 = arith.constant 0.000000e+00 : f32
    %broadcast_in_dim3A_66 = vector.broadcast %broadcast_in_dim3A_65 : f32 to vector<16xf32>
    %scan3A_67 = arith.constant 0 : i32
    %scan3A_68 = arith.constant 50 : i32
    %scan3A_69 = arith.addi %scan3A_67, %scan3A_68 : i32
    %scan3A_70 = arith.constant 1 : i32
    %scan3A_71 = scf.for %scan3A_704 = %scan3A_67 to %scan3A_69 step %scan3A_70 iter_args(%scan3A_705 = %broadcast_in_dim3A_66) -> (vector<16xf32>)  : i32 {
      %get3A = arith.index_cast %scan3A_704 : i32 to index
      %get3A_706 = arith.constant 48 : index
      %get3A_707 = tpu.vector_load %arg5[%get3A, %get3A_706] {strides = array<i32>} : memref<50x64xi32, #tpu.memory_space<vmem>>, vector<16xi32>,
      %add3A_708 = arith.constant 2400 : i32
      %add3A_709 = arith.addi %add3A_708, %scan3A_704 : i32
      %add3A_710 = vector.broadcast %add3A_709 : i32 to vector<16xi32>
      %add3A_711 = arith.addi %mul3A_5, %add3A_710 : vector<16xi32>
      tpu.vector_store_idx %arg7[%add3A_711], %get3A_707 : memref<25600xi32, #tpu.memory_space<vmem>>[vector<16xi32>], vector<16xi32>,
      %ne3A = arith.constant 0 : i32
      %ne3A_712 = vector.broadcast %ne3A : i32 to vector<16xi32>
      %ne3A_713 = arith.cmpi ne, %get3A_707, %ne3A_712 : vector<16xi32>
      %jit3A = arith.constant 1.000000e+00 : f32
      %jit3A_714 = arith.constant 0.000000e+00 : f32
      %broadcast_in_dim3A_715 = vector.broadcast %jit3A : f32 to vector<16xf32>
      %broadcast_in_dim3A_716 = vector.broadcast %jit3A_714 : f32 to vector<16xf32>
      %select_n3A = arith.select %ne3A_713, %broadcast_in_dim3A_715, %broadcast_in_dim3A_716 : vector<16xi1>, vector<16xf32>
      %add3A_717 = arith.addf %scan3A_705, %select_n3A : vector<16xf32>
      scf.yield %add3A_717 : vector<16xf32>
    }
    %scan3A_72 = arith.constant 50 : i32
    %max3A_73 = arith.constant 1.000000e+00 : f32
    %max3A_74 = vector.broadcast %max3A_73 : f32 to vector<16xf32>
    %max3A_75 = arith.maximumf %scan3A_71, %max3A_74 : vector<16xf32>
    %div3A_76 = arith.constant 1.000000e+00 : f32
    %div3A_77 = vector.broadcast %div3A_76 : f32 to vector<16xf32>
    %div3A_78 = arith.divf %div3A_77, %max3A_75 : vector<16xf32>
    %swap3A_79 = arith.constant 48 : index
    %swap3A_80 = tpu.vector_load %arg8[%swap3A_79] {strides = array<i32>} : memref<512xf32, #tpu.memory_space<vmem>>, vector<16xf32>,
    tpu.vector_store %arg8[%swap3A_79], %div3A_78 {strides = array<i32>} : memref<512xf32, #tpu.memory_space<vmem>>, vector<16xf32>,
    %add3A_81 = arith.constant 128 : i32
    %add3A_82 = arith.addi %mul3A_2, %add3A_81 : i32
    %dma_start3A_83 = arith.constant 0 : i32
    %dma_start3A_84 = tpu.memref_slice %arg2[%dma_start3A_83, %add3A_82] : memref<50x16384xi32, #tpu.memory_space<hbm>> -> memref<50x64xi32, #tpu.memory_space<hbm>>
    %dma_start3A_85 = arith.constant 0 : i32
    %dma_start3A_86 = tpu.memref_slice %arg2[%dma_start3A_85, %add3A_82] : memref<50x16384xi32, #tpu.memory_space<hbm>> -> memref<50x64xi32, #tpu.memory_space<hbm>>
    tpu.enqueue_dma source(%dma_start3A_86 : memref<50x64xi32, #tpu.memory_space<hbm>>) target(%arg5 : memref<50x64xi32, #tpu.memory_space<vmem>>) target_semaphore(%arg11 : memref<!tpu.dma_semaphore, #tpu.memory_space<semaphore_mem>>)
    %add3A_87 = arith.constant 64 : i32
    %add3A_88 = arith.addi %mul3A_2, %add3A_87 : i32
    %dma_wait3A_89 = arith.constant 0 : i32
    %dma_wait3A_90 = tpu.memref_slice %arg2[%dma_wait3A_89, %add3A_88] : memref<50x16384xi32, #tpu.memory_space<hbm>> -> memref<50x64xi32, #tpu.memory_space<hbm>>
    %dma_wait3A_91 = arith.constant 0 : i32
    %dma_wait3A_92 = tpu.memref_slice %arg2[%dma_wait3A_91, %add3A_88] : memref<50x16384xi32, #tpu.memory_space<hbm>> -> memref<50x64xi32, #tpu.memory_space<hbm>>
    tpu.wait_dma2 semaphore(%arg12 : memref<!tpu.dma_semaphore, #tpu.memory_space<semaphore_mem>>) src(%dma_wait3A_92 : memref<50x64xi32, #tpu.memory_space<hbm>>) dst(%arg6 : memref<50x64xi32, #tpu.memory_space<vmem>>)
    %broadcast_in_dim3A_93 = arith.constant 0.000000e+00 : f32
    %broadcast_in_dim3A_94 = vector.broadcast %broadcast_in_dim3A_93 : f32 to vector<16xf32>
    %scan3A_95 = arith.constant 0 : i32
    %scan3A_96 = arith.constant 50 : i32
    %scan3A_97 = arith.addi %scan3A_95, %scan3A_96 : i32
    %scan3A_98 = arith.constant 1 : i32
    %scan3A_99 = scf.for %scan3A_704 = %scan3A_95 to %scan3A_97 step %scan3A_98 iter_args(%scan3A_705 = %broadcast_in_dim3A_94) -> (vector<16xf32>)  : i32 {
      %get3A = arith.index_cast %scan3A_704 : i32 to index
      %get3A_706 = arith.constant 0 : index
      %get3A_707 = tpu.vector_load %arg6[%get3A, %get3A_706] {strides = array<i32>} : memref<50x64xi32, #tpu.memory_space<vmem>>, vector<16xi32>,
      %add3A_708 = arith.constant 3200 : i32
      %add3A_709 = arith.addi %add3A_708, %scan3A_704 : i32
      %add3A_710 = vector.broadcast %add3A_709 : i32 to vector<16xi32>
      %add3A_711 = arith.addi %mul3A_5, %add3A_710 : vector<16xi32>
      tpu.vector_store_idx %arg7[%add3A_711], %get3A_707 : memref<25600xi32, #tpu.memory_space<vmem>>[vector<16xi32>], vector<16xi32>,
      %ne3A = arith.constant 0 : i32
      %ne3A_712 = vector.broadcast %ne3A : i32 to vector<16xi32>
      %ne3A_713 = arith.cmpi ne, %get3A_707, %ne3A_712 : vector<16xi32>
      %jit3A = arith.constant 1.000000e+00 : f32
      %jit3A_714 = arith.constant 0.000000e+00 : f32
      %broadcast_in_dim3A_715 = vector.broadcast %jit3A : f32 to vector<16xf32>
      %broadcast_in_dim3A_716 = vector.broadcast %jit3A_714 : f32 to vector<16xf32>
      %select_n3A = arith.select %ne3A_713, %broadcast_in_dim3A_715, %broadcast_in_dim3A_716 : vector<16xi1>, vector<16xf32>
      %add3A_717 = arith.addf %scan3A_705, %select_n3A : vector<16xf32>
      scf.yield %add3A_717 : vector<16xf32>
    }
    %scan3A_100 = arith.constant 50 : i32
    %max3A_101 = arith.constant 1.000000e+00 : f32
    %max3A_102 = vector.broadcast %max3A_101 : f32 to vector<16xf32>
    %max3A_103 = arith.maximumf %scan3A_99, %max3A_102 : vector<16xf32>
    %div3A_104 = arith.constant 1.000000e+00 : f32
    %div3A_105 = vector.broadcast %div3A_104 : f32 to vector<16xf32>
    %div3A_106 = arith.divf %div3A_105, %max3A_103 : vector<16xf32>
    %swap3A_107 = arith.constant 64 : index
    %swap3A_108 = tpu.vector_load %arg8[%swap3A_107] {strides = array<i32>} : memref<512xf32, #tpu.memory_space<vmem>>, vector<16xf32>,
    tpu.vector_store %arg8[%swap3A_107], %div3A_106 {strides = array<i32>} : memref<512xf32, #tpu.memory_space<vmem>>, vector<16xf32>,
    %broadcast_in_dim3A_109 = arith.constant 0.000000e+00 : f32
    %broadcast_in_dim3A_110 = vector.broadcast %broadcast_in_dim3A_109 : f32 to vector<16xf32>
    %scan3A_111 = arith.constant 0 : i32
    %scan3A_112 = arith.constant 50 : i32
    %scan3A_113 = arith.addi %scan3A_111, %scan3A_112 : i32
    %scan3A_114 = arith.constant 1 : i32
    %scan3A_115 = scf.for %scan3A_704 = %scan3A_111 to %scan3A_113 step %scan3A_114 iter_args(%scan3A_705 = %broadcast_in_dim3A_110) -> (vector<16xf32>)  : i32 {
      %get3A = arith.index_cast %scan3A_704 : i32 to index
      %get3A_706 = arith.constant 16 : index
      %get3A_707 = tpu.vector_load %arg6[%get3A, %get3A_706] {strides = array<i32>} : memref<50x64xi32, #tpu.memory_space<vmem>>, vector<16xi32>,
      %add3A_708 = arith.constant 4000 : i32
      %add3A_709 = arith.addi %add3A_708, %scan3A_704 : i32
      %add3A_710 = vector.broadcast %add3A_709 : i32 to vector<16xi32>
      %add3A_711 = arith.addi %mul3A_5, %add3A_710 : vector<16xi32>
      tpu.vector_store_idx %arg7[%add3A_711], %get3A_707 : memref<25600xi32, #tpu.memory_space<vmem>>[vector<16xi32>], vector<16xi32>,
      %ne3A = arith.constant 0 : i32
      %ne3A_712 = vector.broadcast %ne3A : i32 to vector<16xi32>
      %ne3A_713 = arith.cmpi ne, %get3A_707, %ne3A_712 : vector<16xi32>
      %jit3A = arith.constant 1.000000e+00 : f32
      %jit3A_714 = arith.constant 0.000000e+00 : f32
      %broadcast_in_dim3A_715 = vector.broadcast %jit3A : f32 to vector<16xf32>
      %broadcast_in_dim3A_716 = vector.broadcast %jit3A_714 : f32 to vector<16xf32>
      %select_n3A = arith.select %ne3A_713, %broadcast_in_dim3A_715, %broadcast_in_dim3A_716 : vector<16xi1>, vector<16xf32>
      %add3A_717 = arith.addf %scan3A_705, %select_n3A : vector<16xf32>
      scf.yield %add3A_717 : vector<16xf32>
    }
    %scan3A_116 = arith.constant 50 : i32
    %max3A_117 = arith.constant 1.000000e+00 : f32
    %max3A_118 = vector.broadcast %max3A_117 : f32 to vector<16xf32>
    %max3A_119 = arith.maximumf %scan3A_115, %max3A_118 : vector<16xf32>
    %div3A_120 = arith.constant 1.000000e+00 : f32
    %div3A_121 = vector.broadcast %div3A_120 : f32 to vector<16xf32>
    %div3A_122 = arith.divf %div3A_121, %max3A_119 : vector<16xf32>
    %swap3A_123 = arith.constant 80 : index
    %swap3A_124 = tpu.vector_load %arg8[%swap3A_123] {strides = array<i32>} : memref<512xf32, #tpu.memory_space<vmem>>, vector<16xf32>,
    tpu.vector_store %arg8[%swap3A_123], %div3A_122 {strides = array<i32>} : memref<512xf32, #tpu.memory_space<vmem>>, vector<16xf32>,
    %broadcast_in_dim3A_125 = arith.constant 0.000000e+00 : f32
    %broadcast_in_dim3A_126 = vector.broadcast %broadcast_in_dim3A_125 : f32 to vector<16xf32>
    %scan3A_127 = arith.constant 0 : i32
    %scan3A_128 = arith.constant 50 : i32
    %scan3A_129 = arith.addi %scan3A_127, %scan3A_128 : i32
    %scan3A_130 = arith.constant 1 : i32
    %scan3A_131 = scf.for %scan3A_704 = %scan3A_127 to %scan3A_129 step %scan3A_130 iter_args(%scan3A_705 = %broadcast_in_dim3A_126) -> (vector<16xf32>)  : i32 {
      %get3A = arith.index_cast %scan3A_704 : i32 to index
      %get3A_706 = arith.constant 32 : index
      %get3A_707 = tpu.vector_load %arg6[%get3A, %get3A_706] {strides = array<i32>} : memref<50x64xi32, #tpu.memory_space<vmem>>, vector<16xi32>,
      %add3A_708 = arith.constant 4800 : i32
      %add3A_709 = arith.addi %add3A_708, %scan3A_704 : i32
      %add3A_710 = vector.broadcast %add3A_709 : i32 to vector<16xi32>
      %add3A_711 = arith.addi %mul3A_5, %add3A_710 : vector<16xi32>
      tpu.vector_store_idx %arg7[%add3A_711], %get3A_707 : memref<25600xi32, #tpu.memory_space<vmem>>[vector<16xi32>], vector<16xi32>,
      %ne3A = arith.constant 0 : i32
      %ne3A_712 = vector.broadcast %ne3A : i32 to vector<16xi32>
      %ne3A_713 = arith.cmpi ne, %get3A_707, %ne3A_712 : vector<16xi32>
      %jit3A = arith.constant 1.000000e+00 : f32
      %jit3A_714 = arith.constant 0.000000e+00 : f32
      %broadcast_in_dim3A_715 = vector.broadcast %jit3A : f32 to vector<16xf32>
      %broadcast_in_dim3A_716 = vector.broadcast %jit3A_714 : f32 to vector<16xf32>
      %select_n3A = arith.select %ne3A_713, %broadcast_in_dim3A_715, %broadcast_in_dim3A_716 : vector<16xi1>, vector<16xf32>
      %add3A_717 = arith.addf %scan3A_705, %select_n3A : vector<16xf32>
      scf.yield %add3A_717 : vector<16xf32>
    }
    %scan3A_132 = arith.constant 50 : i32
    %max3A_133 = arith.constant 1.000000e+00 : f32
    %max3A_134 = vector.broadcast %max3A_133 : f32 to vector<16xf32>
    %max3A_135 = arith.maximumf %scan3A_131, %max3A_134 : vector<16xf32>
    %div3A_136 = arith.constant 1.000000e+00 : f32
    %div3A_137 = vector.broadcast %div3A_136 : f32 to vector<16xf32>
    %div3A_138 = arith.divf %div3A_137, %max3A_135 : vector<16xf32>
    %swap3A_139 = arith.constant 96 : index
    %swap3A_140 = tpu.vector_load %arg8[%swap3A_139] {strides = array<i32>} : memref<512xf32, #tpu.memory_space<vmem>>, vector<16xf32>,
    tpu.vector_store %arg8[%swap3A_139], %div3A_138 {strides = array<i32>} : memref<512xf32, #tpu.memory_space<vmem>>, vector<16xf32>,
    %broadcast_in_dim3A_141 = arith.constant 0.000000e+00 : f32
    %broadcast_in_dim3A_142 = vector.broadcast %broadcast_in_dim3A_141 : f32 to vector<16xf32>
    %scan3A_143 = arith.constant 0 : i32
    %scan3A_144 = arith.constant 50 : i32
    %scan3A_145 = arith.addi %scan3A_143, %scan3A_144 : i32
    %scan3A_146 = arith.constant 1 : i32
    %scan3A_147 = scf.for %scan3A_704 = %scan3A_143 to %scan3A_145 step %scan3A_146 iter_args(%scan3A_705 = %broadcast_in_dim3A_142) -> (vector<16xf32>)  : i32 {
      %get3A = arith.index_cast %scan3A_704 : i32 to index
      %get3A_706 = arith.constant 48 : index
      %get3A_707 = tpu.vector_load %arg6[%get3A, %get3A_706] {strides = array<i32>} : memref<50x64xi32, #tpu.memory_space<vmem>>, vector<16xi32>,
      %add3A_708 = arith.constant 5600 : i32
      %add3A_709 = arith.addi %add3A_708, %scan3A_704 : i32
      %add3A_710 = vector.broadcast %add3A_709 : i32 to vector<16xi32>
      %add3A_711 = arith.addi %mul3A_5, %add3A_710 : vector<16xi32>
      tpu.vector_store_idx %arg7[%add3A_711], %get3A_707 : memref<25600xi32, #tpu.memory_space<vmem>>[vector<16xi32>], vector<16xi32>,
      %ne3A = arith.constant 0 : i32
      %ne3A_712 = vector.broadcast %ne3A : i32 to vector<16xi32>
      %ne3A_713 = arith.cmpi ne, %get3A_707, %ne3A_712 : vector<16xi32>
      %jit3A = arith.constant 1.000000e+00 : f32
      %jit3A_714 = arith.constant 0.000000e+00 : f32
      %broadcast_in_dim3A_715 = vector.broadcast %jit3A : f32 to vector<16xf32>
      %broadcast_in_dim3A_716 = vector.broadcast %jit3A_714 : f32 to vector<16xf32>
      %select_n3A = arith.select %ne3A_713, %broadcast_in_dim3A_715, %broadcast_in_dim3A_716 : vector<16xi1>, vector<16xf32>
      %add3A_717 = arith.addf %scan3A_705, %select_n3A : vector<16xf32>
      scf.yield %add3A_717 : vector<16xf32>
    }
    %scan3A_148 = arith.constant 50 : i32
    %max3A_149 = arith.constant 1.000000e+00 : f32
    %max3A_150 = vector.broadcast %max3A_149 : f32 to vector<16xf32>
    %max3A_151 = arith.maximumf %scan3A_147, %max3A_150 : vector<16xf32>
    %div3A_152 = arith.constant 1.000000e+00 : f32
    %div3A_153 = vector.broadcast %div3A_152 : f32 to vector<16xf32>
    %div3A_154 = arith.divf %div3A_153, %max3A_151 : vector<16xf32>
    %swap3A_155 = arith.constant 112 : index
    %swap3A_156 = tpu.vector_load %arg8[%swap3A_155] {strides = array<i32>} : memref<512xf32, #tpu.memory_space<vmem>>, vector<16xf32>,
    tpu.vector_store %arg8[%swap3A_155], %div3A_154 {strides = array<i32>} : memref<512xf32, #tpu.memory_space<vmem>>, vector<16xf32>,
    %add3A_157 = arith.constant 192 : i32
    %add3A_158 = arith.addi %mul3A_2, %add3A_157 : i32
    %dma_start3A_159 = arith.constant 0 : i32
    %dma_start3A_160 = tpu.memref_slice %arg2[%dma_start3A_159, %add3A_158] : memref<50x16384xi32, #tpu.memory_space<hbm>> -> memref<50x64xi32, #tpu.memory_space<hbm>>
    %dma_start3A_161 = arith.constant 0 : i32
    %dma_start3A_162 = tpu.memref_slice %arg2[%dma_start3A_161, %add3A_158] : memref<50x16384xi32, #tpu.memory_space<hbm>> -> memref<50x64xi32, #tpu.memory_space<hbm>>
    tpu.enqueue_dma source(%dma_start3A_162 : memref<50x64xi32, #tpu.memory_space<hbm>>) target(%arg6 : memref<50x64xi32, #tpu.memory_space<vmem>>) target_semaphore(%arg12 : memref<!tpu.dma_semaphore, #tpu.memory_space<semaphore_mem>>)
    %add3A_163 = arith.constant 128 : i32
    %add3A_164 = arith.addi %mul3A_2, %add3A_163 : i32
    %dma_wait3A_165 = arith.constant 0 : i32
    %dma_wait3A_166 = tpu.memref_slice %arg2[%dma_wait3A_165, %add3A_164] : memref<50x16384xi32, #tpu.memory_space<hbm>> -> memref<50x64xi32, #tpu.memory_space<hbm>>
    %dma_wait3A_167 = arith.constant 0 : i32
    %dma_wait3A_168 = tpu.memref_slice %arg2[%dma_wait3A_167, %add3A_164] : memref<50x16384xi32, #tpu.memory_space<hbm>> -> memref<50x64xi32, #tpu.memory_space<hbm>>
    tpu.wait_dma2 semaphore(%arg11 : memref<!tpu.dma_semaphore, #tpu.memory_space<semaphore_mem>>) src(%dma_wait3A_168 : memref<50x64xi32, #tpu.memory_space<hbm>>) dst(%arg5 : memref<50x64xi32, #tpu.memory_space<vmem>>)
    %broadcast_in_dim3A_169 = arith.constant 0.000000e+00 : f32
    %broadcast_in_dim3A_170 = vector.broadcast %broadcast_in_dim3A_169 : f32 to vector<16xf32>
    %scan3A_171 = arith.constant 0 : i32
    %scan3A_172 = arith.constant 50 : i32
    %scan3A_173 = arith.addi %scan3A_171, %scan3A_172 : i32
    %scan3A_174 = arith.constant 1 : i32
    %scan3A_175 = scf.for %scan3A_704 = %scan3A_171 to %scan3A_173 step %scan3A_174 iter_args(%scan3A_705 = %broadcast_in_dim3A_170) -> (vector<16xf32>)  : i32 {
      %get3A = arith.index_cast %scan3A_704 : i32 to index
      %get3A_706 = arith.constant 0 : index
      %get3A_707 = tpu.vector_load %arg5[%get3A, %get3A_706] {strides = array<i32>} : memref<50x64xi32, #tpu.memory_space<vmem>>, vector<16xi32>,
      %add3A_708 = arith.constant 6400 : i32
      %add3A_709 = arith.addi %add3A_708, %scan3A_704 : i32
      %add3A_710 = vector.broadcast %add3A_709 : i32 to vector<16xi32>
      %add3A_711 = arith.addi %mul3A_5, %add3A_710 : vector<16xi32>
      tpu.vector_store_idx %arg7[%add3A_711], %get3A_707 : memref<25600xi32, #tpu.memory_space<vmem>>[vector<16xi32>], vector<16xi32>,
      %ne3A = arith.constant 0 : i32
      %ne3A_712 = vector.broadcast %ne3A : i32 to vector<16xi32>
      %ne3A_713 = arith.cmpi ne, %get3A_707, %ne3A_712 : vector<16xi32>
      %jit3A = arith.constant 1.000000e+00 : f32
      %jit3A_714 = arith.constant 0.000000e+00 : f32
      %broadcast_in_dim3A_715 = vector.broadcast %jit3A : f32 to vector<16xf32>
      %broadcast_in_dim3A_716 = vector.broadcast %jit3A_714 : f32 to vector<16xf32>
      %select_n3A = arith.select %ne3A_713, %broadcast_in_dim3A_715, %broadcast_in_dim3A_716 : vector<16xi1>, vector<16xf32>
      %add3A_717 = arith.addf %scan3A_705, %select_n3A : vector<16xf32>
      scf.yield %add3A_717 : vector<16xf32>
    }
    %scan3A_176 = arith.constant 50 : i32
    %max3A_177 = arith.constant 1.000000e+00 : f32
    %max3A_178 = vector.broadcast %max3A_177 : f32 to vector<16xf32>
    %max3A_179 = arith.maximumf %scan3A_175, %max3A_178 : vector<16xf32>
    %div3A_180 = arith.constant 1.000000e+00 : f32
    %div3A_181 = vector.broadcast %div3A_180 : f32 to vector<16xf32>
    %div3A_182 = arith.divf %div3A_181, %max3A_179 : vector<16xf32>
    %swap3A_183 = arith.constant 128 : index
    %swap3A_184 = tpu.vector_load %arg8[%swap3A_183] {strides = array<i32>} : memref<512xf32, #tpu.memory_space<vmem>>, vector<16xf32>,
    tpu.vector_store %arg8[%swap3A_183], %div3A_182 {strides = array<i32>} : memref<512xf32, #tpu.memory_space<vmem>>, vector<16xf32>,
    %broadcast_in_dim3A_185 = arith.constant 0.000000e+00 : f32
    %broadcast_in_dim3A_186 = vector.broadcast %broadcast_in_dim3A_185 : f32 to vector<16xf32>
    %scan3A_187 = arith.constant 0 : i32
    %scan3A_188 = arith.constant 50 : i32
    %scan3A_189 = arith.addi %scan3A_187, %scan3A_188 : i32
    %scan3A_190 = arith.constant 1 : i32
    %scan3A_191 = scf.for %scan3A_704 = %scan3A_187 to %scan3A_189 step %scan3A_190 iter_args(%scan3A_705 = %broadcast_in_dim3A_186) -> (vector<16xf32>)  : i32 {
      %get3A = arith.index_cast %scan3A_704 : i32 to index
      %get3A_706 = arith.constant 16 : index
      %get3A_707 = tpu.vector_load %arg5[%get3A, %get3A_706] {strides = array<i32>} : memref<50x64xi32, #tpu.memory_space<vmem>>, vector<16xi32>,
      %add3A_708 = arith.constant 7200 : i32
      %add3A_709 = arith.addi %add3A_708, %scan3A_704 : i32
      %add3A_710 = vector.broadcast %add3A_709 : i32 to vector<16xi32>
      %add3A_711 = arith.addi %mul3A_5, %add3A_710 : vector<16xi32>
      tpu.vector_store_idx %arg7[%add3A_711], %get3A_707 : memref<25600xi32, #tpu.memory_space<vmem>>[vector<16xi32>], vector<16xi32>,
      %ne3A = arith.constant 0 : i32
      %ne3A_712 = vector.broadcast %ne3A : i32 to vector<16xi32>
      %ne3A_713 = arith.cmpi ne, %get3A_707, %ne3A_712 : vector<16xi32>
      %jit3A = arith.constant 1.000000e+00 : f32
      %jit3A_714 = arith.constant 0.000000e+00 : f32
      %broadcast_in_dim3A_715 = vector.broadcast %jit3A : f32 to vector<16xf32>
      %broadcast_in_dim3A_716 = vector.broadcast %jit3A_714 : f32 to vector<16xf32>
      %select_n3A = arith.select %ne3A_713, %broadcast_in_dim3A_715, %broadcast_in_dim3A_716 : vector<16xi1>, vector<16xf32>
      %add3A_717 = arith.addf %scan3A_705, %select_n3A : vector<16xf32>
      scf.yield %add3A_717 : vector<16xf32>
    }
    %scan3A_192 = arith.constant 50 : i32
    %max3A_193 = arith.constant 1.000000e+00 : f32
    %max3A_194 = vector.broadcast %max3A_193 : f32 to vector<16xf32>
    %max3A_195 = arith.maximumf %scan3A_191, %max3A_194 : vector<16xf32>
    %div3A_196 = arith.constant 1.000000e+00 : f32
    %div3A_197 = vector.broadcast %div3A_196 : f32 to vector<16xf32>
    %div3A_198 = arith.divf %div3A_197, %max3A_195 : vector<16xf32>
    %swap3A_199 = arith.constant 144 : index
    %swap3A_200 = tpu.vector_load %arg8[%swap3A_199] {strides = array<i32>} : memref<512xf32, #tpu.memory_space<vmem>>, vector<16xf32>,
    tpu.vector_store %arg8[%swap3A_199], %div3A_198 {strides = array<i32>} : memref<512xf32, #tpu.memory_space<vmem>>, vector<16xf32>,
    %broadcast_in_dim3A_201 = arith.constant 0.000000e+00 : f32
    %broadcast_in_dim3A_202 = vector.broadcast %broadcast_in_dim3A_201 : f32 to vector<16xf32>
    %scan3A_203 = arith.constant 0 : i32
    %scan3A_204 = arith.constant 50 : i32
    %scan3A_205 = arith.addi %scan3A_203, %scan3A_204 : i32
    %scan3A_206 = arith.constant 1 : i32
    %scan3A_207 = scf.for %scan3A_704 = %scan3A_203 to %scan3A_205 step %scan3A_206 iter_args(%scan3A_705 = %broadcast_in_dim3A_202) -> (vector<16xf32>)  : i32 {
      %get3A = arith.index_cast %scan3A_704 : i32 to index
      %get3A_706 = arith.constant 32 : index
      %get3A_707 = tpu.vector_load %arg5[%get3A, %get3A_706] {strides = array<i32>} : memref<50x64xi32, #tpu.memory_space<vmem>>, vector<16xi32>,
      %add3A_708 = arith.constant 8000 : i32
      %add3A_709 = arith.addi %add3A_708, %scan3A_704 : i32
      %add3A_710 = vector.broadcast %add3A_709 : i32 to vector<16xi32>
      %add3A_711 = arith.addi %mul3A_5, %add3A_710 : vector<16xi32>
      tpu.vector_store_idx %arg7[%add3A_711], %get3A_707 : memref<25600xi32, #tpu.memory_space<vmem>>[vector<16xi32>], vector<16xi32>,
      %ne3A = arith.constant 0 : i32
      %ne3A_712 = vector.broadcast %ne3A : i32 to vector<16xi32>
      %ne3A_713 = arith.cmpi ne, %get3A_707, %ne3A_712 : vector<16xi32>
      %jit3A = arith.constant 1.000000e+00 : f32
      %jit3A_714 = arith.constant 0.000000e+00 : f32
      %broadcast_in_dim3A_715 = vector.broadcast %jit3A : f32 to vector<16xf32>
      %broadcast_in_dim3A_716 = vector.broadcast %jit3A_714 : f32 to vector<16xf32>
      %select_n3A = arith.select %ne3A_713, %broadcast_in_dim3A_715, %broadcast_in_dim3A_716 : vector<16xi1>, vector<16xf32>
      %add3A_717 = arith.addf %scan3A_705, %select_n3A : vector<16xf32>
      scf.yield %add3A_717 : vector<16xf32>
    }
    %scan3A_208 = arith.constant 50 : i32
    %max3A_209 = arith.constant 1.000000e+00 : f32
    %max3A_210 = vector.broadcast %max3A_209 : f32 to vector<16xf32>
    %max3A_211 = arith.maximumf %scan3A_207, %max3A_210 : vector<16xf32>
    %div3A_212 = arith.constant 1.000000e+00 : f32
    %div3A_213 = vector.broadcast %div3A_212 : f32 to vector<16xf32>
    %div3A_214 = arith.divf %div3A_213, %max3A_211 : vector<16xf32>
    %swap3A_215 = arith.constant 160 : index
    %swap3A_216 = tpu.vector_load %arg8[%swap3A_215] {strides = array<i32>} : memref<512xf32, #tpu.memory_space<vmem>>, vector<16xf32>,
    tpu.vector_store %arg8[%swap3A_215], %div3A_214 {strides = array<i32>} : memref<512xf32, #tpu.memory_space<vmem>>, vector<16xf32>,
    %broadcast_in_dim3A_217 = arith.constant 0.000000e+00 : f32
    %broadcast_in_dim3A_218 = vector.broadcast %broadcast_in_dim3A_217 : f32 to vector<16xf32>
    %scan3A_219 = arith.constant 0 : i32
    %scan3A_220 = arith.constant 50 : i32
    %scan3A_221 = arith.addi %scan3A_219, %scan3A_220 : i32
    %scan3A_222 = arith.constant 1 : i32
    %scan3A_223 = scf.for %scan3A_704 = %scan3A_219 to %scan3A_221 step %scan3A_222 iter_args(%scan3A_705 = %broadcast_in_dim3A_218) -> (vector<16xf32>)  : i32 {
      %get3A = arith.index_cast %scan3A_704 : i32 to index
      %get3A_706 = arith.constant 48 : index
      %get3A_707 = tpu.vector_load %arg5[%get3A, %get3A_706] {strides = array<i32>} : memref<50x64xi32, #tpu.memory_space<vmem>>, vector<16xi32>,
      %add3A_708 = arith.constant 8800 : i32
      %add3A_709 = arith.addi %add3A_708, %scan3A_704 : i32
      %add3A_710 = vector.broadcast %add3A_709 : i32 to vector<16xi32>
      %add3A_711 = arith.addi %mul3A_5, %add3A_710 : vector<16xi32>
      tpu.vector_store_idx %arg7[%add3A_711], %get3A_707 : memref<25600xi32, #tpu.memory_space<vmem>>[vector<16xi32>], vector<16xi32>,
      %ne3A = arith.constant 0 : i32
      %ne3A_712 = vector.broadcast %ne3A : i32 to vector<16xi32>
      %ne3A_713 = arith.cmpi ne, %get3A_707, %ne3A_712 : vector<16xi32>
      %jit3A = arith.constant 1.000000e+00 : f32
      %jit3A_714 = arith.constant 0.000000e+00 : f32
      %broadcast_in_dim3A_715 = vector.broadcast %jit3A : f32 to vector<16xf32>
      %broadcast_in_dim3A_716 = vector.broadcast %jit3A_714 : f32 to vector<16xf32>
      %select_n3A = arith.select %ne3A_713, %broadcast_in_dim3A_715, %broadcast_in_dim3A_716 : vector<16xi1>, vector<16xf32>
      %add3A_717 = arith.addf %scan3A_705, %select_n3A : vector<16xf32>
      scf.yield %add3A_717 : vector<16xf32>
    }
    %scan3A_224 = arith.constant 50 : i32
    %max3A_225 = arith.constant 1.000000e+00 : f32
    %max3A_226 = vector.broadcast %max3A_225 : f32 to vector<16xf32>
    %max3A_227 = arith.maximumf %scan3A_223, %max3A_226 : vector<16xf32>
    %div3A_228 = arith.constant 1.000000e+00 : f32
    %div3A_229 = vector.broadcast %div3A_228 : f32 to vector<16xf32>
    %div3A_230 = arith.divf %div3A_229, %max3A_227 : vector<16xf32>
    %swap3A_231 = arith.constant 176 : index
    %swap3A_232 = tpu.vector_load %arg8[%swap3A_231] {strides = array<i32>} : memref<512xf32, #tpu.memory_space<vmem>>, vector<16xf32>,
    tpu.vector_store %arg8[%swap3A_231], %div3A_230 {strides = array<i32>} : memref<512xf32, #tpu.memory_space<vmem>>, vector<16xf32>,
    %add3A_233 = arith.constant 256 : i32
    %add3A_234 = arith.addi %mul3A_2, %add3A_233 : i32
    %dma_start3A_235 = arith.constant 0 : i32
    %dma_start3A_236 = tpu.memref_slice %arg2[%dma_start3A_235, %add3A_234] : memref<50x16384xi32, #tpu.memory_space<hbm>> -> memref<50x64xi32, #tpu.memory_space<hbm>>
    %dma_start3A_237 = arith.constant 0 : i32
    %dma_start3A_238 = tpu.memref_slice %arg2[%dma_start3A_237, %add3A_234] : memref<50x16384xi32, #tpu.memory_space<hbm>> -> memref<50x64xi32, #tpu.memory_space<hbm>>
    tpu.enqueue_dma source(%dma_start3A_238 : memref<50x64xi32, #tpu.memory_space<hbm>>) target(%arg5 : memref<50x64xi32, #tpu.memory_space<vmem>>) target_semaphore(%arg11 : memref<!tpu.dma_semaphore, #tpu.memory_space<semaphore_mem>>)
    %add3A_239 = arith.constant 192 : i32
    %add3A_240 = arith.addi %mul3A_2, %add3A_239 : i32
    %dma_wait3A_241 = arith.constant 0 : i32
    %dma_wait3A_242 = tpu.memref_slice %arg2[%dma_wait3A_241, %add3A_240] : memref<50x16384xi32, #tpu.memory_space<hbm>> -> memref<50x64xi32, #tpu.memory_space<hbm>>
    %dma_wait3A_243 = arith.constant 0 : i32
    %dma_wait3A_244 = tpu.memref_slice %arg2[%dma_wait3A_243, %add3A_240] : memref<50x16384xi32, #tpu.memory_space<hbm>> -> memref<50x64xi32, #tpu.memory_space<hbm>>
    tpu.wait_dma2 semaphore(%arg12 : memref<!tpu.dma_semaphore, #tpu.memory_space<semaphore_mem>>) src(%dma_wait3A_244 : memref<50x64xi32, #tpu.memory_space<hbm>>) dst(%arg6 : memref<50x64xi32, #tpu.memory_space<vmem>>)
    %broadcast_in_dim3A_245 = arith.constant 0.000000e+00 : f32
    %broadcast_in_dim3A_246 = vector.broadcast %broadcast_in_dim3A_245 : f32 to vector<16xf32>
    %scan3A_247 = arith.constant 0 : i32
    %scan3A_248 = arith.constant 50 : i32
    %scan3A_249 = arith.addi %scan3A_247, %scan3A_248 : i32
    %scan3A_250 = arith.constant 1 : i32
    %scan3A_251 = scf.for %scan3A_704 = %scan3A_247 to %scan3A_249 step %scan3A_250 iter_args(%scan3A_705 = %broadcast_in_dim3A_246) -> (vector<16xf32>)  : i32 {
      %get3A = arith.index_cast %scan3A_704 : i32 to index
      %get3A_706 = arith.constant 0 : index
      %get3A_707 = tpu.vector_load %arg6[%get3A, %get3A_706] {strides = array<i32>} : memref<50x64xi32, #tpu.memory_space<vmem>>, vector<16xi32>,
      %add3A_708 = arith.constant 9600 : i32
      %add3A_709 = arith.addi %add3A_708, %scan3A_704 : i32
      %add3A_710 = vector.broadcast %add3A_709 : i32 to vector<16xi32>
      %add3A_711 = arith.addi %mul3A_5, %add3A_710 : vector<16xi32>
      tpu.vector_store_idx %arg7[%add3A_711], %get3A_707 : memref<25600xi32, #tpu.memory_space<vmem>>[vector<16xi32>], vector<16xi32>,
      %ne3A = arith.constant 0 : i32
      %ne3A_712 = vector.broadcast %ne3A : i32 to vector<16xi32>
      %ne3A_713 = arith.cmpi ne, %get3A_707, %ne3A_712 : vector<16xi32>
      %jit3A = arith.constant 1.000000e+00 : f32
      %jit3A_714 = arith.constant 0.000000e+00 : f32
      %broadcast_in_dim3A_715 = vector.broadcast %jit3A : f32 to vector<16xf32>
      %broadcast_in_dim3A_716 = vector.broadcast %jit3A_714 : f32 to vector<16xf32>
      %select_n3A = arith.select %ne3A_713, %broadcast_in_dim3A_715, %broadcast_in_dim3A_716 : vector<16xi1>, vector<16xf32>
      %add3A_717 = arith.addf %scan3A_705, %select_n3A : vector<16xf32>
      scf.yield %add3A_717 : vector<16xf32>
    }
    %scan3A_252 = arith.constant 50 : i32
    %max3A_253 = arith.constant 1.000000e+00 : f32
    %max3A_254 = vector.broadcast %max3A_253 : f32 to vector<16xf32>
    %max3A_255 = arith.maximumf %scan3A_251, %max3A_254 : vector<16xf32>
    %div3A_256 = arith.constant 1.000000e+00 : f32
    %div3A_257 = vector.broadcast %div3A_256 : f32 to vector<16xf32>
    %div3A_258 = arith.divf %div3A_257, %max3A_255 : vector<16xf32>
    %swap3A_259 = arith.constant 192 : index
    %swap3A_260 = tpu.vector_load %arg8[%swap3A_259] {strides = array<i32>} : memref<512xf32, #tpu.memory_space<vmem>>, vector<16xf32>,
    tpu.vector_store %arg8[%swap3A_259], %div3A_258 {strides = array<i32>} : memref<512xf32, #tpu.memory_space<vmem>>, vector<16xf32>,
    %broadcast_in_dim3A_261 = arith.constant 0.000000e+00 : f32
    %broadcast_in_dim3A_262 = vector.broadcast %broadcast_in_dim3A_261 : f32 to vector<16xf32>
    %scan3A_263 = arith.constant 0 : i32
    %scan3A_264 = arith.constant 50 : i32
    %scan3A_265 = arith.addi %scan3A_263, %scan3A_264 : i32
    %scan3A_266 = arith.constant 1 : i32
    %scan3A_267 = scf.for %scan3A_704 = %scan3A_263 to %scan3A_265 step %scan3A_266 iter_args(%scan3A_705 = %broadcast_in_dim3A_262) -> (vector<16xf32>)  : i32 {
      %get3A = arith.index_cast %scan3A_704 : i32 to index
      %get3A_706 = arith.constant 16 : index
      %get3A_707 = tpu.vector_load %arg6[%get3A, %get3A_706] {strides = array<i32>} : memref<50x64xi32, #tpu.memory_space<vmem>>, vector<16xi32>,
      %add3A_708 = arith.constant 10400 : i32
      %add3A_709 = arith.addi %add3A_708, %scan3A_704 : i32
      %add3A_710 = vector.broadcast %add3A_709 : i32 to vector<16xi32>
      %add3A_711 = arith.addi %mul3A_5, %add3A_710 : vector<16xi32>
      tpu.vector_store_idx %arg7[%add3A_711], %get3A_707 : memref<25600xi32, #tpu.memory_space<vmem>>[vector<16xi32>], vector<16xi32>,
      %ne3A = arith.constant 0 : i32
      %ne3A_712 = vector.broadcast %ne3A : i32 to vector<16xi32>
      %ne3A_713 = arith.cmpi ne, %get3A_707, %ne3A_712 : vector<16xi32>
      %jit3A = arith.constant 1.000000e+00 : f32
      %jit3A_714 = arith.constant 0.000000e+00 : f32
      %broadcast_in_dim3A_715 = vector.broadcast %jit3A : f32 to vector<16xf32>
      %broadcast_in_dim3A_716 = vector.broadcast %jit3A_714 : f32 to vector<16xf32>
      %select_n3A = arith.select %ne3A_713, %broadcast_in_dim3A_715, %broadcast_in_dim3A_716 : vector<16xi1>, vector<16xf32>
      %add3A_717 = arith.addf %scan3A_705, %select_n3A : vector<16xf32>
      scf.yield %add3A_717 : vector<16xf32>
    }
    %scan3A_268 = arith.constant 50 : i32
    %max3A_269 = arith.constant 1.000000e+00 : f32
    %max3A_270 = vector.broadcast %max3A_269 : f32 to vector<16xf32>
    %max3A_271 = arith.maximumf %scan3A_267, %max3A_270 : vector<16xf32>
    %div3A_272 = arith.constant 1.000000e+00 : f32
    %div3A_273 = vector.broadcast %div3A_272 : f32 to vector<16xf32>
    %div3A_274 = arith.divf %div3A_273, %max3A_271 : vector<16xf32>
    %swap3A_275 = arith.constant 208 : index
    %swap3A_276 = tpu.vector_load %arg8[%swap3A_275] {strides = array<i32>} : memref<512xf32, #tpu.memory_space<vmem>>, vector<16xf32>,
    tpu.vector_store %arg8[%swap3A_275], %div3A_274 {strides = array<i32>} : memref<512xf32, #tpu.memory_space<vmem>>, vector<16xf32>,
    %broadcast_in_dim3A_277 = arith.constant 0.000000e+00 : f32
    %broadcast_in_dim3A_278 = vector.broadcast %broadcast_in_dim3A_277 : f32 to vector<16xf32>
    %scan3A_279 = arith.constant 0 : i32
    %scan3A_280 = arith.constant 50 : i32
    %scan3A_281 = arith.addi %scan3A_279, %scan3A_280 : i32
    %scan3A_282 = arith.constant 1 : i32
    %scan3A_283 = scf.for %scan3A_704 = %scan3A_279 to %scan3A_281 step %scan3A_282 iter_args(%scan3A_705 = %broadcast_in_dim3A_278) -> (vector<16xf32>)  : i32 {
      %get3A = arith.index_cast %scan3A_704 : i32 to index
      %get3A_706 = arith.constant 32 : index
      %get3A_707 = tpu.vector_load %arg6[%get3A, %get3A_706] {strides = array<i32>} : memref<50x64xi32, #tpu.memory_space<vmem>>, vector<16xi32>,
      %add3A_708 = arith.constant 11200 : i32
      %add3A_709 = arith.addi %add3A_708, %scan3A_704 : i32
      %add3A_710 = vector.broadcast %add3A_709 : i32 to vector<16xi32>
      %add3A_711 = arith.addi %mul3A_5, %add3A_710 : vector<16xi32>
      tpu.vector_store_idx %arg7[%add3A_711], %get3A_707 : memref<25600xi32, #tpu.memory_space<vmem>>[vector<16xi32>], vector<16xi32>,
      %ne3A = arith.constant 0 : i32
      %ne3A_712 = vector.broadcast %ne3A : i32 to vector<16xi32>
      %ne3A_713 = arith.cmpi ne, %get3A_707, %ne3A_712 : vector<16xi32>
      %jit3A = arith.constant 1.000000e+00 : f32
      %jit3A_714 = arith.constant 0.000000e+00 : f32
      %broadcast_in_dim3A_715 = vector.broadcast %jit3A : f32 to vector<16xf32>
      %broadcast_in_dim3A_716 = vector.broadcast %jit3A_714 : f32 to vector<16xf32>
      %select_n3A = arith.select %ne3A_713, %broadcast_in_dim3A_715, %broadcast_in_dim3A_716 : vector<16xi1>, vector<16xf32>
      %add3A_717 = arith.addf %scan3A_705, %select_n3A : vector<16xf32>
      scf.yield %add3A_717 : vector<16xf32>
    }
    %scan3A_284 = arith.constant 50 : i32
    %max3A_285 = arith.constant 1.000000e+00 : f32
    %max3A_286 = vector.broadcast %max3A_285 : f32 to vector<16xf32>
    %max3A_287 = arith.maximumf %scan3A_283, %max3A_286 : vector<16xf32>
    %div3A_288 = arith.constant 1.000000e+00 : f32
    %div3A_289 = vector.broadcast %div3A_288 : f32 to vector<16xf32>
    %div3A_290 = arith.divf %div3A_289, %max3A_287 : vector<16xf32>
    %swap3A_291 = arith.constant 224 : index
    %swap3A_292 = tpu.vector_load %arg8[%swap3A_291] {strides = array<i32>} : memref<512xf32, #tpu.memory_space<vmem>>, vector<16xf32>,
    tpu.vector_store %arg8[%swap3A_291], %div3A_290 {strides = array<i32>} : memref<512xf32, #tpu.memory_space<vmem>>, vector<16xf32>,
    %broadcast_in_dim3A_293 = arith.constant 0.000000e+00 : f32
    %broadcast_in_dim3A_294 = vector.broadcast %broadcast_in_dim3A_293 : f32 to vector<16xf32>
    %scan3A_295 = arith.constant 0 : i32
    %scan3A_296 = arith.constant 50 : i32
    %scan3A_297 = arith.addi %scan3A_295, %scan3A_296 : i32
    %scan3A_298 = arith.constant 1 : i32
    %scan3A_299 = scf.for %scan3A_704 = %scan3A_295 to %scan3A_297 step %scan3A_298 iter_args(%scan3A_705 = %broadcast_in_dim3A_294) -> (vector<16xf32>)  : i32 {
      %get3A = arith.index_cast %scan3A_704 : i32 to index
      %get3A_706 = arith.constant 48 : index
      %get3A_707 = tpu.vector_load %arg6[%get3A, %get3A_706] {strides = array<i32>} : memref<50x64xi32, #tpu.memory_space<vmem>>, vector<16xi32>,
      %add3A_708 = arith.constant 12000 : i32
      %add3A_709 = arith.addi %add3A_708, %scan3A_704 : i32
      %add3A_710 = vector.broadcast %add3A_709 : i32 to vector<16xi32>
      %add3A_711 = arith.addi %mul3A_5, %add3A_710 : vector<16xi32>
      tpu.vector_store_idx %arg7[%add3A_711], %get3A_707 : memref<25600xi32, #tpu.memory_space<vmem>>[vector<16xi32>], vector<16xi32>,
      %ne3A = arith.constant 0 : i32
      %ne3A_712 = vector.broadcast %ne3A : i32 to vector<16xi32>
      %ne3A_713 = arith.cmpi ne, %get3A_707, %ne3A_712 : vector<16xi32>
      %jit3A = arith.constant 1.000000e+00 : f32
      %jit3A_714 = arith.constant 0.000000e+00 : f32
      %broadcast_in_dim3A_715 = vector.broadcast %jit3A : f32 to vector<16xf32>
      %broadcast_in_dim3A_716 = vector.broadcast %jit3A_714 : f32 to vector<16xf32>
      %select_n3A = arith.select %ne3A_713, %broadcast_in_dim3A_715, %broadcast_in_dim3A_716 : vector<16xi1>, vector<16xf32>
      %add3A_717 = arith.addf %scan3A_705, %select_n3A : vector<16xf32>
      scf.yield %add3A_717 : vector<16xf32>
    }
    %scan3A_300 = arith.constant 50 : i32
    %max3A_301 = arith.constant 1.000000e+00 : f32
    %max3A_302 = vector.broadcast %max3A_301 : f32 to vector<16xf32>
    %max3A_303 = arith.maximumf %scan3A_299, %max3A_302 : vector<16xf32>
    %div3A_304 = arith.constant 1.000000e+00 : f32
    %div3A_305 = vector.broadcast %div3A_304 : f32 to vector<16xf32>
    %div3A_306 = arith.divf %div3A_305, %max3A_303 : vector<16xf32>
    %swap3A_307 = arith.constant 240 : index
    %swap3A_308 = tpu.vector_load %arg8[%swap3A_307] {strides = array<i32>} : memref<512xf32, #tpu.memory_space<vmem>>, vector<16xf32>,
    tpu.vector_store %arg8[%swap3A_307], %div3A_306 {strides = array<i32>} : memref<512xf32, #tpu.memory_space<vmem>>, vector<16xf32>,
    %add3A_309 = arith.constant 320 : i32
    %add3A_310 = arith.addi %mul3A_2, %add3A_309 : i32
    %dma_start3A_311 = arith.constant 0 : i32
    %dma_start3A_312 = tpu.memref_slice %arg2[%dma_start3A_311, %add3A_310] : memref<50x16384xi32, #tpu.memory_space<hbm>> -> memref<50x64xi32, #tpu.memory_space<hbm>>
    %dma_start3A_313 = arith.constant 0 : i32
    %dma_start3A_314 = tpu.memref_slice %arg2[%dma_start3A_313, %add3A_310] : memref<50x16384xi32, #tpu.memory_space<hbm>> -> memref<50x64xi32, #tpu.memory_space<hbm>>
    tpu.enqueue_dma source(%dma_start3A_314 : memref<50x64xi32, #tpu.memory_space<hbm>>) target(%arg6 : memref<50x64xi32, #tpu.memory_space<vmem>>) target_semaphore(%arg12 : memref<!tpu.dma_semaphore, #tpu.memory_space<semaphore_mem>>)
    %add3A_315 = arith.constant 256 : i32
    %add3A_316 = arith.addi %mul3A_2, %add3A_315 : i32
    %dma_wait3A_317 = arith.constant 0 : i32
    %dma_wait3A_318 = tpu.memref_slice %arg2[%dma_wait3A_317, %add3A_316] : memref<50x16384xi32, #tpu.memory_space<hbm>> -> memref<50x64xi32, #tpu.memory_space<hbm>>
    %dma_wait3A_319 = arith.constant 0 : i32
    %dma_wait3A_320 = tpu.memref_slice %arg2[%dma_wait3A_319, %add3A_316] : memref<50x16384xi32, #tpu.memory_space<hbm>> -> memref<50x64xi32, #tpu.memory_space<hbm>>
    tpu.wait_dma2 semaphore(%arg11 : memref<!tpu.dma_semaphore, #tpu.memory_space<semaphore_mem>>) src(%dma_wait3A_320 : memref<50x64xi32, #tpu.memory_space<hbm>>) dst(%arg5 : memref<50x64xi32, #tpu.memory_space<vmem>>)
    %broadcast_in_dim3A_321 = arith.constant 0.000000e+00 : f32
    %broadcast_in_dim3A_322 = vector.broadcast %broadcast_in_dim3A_321 : f32 to vector<16xf32>
    %scan3A_323 = arith.constant 0 : i32
    %scan3A_324 = arith.constant 50 : i32
    %scan3A_325 = arith.addi %scan3A_323, %scan3A_324 : i32
    %scan3A_326 = arith.constant 1 : i32
    %scan3A_327 = scf.for %scan3A_704 = %scan3A_323 to %scan3A_325 step %scan3A_326 iter_args(%scan3A_705 = %broadcast_in_dim3A_322) -> (vector<16xf32>)  : i32 {
      %get3A = arith.index_cast %scan3A_704 : i32 to index
      %get3A_706 = arith.constant 0 : index
      %get3A_707 = tpu.vector_load %arg5[%get3A, %get3A_706] {strides = array<i32>} : memref<50x64xi32, #tpu.memory_space<vmem>>, vector<16xi32>,
      %add3A_708 = arith.constant 12800 : i32
      %add3A_709 = arith.addi %add3A_708, %scan3A_704 : i32
      %add3A_710 = vector.broadcast %add3A_709 : i32 to vector<16xi32>
      %add3A_711 = arith.addi %mul3A_5, %add3A_710 : vector<16xi32>
      tpu.vector_store_idx %arg7[%add3A_711], %get3A_707 : memref<25600xi32, #tpu.memory_space<vmem>>[vector<16xi32>], vector<16xi32>,
      %ne3A = arith.constant 0 : i32
      %ne3A_712 = vector.broadcast %ne3A : i32 to vector<16xi32>
      %ne3A_713 = arith.cmpi ne, %get3A_707, %ne3A_712 : vector<16xi32>
      %jit3A = arith.constant 1.000000e+00 : f32
      %jit3A_714 = arith.constant 0.000000e+00 : f32
      %broadcast_in_dim3A_715 = vector.broadcast %jit3A : f32 to vector<16xf32>
      %broadcast_in_dim3A_716 = vector.broadcast %jit3A_714 : f32 to vector<16xf32>
      %select_n3A = arith.select %ne3A_713, %broadcast_in_dim3A_715, %broadcast_in_dim3A_716 : vector<16xi1>, vector<16xf32>
      %add3A_717 = arith.addf %scan3A_705, %select_n3A : vector<16xf32>
      scf.yield %add3A_717 : vector<16xf32>
    }
    %scan3A_328 = arith.constant 50 : i32
    %max3A_329 = arith.constant 1.000000e+00 : f32
    %max3A_330 = vector.broadcast %max3A_329 : f32 to vector<16xf32>
    %max3A_331 = arith.maximumf %scan3A_327, %max3A_330 : vector<16xf32>
    %div3A_332 = arith.constant 1.000000e+00 : f32
    %div3A_333 = vector.broadcast %div3A_332 : f32 to vector<16xf32>
    %div3A_334 = arith.divf %div3A_333, %max3A_331 : vector<16xf32>
    %swap3A_335 = arith.constant 256 : index
    %swap3A_336 = tpu.vector_load %arg8[%swap3A_335] {strides = array<i32>} : memref<512xf32, #tpu.memory_space<vmem>>, vector<16xf32>,
    tpu.vector_store %arg8[%swap3A_335], %div3A_334 {strides = array<i32>} : memref<512xf32, #tpu.memory_space<vmem>>, vector<16xf32>,
    %broadcast_in_dim3A_337 = arith.constant 0.000000e+00 : f32
    %broadcast_in_dim3A_338 = vector.broadcast %broadcast_in_dim3A_337 : f32 to vector<16xf32>
    %scan3A_339 = arith.constant 0 : i32
    %scan3A_340 = arith.constant 50 : i32
    %scan3A_341 = arith.addi %scan3A_339, %scan3A_340 : i32
    %scan3A_342 = arith.constant 1 : i32
    %scan3A_343 = scf.for %scan3A_704 = %scan3A_339 to %scan3A_341 step %scan3A_342 iter_args(%scan3A_705 = %broadcast_in_dim3A_338) -> (vector<16xf32>)  : i32 {
      %get3A = arith.index_cast %scan3A_704 : i32 to index
      %get3A_706 = arith.constant 16 : index
      %get3A_707 = tpu.vector_load %arg5[%get3A, %get3A_706] {strides = array<i32>} : memref<50x64xi32, #tpu.memory_space<vmem>>, vector<16xi32>,
      %add3A_708 = arith.constant 13600 : i32
      %add3A_709 = arith.addi %add3A_708, %scan3A_704 : i32
      %add3A_710 = vector.broadcast %add3A_709 : i32 to vector<16xi32>
      %add3A_711 = arith.addi %mul3A_5, %add3A_710 : vector<16xi32>
      tpu.vector_store_idx %arg7[%add3A_711], %get3A_707 : memref<25600xi32, #tpu.memory_space<vmem>>[vector<16xi32>], vector<16xi32>,
      %ne3A = arith.constant 0 : i32
      %ne3A_712 = vector.broadcast %ne3A : i32 to vector<16xi32>
      %ne3A_713 = arith.cmpi ne, %get3A_707, %ne3A_712 : vector<16xi32>
      %jit3A = arith.constant 1.000000e+00 : f32
      %jit3A_714 = arith.constant 0.000000e+00 : f32
      %broadcast_in_dim3A_715 = vector.broadcast %jit3A : f32 to vector<16xf32>
      %broadcast_in_dim3A_716 = vector.broadcast %jit3A_714 : f32 to vector<16xf32>
      %select_n3A = arith.select %ne3A_713, %broadcast_in_dim3A_715, %broadcast_in_dim3A_716 : vector<16xi1>, vector<16xf32>
      %add3A_717 = arith.addf %scan3A_705, %select_n3A : vector<16xf32>
      scf.yield %add3A_717 : vector<16xf32>
    }
    %scan3A_344 = arith.constant 50 : i32
    %max3A_345 = arith.constant 1.000000e+00 : f32
    %max3A_346 = vector.broadcast %max3A_345 : f32 to vector<16xf32>
    %max3A_347 = arith.maximumf %scan3A_343, %max3A_346 : vector<16xf32>
    %div3A_348 = arith.constant 1.000000e+00 : f32
    %div3A_349 = vector.broadcast %div3A_348 : f32 to vector<16xf32>
    %div3A_350 = arith.divf %div3A_349, %max3A_347 : vector<16xf32>
    %swap3A_351 = arith.constant 272 : index
    %swap3A_352 = tpu.vector_load %arg8[%swap3A_351] {strides = array<i32>} : memref<512xf32, #tpu.memory_space<vmem>>, vector<16xf32>,
    tpu.vector_store %arg8[%swap3A_351], %div3A_350 {strides = array<i32>} : memref<512xf32, #tpu.memory_space<vmem>>, vector<16xf32>,
    %broadcast_in_dim3A_353 = arith.constant 0.000000e+00 : f32
    %broadcast_in_dim3A_354 = vector.broadcast %broadcast_in_dim3A_353 : f32 to vector<16xf32>
    %scan3A_355 = arith.constant 0 : i32
    %scan3A_356 = arith.constant 50 : i32
    %scan3A_357 = arith.addi %scan3A_355, %scan3A_356 : i32
    %scan3A_358 = arith.constant 1 : i32
    %scan3A_359 = scf.for %scan3A_704 = %scan3A_355 to %scan3A_357 step %scan3A_358 iter_args(%scan3A_705 = %broadcast_in_dim3A_354) -> (vector<16xf32>)  : i32 {
      %get3A = arith.index_cast %scan3A_704 : i32 to index
      %get3A_706 = arith.constant 32 : index
      %get3A_707 = tpu.vector_load %arg5[%get3A, %get3A_706] {strides = array<i32>} : memref<50x64xi32, #tpu.memory_space<vmem>>, vector<16xi32>,
      %add3A_708 = arith.constant 14400 : i32
      %add3A_709 = arith.addi %add3A_708, %scan3A_704 : i32
      %add3A_710 = vector.broadcast %add3A_709 : i32 to vector<16xi32>
      %add3A_711 = arith.addi %mul3A_5, %add3A_710 : vector<16xi32>
      tpu.vector_store_idx %arg7[%add3A_711], %get3A_707 : memref<25600xi32, #tpu.memory_space<vmem>>[vector<16xi32>], vector<16xi32>,
      %ne3A = arith.constant 0 : i32
      %ne3A_712 = vector.broadcast %ne3A : i32 to vector<16xi32>
      %ne3A_713 = arith.cmpi ne, %get3A_707, %ne3A_712 : vector<16xi32>
      %jit3A = arith.constant 1.000000e+00 : f32
      %jit3A_714 = arith.constant 0.000000e+00 : f32
      %broadcast_in_dim3A_715 = vector.broadcast %jit3A : f32 to vector<16xf32>
      %broadcast_in_dim3A_716 = vector.broadcast %jit3A_714 : f32 to vector<16xf32>
      %select_n3A = arith.select %ne3A_713, %broadcast_in_dim3A_715, %broadcast_in_dim3A_716 : vector<16xi1>, vector<16xf32>
      %add3A_717 = arith.addf %scan3A_705, %select_n3A : vector<16xf32>
      scf.yield %add3A_717 : vector<16xf32>
    }
    %scan3A_360 = arith.constant 50 : i32
    %max3A_361 = arith.constant 1.000000e+00 : f32
    %max3A_362 = vector.broadcast %max3A_361 : f32 to vector<16xf32>
    %max3A_363 = arith.maximumf %scan3A_359, %max3A_362 : vector<16xf32>
    %div3A_364 = arith.constant 1.000000e+00 : f32
    %div3A_365 = vector.broadcast %div3A_364 : f32 to vector<16xf32>
    %div3A_366 = arith.divf %div3A_365, %max3A_363 : vector<16xf32>
    %swap3A_367 = arith.constant 288 : index
    %swap3A_368 = tpu.vector_load %arg8[%swap3A_367] {strides = array<i32>} : memref<512xf32, #tpu.memory_space<vmem>>, vector<16xf32>,
    tpu.vector_store %arg8[%swap3A_367], %div3A_366 {strides = array<i32>} : memref<512xf32, #tpu.memory_space<vmem>>, vector<16xf32>,
    %broadcast_in_dim3A_369 = arith.constant 0.000000e+00 : f32
    %broadcast_in_dim3A_370 = vector.broadcast %broadcast_in_dim3A_369 : f32 to vector<16xf32>
    %scan3A_371 = arith.constant 0 : i32
    %scan3A_372 = arith.constant 50 : i32
    %scan3A_373 = arith.addi %scan3A_371, %scan3A_372 : i32
    %scan3A_374 = arith.constant 1 : i32
    %scan3A_375 = scf.for %scan3A_704 = %scan3A_371 to %scan3A_373 step %scan3A_374 iter_args(%scan3A_705 = %broadcast_in_dim3A_370) -> (vector<16xf32>)  : i32 {
      %get3A = arith.index_cast %scan3A_704 : i32 to index
      %get3A_706 = arith.constant 48 : index
      %get3A_707 = tpu.vector_load %arg5[%get3A, %get3A_706] {strides = array<i32>} : memref<50x64xi32, #tpu.memory_space<vmem>>, vector<16xi32>,
      %add3A_708 = arith.constant 15200 : i32
      %add3A_709 = arith.addi %add3A_708, %scan3A_704 : i32
      %add3A_710 = vector.broadcast %add3A_709 : i32 to vector<16xi32>
      %add3A_711 = arith.addi %mul3A_5, %add3A_710 : vector<16xi32>
      tpu.vector_store_idx %arg7[%add3A_711], %get3A_707 : memref<25600xi32, #tpu.memory_space<vmem>>[vector<16xi32>], vector<16xi32>,
      %ne3A = arith.constant 0 : i32
      %ne3A_712 = vector.broadcast %ne3A : i32 to vector<16xi32>
      %ne3A_713 = arith.cmpi ne, %get3A_707, %ne3A_712 : vector<16xi32>
      %jit3A = arith.constant 1.000000e+00 : f32
      %jit3A_714 = arith.constant 0.000000e+00 : f32
      %broadcast_in_dim3A_715 = vector.broadcast %jit3A : f32 to vector<16xf32>
      %broadcast_in_dim3A_716 = vector.broadcast %jit3A_714 : f32 to vector<16xf32>
      %select_n3A = arith.select %ne3A_713, %broadcast_in_dim3A_715, %broadcast_in_dim3A_716 : vector<16xi1>, vector<16xf32>
      %add3A_717 = arith.addf %scan3A_705, %select_n3A : vector<16xf32>
      scf.yield %add3A_717 : vector<16xf32>
    }
    %scan3A_376 = arith.constant 50 : i32
    %max3A_377 = arith.constant 1.000000e+00 : f32
    %max3A_378 = vector.broadcast %max3A_377 : f32 to vector<16xf32>
    %max3A_379 = arith.maximumf %scan3A_375, %max3A_378 : vector<16xf32>
    %div3A_380 = arith.constant 1.000000e+00 : f32
    %div3A_381 = vector.broadcast %div3A_380 : f32 to vector<16xf32>
    %div3A_382 = arith.divf %div3A_381, %max3A_379 : vector<16xf32>
    %swap3A_383 = arith.constant 304 : index
    %swap3A_384 = tpu.vector_load %arg8[%swap3A_383] {strides = array<i32>} : memref<512xf32, #tpu.memory_space<vmem>>, vector<16xf32>,
    tpu.vector_store %arg8[%swap3A_383], %div3A_382 {strides = array<i32>} : memref<512xf32, #tpu.memory_space<vmem>>, vector<16xf32>,
    %add3A_385 = arith.constant 384 : i32
    %add3A_386 = arith.addi %mul3A_2, %add3A_385 : i32
    %dma_start3A_387 = arith.constant 0 : i32
    %dma_start3A_388 = tpu.memref_slice %arg2[%dma_start3A_387, %add3A_386] : memref<50x16384xi32, #tpu.memory_space<hbm>> -> memref<50x64xi32, #tpu.memory_space<hbm>>
    %dma_start3A_389 = arith.constant 0 : i32
    %dma_start3A_390 = tpu.memref_slice %arg2[%dma_start3A_389, %add3A_386] : memref<50x16384xi32, #tpu.memory_space<hbm>> -> memref<50x64xi32, #tpu.memory_space<hbm>>
    tpu.enqueue_dma source(%dma_start3A_390 : memref<50x64xi32, #tpu.memory_space<hbm>>) target(%arg5 : memref<50x64xi32, #tpu.memory_space<vmem>>) target_semaphore(%arg11 : memref<!tpu.dma_semaphore, #tpu.memory_space<semaphore_mem>>)
    %add3A_391 = arith.constant 320 : i32
    %add3A_392 = arith.addi %mul3A_2, %add3A_391 : i32
    %dma_wait3A_393 = arith.constant 0 : i32
    %dma_wait3A_394 = tpu.memref_slice %arg2[%dma_wait3A_393, %add3A_392] : memref<50x16384xi32, #tpu.memory_space<hbm>> -> memref<50x64xi32, #tpu.memory_space<hbm>>
    %dma_wait3A_395 = arith.constant 0 : i32
    %dma_wait3A_396 = tpu.memref_slice %arg2[%dma_wait3A_395, %add3A_392] : memref<50x16384xi32, #tpu.memory_space<hbm>> -> memref<50x64xi32, #tpu.memory_space<hbm>>
    tpu.wait_dma2 semaphore(%arg12 : memref<!tpu.dma_semaphore, #tpu.memory_space<semaphore_mem>>) src(%dma_wait3A_396 : memref<50x64xi32, #tpu.memory_space<hbm>>) dst(%arg6 : memref<50x64xi32, #tpu.memory_space<vmem>>)
    %broadcast_in_dim3A_397 = arith.constant 0.000000e+00 : f32
    %broadcast_in_dim3A_398 = vector.broadcast %broadcast_in_dim3A_397 : f32 to vector<16xf32>
    %scan3A_399 = arith.constant 0 : i32
    %scan3A_400 = arith.constant 50 : i32
    %scan3A_401 = arith.addi %scan3A_399, %scan3A_400 : i32
    %scan3A_402 = arith.constant 1 : i32
    %scan3A_403 = scf.for %scan3A_704 = %scan3A_399 to %scan3A_401 step %scan3A_402 iter_args(%scan3A_705 = %broadcast_in_dim3A_398) -> (vector<16xf32>)  : i32 {
      %get3A = arith.index_cast %scan3A_704 : i32 to index
      %get3A_706 = arith.constant 0 : index
      %get3A_707 = tpu.vector_load %arg6[%get3A, %get3A_706] {strides = array<i32>} : memref<50x64xi32, #tpu.memory_space<vmem>>, vector<16xi32>,
      %add3A_708 = arith.constant 16000 : i32
      %add3A_709 = arith.addi %add3A_708, %scan3A_704 : i32
      %add3A_710 = vector.broadcast %add3A_709 : i32 to vector<16xi32>
      %add3A_711 = arith.addi %mul3A_5, %add3A_710 : vector<16xi32>
      tpu.vector_store_idx %arg7[%add3A_711], %get3A_707 : memref<25600xi32, #tpu.memory_space<vmem>>[vector<16xi32>], vector<16xi32>,
      %ne3A = arith.constant 0 : i32
      %ne3A_712 = vector.broadcast %ne3A : i32 to vector<16xi32>
      %ne3A_713 = arith.cmpi ne, %get3A_707, %ne3A_712 : vector<16xi32>
      %jit3A = arith.constant 1.000000e+00 : f32
      %jit3A_714 = arith.constant 0.000000e+00 : f32
      %broadcast_in_dim3A_715 = vector.broadcast %jit3A : f32 to vector<16xf32>
      %broadcast_in_dim3A_716 = vector.broadcast %jit3A_714 : f32 to vector<16xf32>
      %select_n3A = arith.select %ne3A_713, %broadcast_in_dim3A_715, %broadcast_in_dim3A_716 : vector<16xi1>, vector<16xf32>
      %add3A_717 = arith.addf %scan3A_705, %select_n3A : vector<16xf32>
      scf.yield %add3A_717 : vector<16xf32>
    }
    %scan3A_404 = arith.constant 50 : i32
    %max3A_405 = arith.constant 1.000000e+00 : f32
    %max3A_406 = vector.broadcast %max3A_405 : f32 to vector<16xf32>
    %max3A_407 = arith.maximumf %scan3A_403, %max3A_406 : vector<16xf32>
    %div3A_408 = arith.constant 1.000000e+00 : f32
    %div3A_409 = vector.broadcast %div3A_408 : f32 to vector<16xf32>
    %div3A_410 = arith.divf %div3A_409, %max3A_407 : vector<16xf32>
    %swap3A_411 = arith.constant 320 : index
    %swap3A_412 = tpu.vector_load %arg8[%swap3A_411] {strides = array<i32>} : memref<512xf32, #tpu.memory_space<vmem>>, vector<16xf32>,
    tpu.vector_store %arg8[%swap3A_411], %div3A_410 {strides = array<i32>} : memref<512xf32, #tpu.memory_space<vmem>>, vector<16xf32>,
    %broadcast_in_dim3A_413 = arith.constant 0.000000e+00 : f32
    %broadcast_in_dim3A_414 = vector.broadcast %broadcast_in_dim3A_413 : f32 to vector<16xf32>
    %scan3A_415 = arith.constant 0 : i32
    %scan3A_416 = arith.constant 50 : i32
    %scan3A_417 = arith.addi %scan3A_415, %scan3A_416 : i32
    %scan3A_418 = arith.constant 1 : i32
    %scan3A_419 = scf.for %scan3A_704 = %scan3A_415 to %scan3A_417 step %scan3A_418 iter_args(%scan3A_705 = %broadcast_in_dim3A_414) -> (vector<16xf32>)  : i32 {
      %get3A = arith.index_cast %scan3A_704 : i32 to index
      %get3A_706 = arith.constant 16 : index
      %get3A_707 = tpu.vector_load %arg6[%get3A, %get3A_706] {strides = array<i32>} : memref<50x64xi32, #tpu.memory_space<vmem>>, vector<16xi32>,
      %add3A_708 = arith.constant 16800 : i32
      %add3A_709 = arith.addi %add3A_708, %scan3A_704 : i32
      %add3A_710 = vector.broadcast %add3A_709 : i32 to vector<16xi32>
      %add3A_711 = arith.addi %mul3A_5, %add3A_710 : vector<16xi32>
      tpu.vector_store_idx %arg7[%add3A_711], %get3A_707 : memref<25600xi32, #tpu.memory_space<vmem>>[vector<16xi32>], vector<16xi32>,
      %ne3A = arith.constant 0 : i32
      %ne3A_712 = vector.broadcast %ne3A : i32 to vector<16xi32>
      %ne3A_713 = arith.cmpi ne, %get3A_707, %ne3A_712 : vector<16xi32>
      %jit3A = arith.constant 1.000000e+00 : f32
      %jit3A_714 = arith.constant 0.000000e+00 : f32
      %broadcast_in_dim3A_715 = vector.broadcast %jit3A : f32 to vector<16xf32>
      %broadcast_in_dim3A_716 = vector.broadcast %jit3A_714 : f32 to vector<16xf32>
      %select_n3A = arith.select %ne3A_713, %broadcast_in_dim3A_715, %broadcast_in_dim3A_716 : vector<16xi1>, vector<16xf32>
      %add3A_717 = arith.addf %scan3A_705, %select_n3A : vector<16xf32>
      scf.yield %add3A_717 : vector<16xf32>
    }
    %scan3A_420 = arith.constant 50 : i32
    %max3A_421 = arith.constant 1.000000e+00 : f32
    %max3A_422 = vector.broadcast %max3A_421 : f32 to vector<16xf32>
    %max3A_423 = arith.maximumf %scan3A_419, %max3A_422 : vector<16xf32>
    %div3A_424 = arith.constant 1.000000e+00 : f32
    %div3A_425 = vector.broadcast %div3A_424 : f32 to vector<16xf32>
    %div3A_426 = arith.divf %div3A_425, %max3A_423 : vector<16xf32>
    %swap3A_427 = arith.constant 336 : index
    %swap3A_428 = tpu.vector_load %arg8[%swap3A_427] {strides = array<i32>} : memref<512xf32, #tpu.memory_space<vmem>>, vector<16xf32>,
    tpu.vector_store %arg8[%swap3A_427], %div3A_426 {strides = array<i32>} : memref<512xf32, #tpu.memory_space<vmem>>, vector<16xf32>,
    %broadcast_in_dim3A_429 = arith.constant 0.000000e+00 : f32
    %broadcast_in_dim3A_430 = vector.broadcast %broadcast_in_dim3A_429 : f32 to vector<16xf32>
    %scan3A_431 = arith.constant 0 : i32
    %scan3A_432 = arith.constant 50 : i32
    %scan3A_433 = arith.addi %scan3A_431, %scan3A_432 : i32
    %scan3A_434 = arith.constant 1 : i32
    %scan3A_435 = scf.for %scan3A_704 = %scan3A_431 to %scan3A_433 step %scan3A_434 iter_args(%scan3A_705 = %broadcast_in_dim3A_430) -> (vector<16xf32>)  : i32 {
      %get3A = arith.index_cast %scan3A_704 : i32 to index
      %get3A_706 = arith.constant 32 : index
      %get3A_707 = tpu.vector_load %arg6[%get3A, %get3A_706] {strides = array<i32>} : memref<50x64xi32, #tpu.memory_space<vmem>>, vector<16xi32>,
      %add3A_708 = arith.constant 17600 : i32
      %add3A_709 = arith.addi %add3A_708, %scan3A_704 : i32
      %add3A_710 = vector.broadcast %add3A_709 : i32 to vector<16xi32>
      %add3A_711 = arith.addi %mul3A_5, %add3A_710 : vector<16xi32>
      tpu.vector_store_idx %arg7[%add3A_711], %get3A_707 : memref<25600xi32, #tpu.memory_space<vmem>>[vector<16xi32>], vector<16xi32>,
      %ne3A = arith.constant 0 : i32
      %ne3A_712 = vector.broadcast %ne3A : i32 to vector<16xi32>
      %ne3A_713 = arith.cmpi ne, %get3A_707, %ne3A_712 : vector<16xi32>
      %jit3A = arith.constant 1.000000e+00 : f32
      %jit3A_714 = arith.constant 0.000000e+00 : f32
      %broadcast_in_dim3A_715 = vector.broadcast %jit3A : f32 to vector<16xf32>
      %broadcast_in_dim3A_716 = vector.broadcast %jit3A_714 : f32 to vector<16xf32>
      %select_n3A = arith.select %ne3A_713, %broadcast_in_dim3A_715, %broadcast_in_dim3A_716 : vector<16xi1>, vector<16xf32>
      %add3A_717 = arith.addf %scan3A_705, %select_n3A : vector<16xf32>
      scf.yield %add3A_717 : vector<16xf32>
    }
    %scan3A_436 = arith.constant 50 : i32
    %max3A_437 = arith.constant 1.000000e+00 : f32
    %max3A_438 = vector.broadcast %max3A_437 : f32 to vector<16xf32>
    %max3A_439 = arith.maximumf %scan3A_435, %max3A_438 : vector<16xf32>
    %div3A_440 = arith.constant 1.000000e+00 : f32
    %div3A_441 = vector.broadcast %div3A_440 : f32 to vector<16xf32>
    %div3A_442 = arith.divf %div3A_441, %max3A_439 : vector<16xf32>
    %swap3A_443 = arith.constant 352 : index
    %swap3A_444 = tpu.vector_load %arg8[%swap3A_443] {strides = array<i32>} : memref<512xf32, #tpu.memory_space<vmem>>, vector<16xf32>,
    tpu.vector_store %arg8[%swap3A_443], %div3A_442 {strides = array<i32>} : memref<512xf32, #tpu.memory_space<vmem>>, vector<16xf32>,
    %broadcast_in_dim3A_445 = arith.constant 0.000000e+00 : f32
    %broadcast_in_dim3A_446 = vector.broadcast %broadcast_in_dim3A_445 : f32 to vector<16xf32>
    %scan3A_447 = arith.constant 0 : i32
    %scan3A_448 = arith.constant 50 : i32
    %scan3A_449 = arith.addi %scan3A_447, %scan3A_448 : i32
    %scan3A_450 = arith.constant 1 : i32
    %scan3A_451 = scf.for %scan3A_704 = %scan3A_447 to %scan3A_449 step %scan3A_450 iter_args(%scan3A_705 = %broadcast_in_dim3A_446) -> (vector<16xf32>)  : i32 {
      %get3A = arith.index_cast %scan3A_704 : i32 to index
      %get3A_706 = arith.constant 48 : index
      %get3A_707 = tpu.vector_load %arg6[%get3A, %get3A_706] {strides = array<i32>} : memref<50x64xi32, #tpu.memory_space<vmem>>, vector<16xi32>,
      %add3A_708 = arith.constant 18400 : i32
      %add3A_709 = arith.addi %add3A_708, %scan3A_704 : i32
      %add3A_710 = vector.broadcast %add3A_709 : i32 to vector<16xi32>
      %add3A_711 = arith.addi %mul3A_5, %add3A_710 : vector<16xi32>
      tpu.vector_store_idx %arg7[%add3A_711], %get3A_707 : memref<25600xi32, #tpu.memory_space<vmem>>[vector<16xi32>], vector<16xi32>,
      %ne3A = arith.constant 0 : i32
      %ne3A_712 = vector.broadcast %ne3A : i32 to vector<16xi32>
      %ne3A_713 = arith.cmpi ne, %get3A_707, %ne3A_712 : vector<16xi32>
      %jit3A = arith.constant 1.000000e+00 : f32
      %jit3A_714 = arith.constant 0.000000e+00 : f32
      %broadcast_in_dim3A_715 = vector.broadcast %jit3A : f32 to vector<16xf32>
      %broadcast_in_dim3A_716 = vector.broadcast %jit3A_714 : f32 to vector<16xf32>
      %select_n3A = arith.select %ne3A_713, %broadcast_in_dim3A_715, %broadcast_in_dim3A_716 : vector<16xi1>, vector<16xf32>
      %add3A_717 = arith.addf %scan3A_705, %select_n3A : vector<16xf32>
      scf.yield %add3A_717 : vector<16xf32>
    }
    %scan3A_452 = arith.constant 50 : i32
    %max3A_453 = arith.constant 1.000000e+00 : f32
    %max3A_454 = vector.broadcast %max3A_453 : f32 to vector<16xf32>
    %max3A_455 = arith.maximumf %scan3A_451, %max3A_454 : vector<16xf32>
    %div3A_456 = arith.constant 1.000000e+00 : f32
    %div3A_457 = vector.broadcast %div3A_456 : f32 to vector<16xf32>
    %div3A_458 = arith.divf %div3A_457, %max3A_455 : vector<16xf32>
    %swap3A_459 = arith.constant 368 : index
    %swap3A_460 = tpu.vector_load %arg8[%swap3A_459] {strides = array<i32>} : memref<512xf32, #tpu.memory_space<vmem>>, vector<16xf32>,
    tpu.vector_store %arg8[%swap3A_459], %div3A_458 {strides = array<i32>} : memref<512xf32, #tpu.memory_space<vmem>>, vector<16xf32>,
    %add3A_461 = arith.constant 448 : i32
    %add3A_462 = arith.addi %mul3A_2, %add3A_461 : i32
    %dma_start3A_463 = arith.constant 0 : i32
    %dma_start3A_464 = tpu.memref_slice %arg2[%dma_start3A_463, %add3A_462] : memref<50x16384xi32, #tpu.memory_space<hbm>> -> memref<50x64xi32, #tpu.memory_space<hbm>>
    %dma_start3A_465 = arith.constant 0 : i32
    %dma_start3A_466 = tpu.memref_slice %arg2[%dma_start3A_465, %add3A_462] : memref<50x16384xi32, #tpu.memory_space<hbm>> -> memref<50x64xi32, #tpu.memory_space<hbm>>
    tpu.enqueue_dma source(%dma_start3A_466 : memref<50x64xi32, #tpu.memory_space<hbm>>) target(%arg6 : memref<50x64xi32, #tpu.memory_space<vmem>>) target_semaphore(%arg12 : memref<!tpu.dma_semaphore, #tpu.memory_space<semaphore_mem>>)
    %add3A_467 = arith.constant 384 : i32
    %add3A_468 = arith.addi %mul3A_2, %add3A_467 : i32
    %dma_wait3A_469 = arith.constant 0 : i32
    %dma_wait3A_470 = tpu.memref_slice %arg2[%dma_wait3A_469, %add3A_468] : memref<50x16384xi32, #tpu.memory_space<hbm>> -> memref<50x64xi32, #tpu.memory_space<hbm>>
    %dma_wait3A_471 = arith.constant 0 : i32
    %dma_wait3A_472 = tpu.memref_slice %arg2[%dma_wait3A_471, %add3A_468] : memref<50x16384xi32, #tpu.memory_space<hbm>> -> memref<50x64xi32, #tpu.memory_space<hbm>>
    tpu.wait_dma2 semaphore(%arg11 : memref<!tpu.dma_semaphore, #tpu.memory_space<semaphore_mem>>) src(%dma_wait3A_472 : memref<50x64xi32, #tpu.memory_space<hbm>>) dst(%arg5 : memref<50x64xi32, #tpu.memory_space<vmem>>)
    %broadcast_in_dim3A_473 = arith.constant 0.000000e+00 : f32
    %broadcast_in_dim3A_474 = vector.broadcast %broadcast_in_dim3A_473 : f32 to vector<16xf32>
    %scan3A_475 = arith.constant 0 : i32
    %scan3A_476 = arith.constant 50 : i32
    %scan3A_477 = arith.addi %scan3A_475, %scan3A_476 : i32
    %scan3A_478 = arith.constant 1 : i32
    %scan3A_479 = scf.for %scan3A_704 = %scan3A_475 to %scan3A_477 step %scan3A_478 iter_args(%scan3A_705 = %broadcast_in_dim3A_474) -> (vector<16xf32>)  : i32 {
      %get3A = arith.index_cast %scan3A_704 : i32 to index
      %get3A_706 = arith.constant 0 : index
      %get3A_707 = tpu.vector_load %arg5[%get3A, %get3A_706] {strides = array<i32>} : memref<50x64xi32, #tpu.memory_space<vmem>>, vector<16xi32>,
      %add3A_708 = arith.constant 19200 : i32
      %add3A_709 = arith.addi %add3A_708, %scan3A_704 : i32
      %add3A_710 = vector.broadcast %add3A_709 : i32 to vector<16xi32>
      %add3A_711 = arith.addi %mul3A_5, %add3A_710 : vector<16xi32>
      tpu.vector_store_idx %arg7[%add3A_711], %get3A_707 : memref<25600xi32, #tpu.memory_space<vmem>>[vector<16xi32>], vector<16xi32>,
      %ne3A = arith.constant 0 : i32
      %ne3A_712 = vector.broadcast %ne3A : i32 to vector<16xi32>
      %ne3A_713 = arith.cmpi ne, %get3A_707, %ne3A_712 : vector<16xi32>
      %jit3A = arith.constant 1.000000e+00 : f32
      %jit3A_714 = arith.constant 0.000000e+00 : f32
      %broadcast_in_dim3A_715 = vector.broadcast %jit3A : f32 to vector<16xf32>
      %broadcast_in_dim3A_716 = vector.broadcast %jit3A_714 : f32 to vector<16xf32>
      %select_n3A = arith.select %ne3A_713, %broadcast_in_dim3A_715, %broadcast_in_dim3A_716 : vector<16xi1>, vector<16xf32>
      %add3A_717 = arith.addf %scan3A_705, %select_n3A : vector<16xf32>
      scf.yield %add3A_717 : vector<16xf32>
    }
    %scan3A_480 = arith.constant 50 : i32
    %max3A_481 = arith.constant 1.000000e+00 : f32
    %max3A_482 = vector.broadcast %max3A_481 : f32 to vector<16xf32>
    %max3A_483 = arith.maximumf %scan3A_479, %max3A_482 : vector<16xf32>
    %div3A_484 = arith.constant 1.000000e+00 : f32
    %div3A_485 = vector.broadcast %div3A_484 : f32 to vector<16xf32>
    %div3A_486 = arith.divf %div3A_485, %max3A_483 : vector<16xf32>
    %swap3A_487 = arith.constant 384 : index
    %swap3A_488 = tpu.vector_load %arg8[%swap3A_487] {strides = array<i32>} : memref<512xf32, #tpu.memory_space<vmem>>, vector<16xf32>,
    tpu.vector_store %arg8[%swap3A_487], %div3A_486 {strides = array<i32>} : memref<512xf32, #tpu.memory_space<vmem>>, vector<16xf32>,
    %broadcast_in_dim3A_489 = arith.constant 0.000000e+00 : f32
    %broadcast_in_dim3A_490 = vector.broadcast %broadcast_in_dim3A_489 : f32 to vector<16xf32>
    %scan3A_491 = arith.constant 0 : i32
    %scan3A_492 = arith.constant 50 : i32
    %scan3A_493 = arith.addi %scan3A_491, %scan3A_492 : i32
    %scan3A_494 = arith.constant 1 : i32
    %scan3A_495 = scf.for %scan3A_704 = %scan3A_491 to %scan3A_493 step %scan3A_494 iter_args(%scan3A_705 = %broadcast_in_dim3A_490) -> (vector<16xf32>)  : i32 {
      %get3A = arith.index_cast %scan3A_704 : i32 to index
      %get3A_706 = arith.constant 16 : index
      %get3A_707 = tpu.vector_load %arg5[%get3A, %get3A_706] {strides = array<i32>} : memref<50x64xi32, #tpu.memory_space<vmem>>, vector<16xi32>,
      %add3A_708 = arith.constant 20000 : i32
      %add3A_709 = arith.addi %add3A_708, %scan3A_704 : i32
      %add3A_710 = vector.broadcast %add3A_709 : i32 to vector<16xi32>
      %add3A_711 = arith.addi %mul3A_5, %add3A_710 : vector<16xi32>
      tpu.vector_store_idx %arg7[%add3A_711], %get3A_707 : memref<25600xi32, #tpu.memory_space<vmem>>[vector<16xi32>], vector<16xi32>,
      %ne3A = arith.constant 0 : i32
      %ne3A_712 = vector.broadcast %ne3A : i32 to vector<16xi32>
      %ne3A_713 = arith.cmpi ne, %get3A_707, %ne3A_712 : vector<16xi32>
      %jit3A = arith.constant 1.000000e+00 : f32
      %jit3A_714 = arith.constant 0.000000e+00 : f32
      %broadcast_in_dim3A_715 = vector.broadcast %jit3A : f32 to vector<16xf32>
      %broadcast_in_dim3A_716 = vector.broadcast %jit3A_714 : f32 to vector<16xf32>
      %select_n3A = arith.select %ne3A_713, %broadcast_in_dim3A_715, %broadcast_in_dim3A_716 : vector<16xi1>, vector<16xf32>
      %add3A_717 = arith.addf %scan3A_705, %select_n3A : vector<16xf32>
      scf.yield %add3A_717 : vector<16xf32>
    }
    %scan3A_496 = arith.constant 50 : i32
    %max3A_497 = arith.constant 1.000000e+00 : f32
    %max3A_498 = vector.broadcast %max3A_497 : f32 to vector<16xf32>
    %max3A_499 = arith.maximumf %scan3A_495, %max3A_498 : vector<16xf32>
    %div3A_500 = arith.constant 1.000000e+00 : f32
    %div3A_501 = vector.broadcast %div3A_500 : f32 to vector<16xf32>
    %div3A_502 = arith.divf %div3A_501, %max3A_499 : vector<16xf32>
    %swap3A_503 = arith.constant 400 : index
    %swap3A_504 = tpu.vector_load %arg8[%swap3A_503] {strides = array<i32>} : memref<512xf32, #tpu.memory_space<vmem>>, vector<16xf32>,
    tpu.vector_store %arg8[%swap3A_503], %div3A_502 {strides = array<i32>} : memref<512xf32, #tpu.memory_space<vmem>>, vector<16xf32>,
    %broadcast_in_dim3A_505 = arith.constant 0.000000e+00 : f32
    %broadcast_in_dim3A_506 = vector.broadcast %broadcast_in_dim3A_505 : f32 to vector<16xf32>
    %scan3A_507 = arith.constant 0 : i32
    %scan3A_508 = arith.constant 50 : i32
    %scan3A_509 = arith.addi %scan3A_507, %scan3A_508 : i32
    %scan3A_510 = arith.constant 1 : i32
    %scan3A_511 = scf.for %scan3A_704 = %scan3A_507 to %scan3A_509 step %scan3A_510 iter_args(%scan3A_705 = %broadcast_in_dim3A_506) -> (vector<16xf32>)  : i32 {
      %get3A = arith.index_cast %scan3A_704 : i32 to index
      %get3A_706 = arith.constant 32 : index
      %get3A_707 = tpu.vector_load %arg5[%get3A, %get3A_706] {strides = array<i32>} : memref<50x64xi32, #tpu.memory_space<vmem>>, vector<16xi32>,
      %add3A_708 = arith.constant 20800 : i32
      %add3A_709 = arith.addi %add3A_708, %scan3A_704 : i32
      %add3A_710 = vector.broadcast %add3A_709 : i32 to vector<16xi32>
      %add3A_711 = arith.addi %mul3A_5, %add3A_710 : vector<16xi32>
      tpu.vector_store_idx %arg7[%add3A_711], %get3A_707 : memref<25600xi32, #tpu.memory_space<vmem>>[vector<16xi32>], vector<16xi32>,
      %ne3A = arith.constant 0 : i32
      %ne3A_712 = vector.broadcast %ne3A : i32 to vector<16xi32>
      %ne3A_713 = arith.cmpi ne, %get3A_707, %ne3A_712 : vector<16xi32>
      %jit3A = arith.constant 1.000000e+00 : f32
      %jit3A_714 = arith.constant 0.000000e+00 : f32
      %broadcast_in_dim3A_715 = vector.broadcast %jit3A : f32 to vector<16xf32>
      %broadcast_in_dim3A_716 = vector.broadcast %jit3A_714 : f32 to vector<16xf32>
      %select_n3A = arith.select %ne3A_713, %broadcast_in_dim3A_715, %broadcast_in_dim3A_716 : vector<16xi1>, vector<16xf32>
      %add3A_717 = arith.addf %scan3A_705, %select_n3A : vector<16xf32>
      scf.yield %add3A_717 : vector<16xf32>
    }
    %scan3A_512 = arith.constant 50 : i32
    %max3A_513 = arith.constant 1.000000e+00 : f32
    %max3A_514 = vector.broadcast %max3A_513 : f32 to vector<16xf32>
    %max3A_515 = arith.maximumf %scan3A_511, %max3A_514 : vector<16xf32>
    %div3A_516 = arith.constant 1.000000e+00 : f32
    %div3A_517 = vector.broadcast %div3A_516 : f32 to vector<16xf32>
    %div3A_518 = arith.divf %div3A_517, %max3A_515 : vector<16xf32>
    %swap3A_519 = arith.constant 416 : index
    %swap3A_520 = tpu.vector_load %arg8[%swap3A_519] {strides = array<i32>} : memref<512xf32, #tpu.memory_space<vmem>>, vector<16xf32>,
    tpu.vector_store %arg8[%swap3A_519], %div3A_518 {strides = array<i32>} : memref<512xf32, #tpu.memory_space<vmem>>, vector<16xf32>,
    %broadcast_in_dim3A_521 = arith.constant 0.000000e+00 : f32
    %broadcast_in_dim3A_522 = vector.broadcast %broadcast_in_dim3A_521 : f32 to vector<16xf32>
    %scan3A_523 = arith.constant 0 : i32
    %scan3A_524 = arith.constant 50 : i32
    %scan3A_525 = arith.addi %scan3A_523, %scan3A_524 : i32
    %scan3A_526 = arith.constant 1 : i32
    %scan3A_527 = scf.for %scan3A_704 = %scan3A_523 to %scan3A_525 step %scan3A_526 iter_args(%scan3A_705 = %broadcast_in_dim3A_522) -> (vector<16xf32>)  : i32 {
      %get3A = arith.index_cast %scan3A_704 : i32 to index
      %get3A_706 = arith.constant 48 : index
      %get3A_707 = tpu.vector_load %arg5[%get3A, %get3A_706] {strides = array<i32>} : memref<50x64xi32, #tpu.memory_space<vmem>>, vector<16xi32>,
      %add3A_708 = arith.constant 21600 : i32
      %add3A_709 = arith.addi %add3A_708, %scan3A_704 : i32
      %add3A_710 = vector.broadcast %add3A_709 : i32 to vector<16xi32>
      %add3A_711 = arith.addi %mul3A_5, %add3A_710 : vector<16xi32>
      tpu.vector_store_idx %arg7[%add3A_711], %get3A_707 : memref<25600xi32, #tpu.memory_space<vmem>>[vector<16xi32>], vector<16xi32>,
      %ne3A = arith.constant 0 : i32
      %ne3A_712 = vector.broadcast %ne3A : i32 to vector<16xi32>
      %ne3A_713 = arith.cmpi ne, %get3A_707, %ne3A_712 : vector<16xi32>
      %jit3A = arith.constant 1.000000e+00 : f32
      %jit3A_714 = arith.constant 0.000000e+00 : f32
      %broadcast_in_dim3A_715 = vector.broadcast %jit3A : f32 to vector<16xf32>
      %broadcast_in_dim3A_716 = vector.broadcast %jit3A_714 : f32 to vector<16xf32>
      %select_n3A = arith.select %ne3A_713, %broadcast_in_dim3A_715, %broadcast_in_dim3A_716 : vector<16xi1>, vector<16xf32>
      %add3A_717 = arith.addf %scan3A_705, %select_n3A : vector<16xf32>
      scf.yield %add3A_717 : vector<16xf32>
    }
    %scan3A_528 = arith.constant 50 : i32
    %max3A_529 = arith.constant 1.000000e+00 : f32
    %max3A_530 = vector.broadcast %max3A_529 : f32 to vector<16xf32>
    %max3A_531 = arith.maximumf %scan3A_527, %max3A_530 : vector<16xf32>
    %div3A_532 = arith.constant 1.000000e+00 : f32
    %div3A_533 = vector.broadcast %div3A_532 : f32 to vector<16xf32>
    %div3A_534 = arith.divf %div3A_533, %max3A_531 : vector<16xf32>
    %swap3A_535 = arith.constant 432 : index
    %swap3A_536 = tpu.vector_load %arg8[%swap3A_535] {strides = array<i32>} : memref<512xf32, #tpu.memory_space<vmem>>, vector<16xf32>,
    tpu.vector_store %arg8[%swap3A_535], %div3A_534 {strides = array<i32>} : memref<512xf32, #tpu.memory_space<vmem>>, vector<16xf32>,
    %add3A_537 = arith.constant 448 : i32
    %add3A_538 = arith.addi %mul3A_2, %add3A_537 : i32
    %dma_wait3A_539 = arith.constant 0 : i32
    %dma_wait3A_540 = tpu.memref_slice %arg2[%dma_wait3A_539, %add3A_538] : memref<50x16384xi32, #tpu.memory_space<hbm>> -> memref<50x64xi32, #tpu.memory_space<hbm>>
    %dma_wait3A_541 = arith.constant 0 : i32
    %dma_wait3A_542 = tpu.memref_slice %arg2[%dma_wait3A_541, %add3A_538] : memref<50x16384xi32, #tpu.memory_space<hbm>> -> memref<50x64xi32, #tpu.memory_space<hbm>>
    tpu.wait_dma2 semaphore(%arg12 : memref<!tpu.dma_semaphore, #tpu.memory_space<semaphore_mem>>) src(%dma_wait3A_542 : memref<50x64xi32, #tpu.memory_space<hbm>>) dst(%arg6 : memref<50x64xi32, #tpu.memory_space<vmem>>)
    %broadcast_in_dim3A_543 = arith.constant 0.000000e+00 : f32
    %broadcast_in_dim3A_544 = vector.broadcast %broadcast_in_dim3A_543 : f32 to vector<16xf32>
    %scan3A_545 = arith.constant 0 : i32
    %scan3A_546 = arith.constant 50 : i32
    %scan3A_547 = arith.addi %scan3A_545, %scan3A_546 : i32
    %scan3A_548 = arith.constant 1 : i32
    %scan3A_549 = scf.for %scan3A_704 = %scan3A_545 to %scan3A_547 step %scan3A_548 iter_args(%scan3A_705 = %broadcast_in_dim3A_544) -> (vector<16xf32>)  : i32 {
      %get3A = arith.index_cast %scan3A_704 : i32 to index
      %get3A_706 = arith.constant 0 : index
      %get3A_707 = tpu.vector_load %arg6[%get3A, %get3A_706] {strides = array<i32>} : memref<50x64xi32, #tpu.memory_space<vmem>>, vector<16xi32>,
      %add3A_708 = arith.constant 22400 : i32
      %add3A_709 = arith.addi %add3A_708, %scan3A_704 : i32
      %add3A_710 = vector.broadcast %add3A_709 : i32 to vector<16xi32>
      %add3A_711 = arith.addi %mul3A_5, %add3A_710 : vector<16xi32>
      tpu.vector_store_idx %arg7[%add3A_711], %get3A_707 : memref<25600xi32, #tpu.memory_space<vmem>>[vector<16xi32>], vector<16xi32>,
      %ne3A = arith.constant 0 : i32
      %ne3A_712 = vector.broadcast %ne3A : i32 to vector<16xi32>
      %ne3A_713 = arith.cmpi ne, %get3A_707, %ne3A_712 : vector<16xi32>
      %jit3A = arith.constant 1.000000e+00 : f32
      %jit3A_714 = arith.constant 0.000000e+00 : f32
      %broadcast_in_dim3A_715 = vector.broadcast %jit3A : f32 to vector<16xf32>
      %broadcast_in_dim3A_716 = vector.broadcast %jit3A_714 : f32 to vector<16xf32>
      %select_n3A = arith.select %ne3A_713, %broadcast_in_dim3A_715, %broadcast_in_dim3A_716 : vector<16xi1>, vector<16xf32>
      %add3A_717 = arith.addf %scan3A_705, %select_n3A : vector<16xf32>
      scf.yield %add3A_717 : vector<16xf32>
    }
    %scan3A_550 = arith.constant 50 : i32
    %max3A_551 = arith.constant 1.000000e+00 : f32
    %max3A_552 = vector.broadcast %max3A_551 : f32 to vector<16xf32>
    %max3A_553 = arith.maximumf %scan3A_549, %max3A_552 : vector<16xf32>
    %div3A_554 = arith.constant 1.000000e+00 : f32
    %div3A_555 = vector.broadcast %div3A_554 : f32 to vector<16xf32>
    %div3A_556 = arith.divf %div3A_555, %max3A_553 : vector<16xf32>
    %swap3A_557 = arith.constant 448 : index
    %swap3A_558 = tpu.vector_load %arg8[%swap3A_557] {strides = array<i32>} : memref<512xf32, #tpu.memory_space<vmem>>, vector<16xf32>,
    tpu.vector_store %arg8[%swap3A_557], %div3A_556 {strides = array<i32>} : memref<512xf32, #tpu.memory_space<vmem>>, vector<16xf32>,
    %broadcast_in_dim3A_559 = arith.constant 0.000000e+00 : f32
    %broadcast_in_dim3A_560 = vector.broadcast %broadcast_in_dim3A_559 : f32 to vector<16xf32>
    %scan3A_561 = arith.constant 0 : i32
    %scan3A_562 = arith.constant 50 : i32
    %scan3A_563 = arith.addi %scan3A_561, %scan3A_562 : i32
    %scan3A_564 = arith.constant 1 : i32
    %scan3A_565 = scf.for %scan3A_704 = %scan3A_561 to %scan3A_563 step %scan3A_564 iter_args(%scan3A_705 = %broadcast_in_dim3A_560) -> (vector<16xf32>)  : i32 {
      %get3A = arith.index_cast %scan3A_704 : i32 to index
      %get3A_706 = arith.constant 16 : index
      %get3A_707 = tpu.vector_load %arg6[%get3A, %get3A_706] {strides = array<i32>} : memref<50x64xi32, #tpu.memory_space<vmem>>, vector<16xi32>,
      %add3A_708 = arith.constant 23200 : i32
      %add3A_709 = arith.addi %add3A_708, %scan3A_704 : i32
      %add3A_710 = vector.broadcast %add3A_709 : i32 to vector<16xi32>
      %add3A_711 = arith.addi %mul3A_5, %add3A_710 : vector<16xi32>
      tpu.vector_store_idx %arg7[%add3A_711], %get3A_707 : memref<25600xi32, #tpu.memory_space<vmem>>[vector<16xi32>], vector<16xi32>,
      %ne3A = arith.constant 0 : i32
      %ne3A_712 = vector.broadcast %ne3A : i32 to vector<16xi32>
      %ne3A_713 = arith.cmpi ne, %get3A_707, %ne3A_712 : vector<16xi32>
      %jit3A = arith.constant 1.000000e+00 : f32
      %jit3A_714 = arith.constant 0.000000e+00 : f32
      %broadcast_in_dim3A_715 = vector.broadcast %jit3A : f32 to vector<16xf32>
      %broadcast_in_dim3A_716 = vector.broadcast %jit3A_714 : f32 to vector<16xf32>
      %select_n3A = arith.select %ne3A_713, %broadcast_in_dim3A_715, %broadcast_in_dim3A_716 : vector<16xi1>, vector<16xf32>
      %add3A_717 = arith.addf %scan3A_705, %select_n3A : vector<16xf32>
      scf.yield %add3A_717 : vector<16xf32>
    }
    %scan3A_566 = arith.constant 50 : i32
    %max3A_567 = arith.constant 1.000000e+00 : f32
    %max3A_568 = vector.broadcast %max3A_567 : f32 to vector<16xf32>
    %max3A_569 = arith.maximumf %scan3A_565, %max3A_568 : vector<16xf32>
    %div3A_570 = arith.constant 1.000000e+00 : f32
    %div3A_571 = vector.broadcast %div3A_570 : f32 to vector<16xf32>
    %div3A_572 = arith.divf %div3A_571, %max3A_569 : vector<16xf32>
    %swap3A_573 = arith.constant 464 : index
    %swap3A_574 = tpu.vector_load %arg8[%swap3A_573] {strides = array<i32>} : memref<512xf32, #tpu.memory_space<vmem>>, vector<16xf32>,
    tpu.vector_store %arg8[%swap3A_573], %div3A_572 {strides = array<i32>} : memref<512xf32, #tpu.memory_space<vmem>>, vector<16xf32>,
    %broadcast_in_dim3A_575 = arith.constant 0.000000e+00 : f32
    %broadcast_in_dim3A_576 = vector.broadcast %broadcast_in_dim3A_575 : f32 to vector<16xf32>
    %scan3A_577 = arith.constant 0 : i32
    %scan3A_578 = arith.constant 50 : i32
    %scan3A_579 = arith.addi %scan3A_577, %scan3A_578 : i32
    %scan3A_580 = arith.constant 1 : i32
    %scan3A_581 = scf.for %scan3A_704 = %scan3A_577 to %scan3A_579 step %scan3A_580 iter_args(%scan3A_705 = %broadcast_in_dim3A_576) -> (vector<16xf32>)  : i32 {
      %get3A = arith.index_cast %scan3A_704 : i32 to index
      %get3A_706 = arith.constant 32 : index
      %get3A_707 = tpu.vector_load %arg6[%get3A, %get3A_706] {strides = array<i32>} : memref<50x64xi32, #tpu.memory_space<vmem>>, vector<16xi32>,
      %add3A_708 = arith.constant 24000 : i32
      %add3A_709 = arith.addi %add3A_708, %scan3A_704 : i32
      %add3A_710 = vector.broadcast %add3A_709 : i32 to vector<16xi32>
      %add3A_711 = arith.addi %mul3A_5, %add3A_710 : vector<16xi32>
      tpu.vector_store_idx %arg7[%add3A_711], %get3A_707 : memref<25600xi32, #tpu.memory_space<vmem>>[vector<16xi32>], vector<16xi32>,
      %ne3A = arith.constant 0 : i32
      %ne3A_712 = vector.broadcast %ne3A : i32 to vector<16xi32>
      %ne3A_713 = arith.cmpi ne, %get3A_707, %ne3A_712 : vector<16xi32>
      %jit3A = arith.constant 1.000000e+00 : f32
      %jit3A_714 = arith.constant 0.000000e+00 : f32
      %broadcast_in_dim3A_715 = vector.broadcast %jit3A : f32 to vector<16xf32>
      %broadcast_in_dim3A_716 = vector.broadcast %jit3A_714 : f32 to vector<16xf32>
      %select_n3A = arith.select %ne3A_713, %broadcast_in_dim3A_715, %broadcast_in_dim3A_716 : vector<16xi1>, vector<16xf32>
      %add3A_717 = arith.addf %scan3A_705, %select_n3A : vector<16xf32>
      scf.yield %add3A_717 : vector<16xf32>
    }
    %scan3A_582 = arith.constant 50 : i32
    %max3A_583 = arith.constant 1.000000e+00 : f32
    %max3A_584 = vector.broadcast %max3A_583 : f32 to vector<16xf32>
    %max3A_585 = arith.maximumf %scan3A_581, %max3A_584 : vector<16xf32>
    %div3A_586 = arith.constant 1.000000e+00 : f32
    %div3A_587 = vector.broadcast %div3A_586 : f32 to vector<16xf32>
    %div3A_588 = arith.divf %div3A_587, %max3A_585 : vector<16xf32>
    %swap3A_589 = arith.constant 480 : index
    %swap3A_590 = tpu.vector_load %arg8[%swap3A_589] {strides = array<i32>} : memref<512xf32, #tpu.memory_space<vmem>>, vector<16xf32>,
    tpu.vector_store %arg8[%swap3A_589], %div3A_588 {strides = array<i32>} : memref<512xf32, #tpu.memory_space<vmem>>, vector<16xf32>,
    %broadcast_in_dim3A_591 = arith.constant 0.000000e+00 : f32
    %broadcast_in_dim3A_592 = vector.broadcast %broadcast_in_dim3A_591 : f32 to vector<16xf32>
    %scan3A_593 = arith.constant 0 : i32
    %scan3A_594 = arith.constant 50 : i32
    %scan3A_595 = arith.addi %scan3A_593, %scan3A_594 : i32
    %scan3A_596 = arith.constant 1 : i32
    %scan3A_597 = scf.for %scan3A_704 = %scan3A_593 to %scan3A_595 step %scan3A_596 iter_args(%scan3A_705 = %broadcast_in_dim3A_592) -> (vector<16xf32>)  : i32 {
      %get3A = arith.index_cast %scan3A_704 : i32 to index
      %get3A_706 = arith.constant 48 : index
      %get3A_707 = tpu.vector_load %arg6[%get3A, %get3A_706] {strides = array<i32>} : memref<50x64xi32, #tpu.memory_space<vmem>>, vector<16xi32>,
      %add3A_708 = arith.constant 24800 : i32
      %add3A_709 = arith.addi %add3A_708, %scan3A_704 : i32
      %add3A_710 = vector.broadcast %add3A_709 : i32 to vector<16xi32>
      %add3A_711 = arith.addi %mul3A_5, %add3A_710 : vector<16xi32>
      tpu.vector_store_idx %arg7[%add3A_711], %get3A_707 : memref<25600xi32, #tpu.memory_space<vmem>>[vector<16xi32>], vector<16xi32>,
      %ne3A = arith.constant 0 : i32
      %ne3A_712 = vector.broadcast %ne3A : i32 to vector<16xi32>
      %ne3A_713 = arith.cmpi ne, %get3A_707, %ne3A_712 : vector<16xi32>
      %jit3A = arith.constant 1.000000e+00 : f32
      %jit3A_714 = arith.constant 0.000000e+00 : f32
      %broadcast_in_dim3A_715 = vector.broadcast %jit3A : f32 to vector<16xf32>
      %broadcast_in_dim3A_716 = vector.broadcast %jit3A_714 : f32 to vector<16xf32>
      %select_n3A = arith.select %ne3A_713, %broadcast_in_dim3A_715, %broadcast_in_dim3A_716 : vector<16xi1>, vector<16xf32>
      %add3A_717 = arith.addf %scan3A_705, %select_n3A : vector<16xf32>
      scf.yield %add3A_717 : vector<16xf32>
    }
    %scan3A_598 = arith.constant 50 : i32
    %max3A_599 = arith.constant 1.000000e+00 : f32
    %max3A_600 = vector.broadcast %max3A_599 : f32 to vector<16xf32>
    %max3A_601 = arith.maximumf %scan3A_597, %max3A_600 : vector<16xf32>
    %div3A_602 = arith.constant 1.000000e+00 : f32
    %div3A_603 = vector.broadcast %div3A_602 : f32 to vector<16xf32>
    %div3A_604 = arith.divf %div3A_603, %max3A_601 : vector<16xf32>
    %swap3A_605 = arith.constant 496 : index
    %swap3A_606 = tpu.vector_load %arg8[%swap3A_605] {strides = array<i32>} : memref<512xf32, #tpu.memory_space<vmem>>, vector<16xf32>,
    tpu.vector_store %arg8[%swap3A_605], %div3A_604 {strides = array<i32>} : memref<512xf32, #tpu.memory_space<vmem>>, vector<16xf32>,
    %multiple_of3A = arith.constant 0 : i32
    %multiple_of3A_607 = tpu.assume_multiple %multiple_of3A, 8 : i32
    %add3A_608 = arith.constant 0 : i32
    %add3A_609 = arith.addi %multiple_of3A_607, %add3A_608 : i32
    %add3A_610 = arith.constant 0 : i32
    %add3A_611 = arith.addi %add3A_609, %add3A_610 : i32
    %add3A_612 = arith.constant 0 : i32
    %add3A_613 = arith.addi %multiple_of3A_607, %add3A_612 : i32
    %add3A_614 = arith.constant 104 : i32
    %add3A_615 = arith.addi %add3A_613, %add3A_614 : i32
    %add3A_616 = arith.constant 200 : i32
    %add3A_617 = arith.addi %multiple_of3A_607, %add3A_616 : i32
    %add3A_618 = arith.constant 0 : i32
    %add3A_619 = arith.addi %add3A_617, %add3A_618 : i32
    %add3A_620 = arith.constant 200 : i32
    %add3A_621 = arith.addi %multiple_of3A_607, %add3A_620 : i32
    %add3A_622 = arith.constant 104 : i32
    %add3A_623 = arith.addi %add3A_621, %add3A_622 : i32
    %dma_start3A_624 = arith.constant 0 : i32
    %dma_start3A_625 = arith.constant 0 : i32
    %dma_start3A_626 = tpu.memref_slice %arg9[%dma_start3A_624, %dma_start3A_625] : memref<800x64xf32, #tpu.memory_space<vmem>> -> memref<104x64xf32, #tpu.memory_space<vmem>>
    %dma_start3A_627 = tpu.memref_slice %arg7[%add3A_611] : memref<25600xi32, #tpu.memory_space<vmem>> -> memref<104xi32, #tpu.memory_space<vmem>>
    %dma_start3A_628 = arith.constant 0 : i32
    %dma_start3A_629 = arith.constant 0 : i32
    %dma_start3A_630 = tpu.memref_slice %arg3[%dma_start3A_628, %dma_start3A_629] : memref<1000000x64xf32, #tpu.memory_space<hbm>> -> memref<1000000x64xf32, #tpu.memory_space<hbm>>
    tpu.enqueue_indirect_dma source(%dma_start3A_630 : memref<1000000x64xf32, #tpu.memory_space<hbm>>) target(%dma_start3A_626 : memref<104x64xf32, #tpu.memory_space<vmem>>) offsets(%dma_start3A_627 : memref<104xi32, #tpu.memory_space<vmem>>) semaphore(%arg13 : memref<!tpu.dma_semaphore, #tpu.memory_space<semaphore_mem>>)
    %dma_start3A_631 = arith.constant 104 : i32
    %dma_start3A_632 = arith.constant 0 : i32
    %dma_start3A_633 = tpu.memref_slice %arg9[%dma_start3A_631, %dma_start3A_632] : memref<800x64xf32, #tpu.memory_space<vmem>> -> memref<96x64xf32, #tpu.memory_space<vmem>>
    %dma_start3A_634 = tpu.memref_slice %arg7[%add3A_615] : memref<25600xi32, #tpu.memory_space<vmem>> -> memref<96xi32, #tpu.memory_space<vmem>>
    %dma_start3A_635 = arith.constant 0 : i32
    %dma_start3A_636 = arith.constant 0 : i32
    %dma_start3A_637 = tpu.memref_slice %arg3[%dma_start3A_635, %dma_start3A_636] : memref<1000000x64xf32, #tpu.memory_space<hbm>> -> memref<1000000x64xf32, #tpu.memory_space<hbm>>
    tpu.enqueue_indirect_dma source(%dma_start3A_637 : memref<1000000x64xf32, #tpu.memory_space<hbm>>) target(%dma_start3A_633 : memref<96x64xf32, #tpu.memory_space<vmem>>) offsets(%dma_start3A_634 : memref<96xi32, #tpu.memory_space<vmem>>) semaphore(%arg13 : memref<!tpu.dma_semaphore, #tpu.memory_space<semaphore_mem>>)
    %dma_start3A_638 = arith.constant 200 : i32
    %dma_start3A_639 = arith.constant 0 : i32
    %dma_start3A_640 = tpu.memref_slice %arg9[%dma_start3A_638, %dma_start3A_639] : memref<800x64xf32, #tpu.memory_space<vmem>> -> memref<104x64xf32, #tpu.memory_space<vmem>>
    %dma_start3A_641 = tpu.memref_slice %arg7[%add3A_619] : memref<25600xi32, #tpu.memory_space<vmem>> -> memref<104xi32, #tpu.memory_space<vmem>>
    %dma_start3A_642 = arith.constant 0 : i32
    %dma_start3A_643 = arith.constant 0 : i32
    %dma_start3A_644 = tpu.memref_slice %arg3[%dma_start3A_642, %dma_start3A_643] : memref<1000000x64xf32, #tpu.memory_space<hbm>> -> memref<1000000x64xf32, #tpu.memory_space<hbm>>
    tpu.enqueue_indirect_dma source(%dma_start3A_644 : memref<1000000x64xf32, #tpu.memory_space<hbm>>) target(%dma_start3A_640 : memref<104x64xf32, #tpu.memory_space<vmem>>) offsets(%dma_start3A_641 : memref<104xi32, #tpu.memory_space<vmem>>) semaphore(%arg13 : memref<!tpu.dma_semaphore, #tpu.memory_space<semaphore_mem>>)
    %dma_start3A_645 = arith.constant 304 : i32
    %dma_start3A_646 = arith.constant 0 : i32
    %dma_start3A_647 = tpu.memref_slice %arg9[%dma_start3A_645, %dma_start3A_646] : memref<800x64xf32, #tpu.memory_space<vmem>> -> memref<96x64xf32, #tpu.memory_space<vmem>>
    %dma_start3A_648 = tpu.memref_slice %arg7[%add3A_623] : memref<25600xi32, #tpu.memory_space<vmem>> -> memref<96xi32, #tpu.memory_space<vmem>>
    %dma_start3A_649 = arith.constant 0 : i32
    %dma_start3A_650 = arith.constant 0 : i32
    %dma_start3A_651 = tpu.memref_slice %arg3[%dma_start3A_649, %dma_start3A_650] : memref<1000000x64xf32, #tpu.memory_space<hbm>> -> memref<1000000x64xf32, #tpu.memory_space<hbm>>
    tpu.enqueue_indirect_dma source(%dma_start3A_651 : memref<1000000x64xf32, #tpu.memory_space<hbm>>) target(%dma_start3A_647 : memref<96x64xf32, #tpu.memory_space<vmem>>) offsets(%dma_start3A_648 : memref<96xi32, #tpu.memory_space<vmem>>) semaphore(%arg13 : memref<!tpu.dma_semaphore, #tpu.memory_space<semaphore_mem>>)
    %multiple_of3A_652 = arith.constant 400 : i32
    %multiple_of3A_653 = tpu.assume_multiple %multiple_of3A_652, 8 : i32
    %add3A_654 = arith.constant 0 : i32
    %add3A_655 = arith.addi %multiple_of3A_653, %add3A_654 : i32
    %add3A_656 = arith.constant 0 : i32
    %add3A_657 = arith.addi %add3A_655, %add3A_656 : i32
    %add3A_658 = arith.constant 0 : i32
    %add3A_659 = arith.addi %multiple_of3A_653, %add3A_658 : i32
    %add3A_660 = arith.constant 104 : i32
    %add3A_661 = arith.addi %add3A_659, %add3A_660 : i32
    %add3A_662 = arith.constant 200 : i32
    %add3A_663 = arith.addi %multiple_of3A_653, %add3A_662 : i32
    %add3A_664 = arith.constant 0 : i32
    %add3A_665 = arith.addi %add3A_663, %add3A_664 : i32
    %add3A_666 = arith.constant 200 : i32
    %add3A_667 = arith.addi %multiple_of3A_653, %add3A_666 : i32
    %add3A_668 = arith.constant 104 : i32
    %add3A_669 = arith.addi %add3A_667, %add3A_668 : i32
    %dma_start3A_670 = arith.constant 400 : i32
    %dma_start3A_671 = arith.constant 0 : i32
    %dma_start3A_672 = tpu.memref_slice %arg9[%dma_start3A_670, %dma_start3A_671] : memref<800x64xf32, #tpu.memory_space<vmem>> -> memref<104x64xf32, #tpu.memory_space<vmem>>
    %dma_start3A_673 = tpu.memref_slice %arg7[%add3A_657] : memref<25600xi32, #tpu.memory_space<vmem>> -> memref<104xi32, #tpu.memory_space<vmem>>
    %dma_start3A_674 = arith.constant 0 : i32
    %dma_start3A_675 = arith.constant 0 : i32
    %dma_start3A_676 = tpu.memref_slice %arg3[%dma_start3A_674, %dma_start3A_675] : memref<1000000x64xf32, #tpu.memory_space<hbm>> -> memref<1000000x64xf32, #tpu.memory_space<hbm>>
    tpu.enqueue_indirect_dma source(%dma_start3A_676 : memref<1000000x64xf32, #tpu.memory_space<hbm>>) target(%dma_start3A_672 : memref<104x64xf32, #tpu.memory_space<vmem>>) offsets(%dma_start3A_673 : memref<104xi32, #tpu.memory_space<vmem>>) semaphore(%arg14 : memref<!tpu.dma_semaphore, #tpu.memory_space<semaphore_mem>>)
    %dma_start3A_677 = arith.constant 504 : i32
    %dma_start3A_678 = arith.constant 0 : i32
    %dma_start3A_679 = tpu.memref_slice %arg9[%dma_start3A_677, %dma_start3A_678] : memref<800x64xf32, #tpu.memory_space<vmem>> -> memref<96x64xf32, #tpu.memory_space<vmem>>
    %dma_start3A_680 = tpu.memref_slice %arg7[%add3A_661] : memref<25600xi32, #tpu.memory_space<vmem>> -> memref<96xi32, #tpu.memory_space<vmem>>
    %dma_start3A_681 = arith.constant 0 : i32
    %dma_start3A_682 = arith.constant 0 : i32
    %dma_start3A_683 = tpu.memref_slice %arg3[%dma_start3A_681, %dma_start3A_682] : memref<1000000x64xf32, #tpu.memory_space<hbm>> -> memref<1000000x64xf32, #tpu.memory_space<hbm>>
    tpu.enqueue_indirect_dma source(%dma_start3A_683 : memref<1000000x64xf32, #tpu.memory_space<hbm>>) target(%dma_start3A_679 : memref<96x64xf32, #tpu.memory_space<vmem>>) offsets(%dma_start3A_680 : memref<96xi32, #tpu.memory_space<vmem>>) semaphore(%arg14 : memref<!tpu.dma_semaphore, #tpu.memory_space<semaphore_mem>>)
    %dma_start3A_684 = arith.constant 600 : i32
    %dma_start3A_685 = arith.constant 0 : i32
    %dma_start3A_686 = tpu.memref_slice %arg9[%dma_start3A_684, %dma_start3A_685] : memref<800x64xf32, #tpu.memory_space<vmem>> -> memref<104x64xf32, #tpu.memory_space<vmem>>
    %dma_start3A_687 = tpu.memref_slice %arg7[%add3A_665] : memref<25600xi32, #tpu.memory_space<vmem>> -> memref<104xi32, #tpu.memory_space<vmem>>
    %dma_start3A_688 = arith.constant 0 : i32
    %dma_start3A_689 = arith.constant 0 : i32
    %dma_start3A_690 = tpu.memref_slice %arg3[%dma_start3A_688, %dma_start3A_689] : memref<1000000x64xf32, #tpu.memory_space<hbm>> -> memref<1000000x64xf32, #tpu.memory_space<hbm>>
    tpu.enqueue_indirect_dma source(%dma_start3A_690 : memref<1000000x64xf32, #tpu.memory_space<hbm>>) target(%dma_start3A_686 : memref<104x64xf32, #tpu.memory_space<vmem>>) offsets(%dma_start3A_687 : memref<104xi32, #tpu.memory_space<vmem>>) semaphore(%arg14 : memref<!tpu.dma_semaphore, #tpu.memory_space<semaphore_mem>>)
    %dma_start3A_691 = arith.constant 704 : i32
    %dma_start3A_692 = arith.constant 0 : i32
    %dma_start3A_693 = tpu.memref_slice %arg9[%dma_start3A_691, %dma_start3A_692] : memref<800x64xf32, #tpu.memory_space<vmem>> -> memref<96x64xf32, #tpu.memory_space<vmem>>
    %dma_start3A_694 = tpu.memref_slice %arg7[%add3A_669] : memref<25600xi32, #tpu.memory_space<vmem>> -> memref<96xi32, #tpu.memory_space<vmem>>
    %dma_start3A_695 = arith.constant 0 : i32
    %dma_start3A_696 = arith.constant 0 : i32
    %dma_start3A_697 = tpu.memref_slice %arg3[%dma_start3A_695, %dma_start3A_696] : memref<1000000x64xf32, #tpu.memory_space<hbm>> -> memref<1000000x64xf32, #tpu.memory_space<hbm>>
    tpu.enqueue_indirect_dma source(%dma_start3A_697 : memref<1000000x64xf32, #tpu.memory_space<hbm>>) target(%dma_start3A_693 : memref<96x64xf32, #tpu.memory_space<vmem>>) offsets(%dma_start3A_694 : memref<96xi32, #tpu.memory_space<vmem>>) semaphore(%arg14 : memref<!tpu.dma_semaphore, #tpu.memory_space<semaphore_mem>>)
    %scan3A_698 = arith.constant 0 : i32
    %scan3A_699 = arith.constant 0 : i32
    %scan3A_700 = arith.constant 32 : i32
    %scan3A_701 = arith.addi %scan3A_699, %scan3A_700 : i32
    %scan3A_702 = arith.constant 1 : i32
    scf.for %scan3A_704 = %scan3A_699 to %scan3A_701 step %scan3A_702  : i32 {
      %mul3A_705 = arith.constant 800 : i32
      %mul3A_706 = arith.muli %mul3A_705, %scan3A_704 : i32
      %add3A_707 = arith.constant 0 : i32
      %add3A_708 = arith.addi %mul3A_706, %add3A_707 : i32
      %multiple_of3A_709 = tpu.assume_multiple %add3A_708, 8 : i32
      %add3A_710 = arith.constant 0 : i32
      %add3A_711 = arith.addi %multiple_of3A_709, %add3A_710 : i32
      %add3A_712 = arith.constant 0 : i32
      %add3A_713 = arith.addi %add3A_711, %add3A_712 : i32
      %add3A_714 = arith.constant 0 : i32
      %add3A_715 = arith.addi %multiple_of3A_709, %add3A_714 : i32
      %add3A_716 = arith.constant 104 : i32
      %add3A_717 = arith.addi %add3A_715, %add3A_716 : i32
      %add3A_718 = arith.constant 200 : i32
      %add3A_719 = arith.addi %multiple_of3A_709, %add3A_718 : i32
      %add3A_720 = arith.constant 0 : i32
      %add3A_721 = arith.addi %add3A_719, %add3A_720 : i32
      %add3A_722 = arith.constant 200 : i32
      %add3A_723 = arith.addi %multiple_of3A_709, %add3A_722 : i32
      %add3A_724 = arith.constant 104 : i32
      %add3A_725 = arith.addi %add3A_723, %add3A_724 : i32
      %dma_wait3A_726 = arith.constant 0 : i32
      %dma_wait3A_727 = arith.constant 0 : i32
      %dma_wait3A_728 = tpu.memref_slice %arg9[%dma_wait3A_726, %dma_wait3A_727] : memref<800x64xf32, #tpu.memory_space<vmem>> -> memref<104x64xf32, #tpu.memory_space<vmem>>
      %dma_wait3A_729 = tpu.memref_slice %arg7[%add3A_713] : memref<25600xi32, #tpu.memory_space<vmem>> -> memref<104xi32, #tpu.memory_space<vmem>>
      %dma_wait3A_730 = arith.constant 0 : i32
      %dma_wait3A_731 = arith.constant 0 : i32
      %dma_wait3A_732 = tpu.memref_slice %arg3[%dma_wait3A_730, %dma_wait3A_731] : memref<1000000x64xf32, #tpu.memory_space<hbm>> -> memref<1000000x64xf32, #tpu.memory_space<hbm>>
      tpu.wait_indirect_dma semaphore(%arg13 : memref<!tpu.dma_semaphore, #tpu.memory_space<semaphore_mem>>) src(%dma_wait3A_732 : memref<1000000x64xf32, #tpu.memory_space<hbm>>) dst(%dma_wait3A_728 : memref<104x64xf32, #tpu.memory_space<vmem>>)
      %dma_wait3A_733 = arith.constant 104 : i32
      %dma_wait3A_734 = arith.constant 0 : i32
      %dma_wait3A_735 = tpu.memref_slice %arg9[%dma_wait3A_733, %dma_wait3A_734] : memref<800x64xf32, #tpu.memory_space<vmem>> -> memref<96x64xf32, #tpu.memory_space<vmem>>
      %dma_wait3A_736 = tpu.memref_slice %arg7[%add3A_717] : memref<25600xi32, #tpu.memory_space<vmem>> -> memref<96xi32, #tpu.memory_space<vmem>>
      %dma_wait3A_737 = arith.constant 0 : i32
      %dma_wait3A_738 = arith.constant 0 : i32
      %dma_wait3A_739 = tpu.memref_slice %arg3[%dma_wait3A_737, %dma_wait3A_738] : memref<1000000x64xf32, #tpu.memory_space<hbm>> -> memref<1000000x64xf32, #tpu.memory_space<hbm>>
      tpu.wait_indirect_dma semaphore(%arg13 : memref<!tpu.dma_semaphore, #tpu.memory_space<semaphore_mem>>) src(%dma_wait3A_739 : memref<1000000x64xf32, #tpu.memory_space<hbm>>) dst(%dma_wait3A_735 : memref<96x64xf32, #tpu.memory_space<vmem>>)
      %dma_wait3A_740 = arith.constant 200 : i32
      %dma_wait3A_741 = arith.constant 0 : i32
      %dma_wait3A_742 = tpu.memref_slice %arg9[%dma_wait3A_740, %dma_wait3A_741] : memref<800x64xf32, #tpu.memory_space<vmem>> -> memref<104x64xf32, #tpu.memory_space<vmem>>
      %dma_wait3A_743 = tpu.memref_slice %arg7[%add3A_721] : memref<25600xi32, #tpu.memory_space<vmem>> -> memref<104xi32, #tpu.memory_space<vmem>>
      %dma_wait3A_744 = arith.constant 0 : i32
      %dma_wait3A_745 = arith.constant 0 : i32
      %dma_wait3A_746 = tpu.memref_slice %arg3[%dma_wait3A_744, %dma_wait3A_745] : memref<1000000x64xf32, #tpu.memory_space<hbm>> -> memref<1000000x64xf32, #tpu.memory_space<hbm>>
      tpu.wait_indirect_dma semaphore(%arg13 : memref<!tpu.dma_semaphore, #tpu.memory_space<semaphore_mem>>) src(%dma_wait3A_746 : memref<1000000x64xf32, #tpu.memory_space<hbm>>) dst(%dma_wait3A_742 : memref<104x64xf32, #tpu.memory_space<vmem>>)
      %dma_wait3A_747 = arith.constant 304 : i32
      %dma_wait3A_748 = arith.constant 0 : i32
      %dma_wait3A_749 = tpu.memref_slice %arg9[%dma_wait3A_747, %dma_wait3A_748] : memref<800x64xf32, #tpu.memory_space<vmem>> -> memref<96x64xf32, #tpu.memory_space<vmem>>
      %dma_wait3A_750 = tpu.memref_slice %arg7[%add3A_725] : memref<25600xi32, #tpu.memory_space<vmem>> -> memref<96xi32, #tpu.memory_space<vmem>>
      %dma_wait3A_751 = arith.constant 0 : i32
      %dma_wait3A_752 = arith.constant 0 : i32
      %dma_wait3A_753 = tpu.memref_slice %arg3[%dma_wait3A_751, %dma_wait3A_752] : memref<1000000x64xf32, #tpu.memory_space<hbm>> -> memref<1000000x64xf32, #tpu.memory_space<hbm>>
      tpu.wait_indirect_dma semaphore(%arg13 : memref<!tpu.dma_semaphore, #tpu.memory_space<semaphore_mem>>) src(%dma_wait3A_753 : memref<1000000x64xf32, #tpu.memory_space<hbm>>) dst(%dma_wait3A_749 : memref<96x64xf32, #tpu.memory_space<vmem>>)
      %scan3A_754 = arith.constant 0 : i32
      %scan3A_755 = arith.constant 0 : i32
      %scan3A_756 = arith.constant 8 : i32
      %scan3A_757 = arith.addi %scan3A_755, %scan3A_756 : i32
      %scan3A_758 = arith.constant 1 : i32
      scf.for %scan3A_826 = %scan3A_755 to %scan3A_757 step %scan3A_758  : i32 {
        %mul3A_827 = arith.constant 50 : i32
        %mul3A_828 = arith.muli %mul3A_827, %scan3A_826 : i32
        %add3A_829 = arith.constant 0 : i32
        %add3A_830 = arith.addi %add3A_829, %mul3A_828 : i32
        %get3A = arith.index_cast %add3A_830 : i32 to index
        %get3A_831 = arith.constant 0 : index
        %get3A_832 = tpu.vector_load %arg9[%get3A, %get3A_831] {strides = array<i32>} : memref<800x64xf32, #tpu.memory_space<vmem>>, vector<16xf32>,
        %get3A_833 = arith.index_cast %add3A_830 : i32 to index
        %get3A_834 = arith.constant 16 : index
        %get3A_835 = tpu.vector_load %arg9[%get3A_833, %get3A_834] {strides = array<i32>} : memref<800x64xf32, #tpu.memory_space<vmem>>, vector<16xf32>,
        %get3A_836 = arith.index_cast %add3A_830 : i32 to index
        %get3A_837 = arith.constant 32 : index
        %get3A_838 = tpu.vector_load %arg9[%get3A_836, %get3A_837] {strides = array<i32>} : memref<800x64xf32, #tpu.memory_space<vmem>>, vector<16xf32>,
        %get3A_839 = arith.index_cast %add3A_830 : i32 to index
        %get3A_840 = arith.constant 48 : index
        %get3A_841 = tpu.vector_load %arg9[%get3A_839, %get3A_840] {strides = array<i32>} : memref<800x64xf32, #tpu.memory_space<vmem>>, vector<16xf32>,
        %add3A_842 = arith.constant 1 : i32
        %add3A_843 = arith.addi %add3A_830, %add3A_842 : i32
        %get3A_844 = arith.index_cast %add3A_843 : i32 to index
        %get3A_845 = arith.constant 0 : index
        %get3A_846 = tpu.vector_load %arg9[%get3A_844, %get3A_845] {strides = array<i32>} : memref<800x64xf32, #tpu.memory_space<vmem>>, vector<16xf32>,
        %add3A_847 = arith.addf %get3A_832, %get3A_846 : vector<16xf32>
        %add3A_848 = arith.constant 1 : i32
        %add3A_849 = arith.addi %add3A_830, %add3A_848 : i32
        %get3A_850 = arith.index_cast %add3A_849 : i32 to index
        %get3A_851 = arith.constant 16 : index
        %get3A_852 = tpu.vector_load %arg9[%get3A_850, %get3A_851] {strides = array<i32>} : memref<800x64xf32, #tpu.memory_space<vmem>>, vector<16xf32>,
        %add3A_853 = arith.addf %get3A_835, %get3A_852 : vector<16xf32>
        %add3A_854 = arith.constant 1 : i32
        %add3A_855 = arith.addi %add3A_830, %add3A_854 : i32
        %get3A_856 = arith.index_cast %add3A_855 : i32 to index
        %get3A_857 = arith.constant 32 : index
        %get3A_858 = tpu.vector_load %arg9[%get3A_856, %get3A_857] {strides = array<i32>} : memref<800x64xf32, #tpu.memory_space<vmem>>, vector<16xf32>,
        %add3A_859 = arith.addf %get3A_838, %get3A_858 : vector<16xf32>
        %add3A_860 = arith.constant 1 : i32
        %add3A_861 = arith.addi %add3A_830, %add3A_860 : i32
        %get3A_862 = arith.index_cast %add3A_861 : i32 to index
        %get3A_863 = arith.constant 48 : index
        %get3A_864 = tpu.vector_load %arg9[%get3A_862, %get3A_863] {strides = array<i32>} : memref<800x64xf32, #tpu.memory_space<vmem>>, vector<16xf32>,
        %add3A_865 = arith.addf %get3A_841, %get3A_864 : vector<16xf32>
        %add3A_866 = arith.constant 2 : i32
        %add3A_867 = arith.addi %add3A_830, %add3A_866 : i32
        %get3A_868 = arith.index_cast %add3A_867 : i32 to index
        %get3A_869 = arith.constant 0 : index
        %get3A_870 = tpu.vector_load %arg9[%get3A_868, %get3A_869] {strides = array<i32>} : memref<800x64xf32, #tpu.memory_space<vmem>>, vector<16xf32>,
        %add3A_871 = arith.addf %add3A_847, %get3A_870 : vector<16xf32>
        %add3A_872 = arith.constant 2 : i32
        %add3A_873 = arith.addi %add3A_830, %add3A_872 : i32
        %get3A_874 = arith.index_cast %add3A_873 : i32 to index
        %get3A_875 = arith.constant 16 : index
        %get3A_876 = tpu.vector_load %arg9[%get3A_874, %get3A_875] {strides = array<i32>} : memref<800x64xf32, #tpu.memory_space<vmem>>, vector<16xf32>,
        %add3A_877 = arith.addf %add3A_853, %get3A_876 : vector<16xf32>
        %add3A_878 = arith.constant 2 : i32
        %add3A_879 = arith.addi %add3A_830, %add3A_878 : i32
        %get3A_880 = arith.index_cast %add3A_879 : i32 to index
        %get3A_881 = arith.constant 32 : index
        %get3A_882 = tpu.vector_load %arg9[%get3A_880, %get3A_881] {strides = array<i32>} : memref<800x64xf32, #tpu.memory_space<vmem>>, vector<16xf32>,
        %add3A_883 = arith.addf %add3A_859, %get3A_882 : vector<16xf32>
        %add3A_884 = arith.constant 2 : i32
        %add3A_885 = arith.addi %add3A_830, %add3A_884 : i32
        %get3A_886 = arith.index_cast %add3A_885 : i32 to index
        %get3A_887 = arith.constant 48 : index
        %get3A_888 = tpu.vector_load %arg9[%get3A_886, %get3A_887] {strides = array<i32>} : memref<800x64xf32, #tpu.memory_space<vmem>>, vector<16xf32>,
        %add3A_889 = arith.addf %add3A_865, %get3A_888 : vector<16xf32>
        %add3A_890 = arith.constant 3 : i32
        %add3A_891 = arith.addi %add3A_830, %add3A_890 : i32
        %get3A_892 = arith.index_cast %add3A_891 : i32 to index
        %get3A_893 = arith.constant 0 : index
        %get3A_894 = tpu.vector_load %arg9[%get3A_892, %get3A_893] {strides = array<i32>} : memref<800x64xf32, #tpu.memory_space<vmem>>, vector<16xf32>,
        %add3A_895 = arith.addf %add3A_871, %get3A_894 : vector<16xf32>
        %add3A_896 = arith.constant 3 : i32
        %add3A_897 = arith.addi %add3A_830, %add3A_896 : i32
        %get3A_898 = arith.index_cast %add3A_897 : i32 to index
        %get3A_899 = arith.constant 16 : index
        %get3A_900 = tpu.vector_load %arg9[%get3A_898, %get3A_899] {strides = array<i32>} : memref<800x64xf32, #tpu.memory_space<vmem>>, vector<16xf32>,
        %add3A_901 = arith.addf %add3A_877, %get3A_900 : vector<16xf32>
        %add3A_902 = arith.constant 3 : i32
        %add3A_903 = arith.addi %add3A_830, %add3A_902 : i32
        %get3A_904 = arith.index_cast %add3A_903 : i32 to index
        %get3A_905 = arith.constant 32 : index
        %get3A_906 = tpu.vector_load %arg9[%get3A_904, %get3A_905] {strides = array<i32>} : memref<800x64xf32, #tpu.memory_space<vmem>>, vector<16xf32>,
        %add3A_907 = arith.addf %add3A_883, %get3A_906 : vector<16xf32>
        %add3A_908 = arith.constant 3 : i32
        %add3A_909 = arith.addi %add3A_830, %add3A_908 : i32
        %get3A_910 = arith.index_cast %add3A_909 : i32 to index
        %get3A_911 = arith.constant 48 : index
        %get3A_912 = tpu.vector_load %arg9[%get3A_910, %get3A_911] {strides = array<i32>} : memref<800x64xf32, #tpu.memory_space<vmem>>, vector<16xf32>,
        %add3A_913 = arith.addf %add3A_889, %get3A_912 : vector<16xf32>
        %add3A_914 = arith.constant 4 : i32
        %add3A_915 = arith.addi %add3A_830, %add3A_914 : i32
        %get3A_916 = arith.index_cast %add3A_915 : i32 to index
        %get3A_917 = arith.constant 0 : index
        %get3A_918 = tpu.vector_load %arg9[%get3A_916, %get3A_917] {strides = array<i32>} : memref<800x64xf32, #tpu.memory_space<vmem>>, vector<16xf32>,
        %add3A_919 = arith.addf %add3A_895, %get3A_918 : vector<16xf32>
        %add3A_920 = arith.constant 4 : i32
        %add3A_921 = arith.addi %add3A_830, %add3A_920 : i32
        %get3A_922 = arith.index_cast %add3A_921 : i32 to index
        %get3A_923 = arith.constant 16 : index
        %get3A_924 = tpu.vector_load %arg9[%get3A_922, %get3A_923] {strides = array<i32>} : memref<800x64xf32, #tpu.memory_space<vmem>>, vector<16xf32>,
        %add3A_925 = arith.addf %add3A_901, %get3A_924 : vector<16xf32>
        %add3A_926 = arith.constant 4 : i32
        %add3A_927 = arith.addi %add3A_830, %add3A_926 : i32
        %get3A_928 = arith.index_cast %add3A_927 : i32 to index
        %get3A_929 = arith.constant 32 : index
        %get3A_930 = tpu.vector_load %arg9[%get3A_928, %get3A_929] {strides = array<i32>} : memref<800x64xf32, #tpu.memory_space<vmem>>, vector<16xf32>,
        %add3A_931 = arith.addf %add3A_907, %get3A_930 : vector<16xf32>
        %add3A_932 = arith.constant 4 : i32
        %add3A_933 = arith.addi %add3A_830, %add3A_932 : i32
        %get3A_934 = arith.index_cast %add3A_933 : i32 to index
        %get3A_935 = arith.constant 48 : index
        %get3A_936 = tpu.vector_load %arg9[%get3A_934, %get3A_935] {strides = array<i32>} : memref<800x64xf32, #tpu.memory_space<vmem>>, vector<16xf32>,
        %add3A_937 = arith.addf %add3A_913, %get3A_936 : vector<16xf32>
        %add3A_938 = arith.constant 5 : i32
        %add3A_939 = arith.addi %add3A_830, %add3A_938 : i32
        %get3A_940 = arith.index_cast %add3A_939 : i32 to index
        %get3A_941 = arith.constant 0 : index
        %get3A_942 = tpu.vector_load %arg9[%get3A_940, %get3A_941] {strides = array<i32>} : memref<800x64xf32, #tpu.memory_space<vmem>>, vector<16xf32>,
        %add3A_943 = arith.addf %add3A_919, %get3A_942 : vector<16xf32>
        %add3A_944 = arith.constant 5 : i32
        %add3A_945 = arith.addi %add3A_830, %add3A_944 : i32
        %get3A_946 = arith.index_cast %add3A_945 : i32 to index
        %get3A_947 = arith.constant 16 : index
        %get3A_948 = tpu.vector_load %arg9[%get3A_946, %get3A_947] {strides = array<i32>} : memref<800x64xf32, #tpu.memory_space<vmem>>, vector<16xf32>,
        %add3A_949 = arith.addf %add3A_925, %get3A_948 : vector<16xf32>
        %add3A_950 = arith.constant 5 : i32
        %add3A_951 = arith.addi %add3A_830, %add3A_950 : i32
        %get3A_952 = arith.index_cast %add3A_951 : i32 to index
        %get3A_953 = arith.constant 32 : index
        %get3A_954 = tpu.vector_load %arg9[%get3A_952, %get3A_953] {strides = array<i32>} : memref<800x64xf32, #tpu.memory_space<vmem>>, vector<16xf32>,
        %add3A_955 = arith.addf %add3A_931, %get3A_954 : vector<16xf32>
        %add3A_956 = arith.constant 5 : i32
        %add3A_957 = arith.addi %add3A_830, %add3A_956 : i32
        %get3A_958 = arith.index_cast %add3A_957 : i32 to index
        %get3A_959 = arith.constant 48 : index
        %get3A_960 = tpu.vector_load %arg9[%get3A_958, %get3A_959] {strides = array<i32>} : memref<800x64xf32, #tpu.memory_space<vmem>>, vector<16xf32>,
        %add3A_961 = arith.addf %add3A_937, %get3A_960 : vector<16xf32>
        %add3A_962 = arith.constant 6 : i32
        %add3A_963 = arith.addi %add3A_830, %add3A_962 : i32
        %get3A_964 = arith.index_cast %add3A_963 : i32 to index
        %get3A_965 = arith.constant 0 : index
        %get3A_966 = tpu.vector_load %arg9[%get3A_964, %get3A_965] {strides = array<i32>} : memref<800x64xf32, #tpu.memory_space<vmem>>, vector<16xf32>,
        %add3A_967 = arith.addf %add3A_943, %get3A_966 : vector<16xf32>
        %add3A_968 = arith.constant 6 : i32
        %add3A_969 = arith.addi %add3A_830, %add3A_968 : i32
        %get3A_970 = arith.index_cast %add3A_969 : i32 to index
        %get3A_971 = arith.constant 16 : index
        %get3A_972 = tpu.vector_load %arg9[%get3A_970, %get3A_971] {strides = array<i32>} : memref<800x64xf32, #tpu.memory_space<vmem>>, vector<16xf32>,
        %add3A_973 = arith.addf %add3A_949, %get3A_972 : vector<16xf32>
        %add3A_974 = arith.constant 6 : i32
        %add3A_975 = arith.addi %add3A_830, %add3A_974 : i32
        %get3A_976 = arith.index_cast %add3A_975 : i32 to index
        %get3A_977 = arith.constant 32 : index
        %get3A_978 = tpu.vector_load %arg9[%get3A_976, %get3A_977] {strides = array<i32>} : memref<800x64xf32, #tpu.memory_space<vmem>>, vector<16xf32>,
        %add3A_979 = arith.addf %add3A_955, %get3A_978 : vector<16xf32>
        %add3A_980 = arith.constant 6 : i32
        %add3A_981 = arith.addi %add3A_830, %add3A_980 : i32
        %get3A_982 = arith.index_cast %add3A_981 : i32 to index
        %get3A_983 = arith.constant 48 : index
        %get3A_984 = tpu.vector_load %arg9[%get3A_982, %get3A_983] {strides = array<i32>} : memref<800x64xf32, #tpu.memory_space<vmem>>, vector<16xf32>,
        %add3A_985 = arith.addf %add3A_961, %get3A_984 : vector<16xf32>
        %add3A_986 = arith.constant 7 : i32
        %add3A_987 = arith.addi %add3A_830, %add3A_986 : i32
        %get3A_988 = arith.index_cast %add3A_987 : i32 to index
        %get3A_989 = arith.constant 0 : index
        %get3A_990 = tpu.vector_load %arg9[%get3A_988, %get3A_989] {strides = array<i32>} : memref<800x64xf32, #tpu.memory_space<vmem>>, vector<16xf32>,
        %add3A_991 = arith.addf %add3A_967, %get3A_990 : vector<16xf32>
        %add3A_992 = arith.constant 7 : i32
        %add3A_993 = arith.addi %add3A_830, %add3A_992 : i32
        %get3A_994 = arith.index_cast %add3A_993 : i32 to index
        %get3A_995 = arith.constant 16 : index
        %get3A_996 = tpu.vector_load %arg9[%get3A_994, %get3A_995] {strides = array<i32>} : memref<800x64xf32, #tpu.memory_space<vmem>>, vector<16xf32>,
        %add3A_997 = arith.addf %add3A_973, %get3A_996 : vector<16xf32>
        %add3A_998 = arith.constant 7 : i32
        %add3A_999 = arith.addi %add3A_830, %add3A_998 : i32
        %get3A_1000 = arith.index_cast %add3A_999 : i32 to index
        %get3A_1001 = arith.constant 32 : index
        %get3A_1002 = tpu.vector_load %arg9[%get3A_1000, %get3A_1001] {strides = array<i32>} : memref<800x64xf32, #tpu.memory_space<vmem>>, vector<16xf32>,
        %add3A_1003 = arith.addf %add3A_979, %get3A_1002 : vector<16xf32>
        %add3A_1004 = arith.constant 7 : i32
        %add3A_1005 = arith.addi %add3A_830, %add3A_1004 : i32
        %get3A_1006 = arith.index_cast %add3A_1005 : i32 to index
        %get3A_1007 = arith.constant 48 : index
        %get3A_1008 = tpu.vector_load %arg9[%get3A_1006, %get3A_1007] {strides = array<i32>} : memref<800x64xf32, #tpu.memory_space<vmem>>, vector<16xf32>,
        %add3A_1009 = arith.addf %add3A_985, %get3A_1008 : vector<16xf32>
        %add3A_1010 = arith.constant 8 : i32
        %add3A_1011 = arith.addi %add3A_830, %add3A_1010 : i32
        %get3A_1012 = arith.index_cast %add3A_1011 : i32 to index
        %get3A_1013 = arith.constant 0 : index
        %get3A_1014 = tpu.vector_load %arg9[%get3A_1012, %get3A_1013] {strides = array<i32>} : memref<800x64xf32, #tpu.memory_space<vmem>>, vector<16xf32>,
        %add3A_1015 = arith.addf %add3A_991, %get3A_1014 : vector<16xf32>
        %add3A_1016 = arith.constant 8 : i32
        %add3A_1017 = arith.addi %add3A_830, %add3A_1016 : i32
        %get3A_1018 = arith.index_cast %add3A_1017 : i32 to index
        %get3A_1019 = arith.constant 16 : index
        %get3A_1020 = tpu.vector_load %arg9[%get3A_1018, %get3A_1019] {strides = array<i32>} : memref<800x64xf32, #tpu.memory_space<vmem>>, vector<16xf32>,
        %add3A_1021 = arith.addf %add3A_997, %get3A_1020 : vector<16xf32>
        %add3A_1022 = arith.constant 8 : i32
        %add3A_1023 = arith.addi %add3A_830, %add3A_1022 : i32
        %get3A_1024 = arith.index_cast %add3A_1023 : i32 to index
        %get3A_1025 = arith.constant 32 : index
        %get3A_1026 = tpu.vector_load %arg9[%get3A_1024, %get3A_1025] {strides = array<i32>} : memref<800x64xf32, #tpu.memory_space<vmem>>, vector<16xf32>,
        %add3A_1027 = arith.addf %add3A_1003, %get3A_1026 : vector<16xf32>
        %add3A_1028 = arith.constant 8 : i32
        %add3A_1029 = arith.addi %add3A_830, %add3A_1028 : i32
        %get3A_1030 = arith.index_cast %add3A_1029 : i32 to index
        %get3A_1031 = arith.constant 48 : index
        %get3A_1032 = tpu.vector_load %arg9[%get3A_1030, %get3A_1031] {strides = array<i32>} : memref<800x64xf32, #tpu.memory_space<vmem>>, vector<16xf32>,
        %add3A_1033 = arith.addf %add3A_1009, %get3A_1032 : vector<16xf32>
        %add3A_1034 = arith.constant 9 : i32
        %add3A_1035 = arith.addi %add3A_830, %add3A_1034 : i32
        %get3A_1036 = arith.index_cast %add3A_1035 : i32 to index
        %get3A_1037 = arith.constant 0 : index
        %get3A_1038 = tpu.vector_load %arg9[%get3A_1036, %get3A_1037] {strides = array<i32>} : memref<800x64xf32, #tpu.memory_space<vmem>>, vector<16xf32>,
        %add3A_1039 = arith.addf %add3A_1015, %get3A_1038 : vector<16xf32>
        %add3A_1040 = arith.constant 9 : i32
        %add3A_1041 = arith.addi %add3A_830, %add3A_1040 : i32
        %get3A_1042 = arith.index_cast %add3A_1041 : i32 to index
        %get3A_1043 = arith.constant 16 : index
        %get3A_1044 = tpu.vector_load %arg9[%get3A_1042, %get3A_1043] {strides = array<i32>} : memref<800x64xf32, #tpu.memory_space<vmem>>, vector<16xf32>,
        %add3A_1045 = arith.addf %add3A_1021, %get3A_1044 : vector<16xf32>
        %add3A_1046 = arith.constant 9 : i32
        %add3A_1047 = arith.addi %add3A_830, %add3A_1046 : i32
        %get3A_1048 = arith.index_cast %add3A_1047 : i32 to index
        %get3A_1049 = arith.constant 32 : index
        %get3A_1050 = tpu.vector_load %arg9[%get3A_1048, %get3A_1049] {strides = array<i32>} : memref<800x64xf32, #tpu.memory_space<vmem>>, vector<16xf32>,
        %add3A_1051 = arith.addf %add3A_1027, %get3A_1050 : vector<16xf32>
        %add3A_1052 = arith.constant 9 : i32
        %add3A_1053 = arith.addi %add3A_830, %add3A_1052 : i32
        %get3A_1054 = arith.index_cast %add3A_1053 : i32 to index
        %get3A_1055 = arith.constant 48 : index
        %get3A_1056 = tpu.vector_load %arg9[%get3A_1054, %get3A_1055] {strides = array<i32>} : memref<800x64xf32, #tpu.memory_space<vmem>>, vector<16xf32>,
        %add3A_1057 = arith.addf %add3A_1033, %get3A_1056 : vector<16xf32>
        %add3A_1058 = arith.constant 10 : i32
        %add3A_1059 = arith.addi %add3A_830, %add3A_1058 : i32
        %get3A_1060 = arith.index_cast %add3A_1059 : i32 to index
        %get3A_1061 = arith.constant 0 : index
        %get3A_1062 = tpu.vector_load %arg9[%get3A_1060, %get3A_1061] {strides = array<i32>} : memref<800x64xf32, #tpu.memory_space<vmem>>, vector<16xf32>,
        %add3A_1063 = arith.addf %add3A_1039, %get3A_1062 : vector<16xf32>
        %add3A_1064 = arith.constant 10 : i32
        %add3A_1065 = arith.addi %add3A_830, %add3A_1064 : i32
        %get3A_1066 = arith.index_cast %add3A_1065 : i32 to index
        %get3A_1067 = arith.constant 16 : index
        %get3A_1068 = tpu.vector_load %arg9[%get3A_1066, %get3A_1067] {strides = array<i32>} : memref<800x64xf32, #tpu.memory_space<vmem>>, vector<16xf32>,
        %add3A_1069 = arith.addf %add3A_1045, %get3A_1068 : vector<16xf32>
        %add3A_1070 = arith.constant 10 : i32
        %add3A_1071 = arith.addi %add3A_830, %add3A_1070 : i32
        %get3A_1072 = arith.index_cast %add3A_1071 : i32 to index
        %get3A_1073 = arith.constant 32 : index
        %get3A_1074 = tpu.vector_load %arg9[%get3A_1072, %get3A_1073] {strides = array<i32>} : memref<800x64xf32, #tpu.memory_space<vmem>>, vector<16xf32>,
        %add3A_1075 = arith.addf %add3A_1051, %get3A_1074 : vector<16xf32>
        %add3A_1076 = arith.constant 10 : i32
        %add3A_1077 = arith.addi %add3A_830, %add3A_1076 : i32
        %get3A_1078 = arith.index_cast %add3A_1077 : i32 to index
        %get3A_1079 = arith.constant 48 : index
        %get3A_1080 = tpu.vector_load %arg9[%get3A_1078, %get3A_1079] {strides = array<i32>} : memref<800x64xf32, #tpu.memory_space<vmem>>, vector<16xf32>,
        %add3A_1081 = arith.addf %add3A_1057, %get3A_1080 : vector<16xf32>
        %add3A_1082 = arith.constant 11 : i32
        %add3A_1083 = arith.addi %add3A_830, %add3A_1082 : i32
        %get3A_1084 = arith.index_cast %add3A_1083 : i32 to index
        %get3A_1085 = arith.constant 0 : index
        %get3A_1086 = tpu.vector_load %arg9[%get3A_1084, %get3A_1085] {strides = array<i32>} : memref<800x64xf32, #tpu.memory_space<vmem>>, vector<16xf32>,
        %add3A_1087 = arith.addf %add3A_1063, %get3A_1086 : vector<16xf32>
        %add3A_1088 = arith.constant 11 : i32
        %add3A_1089 = arith.addi %add3A_830, %add3A_1088 : i32
        %get3A_1090 = arith.index_cast %add3A_1089 : i32 to index
        %get3A_1091 = arith.constant 16 : index
        %get3A_1092 = tpu.vector_load %arg9[%get3A_1090, %get3A_1091] {strides = array<i32>} : memref<800x64xf32, #tpu.memory_space<vmem>>, vector<16xf32>,
        %add3A_1093 = arith.addf %add3A_1069, %get3A_1092 : vector<16xf32>
        %add3A_1094 = arith.constant 11 : i32
        %add3A_1095 = arith.addi %add3A_830, %add3A_1094 : i32
        %get3A_1096 = arith.index_cast %add3A_1095 : i32 to index
        %get3A_1097 = arith.constant 32 : index
        %get3A_1098 = tpu.vector_load %arg9[%get3A_1096, %get3A_1097] {strides = array<i32>} : memref<800x64xf32, #tpu.memory_space<vmem>>, vector<16xf32>,
        %add3A_1099 = arith.addf %add3A_1075, %get3A_1098 : vector<16xf32>
        %add3A_1100 = arith.constant 11 : i32
        %add3A_1101 = arith.addi %add3A_830, %add3A_1100 : i32
        %get3A_1102 = arith.index_cast %add3A_1101 : i32 to index
        %get3A_1103 = arith.constant 48 : index
        %get3A_1104 = tpu.vector_load %arg9[%get3A_1102, %get3A_1103] {strides = array<i32>} : memref<800x64xf32, #tpu.memory_space<vmem>>, vector<16xf32>,
        %add3A_1105 = arith.addf %add3A_1081, %get3A_1104 : vector<16xf32>
        %add3A_1106 = arith.constant 12 : i32
        %add3A_1107 = arith.addi %add3A_830, %add3A_1106 : i32
        %get3A_1108 = arith.index_cast %add3A_1107 : i32 to index
        %get3A_1109 = arith.constant 0 : index
        %get3A_1110 = tpu.vector_load %arg9[%get3A_1108, %get3A_1109] {strides = array<i32>} : memref<800x64xf32, #tpu.memory_space<vmem>>, vector<16xf32>,
        %add3A_1111 = arith.addf %add3A_1087, %get3A_1110 : vector<16xf32>
        %add3A_1112 = arith.constant 12 : i32
        %add3A_1113 = arith.addi %add3A_830, %add3A_1112 : i32
        %get3A_1114 = arith.index_cast %add3A_1113 : i32 to index
        %get3A_1115 = arith.constant 16 : index
        %get3A_1116 = tpu.vector_load %arg9[%get3A_1114, %get3A_1115] {strides = array<i32>} : memref<800x64xf32, #tpu.memory_space<vmem>>, vector<16xf32>,
        %add3A_1117 = arith.addf %add3A_1093, %get3A_1116 : vector<16xf32>
        %add3A_1118 = arith.constant 12 : i32
        %add3A_1119 = arith.addi %add3A_830, %add3A_1118 : i32
        %get3A_1120 = arith.index_cast %add3A_1119 : i32 to index
        %get3A_1121 = arith.constant 32 : index
        %get3A_1122 = tpu.vector_load %arg9[%get3A_1120, %get3A_1121] {strides = array<i32>} : memref<800x64xf32, #tpu.memory_space<vmem>>, vector<16xf32>,
        %add3A_1123 = arith.addf %add3A_1099, %get3A_1122 : vector<16xf32>
        %add3A_1124 = arith.constant 12 : i32
        %add3A_1125 = arith.addi %add3A_830, %add3A_1124 : i32
        %get3A_1126 = arith.index_cast %add3A_1125 : i32 to index
        %get3A_1127 = arith.constant 48 : index
        %get3A_1128 = tpu.vector_load %arg9[%get3A_1126, %get3A_1127] {strides = array<i32>} : memref<800x64xf32, #tpu.memory_space<vmem>>, vector<16xf32>,
        %add3A_1129 = arith.addf %add3A_1105, %get3A_1128 : vector<16xf32>
        %add3A_1130 = arith.constant 13 : i32
        %add3A_1131 = arith.addi %add3A_830, %add3A_1130 : i32
        %get3A_1132 = arith.index_cast %add3A_1131 : i32 to index
        %get3A_1133 = arith.constant 0 : index
        %get3A_1134 = tpu.vector_load %arg9[%get3A_1132, %get3A_1133] {strides = array<i32>} : memref<800x64xf32, #tpu.memory_space<vmem>>, vector<16xf32>,
        %add3A_1135 = arith.addf %add3A_1111, %get3A_1134 : vector<16xf32>
        %add3A_1136 = arith.constant 13 : i32
        %add3A_1137 = arith.addi %add3A_830, %add3A_1136 : i32
        %get3A_1138 = arith.index_cast %add3A_1137 : i32 to index
        %get3A_1139 = arith.constant 16 : index
        %get3A_1140 = tpu.vector_load %arg9[%get3A_1138, %get3A_1139] {strides = array<i32>} : memref<800x64xf32, #tpu.memory_space<vmem>>, vector<16xf32>,
        %add3A_1141 = arith.addf %add3A_1117, %get3A_1140 : vector<16xf32>
        %add3A_1142 = arith.constant 13 : i32
        %add3A_1143 = arith.addi %add3A_830, %add3A_1142 : i32
        %get3A_1144 = arith.index_cast %add3A_1143 : i32 to index
        %get3A_1145 = arith.constant 32 : index
        %get3A_1146 = tpu.vector_load %arg9[%get3A_1144, %get3A_1145] {strides = array<i32>} : memref<800x64xf32, #tpu.memory_space<vmem>>, vector<16xf32>,
        %add3A_1147 = arith.addf %add3A_1123, %get3A_1146 : vector<16xf32>
        %add3A_1148 = arith.constant 13 : i32
        %add3A_1149 = arith.addi %add3A_830, %add3A_1148 : i32
        %get3A_1150 = arith.index_cast %add3A_1149 : i32 to index
        %get3A_1151 = arith.constant 48 : index
        %get3A_1152 = tpu.vector_load %arg9[%get3A_1150, %get3A_1151] {strides = array<i32>} : memref<800x64xf32, #tpu.memory_space<vmem>>, vector<16xf32>,
        %add3A_1153 = arith.addf %add3A_1129, %get3A_1152 : vector<16xf32>
        %add3A_1154 = arith.constant 14 : i32
        %add3A_1155 = arith.addi %add3A_830, %add3A_1154 : i32
        %get3A_1156 = arith.index_cast %add3A_1155 : i32 to index
        %get3A_1157 = arith.constant 0 : index
        %get3A_1158 = tpu.vector_load %arg9[%get3A_1156, %get3A_1157] {strides = array<i32>} : memref<800x64xf32, #tpu.memory_space<vmem>>, vector<16xf32>,
        %add3A_1159 = arith.addf %add3A_1135, %get3A_1158 : vector<16xf32>
        %add3A_1160 = arith.constant 14 : i32
        %add3A_1161 = arith.addi %add3A_830, %add3A_1160 : i32
        %get3A_1162 = arith.index_cast %add3A_1161 : i32 to index
        %get3A_1163 = arith.constant 16 : index
        %get3A_1164 = tpu.vector_load %arg9[%get3A_1162, %get3A_1163] {strides = array<i32>} : memref<800x64xf32, #tpu.memory_space<vmem>>, vector<16xf32>,
        %add3A_1165 = arith.addf %add3A_1141, %get3A_1164 : vector<16xf32>
        %add3A_1166 = arith.constant 14 : i32
        %add3A_1167 = arith.addi %add3A_830, %add3A_1166 : i32
        %get3A_1168 = arith.index_cast %add3A_1167 : i32 to index
        %get3A_1169 = arith.constant 32 : index
        %get3A_1170 = tpu.vector_load %arg9[%get3A_1168, %get3A_1169] {strides = array<i32>} : memref<800x64xf32, #tpu.memory_space<vmem>>, vector<16xf32>,
        %add3A_1171 = arith.addf %add3A_1147, %get3A_1170 : vector<16xf32>
        %add3A_1172 = arith.constant 14 : i32
        %add3A_1173 = arith.addi %add3A_830, %add3A_1172 : i32
        %get3A_1174 = arith.index_cast %add3A_1173 : i32 to index
        %get3A_1175 = arith.constant 48 : index
        %get3A_1176 = tpu.vector_load %arg9[%get3A_1174, %get3A_1175] {strides = array<i32>} : memref<800x64xf32, #tpu.memory_space<vmem>>, vector<16xf32>,
        %add3A_1177 = arith.addf %add3A_1153, %get3A_1176 : vector<16xf32>
        %add3A_1178 = arith.constant 15 : i32
        %add3A_1179 = arith.addi %add3A_830, %add3A_1178 : i32
        %get3A_1180 = arith.index_cast %add3A_1179 : i32 to index
        %get3A_1181 = arith.constant 0 : index
        %get3A_1182 = tpu.vector_load %arg9[%get3A_1180, %get3A_1181] {strides = array<i32>} : memref<800x64xf32, #tpu.memory_space<vmem>>, vector<16xf32>,
        %add3A_1183 = arith.addf %add3A_1159, %get3A_1182 : vector<16xf32>
        %add3A_1184 = arith.constant 15 : i32
        %add3A_1185 = arith.addi %add3A_830, %add3A_1184 : i32
        %get3A_1186 = arith.index_cast %add3A_1185 : i32 to index
        %get3A_1187 = arith.constant 16 : index
        %get3A_1188 = tpu.vector_load %arg9[%get3A_1186, %get3A_1187] {strides = array<i32>} : memref<800x64xf32, #tpu.memory_space<vmem>>, vector<16xf32>,
        %add3A_1189 = arith.addf %add3A_1165, %get3A_1188 : vector<16xf32>
        %add3A_1190 = arith.constant 15 : i32
        %add3A_1191 = arith.addi %add3A_830, %add3A_1190 : i32
        %get3A_1192 = arith.index_cast %add3A_1191 : i32 to index
        %get3A_1193 = arith.constant 32 : index
        %get3A_1194 = tpu.vector_load %arg9[%get3A_1192, %get3A_1193] {strides = array<i32>} : memref<800x64xf32, #tpu.memory_space<vmem>>, vector<16xf32>,
        %add3A_1195 = arith.addf %add3A_1171, %get3A_1194 : vector<16xf32>
        %add3A_1196 = arith.constant 15 : i32
        %add3A_1197 = arith.addi %add3A_830, %add3A_1196 : i32
        %get3A_1198 = arith.index_cast %add3A_1197 : i32 to index
        %get3A_1199 = arith.constant 48 : index
        %get3A_1200 = tpu.vector_load %arg9[%get3A_1198, %get3A_1199] {strides = array<i32>} : memref<800x64xf32, #tpu.memory_space<vmem>>, vector<16xf32>,
        %add3A_1201 = arith.addf %add3A_1177, %get3A_1200 : vector<16xf32>
        %add3A_1202 = arith.constant 16 : i32
        %add3A_1203 = arith.addi %add3A_830, %add3A_1202 : i32
        %get3A_1204 = arith.index_cast %add3A_1203 : i32 to index
        %get3A_1205 = arith.constant 0 : index
        %get3A_1206 = tpu.vector_load %arg9[%get3A_1204, %get3A_1205] {strides = array<i32>} : memref<800x64xf32, #tpu.memory_space<vmem>>, vector<16xf32>,
        %add3A_1207 = arith.addf %add3A_1183, %get3A_1206 : vector<16xf32>
        %add3A_1208 = arith.constant 16 : i32
        %add3A_1209 = arith.addi %add3A_830, %add3A_1208 : i32
        %get3A_1210 = arith.index_cast %add3A_1209 : i32 to index
        %get3A_1211 = arith.constant 16 : index
        %get3A_1212 = tpu.vector_load %arg9[%get3A_1210, %get3A_1211] {strides = array<i32>} : memref<800x64xf32, #tpu.memory_space<vmem>>, vector<16xf32>,
        %add3A_1213 = arith.addf %add3A_1189, %get3A_1212 : vector<16xf32>
        %add3A_1214 = arith.constant 16 : i32
        %add3A_1215 = arith.addi %add3A_830, %add3A_1214 : i32
        %get3A_1216 = arith.index_cast %add3A_1215 : i32 to index
        %get3A_1217 = arith.constant 32 : index
        %get3A_1218 = tpu.vector_load %arg9[%get3A_1216, %get3A_1217] {strides = array<i32>} : memref<800x64xf32, #tpu.memory_space<vmem>>, vector<16xf32>,
        %add3A_1219 = arith.addf %add3A_1195, %get3A_1218 : vector<16xf32>
        %add3A_1220 = arith.constant 16 : i32
        %add3A_1221 = arith.addi %add3A_830, %add3A_1220 : i32
        %get3A_1222 = arith.index_cast %add3A_1221 : i32 to index
        %get3A_1223 = arith.constant 48 : index
        %get3A_1224 = tpu.vector_load %arg9[%get3A_1222, %get3A_1223] {strides = array<i32>} : memref<800x64xf32, #tpu.memory_space<vmem>>, vector<16xf32>,
        %add3A_1225 = arith.addf %add3A_1201, %get3A_1224 : vector<16xf32>
        %add3A_1226 = arith.constant 17 : i32
        %add3A_1227 = arith.addi %add3A_830, %add3A_1226 : i32
        %get3A_1228 = arith.index_cast %add3A_1227 : i32 to index
        %get3A_1229 = arith.constant 0 : index
        %get3A_1230 = tpu.vector_load %arg9[%get3A_1228, %get3A_1229] {strides = array<i32>} : memref<800x64xf32, #tpu.memory_space<vmem>>, vector<16xf32>,
        %add3A_1231 = arith.addf %add3A_1207, %get3A_1230 : vector<16xf32>
        %add3A_1232 = arith.constant 17 : i32
        %add3A_1233 = arith.addi %add3A_830, %add3A_1232 : i32
        %get3A_1234 = arith.index_cast %add3A_1233 : i32 to index
        %get3A_1235 = arith.constant 16 : index
        %get3A_1236 = tpu.vector_load %arg9[%get3A_1234, %get3A_1235] {strides = array<i32>} : memref<800x64xf32, #tpu.memory_space<vmem>>, vector<16xf32>,
        %add3A_1237 = arith.addf %add3A_1213, %get3A_1236 : vector<16xf32>
        %add3A_1238 = arith.constant 17 : i32
        %add3A_1239 = arith.addi %add3A_830, %add3A_1238 : i32
        %get3A_1240 = arith.index_cast %add3A_1239 : i32 to index
        %get3A_1241 = arith.constant 32 : index
        %get3A_1242 = tpu.vector_load %arg9[%get3A_1240, %get3A_1241] {strides = array<i32>} : memref<800x64xf32, #tpu.memory_space<vmem>>, vector<16xf32>,
        %add3A_1243 = arith.addf %add3A_1219, %get3A_1242 : vector<16xf32>
        %add3A_1244 = arith.constant 17 : i32
        %add3A_1245 = arith.addi %add3A_830, %add3A_1244 : i32
        %get3A_1246 = arith.index_cast %add3A_1245 : i32 to index
        %get3A_1247 = arith.constant 48 : index
        %get3A_1248 = tpu.vector_load %arg9[%get3A_1246, %get3A_1247] {strides = array<i32>} : memref<800x64xf32, #tpu.memory_space<vmem>>, vector<16xf32>,
        %add3A_1249 = arith.addf %add3A_1225, %get3A_1248 : vector<16xf32>
        %add3A_1250 = arith.constant 18 : i32
        %add3A_1251 = arith.addi %add3A_830, %add3A_1250 : i32
        %get3A_1252 = arith.index_cast %add3A_1251 : i32 to index
        %get3A_1253 = arith.constant 0 : index
        %get3A_1254 = tpu.vector_load %arg9[%get3A_1252, %get3A_1253] {strides = array<i32>} : memref<800x64xf32, #tpu.memory_space<vmem>>, vector<16xf32>,
        %add3A_1255 = arith.addf %add3A_1231, %get3A_1254 : vector<16xf32>
        %add3A_1256 = arith.constant 18 : i32
        %add3A_1257 = arith.addi %add3A_830, %add3A_1256 : i32
        %get3A_1258 = arith.index_cast %add3A_1257 : i32 to index
        %get3A_1259 = arith.constant 16 : index
        %get3A_1260 = tpu.vector_load %arg9[%get3A_1258, %get3A_1259] {strides = array<i32>} : memref<800x64xf32, #tpu.memory_space<vmem>>, vector<16xf32>,
        %add3A_1261 = arith.addf %add3A_1237, %get3A_1260 : vector<16xf32>
        %add3A_1262 = arith.constant 18 : i32
        %add3A_1263 = arith.addi %add3A_830, %add3A_1262 : i32
        %get3A_1264 = arith.index_cast %add3A_1263 : i32 to index
        %get3A_1265 = arith.constant 32 : index
        %get3A_1266 = tpu.vector_load %arg9[%get3A_1264, %get3A_1265] {strides = array<i32>} : memref<800x64xf32, #tpu.memory_space<vmem>>, vector<16xf32>,
        %add3A_1267 = arith.addf %add3A_1243, %get3A_1266 : vector<16xf32>
        %add3A_1268 = arith.constant 18 : i32
        %add3A_1269 = arith.addi %add3A_830, %add3A_1268 : i32
        %get3A_1270 = arith.index_cast %add3A_1269 : i32 to index
        %get3A_1271 = arith.constant 48 : index
        %get3A_1272 = tpu.vector_load %arg9[%get3A_1270, %get3A_1271] {strides = array<i32>} : memref<800x64xf32, #tpu.memory_space<vmem>>, vector<16xf32>,
        %add3A_1273 = arith.addf %add3A_1249, %get3A_1272 : vector<16xf32>
        %add3A_1274 = arith.constant 19 : i32
        %add3A_1275 = arith.addi %add3A_830, %add3A_1274 : i32
        %get3A_1276 = arith.index_cast %add3A_1275 : i32 to index
        %get3A_1277 = arith.constant 0 : index
        %get3A_1278 = tpu.vector_load %arg9[%get3A_1276, %get3A_1277] {strides = array<i32>} : memref<800x64xf32, #tpu.memory_space<vmem>>, vector<16xf32>,
        %add3A_1279 = arith.addf %add3A_1255, %get3A_1278 : vector<16xf32>
        %add3A_1280 = arith.constant 19 : i32
        %add3A_1281 = arith.addi %add3A_830, %add3A_1280 : i32
        %get3A_1282 = arith.index_cast %add3A_1281 : i32 to index
        %get3A_1283 = arith.constant 16 : index
        %get3A_1284 = tpu.vector_load %arg9[%get3A_1282, %get3A_1283] {strides = array<i32>} : memref<800x64xf32, #tpu.memory_space<vmem>>, vector<16xf32>,
        %add3A_1285 = arith.addf %add3A_1261, %get3A_1284 : vector<16xf32>
        %add3A_1286 = arith.constant 19 : i32
        %add3A_1287 = arith.addi %add3A_830, %add3A_1286 : i32
        %get3A_1288 = arith.index_cast %add3A_1287 : i32 to index
        %get3A_1289 = arith.constant 32 : index
        %get3A_1290 = tpu.vector_load %arg9[%get3A_1288, %get3A_1289] {strides = array<i32>} : memref<800x64xf32, #tpu.memory_space<vmem>>, vector<16xf32>,
        %add3A_1291 = arith.addf %add3A_1267, %get3A_1290 : vector<16xf32>
        %add3A_1292 = arith.constant 19 : i32
        %add3A_1293 = arith.addi %add3A_830, %add3A_1292 : i32
        %get3A_1294 = arith.index_cast %add3A_1293 : i32 to index
        %get3A_1295 = arith.constant 48 : index
        %get3A_1296 = tpu.vector_load %arg9[%get3A_1294, %get3A_1295] {strides = array<i32>} : memref<800x64xf32, #tpu.memory_space<vmem>>, vector<16xf32>,
        %add3A_1297 = arith.addf %add3A_1273, %get3A_1296 : vector<16xf32>
        %add3A_1298 = arith.constant 20 : i32
        %add3A_1299 = arith.addi %add3A_830, %add3A_1298 : i32
        %get3A_1300 = arith.index_cast %add3A_1299 : i32 to index
        %get3A_1301 = arith.constant 0 : index
        %get3A_1302 = tpu.vector_load %arg9[%get3A_1300, %get3A_1301] {strides = array<i32>} : memref<800x64xf32, #tpu.memory_space<vmem>>, vector<16xf32>,
        %add3A_1303 = arith.addf %add3A_1279, %get3A_1302 : vector<16xf32>
        %add3A_1304 = arith.constant 20 : i32
        %add3A_1305 = arith.addi %add3A_830, %add3A_1304 : i32
        %get3A_1306 = arith.index_cast %add3A_1305 : i32 to index
        %get3A_1307 = arith.constant 16 : index
        %get3A_1308 = tpu.vector_load %arg9[%get3A_1306, %get3A_1307] {strides = array<i32>} : memref<800x64xf32, #tpu.memory_space<vmem>>, vector<16xf32>,
        %add3A_1309 = arith.addf %add3A_1285, %get3A_1308 : vector<16xf32>
        %add3A_1310 = arith.constant 20 : i32
        %add3A_1311 = arith.addi %add3A_830, %add3A_1310 : i32
        %get3A_1312 = arith.index_cast %add3A_1311 : i32 to index
        %get3A_1313 = arith.constant 32 : index
        %get3A_1314 = tpu.vector_load %arg9[%get3A_1312, %get3A_1313] {strides = array<i32>} : memref<800x64xf32, #tpu.memory_space<vmem>>, vector<16xf32>,
        %add3A_1315 = arith.addf %add3A_1291, %get3A_1314 : vector<16xf32>
        %add3A_1316 = arith.constant 20 : i32
        %add3A_1317 = arith.addi %add3A_830, %add3A_1316 : i32
        %get3A_1318 = arith.index_cast %add3A_1317 : i32 to index
        %get3A_1319 = arith.constant 48 : index
        %get3A_1320 = tpu.vector_load %arg9[%get3A_1318, %get3A_1319] {strides = array<i32>} : memref<800x64xf32, #tpu.memory_space<vmem>>, vector<16xf32>,
        %add3A_1321 = arith.addf %add3A_1297, %get3A_1320 : vector<16xf32>
        %add3A_1322 = arith.constant 21 : i32
        %add3A_1323 = arith.addi %add3A_830, %add3A_1322 : i32
        %get3A_1324 = arith.index_cast %add3A_1323 : i32 to index
        %get3A_1325 = arith.constant 0 : index
        %get3A_1326 = tpu.vector_load %arg9[%get3A_1324, %get3A_1325] {strides = array<i32>} : memref<800x64xf32, #tpu.memory_space<vmem>>, vector<16xf32>,
        %add3A_1327 = arith.addf %add3A_1303, %get3A_1326 : vector<16xf32>
        %add3A_1328 = arith.constant 21 : i32
        %add3A_1329 = arith.addi %add3A_830, %add3A_1328 : i32
        %get3A_1330 = arith.index_cast %add3A_1329 : i32 to index
        %get3A_1331 = arith.constant 16 : index
        %get3A_1332 = tpu.vector_load %arg9[%get3A_1330, %get3A_1331] {strides = array<i32>} : memref<800x64xf32, #tpu.memory_space<vmem>>, vector<16xf32>,
        %add3A_1333 = arith.addf %add3A_1309, %get3A_1332 : vector<16xf32>
        %add3A_1334 = arith.constant 21 : i32
        %add3A_1335 = arith.addi %add3A_830, %add3A_1334 : i32
        %get3A_1336 = arith.index_cast %add3A_1335 : i32 to index
        %get3A_1337 = arith.constant 32 : index
        %get3A_1338 = tpu.vector_load %arg9[%get3A_1336, %get3A_1337] {strides = array<i32>} : memref<800x64xf32, #tpu.memory_space<vmem>>, vector<16xf32>,
        %add3A_1339 = arith.addf %add3A_1315, %get3A_1338 : vector<16xf32>
        %add3A_1340 = arith.constant 21 : i32
        %add3A_1341 = arith.addi %add3A_830, %add3A_1340 : i32
        %get3A_1342 = arith.index_cast %add3A_1341 : i32 to index
        %get3A_1343 = arith.constant 48 : index
        %get3A_1344 = tpu.vector_load %arg9[%get3A_1342, %get3A_1343] {strides = array<i32>} : memref<800x64xf32, #tpu.memory_space<vmem>>, vector<16xf32>,
        %add3A_1345 = arith.addf %add3A_1321, %get3A_1344 : vector<16xf32>
        %add3A_1346 = arith.constant 22 : i32
        %add3A_1347 = arith.addi %add3A_830, %add3A_1346 : i32
        %get3A_1348 = arith.index_cast %add3A_1347 : i32 to index
        %get3A_1349 = arith.constant 0 : index
        %get3A_1350 = tpu.vector_load %arg9[%get3A_1348, %get3A_1349] {strides = array<i32>} : memref<800x64xf32, #tpu.memory_space<vmem>>, vector<16xf32>,
        %add3A_1351 = arith.addf %add3A_1327, %get3A_1350 : vector<16xf32>
        %add3A_1352 = arith.constant 22 : i32
        %add3A_1353 = arith.addi %add3A_830, %add3A_1352 : i32
        %get3A_1354 = arith.index_cast %add3A_1353 : i32 to index
        %get3A_1355 = arith.constant 16 : index
        %get3A_1356 = tpu.vector_load %arg9[%get3A_1354, %get3A_1355] {strides = array<i32>} : memref<800x64xf32, #tpu.memory_space<vmem>>, vector<16xf32>,
        %add3A_1357 = arith.addf %add3A_1333, %get3A_1356 : vector<16xf32>
        %add3A_1358 = arith.constant 22 : i32
        %add3A_1359 = arith.addi %add3A_830, %add3A_1358 : i32
        %get3A_1360 = arith.index_cast %add3A_1359 : i32 to index
        %get3A_1361 = arith.constant 32 : index
        %get3A_1362 = tpu.vector_load %arg9[%get3A_1360, %get3A_1361] {strides = array<i32>} : memref<800x64xf32, #tpu.memory_space<vmem>>, vector<16xf32>,
        %add3A_1363 = arith.addf %add3A_1339, %get3A_1362 : vector<16xf32>
        %add3A_1364 = arith.constant 22 : i32
        %add3A_1365 = arith.addi %add3A_830, %add3A_1364 : i32
        %get3A_1366 = arith.index_cast %add3A_1365 : i32 to index
        %get3A_1367 = arith.constant 48 : index
        %get3A_1368 = tpu.vector_load %arg9[%get3A_1366, %get3A_1367] {strides = array<i32>} : memref<800x64xf32, #tpu.memory_space<vmem>>, vector<16xf32>,
        %add3A_1369 = arith.addf %add3A_1345, %get3A_1368 : vector<16xf32>
        %add3A_1370 = arith.constant 23 : i32
        %add3A_1371 = arith.addi %add3A_830, %add3A_1370 : i32
        %get3A_1372 = arith.index_cast %add3A_1371 : i32 to index
        %get3A_1373 = arith.constant 0 : index
        %get3A_1374 = tpu.vector_load %arg9[%get3A_1372, %get3A_1373] {strides = array<i32>} : memref<800x64xf32, #tpu.memory_space<vmem>>, vector<16xf32>,
        %add3A_1375 = arith.addf %add3A_1351, %get3A_1374 : vector<16xf32>
        %add3A_1376 = arith.constant 23 : i32
        %add3A_1377 = arith.addi %add3A_830, %add3A_1376 : i32
        %get3A_1378 = arith.index_cast %add3A_1377 : i32 to index
        %get3A_1379 = arith.constant 16 : index
        %get3A_1380 = tpu.vector_load %arg9[%get3A_1378, %get3A_1379] {strides = array<i32>} : memref<800x64xf32, #tpu.memory_space<vmem>>, vector<16xf32>,
        %add3A_1381 = arith.addf %add3A_1357, %get3A_1380 : vector<16xf32>
        %add3A_1382 = arith.constant 23 : i32
        %add3A_1383 = arith.addi %add3A_830, %add3A_1382 : i32
        %get3A_1384 = arith.index_cast %add3A_1383 : i32 to index
        %get3A_1385 = arith.constant 32 : index
        %get3A_1386 = tpu.vector_load %arg9[%get3A_1384, %get3A_1385] {strides = array<i32>} : memref<800x64xf32, #tpu.memory_space<vmem>>, vector<16xf32>,
        %add3A_1387 = arith.addf %add3A_1363, %get3A_1386 : vector<16xf32>
        %add3A_1388 = arith.constant 23 : i32
        %add3A_1389 = arith.addi %add3A_830, %add3A_1388 : i32
        %get3A_1390 = arith.index_cast %add3A_1389 : i32 to index
        %get3A_1391 = arith.constant 48 : index
        %get3A_1392 = tpu.vector_load %arg9[%get3A_1390, %get3A_1391] {strides = array<i32>} : memref<800x64xf32, #tpu.memory_space<vmem>>, vector<16xf32>,
        %add3A_1393 = arith.addf %add3A_1369, %get3A_1392 : vector<16xf32>
        %add3A_1394 = arith.constant 24 : i32
        %add3A_1395 = arith.addi %add3A_830, %add3A_1394 : i32
        %get3A_1396 = arith.index_cast %add3A_1395 : i32 to index
        %get3A_1397 = arith.constant 0 : index
        %get3A_1398 = tpu.vector_load %arg9[%get3A_1396, %get3A_1397] {strides = array<i32>} : memref<800x64xf32, #tpu.memory_space<vmem>>, vector<16xf32>,
        %add3A_1399 = arith.addf %add3A_1375, %get3A_1398 : vector<16xf32>
        %add3A_1400 = arith.constant 24 : i32
        %add3A_1401 = arith.addi %add3A_830, %add3A_1400 : i32
        %get3A_1402 = arith.index_cast %add3A_1401 : i32 to index
        %get3A_1403 = arith.constant 16 : index
        %get3A_1404 = tpu.vector_load %arg9[%get3A_1402, %get3A_1403] {strides = array<i32>} : memref<800x64xf32, #tpu.memory_space<vmem>>, vector<16xf32>,
        %add3A_1405 = arith.addf %add3A_1381, %get3A_1404 : vector<16xf32>
        %add3A_1406 = arith.constant 24 : i32
        %add3A_1407 = arith.addi %add3A_830, %add3A_1406 : i32
        %get3A_1408 = arith.index_cast %add3A_1407 : i32 to index
        %get3A_1409 = arith.constant 32 : index
        %get3A_1410 = tpu.vector_load %arg9[%get3A_1408, %get3A_1409] {strides = array<i32>} : memref<800x64xf32, #tpu.memory_space<vmem>>, vector<16xf32>,
        %add3A_1411 = arith.addf %add3A_1387, %get3A_1410 : vector<16xf32>
        %add3A_1412 = arith.constant 24 : i32
        %add3A_1413 = arith.addi %add3A_830, %add3A_1412 : i32
        %get3A_1414 = arith.index_cast %add3A_1413 : i32 to index
        %get3A_1415 = arith.constant 48 : index
        %get3A_1416 = tpu.vector_load %arg9[%get3A_1414, %get3A_1415] {strides = array<i32>} : memref<800x64xf32, #tpu.memory_space<vmem>>, vector<16xf32>,
        %add3A_1417 = arith.addf %add3A_1393, %get3A_1416 : vector<16xf32>
        %add3A_1418 = arith.constant 25 : i32
        %add3A_1419 = arith.addi %add3A_830, %add3A_1418 : i32
        %get3A_1420 = arith.index_cast %add3A_1419 : i32 to index
        %get3A_1421 = arith.constant 0 : index
        %get3A_1422 = tpu.vector_load %arg9[%get3A_1420, %get3A_1421] {strides = array<i32>} : memref<800x64xf32, #tpu.memory_space<vmem>>, vector<16xf32>,
        %add3A_1423 = arith.addf %add3A_1399, %get3A_1422 : vector<16xf32>
        %add3A_1424 = arith.constant 25 : i32
        %add3A_1425 = arith.addi %add3A_830, %add3A_1424 : i32
        %get3A_1426 = arith.index_cast %add3A_1425 : i32 to index
        %get3A_1427 = arith.constant 16 : index
        %get3A_1428 = tpu.vector_load %arg9[%get3A_1426, %get3A_1427] {strides = array<i32>} : memref<800x64xf32, #tpu.memory_space<vmem>>, vector<16xf32>,
        %add3A_1429 = arith.addf %add3A_1405, %get3A_1428 : vector<16xf32>
        %add3A_1430 = arith.constant 25 : i32
        %add3A_1431 = arith.addi %add3A_830, %add3A_1430 : i32
        %get3A_1432 = arith.index_cast %add3A_1431 : i32 to index
        %get3A_1433 = arith.constant 32 : index
        %get3A_1434 = tpu.vector_load %arg9[%get3A_1432, %get3A_1433] {strides = array<i32>} : memref<800x64xf32, #tpu.memory_space<vmem>>, vector<16xf32>,
        %add3A_1435 = arith.addf %add3A_1411, %get3A_1434 : vector<16xf32>
        %add3A_1436 = arith.constant 25 : i32
        %add3A_1437 = arith.addi %add3A_830, %add3A_1436 : i32
        %get3A_1438 = arith.index_cast %add3A_1437 : i32 to index
        %get3A_1439 = arith.constant 48 : index
        %get3A_1440 = tpu.vector_load %arg9[%get3A_1438, %get3A_1439] {strides = array<i32>} : memref<800x64xf32, #tpu.memory_space<vmem>>, vector<16xf32>,
        %add3A_1441 = arith.addf %add3A_1417, %get3A_1440 : vector<16xf32>
        %add3A_1442 = arith.constant 26 : i32
        %add3A_1443 = arith.addi %add3A_830, %add3A_1442 : i32
        %get3A_1444 = arith.index_cast %add3A_1443 : i32 to index
        %get3A_1445 = arith.constant 0 : index
        %get3A_1446 = tpu.vector_load %arg9[%get3A_1444, %get3A_1445] {strides = array<i32>} : memref<800x64xf32, #tpu.memory_space<vmem>>, vector<16xf32>,
        %add3A_1447 = arith.addf %add3A_1423, %get3A_1446 : vector<16xf32>
        %add3A_1448 = arith.constant 26 : i32
        %add3A_1449 = arith.addi %add3A_830, %add3A_1448 : i32
        %get3A_1450 = arith.index_cast %add3A_1449 : i32 to index
        %get3A_1451 = arith.constant 16 : index
        %get3A_1452 = tpu.vector_load %arg9[%get3A_1450, %get3A_1451] {strides = array<i32>} : memref<800x64xf32, #tpu.memory_space<vmem>>, vector<16xf32>,
        %add3A_1453 = arith.addf %add3A_1429, %get3A_1452 : vector<16xf32>
        %add3A_1454 = arith.constant 26 : i32
        %add3A_1455 = arith.addi %add3A_830, %add3A_1454 : i32
        %get3A_1456 = arith.index_cast %add3A_1455 : i32 to index
        %get3A_1457 = arith.constant 32 : index
        %get3A_1458 = tpu.vector_load %arg9[%get3A_1456, %get3A_1457] {strides = array<i32>} : memref<800x64xf32, #tpu.memory_space<vmem>>, vector<16xf32>,
        %add3A_1459 = arith.addf %add3A_1435, %get3A_1458 : vector<16xf32>
        %add3A_1460 = arith.constant 26 : i32
        %add3A_1461 = arith.addi %add3A_830, %add3A_1460 : i32
        %get3A_1462 = arith.index_cast %add3A_1461 : i32 to index
        %get3A_1463 = arith.constant 48 : index
        %get3A_1464 = tpu.vector_load %arg9[%get3A_1462, %get3A_1463] {strides = array<i32>} : memref<800x64xf32, #tpu.memory_space<vmem>>, vector<16xf32>,
        %add3A_1465 = arith.addf %add3A_1441, %get3A_1464 : vector<16xf32>
        %add3A_1466 = arith.constant 27 : i32
        %add3A_1467 = arith.addi %add3A_830, %add3A_1466 : i32
        %get3A_1468 = arith.index_cast %add3A_1467 : i32 to index
        %get3A_1469 = arith.constant 0 : index
        %get3A_1470 = tpu.vector_load %arg9[%get3A_1468, %get3A_1469] {strides = array<i32>} : memref<800x64xf32, #tpu.memory_space<vmem>>, vector<16xf32>,
        %add3A_1471 = arith.addf %add3A_1447, %get3A_1470 : vector<16xf32>
        %add3A_1472 = arith.constant 27 : i32
        %add3A_1473 = arith.addi %add3A_830, %add3A_1472 : i32
        %get3A_1474 = arith.index_cast %add3A_1473 : i32 to index
        %get3A_1475 = arith.constant 16 : index
        %get3A_1476 = tpu.vector_load %arg9[%get3A_1474, %get3A_1475] {strides = array<i32>} : memref<800x64xf32, #tpu.memory_space<vmem>>, vector<16xf32>,
        %add3A_1477 = arith.addf %add3A_1453, %get3A_1476 : vector<16xf32>
        %add3A_1478 = arith.constant 27 : i32
        %add3A_1479 = arith.addi %add3A_830, %add3A_1478 : i32
        %get3A_1480 = arith.index_cast %add3A_1479 : i32 to index
        %get3A_1481 = arith.constant 32 : index
        %get3A_1482 = tpu.vector_load %arg9[%get3A_1480, %get3A_1481] {strides = array<i32>} : memref<800x64xf32, #tpu.memory_space<vmem>>, vector<16xf32>,
        %add3A_1483 = arith.addf %add3A_1459, %get3A_1482 : vector<16xf32>
        %add3A_1484 = arith.constant 27 : i32
        %add3A_1485 = arith.addi %add3A_830, %add3A_1484 : i32
        %get3A_1486 = arith.index_cast %add3A_1485 : i32 to index
        %get3A_1487 = arith.constant 48 : index
        %get3A_1488 = tpu.vector_load %arg9[%get3A_1486, %get3A_1487] {strides = array<i32>} : memref<800x64xf32, #tpu.memory_space<vmem>>, vector<16xf32>,
        %add3A_1489 = arith.addf %add3A_1465, %get3A_1488 : vector<16xf32>
        %add3A_1490 = arith.constant 28 : i32
        %add3A_1491 = arith.addi %add3A_830, %add3A_1490 : i32
        %get3A_1492 = arith.index_cast %add3A_1491 : i32 to index
        %get3A_1493 = arith.constant 0 : index
        %get3A_1494 = tpu.vector_load %arg9[%get3A_1492, %get3A_1493] {strides = array<i32>} : memref<800x64xf32, #tpu.memory_space<vmem>>, vector<16xf32>,
        %add3A_1495 = arith.addf %add3A_1471, %get3A_1494 : vector<16xf32>
        %add3A_1496 = arith.constant 28 : i32
        %add3A_1497 = arith.addi %add3A_830, %add3A_1496 : i32
        %get3A_1498 = arith.index_cast %add3A_1497 : i32 to index
        %get3A_1499 = arith.constant 16 : index
        %get3A_1500 = tpu.vector_load %arg9[%get3A_1498, %get3A_1499] {strides = array<i32>} : memref<800x64xf32, #tpu.memory_space<vmem>>, vector<16xf32>,
        %add3A_1501 = arith.addf %add3A_1477, %get3A_1500 : vector<16xf32>
        %add3A_1502 = arith.constant 28 : i32
        %add3A_1503 = arith.addi %add3A_830, %add3A_1502 : i32
        %get3A_1504 = arith.index_cast %add3A_1503 : i32 to index
        %get3A_1505 = arith.constant 32 : index
        %get3A_1506 = tpu.vector_load %arg9[%get3A_1504, %get3A_1505] {strides = array<i32>} : memref<800x64xf32, #tpu.memory_space<vmem>>, vector<16xf32>,
        %add3A_1507 = arith.addf %add3A_1483, %get3A_1506 : vector<16xf32>
        %add3A_1508 = arith.constant 28 : i32
        %add3A_1509 = arith.addi %add3A_830, %add3A_1508 : i32
        %get3A_1510 = arith.index_cast %add3A_1509 : i32 to index
        %get3A_1511 = arith.constant 48 : index
        %get3A_1512 = tpu.vector_load %arg9[%get3A_1510, %get3A_1511] {strides = array<i32>} : memref<800x64xf32, #tpu.memory_space<vmem>>, vector<16xf32>,
        %add3A_1513 = arith.addf %add3A_1489, %get3A_1512 : vector<16xf32>
        %add3A_1514 = arith.constant 29 : i32
        %add3A_1515 = arith.addi %add3A_830, %add3A_1514 : i32
        %get3A_1516 = arith.index_cast %add3A_1515 : i32 to index
        %get3A_1517 = arith.constant 0 : index
        %get3A_1518 = tpu.vector_load %arg9[%get3A_1516, %get3A_1517] {strides = array<i32>} : memref<800x64xf32, #tpu.memory_space<vmem>>, vector<16xf32>,
        %add3A_1519 = arith.addf %add3A_1495, %get3A_1518 : vector<16xf32>
        %add3A_1520 = arith.constant 29 : i32
        %add3A_1521 = arith.addi %add3A_830, %add3A_1520 : i32
        %get3A_1522 = arith.index_cast %add3A_1521 : i32 to index
        %get3A_1523 = arith.constant 16 : index
        %get3A_1524 = tpu.vector_load %arg9[%get3A_1522, %get3A_1523] {strides = array<i32>} : memref<800x64xf32, #tpu.memory_space<vmem>>, vector<16xf32>,
        %add3A_1525 = arith.addf %add3A_1501, %get3A_1524 : vector<16xf32>
        %add3A_1526 = arith.constant 29 : i32
        %add3A_1527 = arith.addi %add3A_830, %add3A_1526 : i32
        %get3A_1528 = arith.index_cast %add3A_1527 : i32 to index
        %get3A_1529 = arith.constant 32 : index
        %get3A_1530 = tpu.vector_load %arg9[%get3A_1528, %get3A_1529] {strides = array<i32>} : memref<800x64xf32, #tpu.memory_space<vmem>>, vector<16xf32>,
        %add3A_1531 = arith.addf %add3A_1507, %get3A_1530 : vector<16xf32>
        %add3A_1532 = arith.constant 29 : i32
        %add3A_1533 = arith.addi %add3A_830, %add3A_1532 : i32
        %get3A_1534 = arith.index_cast %add3A_1533 : i32 to index
        %get3A_1535 = arith.constant 48 : index
        %get3A_1536 = tpu.vector_load %arg9[%get3A_1534, %get3A_1535] {strides = array<i32>} : memref<800x64xf32, #tpu.memory_space<vmem>>, vector<16xf32>,
        %add3A_1537 = arith.addf %add3A_1513, %get3A_1536 : vector<16xf32>
        %add3A_1538 = arith.constant 30 : i32
        %add3A_1539 = arith.addi %add3A_830, %add3A_1538 : i32
        %get3A_1540 = arith.index_cast %add3A_1539 : i32 to index
        %get3A_1541 = arith.constant 0 : index
        %get3A_1542 = tpu.vector_load %arg9[%get3A_1540, %get3A_1541] {strides = array<i32>} : memref<800x64xf32, #tpu.memory_space<vmem>>, vector<16xf32>,
        %add3A_1543 = arith.addf %add3A_1519, %get3A_1542 : vector<16xf32>
        %add3A_1544 = arith.constant 30 : i32
        %add3A_1545 = arith.addi %add3A_830, %add3A_1544 : i32
        %get3A_1546 = arith.index_cast %add3A_1545 : i32 to index
        %get3A_1547 = arith.constant 16 : index
        %get3A_1548 = tpu.vector_load %arg9[%get3A_1546, %get3A_1547] {strides = array<i32>} : memref<800x64xf32, #tpu.memory_space<vmem>>, vector<16xf32>,
        %add3A_1549 = arith.addf %add3A_1525, %get3A_1548 : vector<16xf32>
        %add3A_1550 = arith.constant 30 : i32
        %add3A_1551 = arith.addi %add3A_830, %add3A_1550 : i32
        %get3A_1552 = arith.index_cast %add3A_1551 : i32 to index
        %get3A_1553 = arith.constant 32 : index
        %get3A_1554 = tpu.vector_load %arg9[%get3A_1552, %get3A_1553] {strides = array<i32>} : memref<800x64xf32, #tpu.memory_space<vmem>>, vector<16xf32>,
        %add3A_1555 = arith.addf %add3A_1531, %get3A_1554 : vector<16xf32>
        %add3A_1556 = arith.constant 30 : i32
        %add3A_1557 = arith.addi %add3A_830, %add3A_1556 : i32
        %get3A_1558 = arith.index_cast %add3A_1557 : i32 to index
        %get3A_1559 = arith.constant 48 : index
        %get3A_1560 = tpu.vector_load %arg9[%get3A_1558, %get3A_1559] {strides = array<i32>} : memref<800x64xf32, #tpu.memory_space<vmem>>, vector<16xf32>,
        %add3A_1561 = arith.addf %add3A_1537, %get3A_1560 : vector<16xf32>
        %add3A_1562 = arith.constant 31 : i32
        %add3A_1563 = arith.addi %add3A_830, %add3A_1562 : i32
        %get3A_1564 = arith.index_cast %add3A_1563 : i32 to index
        %get3A_1565 = arith.constant 0 : index
        %get3A_1566 = tpu.vector_load %arg9[%get3A_1564, %get3A_1565] {strides = array<i32>} : memref<800x64xf32, #tpu.memory_space<vmem>>, vector<16xf32>,
        %add3A_1567 = arith.addf %add3A_1543, %get3A_1566 : vector<16xf32>
        %add3A_1568 = arith.constant 31 : i32
        %add3A_1569 = arith.addi %add3A_830, %add3A_1568 : i32
        %get3A_1570 = arith.index_cast %add3A_1569 : i32 to index
        %get3A_1571 = arith.constant 16 : index
        %get3A_1572 = tpu.vector_load %arg9[%get3A_1570, %get3A_1571] {strides = array<i32>} : memref<800x64xf32, #tpu.memory_space<vmem>>, vector<16xf32>,
        %add3A_1573 = arith.addf %add3A_1549, %get3A_1572 : vector<16xf32>
        %add3A_1574 = arith.constant 31 : i32
        %add3A_1575 = arith.addi %add3A_830, %add3A_1574 : i32
        %get3A_1576 = arith.index_cast %add3A_1575 : i32 to index
        %get3A_1577 = arith.constant 32 : index
        %get3A_1578 = tpu.vector_load %arg9[%get3A_1576, %get3A_1577] {strides = array<i32>} : memref<800x64xf32, #tpu.memory_space<vmem>>, vector<16xf32>,
        %add3A_1579 = arith.addf %add3A_1555, %get3A_1578 : vector<16xf32>
        %add3A_1580 = arith.constant 31 : i32
        %add3A_1581 = arith.addi %add3A_830, %add3A_1580 : i32
        %get3A_1582 = arith.index_cast %add3A_1581 : i32 to index
        %get3A_1583 = arith.constant 48 : index
        %get3A_1584 = tpu.vector_load %arg9[%get3A_1582, %get3A_1583] {strides = array<i32>} : memref<800x64xf32, #tpu.memory_space<vmem>>, vector<16xf32>,
        %add3A_1585 = arith.addf %add3A_1561, %get3A_1584 : vector<16xf32>
        %add3A_1586 = arith.constant 32 : i32
        %add3A_1587 = arith.addi %add3A_830, %add3A_1586 : i32
        %get3A_1588 = arith.index_cast %add3A_1587 : i32 to index
        %get3A_1589 = arith.constant 0 : index
        %get3A_1590 = tpu.vector_load %arg9[%get3A_1588, %get3A_1589] {strides = array<i32>} : memref<800x64xf32, #tpu.memory_space<vmem>>, vector<16xf32>,
        %add3A_1591 = arith.addf %add3A_1567, %get3A_1590 : vector<16xf32>
        %add3A_1592 = arith.constant 32 : i32
        %add3A_1593 = arith.addi %add3A_830, %add3A_1592 : i32
        %get3A_1594 = arith.index_cast %add3A_1593 : i32 to index
        %get3A_1595 = arith.constant 16 : index
        %get3A_1596 = tpu.vector_load %arg9[%get3A_1594, %get3A_1595] {strides = array<i32>} : memref<800x64xf32, #tpu.memory_space<vmem>>, vector<16xf32>,
        %add3A_1597 = arith.addf %add3A_1573, %get3A_1596 : vector<16xf32>
        %add3A_1598 = arith.constant 32 : i32
        %add3A_1599 = arith.addi %add3A_830, %add3A_1598 : i32
        %get3A_1600 = arith.index_cast %add3A_1599 : i32 to index
        %get3A_1601 = arith.constant 32 : index
        %get3A_1602 = tpu.vector_load %arg9[%get3A_1600, %get3A_1601] {strides = array<i32>} : memref<800x64xf32, #tpu.memory_space<vmem>>, vector<16xf32>,
        %add3A_1603 = arith.addf %add3A_1579, %get3A_1602 : vector<16xf32>
        %add3A_1604 = arith.constant 32 : i32
        %add3A_1605 = arith.addi %add3A_830, %add3A_1604 : i32
        %get3A_1606 = arith.index_cast %add3A_1605 : i32 to index
        %get3A_1607 = arith.constant 48 : index
        %get3A_1608 = tpu.vector_load %arg9[%get3A_1606, %get3A_1607] {strides = array<i32>} : memref<800x64xf32, #tpu.memory_space<vmem>>, vector<16xf32>,
        %add3A_1609 = arith.addf %add3A_1585, %get3A_1608 : vector<16xf32>
        %add3A_1610 = arith.constant 33 : i32
        %add3A_1611 = arith.addi %add3A_830, %add3A_1610 : i32
        %get3A_1612 = arith.index_cast %add3A_1611 : i32 to index
        %get3A_1613 = arith.constant 0 : index
        %get3A_1614 = tpu.vector_load %arg9[%get3A_1612, %get3A_1613] {strides = array<i32>} : memref<800x64xf32, #tpu.memory_space<vmem>>, vector<16xf32>,
        %add3A_1615 = arith.addf %add3A_1591, %get3A_1614 : vector<16xf32>
        %add3A_1616 = arith.constant 33 : i32
        %add3A_1617 = arith.addi %add3A_830, %add3A_1616 : i32
        %get3A_1618 = arith.index_cast %add3A_1617 : i32 to index
        %get3A_1619 = arith.constant 16 : index
        %get3A_1620 = tpu.vector_load %arg9[%get3A_1618, %get3A_1619] {strides = array<i32>} : memref<800x64xf32, #tpu.memory_space<vmem>>, vector<16xf32>,
        %add3A_1621 = arith.addf %add3A_1597, %get3A_1620 : vector<16xf32>
        %add3A_1622 = arith.constant 33 : i32
        %add3A_1623 = arith.addi %add3A_830, %add3A_1622 : i32
        %get3A_1624 = arith.index_cast %add3A_1623 : i32 to index
        %get3A_1625 = arith.constant 32 : index
        %get3A_1626 = tpu.vector_load %arg9[%get3A_1624, %get3A_1625] {strides = array<i32>} : memref<800x64xf32, #tpu.memory_space<vmem>>, vector<16xf32>,
        %add3A_1627 = arith.addf %add3A_1603, %get3A_1626 : vector<16xf32>
        %add3A_1628 = arith.constant 33 : i32
        %add3A_1629 = arith.addi %add3A_830, %add3A_1628 : i32
        %get3A_1630 = arith.index_cast %add3A_1629 : i32 to index
        %get3A_1631 = arith.constant 48 : index
        %get3A_1632 = tpu.vector_load %arg9[%get3A_1630, %get3A_1631] {strides = array<i32>} : memref<800x64xf32, #tpu.memory_space<vmem>>, vector<16xf32>,
        %add3A_1633 = arith.addf %add3A_1609, %get3A_1632 : vector<16xf32>
        %add3A_1634 = arith.constant 34 : i32
        %add3A_1635 = arith.addi %add3A_830, %add3A_1634 : i32
        %get3A_1636 = arith.index_cast %add3A_1635 : i32 to index
        %get3A_1637 = arith.constant 0 : index
        %get3A_1638 = tpu.vector_load %arg9[%get3A_1636, %get3A_1637] {strides = array<i32>} : memref<800x64xf32, #tpu.memory_space<vmem>>, vector<16xf32>,
        %add3A_1639 = arith.addf %add3A_1615, %get3A_1638 : vector<16xf32>
        %add3A_1640 = arith.constant 34 : i32
        %add3A_1641 = arith.addi %add3A_830, %add3A_1640 : i32
        %get3A_1642 = arith.index_cast %add3A_1641 : i32 to index
        %get3A_1643 = arith.constant 16 : index
        %get3A_1644 = tpu.vector_load %arg9[%get3A_1642, %get3A_1643] {strides = array<i32>} : memref<800x64xf32, #tpu.memory_space<vmem>>, vector<16xf32>,
        %add3A_1645 = arith.addf %add3A_1621, %get3A_1644 : vector<16xf32>
        %add3A_1646 = arith.constant 34 : i32
        %add3A_1647 = arith.addi %add3A_830, %add3A_1646 : i32
        %get3A_1648 = arith.index_cast %add3A_1647 : i32 to index
        %get3A_1649 = arith.constant 32 : index
        %get3A_1650 = tpu.vector_load %arg9[%get3A_1648, %get3A_1649] {strides = array<i32>} : memref<800x64xf32, #tpu.memory_space<vmem>>, vector<16xf32>,
        %add3A_1651 = arith.addf %add3A_1627, %get3A_1650 : vector<16xf32>
        %add3A_1652 = arith.constant 34 : i32
        %add3A_1653 = arith.addi %add3A_830, %add3A_1652 : i32
        %get3A_1654 = arith.index_cast %add3A_1653 : i32 to index
        %get3A_1655 = arith.constant 48 : index
        %get3A_1656 = tpu.vector_load %arg9[%get3A_1654, %get3A_1655] {strides = array<i32>} : memref<800x64xf32, #tpu.memory_space<vmem>>, vector<16xf32>,
        %add3A_1657 = arith.addf %add3A_1633, %get3A_1656 : vector<16xf32>
        %add3A_1658 = arith.constant 35 : i32
        %add3A_1659 = arith.addi %add3A_830, %add3A_1658 : i32
        %get3A_1660 = arith.index_cast %add3A_1659 : i32 to index
        %get3A_1661 = arith.constant 0 : index
        %get3A_1662 = tpu.vector_load %arg9[%get3A_1660, %get3A_1661] {strides = array<i32>} : memref<800x64xf32, #tpu.memory_space<vmem>>, vector<16xf32>,
        %add3A_1663 = arith.addf %add3A_1639, %get3A_1662 : vector<16xf32>
        %add3A_1664 = arith.constant 35 : i32
        %add3A_1665 = arith.addi %add3A_830, %add3A_1664 : i32
        %get3A_1666 = arith.index_cast %add3A_1665 : i32 to index
        %get3A_1667 = arith.constant 16 : index
        %get3A_1668 = tpu.vector_load %arg9[%get3A_1666, %get3A_1667] {strides = array<i32>} : memref<800x64xf32, #tpu.memory_space<vmem>>, vector<16xf32>,
        %add3A_1669 = arith.addf %add3A_1645, %get3A_1668 : vector<16xf32>
        %add3A_1670 = arith.constant 35 : i32
        %add3A_1671 = arith.addi %add3A_830, %add3A_1670 : i32
        %get3A_1672 = arith.index_cast %add3A_1671 : i32 to index
        %get3A_1673 = arith.constant 32 : index
        %get3A_1674 = tpu.vector_load %arg9[%get3A_1672, %get3A_1673] {strides = array<i32>} : memref<800x64xf32, #tpu.memory_space<vmem>>, vector<16xf32>,
        %add3A_1675 = arith.addf %add3A_1651, %get3A_1674 : vector<16xf32>
        %add3A_1676 = arith.constant 35 : i32
        %add3A_1677 = arith.addi %add3A_830, %add3A_1676 : i32
        %get3A_1678 = arith.index_cast %add3A_1677 : i32 to index
        %get3A_1679 = arith.constant 48 : index
        %get3A_1680 = tpu.vector_load %arg9[%get3A_1678, %get3A_1679] {strides = array<i32>} : memref<800x64xf32, #tpu.memory_space<vmem>>, vector<16xf32>,
        %add3A_1681 = arith.addf %add3A_1657, %get3A_1680 : vector<16xf32>
        %add3A_1682 = arith.constant 36 : i32
        %add3A_1683 = arith.addi %add3A_830, %add3A_1682 : i32
        %get3A_1684 = arith.index_cast %add3A_1683 : i32 to index
        %get3A_1685 = arith.constant 0 : index
        %get3A_1686 = tpu.vector_load %arg9[%get3A_1684, %get3A_1685] {strides = array<i32>} : memref<800x64xf32, #tpu.memory_space<vmem>>, vector<16xf32>,
        %add3A_1687 = arith.addf %add3A_1663, %get3A_1686 : vector<16xf32>
        %add3A_1688 = arith.constant 36 : i32
        %add3A_1689 = arith.addi %add3A_830, %add3A_1688 : i32
        %get3A_1690 = arith.index_cast %add3A_1689 : i32 to index
        %get3A_1691 = arith.constant 16 : index
        %get3A_1692 = tpu.vector_load %arg9[%get3A_1690, %get3A_1691] {strides = array<i32>} : memref<800x64xf32, #tpu.memory_space<vmem>>, vector<16xf32>,
        %add3A_1693 = arith.addf %add3A_1669, %get3A_1692 : vector<16xf32>
        %add3A_1694 = arith.constant 36 : i32
        %add3A_1695 = arith.addi %add3A_830, %add3A_1694 : i32
        %get3A_1696 = arith.index_cast %add3A_1695 : i32 to index
        %get3A_1697 = arith.constant 32 : index
        %get3A_1698 = tpu.vector_load %arg9[%get3A_1696, %get3A_1697] {strides = array<i32>} : memref<800x64xf32, #tpu.memory_space<vmem>>, vector<16xf32>,
        %add3A_1699 = arith.addf %add3A_1675, %get3A_1698 : vector<16xf32>
        %add3A_1700 = arith.constant 36 : i32
        %add3A_1701 = arith.addi %add3A_830, %add3A_1700 : i32
        %get3A_1702 = arith.index_cast %add3A_1701 : i32 to index
        %get3A_1703 = arith.constant 48 : index
        %get3A_1704 = tpu.vector_load %arg9[%get3A_1702, %get3A_1703] {strides = array<i32>} : memref<800x64xf32, #tpu.memory_space<vmem>>, vector<16xf32>,
        %add3A_1705 = arith.addf %add3A_1681, %get3A_1704 : vector<16xf32>
        %add3A_1706 = arith.constant 37 : i32
        %add3A_1707 = arith.addi %add3A_830, %add3A_1706 : i32
        %get3A_1708 = arith.index_cast %add3A_1707 : i32 to index
        %get3A_1709 = arith.constant 0 : index
        %get3A_1710 = tpu.vector_load %arg9[%get3A_1708, %get3A_1709] {strides = array<i32>} : memref<800x64xf32, #tpu.memory_space<vmem>>, vector<16xf32>,
        %add3A_1711 = arith.addf %add3A_1687, %get3A_1710 : vector<16xf32>
        %add3A_1712 = arith.constant 37 : i32
        %add3A_1713 = arith.addi %add3A_830, %add3A_1712 : i32
        %get3A_1714 = arith.index_cast %add3A_1713 : i32 to index
        %get3A_1715 = arith.constant 16 : index
        %get3A_1716 = tpu.vector_load %arg9[%get3A_1714, %get3A_1715] {strides = array<i32>} : memref<800x64xf32, #tpu.memory_space<vmem>>, vector<16xf32>,
        %add3A_1717 = arith.addf %add3A_1693, %get3A_1716 : vector<16xf32>
        %add3A_1718 = arith.constant 37 : i32
        %add3A_1719 = arith.addi %add3A_830, %add3A_1718 : i32
        %get3A_1720 = arith.index_cast %add3A_1719 : i32 to index
        %get3A_1721 = arith.constant 32 : index
        %get3A_1722 = tpu.vector_load %arg9[%get3A_1720, %get3A_1721] {strides = array<i32>} : memref<800x64xf32, #tpu.memory_space<vmem>>, vector<16xf32>,
        %add3A_1723 = arith.addf %add3A_1699, %get3A_1722 : vector<16xf32>
        %add3A_1724 = arith.constant 37 : i32
        %add3A_1725 = arith.addi %add3A_830, %add3A_1724 : i32
        %get3A_1726 = arith.index_cast %add3A_1725 : i32 to index
        %get3A_1727 = arith.constant 48 : index
        %get3A_1728 = tpu.vector_load %arg9[%get3A_1726, %get3A_1727] {strides = array<i32>} : memref<800x64xf32, #tpu.memory_space<vmem>>, vector<16xf32>,
        %add3A_1729 = arith.addf %add3A_1705, %get3A_1728 : vector<16xf32>
        %add3A_1730 = arith.constant 38 : i32
        %add3A_1731 = arith.addi %add3A_830, %add3A_1730 : i32
        %get3A_1732 = arith.index_cast %add3A_1731 : i32 to index
        %get3A_1733 = arith.constant 0 : index
        %get3A_1734 = tpu.vector_load %arg9[%get3A_1732, %get3A_1733] {strides = array<i32>} : memref<800x64xf32, #tpu.memory_space<vmem>>, vector<16xf32>,
        %add3A_1735 = arith.addf %add3A_1711, %get3A_1734 : vector<16xf32>
        %add3A_1736 = arith.constant 38 : i32
        %add3A_1737 = arith.addi %add3A_830, %add3A_1736 : i32
        %get3A_1738 = arith.index_cast %add3A_1737 : i32 to index
        %get3A_1739 = arith.constant 16 : index
        %get3A_1740 = tpu.vector_load %arg9[%get3A_1738, %get3A_1739] {strides = array<i32>} : memref<800x64xf32, #tpu.memory_space<vmem>>, vector<16xf32>,
        %add3A_1741 = arith.addf %add3A_1717, %get3A_1740 : vector<16xf32>
        %add3A_1742 = arith.constant 38 : i32
        %add3A_1743 = arith.addi %add3A_830, %add3A_1742 : i32
        %get3A_1744 = arith.index_cast %add3A_1743 : i32 to index
        %get3A_1745 = arith.constant 32 : index
        %get3A_1746 = tpu.vector_load %arg9[%get3A_1744, %get3A_1745] {strides = array<i32>} : memref<800x64xf32, #tpu.memory_space<vmem>>, vector<16xf32>,
        %add3A_1747 = arith.addf %add3A_1723, %get3A_1746 : vector<16xf32>
        %add3A_1748 = arith.constant 38 : i32
        %add3A_1749 = arith.addi %add3A_830, %add3A_1748 : i32
        %get3A_1750 = arith.index_cast %add3A_1749 : i32 to index
        %get3A_1751 = arith.constant 48 : index
        %get3A_1752 = tpu.vector_load %arg9[%get3A_1750, %get3A_1751] {strides = array<i32>} : memref<800x64xf32, #tpu.memory_space<vmem>>, vector<16xf32>,
        %add3A_1753 = arith.addf %add3A_1729, %get3A_1752 : vector<16xf32>
        %add3A_1754 = arith.constant 39 : i32
        %add3A_1755 = arith.addi %add3A_830, %add3A_1754 : i32
        %get3A_1756 = arith.index_cast %add3A_1755 : i32 to index
        %get3A_1757 = arith.constant 0 : index
        %get3A_1758 = tpu.vector_load %arg9[%get3A_1756, %get3A_1757] {strides = array<i32>} : memref<800x64xf32, #tpu.memory_space<vmem>>, vector<16xf32>,
        %add3A_1759 = arith.addf %add3A_1735, %get3A_1758 : vector<16xf32>
        %add3A_1760 = arith.constant 39 : i32
        %add3A_1761 = arith.addi %add3A_830, %add3A_1760 : i32
        %get3A_1762 = arith.index_cast %add3A_1761 : i32 to index
        %get3A_1763 = arith.constant 16 : index
        %get3A_1764 = tpu.vector_load %arg9[%get3A_1762, %get3A_1763] {strides = array<i32>} : memref<800x64xf32, #tpu.memory_space<vmem>>, vector<16xf32>,
        %add3A_1765 = arith.addf %add3A_1741, %get3A_1764 : vector<16xf32>
        %add3A_1766 = arith.constant 39 : i32
        %add3A_1767 = arith.addi %add3A_830, %add3A_1766 : i32
        %get3A_1768 = arith.index_cast %add3A_1767 : i32 to index
        %get3A_1769 = arith.constant 32 : index
        %get3A_1770 = tpu.vector_load %arg9[%get3A_1768, %get3A_1769] {strides = array<i32>} : memref<800x64xf32, #tpu.memory_space<vmem>>, vector<16xf32>,
        %add3A_1771 = arith.addf %add3A_1747, %get3A_1770 : vector<16xf32>
        %add3A_1772 = arith.constant 39 : i32
        %add3A_1773 = arith.addi %add3A_830, %add3A_1772 : i32
        %get3A_1774 = arith.index_cast %add3A_1773 : i32 to index
        %get3A_1775 = arith.constant 48 : index
        %get3A_1776 = tpu.vector_load %arg9[%get3A_1774, %get3A_1775] {strides = array<i32>} : memref<800x64xf32, #tpu.memory_space<vmem>>, vector<16xf32>,
        %add3A_1777 = arith.addf %add3A_1753, %get3A_1776 : vector<16xf32>
        %add3A_1778 = arith.constant 40 : i32
        %add3A_1779 = arith.addi %add3A_830, %add3A_1778 : i32
        %get3A_1780 = arith.index_cast %add3A_1779 : i32 to index
        %get3A_1781 = arith.constant 0 : index
        %get3A_1782 = tpu.vector_load %arg9[%get3A_1780, %get3A_1781] {strides = array<i32>} : memref<800x64xf32, #tpu.memory_space<vmem>>, vector<16xf32>,
        %add3A_1783 = arith.addf %add3A_1759, %get3A_1782 : vector<16xf32>
        %add3A_1784 = arith.constant 40 : i32
        %add3A_1785 = arith.addi %add3A_830, %add3A_1784 : i32
        %get3A_1786 = arith.index_cast %add3A_1785 : i32 to index
        %get3A_1787 = arith.constant 16 : index
        %get3A_1788 = tpu.vector_load %arg9[%get3A_1786, %get3A_1787] {strides = array<i32>} : memref<800x64xf32, #tpu.memory_space<vmem>>, vector<16xf32>,
        %add3A_1789 = arith.addf %add3A_1765, %get3A_1788 : vector<16xf32>
        %add3A_1790 = arith.constant 40 : i32
        %add3A_1791 = arith.addi %add3A_830, %add3A_1790 : i32
        %get3A_1792 = arith.index_cast %add3A_1791 : i32 to index
        %get3A_1793 = arith.constant 32 : index
        %get3A_1794 = tpu.vector_load %arg9[%get3A_1792, %get3A_1793] {strides = array<i32>} : memref<800x64xf32, #tpu.memory_space<vmem>>, vector<16xf32>,
        %add3A_1795 = arith.addf %add3A_1771, %get3A_1794 : vector<16xf32>
        %add3A_1796 = arith.constant 40 : i32
        %add3A_1797 = arith.addi %add3A_830, %add3A_1796 : i32
        %get3A_1798 = arith.index_cast %add3A_1797 : i32 to index
        %get3A_1799 = arith.constant 48 : index
        %get3A_1800 = tpu.vector_load %arg9[%get3A_1798, %get3A_1799] {strides = array<i32>} : memref<800x64xf32, #tpu.memory_space<vmem>>, vector<16xf32>,
        %add3A_1801 = arith.addf %add3A_1777, %get3A_1800 : vector<16xf32>
        %add3A_1802 = arith.constant 41 : i32
        %add3A_1803 = arith.addi %add3A_830, %add3A_1802 : i32
        %get3A_1804 = arith.index_cast %add3A_1803 : i32 to index
        %get3A_1805 = arith.constant 0 : index
        %get3A_1806 = tpu.vector_load %arg9[%get3A_1804, %get3A_1805] {strides = array<i32>} : memref<800x64xf32, #tpu.memory_space<vmem>>, vector<16xf32>,
        %add3A_1807 = arith.addf %add3A_1783, %get3A_1806 : vector<16xf32>
        %add3A_1808 = arith.constant 41 : i32
        %add3A_1809 = arith.addi %add3A_830, %add3A_1808 : i32
        %get3A_1810 = arith.index_cast %add3A_1809 : i32 to index
        %get3A_1811 = arith.constant 16 : index
        %get3A_1812 = tpu.vector_load %arg9[%get3A_1810, %get3A_1811] {strides = array<i32>} : memref<800x64xf32, #tpu.memory_space<vmem>>, vector<16xf32>,
        %add3A_1813 = arith.addf %add3A_1789, %get3A_1812 : vector<16xf32>
        %add3A_1814 = arith.constant 41 : i32
        %add3A_1815 = arith.addi %add3A_830, %add3A_1814 : i32
        %get3A_1816 = arith.index_cast %add3A_1815 : i32 to index
        %get3A_1817 = arith.constant 32 : index
        %get3A_1818 = tpu.vector_load %arg9[%get3A_1816, %get3A_1817] {strides = array<i32>} : memref<800x64xf32, #tpu.memory_space<vmem>>, vector<16xf32>,
        %add3A_1819 = arith.addf %add3A_1795, %get3A_1818 : vector<16xf32>
        %add3A_1820 = arith.constant 41 : i32
        %add3A_1821 = arith.addi %add3A_830, %add3A_1820 : i32
        %get3A_1822 = arith.index_cast %add3A_1821 : i32 to index
        %get3A_1823 = arith.constant 48 : index
        %get3A_1824 = tpu.vector_load %arg9[%get3A_1822, %get3A_1823] {strides = array<i32>} : memref<800x64xf32, #tpu.memory_space<vmem>>, vector<16xf32>,
        %add3A_1825 = arith.addf %add3A_1801, %get3A_1824 : vector<16xf32>
        %add3A_1826 = arith.constant 42 : i32
        %add3A_1827 = arith.addi %add3A_830, %add3A_1826 : i32
        %get3A_1828 = arith.index_cast %add3A_1827 : i32 to index
        %get3A_1829 = arith.constant 0 : index
        %get3A_1830 = tpu.vector_load %arg9[%get3A_1828, %get3A_1829] {strides = array<i32>} : memref<800x64xf32, #tpu.memory_space<vmem>>, vector<16xf32>,
        %add3A_1831 = arith.addf %add3A_1807, %get3A_1830 : vector<16xf32>
        %add3A_1832 = arith.constant 42 : i32
        %add3A_1833 = arith.addi %add3A_830, %add3A_1832 : i32
        %get3A_1834 = arith.index_cast %add3A_1833 : i32 to index
        %get3A_1835 = arith.constant 16 : index
        %get3A_1836 = tpu.vector_load %arg9[%get3A_1834, %get3A_1835] {strides = array<i32>} : memref<800x64xf32, #tpu.memory_space<vmem>>, vector<16xf32>,
        %add3A_1837 = arith.addf %add3A_1813, %get3A_1836 : vector<16xf32>
        %add3A_1838 = arith.constant 42 : i32
        %add3A_1839 = arith.addi %add3A_830, %add3A_1838 : i32
        %get3A_1840 = arith.index_cast %add3A_1839 : i32 to index
        %get3A_1841 = arith.constant 32 : index
        %get3A_1842 = tpu.vector_load %arg9[%get3A_1840, %get3A_1841] {strides = array<i32>} : memref<800x64xf32, #tpu.memory_space<vmem>>, vector<16xf32>,
        %add3A_1843 = arith.addf %add3A_1819, %get3A_1842 : vector<16xf32>
        %add3A_1844 = arith.constant 42 : i32
        %add3A_1845 = arith.addi %add3A_830, %add3A_1844 : i32
        %get3A_1846 = arith.index_cast %add3A_1845 : i32 to index
        %get3A_1847 = arith.constant 48 : index
        %get3A_1848 = tpu.vector_load %arg9[%get3A_1846, %get3A_1847] {strides = array<i32>} : memref<800x64xf32, #tpu.memory_space<vmem>>, vector<16xf32>,
        %add3A_1849 = arith.addf %add3A_1825, %get3A_1848 : vector<16xf32>
        %add3A_1850 = arith.constant 43 : i32
        %add3A_1851 = arith.addi %add3A_830, %add3A_1850 : i32
        %get3A_1852 = arith.index_cast %add3A_1851 : i32 to index
        %get3A_1853 = arith.constant 0 : index
        %get3A_1854 = tpu.vector_load %arg9[%get3A_1852, %get3A_1853] {strides = array<i32>} : memref<800x64xf32, #tpu.memory_space<vmem>>, vector<16xf32>,
        %add3A_1855 = arith.addf %add3A_1831, %get3A_1854 : vector<16xf32>
        %add3A_1856 = arith.constant 43 : i32
        %add3A_1857 = arith.addi %add3A_830, %add3A_1856 : i32
        %get3A_1858 = arith.index_cast %add3A_1857 : i32 to index
        %get3A_1859 = arith.constant 16 : index
        %get3A_1860 = tpu.vector_load %arg9[%get3A_1858, %get3A_1859] {strides = array<i32>} : memref<800x64xf32, #tpu.memory_space<vmem>>, vector<16xf32>,
        %add3A_1861 = arith.addf %add3A_1837, %get3A_1860 : vector<16xf32>
        %add3A_1862 = arith.constant 43 : i32
        %add3A_1863 = arith.addi %add3A_830, %add3A_1862 : i32
        %get3A_1864 = arith.index_cast %add3A_1863 : i32 to index
        %get3A_1865 = arith.constant 32 : index
        %get3A_1866 = tpu.vector_load %arg9[%get3A_1864, %get3A_1865] {strides = array<i32>} : memref<800x64xf32, #tpu.memory_space<vmem>>, vector<16xf32>,
        %add3A_1867 = arith.addf %add3A_1843, %get3A_1866 : vector<16xf32>
        %add3A_1868 = arith.constant 43 : i32
        %add3A_1869 = arith.addi %add3A_830, %add3A_1868 : i32
        %get3A_1870 = arith.index_cast %add3A_1869 : i32 to index
        %get3A_1871 = arith.constant 48 : index
        %get3A_1872 = tpu.vector_load %arg9[%get3A_1870, %get3A_1871] {strides = array<i32>} : memref<800x64xf32, #tpu.memory_space<vmem>>, vector<16xf32>,
        %add3A_1873 = arith.addf %add3A_1849, %get3A_1872 : vector<16xf32>
        %add3A_1874 = arith.constant 44 : i32
        %add3A_1875 = arith.addi %add3A_830, %add3A_1874 : i32
        %get3A_1876 = arith.index_cast %add3A_1875 : i32 to index
        %get3A_1877 = arith.constant 0 : index
        %get3A_1878 = tpu.vector_load %arg9[%get3A_1876, %get3A_1877] {strides = array<i32>} : memref<800x64xf32, #tpu.memory_space<vmem>>, vector<16xf32>,
        %add3A_1879 = arith.addf %add3A_1855, %get3A_1878 : vector<16xf32>
        %add3A_1880 = arith.constant 44 : i32
        %add3A_1881 = arith.addi %add3A_830, %add3A_1880 : i32
        %get3A_1882 = arith.index_cast %add3A_1881 : i32 to index
        %get3A_1883 = arith.constant 16 : index
        %get3A_1884 = tpu.vector_load %arg9[%get3A_1882, %get3A_1883] {strides = array<i32>} : memref<800x64xf32, #tpu.memory_space<vmem>>, vector<16xf32>,
        %add3A_1885 = arith.addf %add3A_1861, %get3A_1884 : vector<16xf32>
        %add3A_1886 = arith.constant 44 : i32
        %add3A_1887 = arith.addi %add3A_830, %add3A_1886 : i32
        %get3A_1888 = arith.index_cast %add3A_1887 : i32 to index
        %get3A_1889 = arith.constant 32 : index
        %get3A_1890 = tpu.vector_load %arg9[%get3A_1888, %get3A_1889] {strides = array<i32>} : memref<800x64xf32, #tpu.memory_space<vmem>>, vector<16xf32>,
        %add3A_1891 = arith.addf %add3A_1867, %get3A_1890 : vector<16xf32>
        %add3A_1892 = arith.constant 44 : i32
        %add3A_1893 = arith.addi %add3A_830, %add3A_1892 : i32
        %get3A_1894 = arith.index_cast %add3A_1893 : i32 to index
        %get3A_1895 = arith.constant 48 : index
        %get3A_1896 = tpu.vector_load %arg9[%get3A_1894, %get3A_1895] {strides = array<i32>} : memref<800x64xf32, #tpu.memory_space<vmem>>, vector<16xf32>,
        %add3A_1897 = arith.addf %add3A_1873, %get3A_1896 : vector<16xf32>
        %add3A_1898 = arith.constant 45 : i32
        %add3A_1899 = arith.addi %add3A_830, %add3A_1898 : i32
        %get3A_1900 = arith.index_cast %add3A_1899 : i32 to index
        %get3A_1901 = arith.constant 0 : index
        %get3A_1902 = tpu.vector_load %arg9[%get3A_1900, %get3A_1901] {strides = array<i32>} : memref<800x64xf32, #tpu.memory_space<vmem>>, vector<16xf32>,
        %add3A_1903 = arith.addf %add3A_1879, %get3A_1902 : vector<16xf32>
        %add3A_1904 = arith.constant 45 : i32
        %add3A_1905 = arith.addi %add3A_830, %add3A_1904 : i32
        %get3A_1906 = arith.index_cast %add3A_1905 : i32 to index
        %get3A_1907 = arith.constant 16 : index
        %get3A_1908 = tpu.vector_load %arg9[%get3A_1906, %get3A_1907] {strides = array<i32>} : memref<800x64xf32, #tpu.memory_space<vmem>>, vector<16xf32>,
        %add3A_1909 = arith.addf %add3A_1885, %get3A_1908 : vector<16xf32>
        %add3A_1910 = arith.constant 45 : i32
        %add3A_1911 = arith.addi %add3A_830, %add3A_1910 : i32
        %get3A_1912 = arith.index_cast %add3A_1911 : i32 to index
        %get3A_1913 = arith.constant 32 : index
        %get3A_1914 = tpu.vector_load %arg9[%get3A_1912, %get3A_1913] {strides = array<i32>} : memref<800x64xf32, #tpu.memory_space<vmem>>, vector<16xf32>,
        %add3A_1915 = arith.addf %add3A_1891, %get3A_1914 : vector<16xf32>
        %add3A_1916 = arith.constant 45 : i32
        %add3A_1917 = arith.addi %add3A_830, %add3A_1916 : i32
        %get3A_1918 = arith.index_cast %add3A_1917 : i32 to index
        %get3A_1919 = arith.constant 48 : index
        %get3A_1920 = tpu.vector_load %arg9[%get3A_1918, %get3A_1919] {strides = array<i32>} : memref<800x64xf32, #tpu.memory_space<vmem>>, vector<16xf32>,
        %add3A_1921 = arith.addf %add3A_1897, %get3A_1920 : vector<16xf32>
        %add3A_1922 = arith.constant 46 : i32
        %add3A_1923 = arith.addi %add3A_830, %add3A_1922 : i32
        %get3A_1924 = arith.index_cast %add3A_1923 : i32 to index
        %get3A_1925 = arith.constant 0 : index
        %get3A_1926 = tpu.vector_load %arg9[%get3A_1924, %get3A_1925] {strides = array<i32>} : memref<800x64xf32, #tpu.memory_space<vmem>>, vector<16xf32>,
        %add3A_1927 = arith.addf %add3A_1903, %get3A_1926 : vector<16xf32>
        %add3A_1928 = arith.constant 46 : i32
        %add3A_1929 = arith.addi %add3A_830, %add3A_1928 : i32
        %get3A_1930 = arith.index_cast %add3A_1929 : i32 to index
        %get3A_1931 = arith.constant 16 : index
        %get3A_1932 = tpu.vector_load %arg9[%get3A_1930, %get3A_1931] {strides = array<i32>} : memref<800x64xf32, #tpu.memory_space<vmem>>, vector<16xf32>,
        %add3A_1933 = arith.addf %add3A_1909, %get3A_1932 : vector<16xf32>
        %add3A_1934 = arith.constant 46 : i32
        %add3A_1935 = arith.addi %add3A_830, %add3A_1934 : i32
        %get3A_1936 = arith.index_cast %add3A_1935 : i32 to index
        %get3A_1937 = arith.constant 32 : index
        %get3A_1938 = tpu.vector_load %arg9[%get3A_1936, %get3A_1937] {strides = array<i32>} : memref<800x64xf32, #tpu.memory_space<vmem>>, vector<16xf32>,
        %add3A_1939 = arith.addf %add3A_1915, %get3A_1938 : vector<16xf32>
        %add3A_1940 = arith.constant 46 : i32
        %add3A_1941 = arith.addi %add3A_830, %add3A_1940 : i32
        %get3A_1942 = arith.index_cast %add3A_1941 : i32 to index
        %get3A_1943 = arith.constant 48 : index
        %get3A_1944 = tpu.vector_load %arg9[%get3A_1942, %get3A_1943] {strides = array<i32>} : memref<800x64xf32, #tpu.memory_space<vmem>>, vector<16xf32>,
        %add3A_1945 = arith.addf %add3A_1921, %get3A_1944 : vector<16xf32>
        %add3A_1946 = arith.constant 47 : i32
        %add3A_1947 = arith.addi %add3A_830, %add3A_1946 : i32
        %get3A_1948 = arith.index_cast %add3A_1947 : i32 to index
        %get3A_1949 = arith.constant 0 : index
        %get3A_1950 = tpu.vector_load %arg9[%get3A_1948, %get3A_1949] {strides = array<i32>} : memref<800x64xf32, #tpu.memory_space<vmem>>, vector<16xf32>,
        %add3A_1951 = arith.addf %add3A_1927, %get3A_1950 : vector<16xf32>
        %add3A_1952 = arith.constant 47 : i32
        %add3A_1953 = arith.addi %add3A_830, %add3A_1952 : i32
        %get3A_1954 = arith.index_cast %add3A_1953 : i32 to index
        %get3A_1955 = arith.constant 16 : index
        %get3A_1956 = tpu.vector_load %arg9[%get3A_1954, %get3A_1955] {strides = array<i32>} : memref<800x64xf32, #tpu.memory_space<vmem>>, vector<16xf32>,
        %add3A_1957 = arith.addf %add3A_1933, %get3A_1956 : vector<16xf32>
        %add3A_1958 = arith.constant 47 : i32
        %add3A_1959 = arith.addi %add3A_830, %add3A_1958 : i32
        %get3A_1960 = arith.index_cast %add3A_1959 : i32 to index
        %get3A_1961 = arith.constant 32 : index
        %get3A_1962 = tpu.vector_load %arg9[%get3A_1960, %get3A_1961] {strides = array<i32>} : memref<800x64xf32, #tpu.memory_space<vmem>>, vector<16xf32>,
        %add3A_1963 = arith.addf %add3A_1939, %get3A_1962 : vector<16xf32>
        %add3A_1964 = arith.constant 47 : i32
        %add3A_1965 = arith.addi %add3A_830, %add3A_1964 : i32
        %get3A_1966 = arith.index_cast %add3A_1965 : i32 to index
        %get3A_1967 = arith.constant 48 : index
        %get3A_1968 = tpu.vector_load %arg9[%get3A_1966, %get3A_1967] {strides = array<i32>} : memref<800x64xf32, #tpu.memory_space<vmem>>, vector<16xf32>,
        %add3A_1969 = arith.addf %add3A_1945, %get3A_1968 : vector<16xf32>
        %add3A_1970 = arith.constant 48 : i32
        %add3A_1971 = arith.addi %add3A_830, %add3A_1970 : i32
        %get3A_1972 = arith.index_cast %add3A_1971 : i32 to index
        %get3A_1973 = arith.constant 0 : index
        %get3A_1974 = tpu.vector_load %arg9[%get3A_1972, %get3A_1973] {strides = array<i32>} : memref<800x64xf32, #tpu.memory_space<vmem>>, vector<16xf32>,
        %add3A_1975 = arith.addf %add3A_1951, %get3A_1974 : vector<16xf32>
        %add3A_1976 = arith.constant 48 : i32
        %add3A_1977 = arith.addi %add3A_830, %add3A_1976 : i32
        %get3A_1978 = arith.index_cast %add3A_1977 : i32 to index
        %get3A_1979 = arith.constant 16 : index
        %get3A_1980 = tpu.vector_load %arg9[%get3A_1978, %get3A_1979] {strides = array<i32>} : memref<800x64xf32, #tpu.memory_space<vmem>>, vector<16xf32>,
        %add3A_1981 = arith.addf %add3A_1957, %get3A_1980 : vector<16xf32>
        %add3A_1982 = arith.constant 48 : i32
        %add3A_1983 = arith.addi %add3A_830, %add3A_1982 : i32
        %get3A_1984 = arith.index_cast %add3A_1983 : i32 to index
        %get3A_1985 = arith.constant 32 : index
        %get3A_1986 = tpu.vector_load %arg9[%get3A_1984, %get3A_1985] {strides = array<i32>} : memref<800x64xf32, #tpu.memory_space<vmem>>, vector<16xf32>,
        %add3A_1987 = arith.addf %add3A_1963, %get3A_1986 : vector<16xf32>
        %add3A_1988 = arith.constant 48 : i32
        %add3A_1989 = arith.addi %add3A_830, %add3A_1988 : i32
        %get3A_1990 = arith.index_cast %add3A_1989 : i32 to index
        %get3A_1991 = arith.constant 48 : index
        %get3A_1992 = tpu.vector_load %arg9[%get3A_1990, %get3A_1991] {strides = array<i32>} : memref<800x64xf32, #tpu.memory_space<vmem>>, vector<16xf32>,
        %add3A_1993 = arith.addf %add3A_1969, %get3A_1992 : vector<16xf32>
        %add3A_1994 = arith.constant 49 : i32
        %add3A_1995 = arith.addi %add3A_830, %add3A_1994 : i32
        %get3A_1996 = arith.index_cast %add3A_1995 : i32 to index
        %get3A_1997 = arith.constant 0 : index
        %get3A_1998 = tpu.vector_load %arg9[%get3A_1996, %get3A_1997] {strides = array<i32>} : memref<800x64xf32, #tpu.memory_space<vmem>>, vector<16xf32>,
        %add3A_1999 = arith.addf %add3A_1975, %get3A_1998 : vector<16xf32>
        %add3A_2000 = arith.constant 49 : i32
        %add3A_2001 = arith.addi %add3A_830, %add3A_2000 : i32
        %get3A_2002 = arith.index_cast %add3A_2001 : i32 to index
        %get3A_2003 = arith.constant 16 : index
        %get3A_2004 = tpu.vector_load %arg9[%get3A_2002, %get3A_2003] {strides = array<i32>} : memref<800x64xf32, #tpu.memory_space<vmem>>, vector<16xf32>,
        %add3A_2005 = arith.addf %add3A_1981, %get3A_2004 : vector<16xf32>
        %add3A_2006 = arith.constant 49 : i32
        %add3A_2007 = arith.addi %add3A_830, %add3A_2006 : i32
        %get3A_2008 = arith.index_cast %add3A_2007 : i32 to index
        %get3A_2009 = arith.constant 32 : index
        %get3A_2010 = tpu.vector_load %arg9[%get3A_2008, %get3A_2009] {strides = array<i32>} : memref<800x64xf32, #tpu.memory_space<vmem>>, vector<16xf32>,
        %add3A_2011 = arith.addf %add3A_1987, %get3A_2010 : vector<16xf32>
        %add3A_2012 = arith.constant 49 : i32
        %add3A_2013 = arith.addi %add3A_830, %add3A_2012 : i32
        %get3A_2014 = arith.index_cast %add3A_2013 : i32 to index
        %get3A_2015 = arith.constant 48 : index
        %get3A_2016 = tpu.vector_load %arg9[%get3A_2014, %get3A_2015] {strides = array<i32>} : memref<800x64xf32, #tpu.memory_space<vmem>>, vector<16xf32>,
        %add3A_2017 = arith.addf %add3A_1993, %get3A_2016 : vector<16xf32>
        %mul3A_2018 = arith.constant 16 : i32
        %mul3A_2019 = arith.muli %mul3A_2018, %scan3A_704 : i32
        %add3A_2020 = arith.constant 0 : i32
        %add3A_2021 = arith.addi %mul3A_2019, %add3A_2020 : i32
        %add3A_2022 = arith.addi %add3A_2021, %scan3A_826 : i32
        %broadcast_in_dim3A_2023 = arith.constant 0 : i32
        %broadcast_in_dim3A_2024 = vector.broadcast %broadcast_in_dim3A_2023 : i32 to vector<16xi32>
        %add3A_2025 = vector.broadcast %add3A_2022 : i32 to vector<16xi32>
        %add3A_2026 = arith.addi %broadcast_in_dim3A_2024, %add3A_2025 : vector<16xi32>
        %gather3A = tpu.vector_load_idx %arg8[%add3A_2026] : memref<512xf32, #tpu.memory_space<vmem>>[vector<16xi32>], vector<16xf32>,
        %mul3A_2027 = arith.mulf %add3A_1999, %gather3A : vector<16xf32>
        %swap3A_2028 = arith.index_cast %add3A_2022 : i32 to index
        %swap3A_2029 = arith.constant 0 : index
        %swap3A_2030 = tpu.vector_load %arg10[%swap3A_2028, %swap3A_2029] {strides = array<i32>} : memref<512x64xf32, #tpu.memory_space<vmem>>, vector<16xf32>,
        tpu.vector_store %arg10[%swap3A_2028, %swap3A_2029], %mul3A_2027 {strides = array<i32>} : memref<512x64xf32, #tpu.memory_space<vmem>>, vector<16xf32>,
        %mul3A_2031 = arith.mulf %add3A_2005, %gather3A : vector<16xf32>
        %swap3A_2032 = arith.index_cast %add3A_2022 : i32 to index
        %swap3A_2033 = arith.constant 16 : index
        %swap3A_2034 = tpu.vector_load %arg10[%swap3A_2032, %swap3A_2033] {strides = array<i32>} : memref<512x64xf32, #tpu.memory_space<vmem>>, vector<16xf32>,
        tpu.vector_store %arg10[%swap3A_2032, %swap3A_2033], %mul3A_2031 {strides = array<i32>} : memref<512x64xf32, #tpu.memory_space<vmem>>, vector<16xf32>,
        %mul3A_2035 = arith.mulf %add3A_2011, %gather3A : vector<16xf32>
        %swap3A_2036 = arith.index_cast %add3A_2022 : i32 to index
        %swap3A_2037 = arith.constant 32 : index
        %swap3A_2038 = tpu.vector_load %arg10[%swap3A_2036, %swap3A_2037] {strides = array<i32>} : memref<512x64xf32, #tpu.memory_space<vmem>>, vector<16xf32>,
        tpu.vector_store %arg10[%swap3A_2036, %swap3A_2037], %mul3A_2035 {strides = array<i32>} : memref<512x64xf32, #tpu.memory_space<vmem>>, vector<16xf32>,
        %mul3A_2039 = arith.mulf %add3A_2017, %gather3A : vector<16xf32>
        %swap3A_2040 = arith.index_cast %add3A_2022 : i32 to index
        %swap3A_2041 = arith.constant 48 : index
        %swap3A_2042 = tpu.vector_load %arg10[%swap3A_2040, %swap3A_2041] {strides = array<i32>} : memref<512x64xf32, #tpu.memory_space<vmem>>, vector<16xf32>,
        tpu.vector_store %arg10[%swap3A_2040, %swap3A_2041], %mul3A_2039 {strides = array<i32>} : memref<512x64xf32, #tpu.memory_space<vmem>>, vector<16xf32>,
      }
      %scan3A_759 = arith.constant 8 : i32
      %add3A_760 = arith.constant 1 : i32
      %add3A_761 = arith.addi %scan3A_704, %add3A_760 : i32
      %lt3A = arith.constant 32 : i32
      %lt3A_762 = arith.cmpi slt, %add3A_761, %lt3A : i32
      %convert_element_type3A = arith.extui %lt3A_762 : i1 to i32
      %cond3A = arith.constant 0 : i32
      %cond3A_763 = arith.cmpi ne, %convert_element_type3A, %cond3A : i32
      scf.if %cond3A_763 {
        %add3A_826 = arith.constant 1 : i32
        %add3A_827 = arith.addi %scan3A_704, %add3A_826 : i32
        %mul3A_828 = arith.constant 800 : i32
        %mul3A_829 = arith.muli %mul3A_828, %add3A_827 : i32
        %add3A_830 = arith.constant 0 : i32
        %add3A_831 = arith.addi %mul3A_829, %add3A_830 : i32
        %multiple_of3A_832 = tpu.assume_multiple %add3A_831, 8 : i32
        %add3A_833 = arith.constant 0 : i32
        %add3A_834 = arith.addi %multiple_of3A_832, %add3A_833 : i32
        %add3A_835 = arith.constant 0 : i32
        %add3A_836 = arith.addi %add3A_834, %add3A_835 : i32
        %add3A_837 = arith.constant 0 : i32
        %add3A_838 = arith.addi %multiple_of3A_832, %add3A_837 : i32
        %add3A_839 = arith.constant 104 : i32
        %add3A_840 = arith.addi %add3A_838, %add3A_839 : i32
        %add3A_841 = arith.constant 200 : i32
        %add3A_842 = arith.addi %multiple_of3A_832, %add3A_841 : i32
        %add3A_843 = arith.constant 0 : i32
        %add3A_844 = arith.addi %add3A_842, %add3A_843 : i32
        %add3A_845 = arith.constant 200 : i32
        %add3A_846 = arith.addi %multiple_of3A_832, %add3A_845 : i32
        %add3A_847 = arith.constant 104 : i32
        %add3A_848 = arith.addi %add3A_846, %add3A_847 : i32
        %dma_start3A_849 = arith.constant 0 : i32
        %dma_start3A_850 = arith.constant 0 : i32
        %dma_start3A_851 = tpu.memref_slice %arg9[%dma_start3A_849, %dma_start3A_850] : memref<800x64xf32, #tpu.memory_space<vmem>> -> memref<104x64xf32, #tpu.memory_space<vmem>>
        %dma_start3A_852 = tpu.memref_slice %arg7[%add3A_836] : memref<25600xi32, #tpu.memory_space<vmem>> -> memref<104xi32, #tpu.memory_space<vmem>>
        %dma_start3A_853 = arith.constant 0 : i32
        %dma_start3A_854 = arith.constant 0 : i32
        %dma_start3A_855 = tpu.memref_slice %arg3[%dma_start3A_853, %dma_start3A_854] : memref<1000000x64xf32, #tpu.memory_space<hbm>> -> memref<1000000x64xf32, #tpu.memory_space<hbm>>
        tpu.enqueue_indirect_dma source(%dma_start3A_855 : memref<1000000x64xf32, #tpu.memory_space<hbm>>) target(%dma_start3A_851 : memref<104x64xf32, #tpu.memory_space<vmem>>) offsets(%dma_start3A_852 : memref<104xi32, #tpu.memory_space<vmem>>) semaphore(%arg13 : memref<!tpu.dma_semaphore, #tpu.memory_space<semaphore_mem>>)
        %dma_start3A_856 = arith.constant 104 : i32
        %dma_start3A_857 = arith.constant 0 : i32
        %dma_start3A_858 = tpu.memref_slice %arg9[%dma_start3A_856, %dma_start3A_857] : memref<800x64xf32, #tpu.memory_space<vmem>> -> memref<96x64xf32, #tpu.memory_space<vmem>>
        %dma_start3A_859 = tpu.memref_slice %arg7[%add3A_840] : memref<25600xi32, #tpu.memory_space<vmem>> -> memref<96xi32, #tpu.memory_space<vmem>>
        %dma_start3A_860 = arith.constant 0 : i32
        %dma_start3A_861 = arith.constant 0 : i32
        %dma_start3A_862 = tpu.memref_slice %arg3[%dma_start3A_860, %dma_start3A_861] : memref<1000000x64xf32, #tpu.memory_space<hbm>> -> memref<1000000x64xf32, #tpu.memory_space<hbm>>
        tpu.enqueue_indirect_dma source(%dma_start3A_862 : memref<1000000x64xf32, #tpu.memory_space<hbm>>) target(%dma_start3A_858 : memref<96x64xf32, #tpu.memory_space<vmem>>) offsets(%dma_start3A_859 : memref<96xi32, #tpu.memory_space<vmem>>) semaphore(%arg13 : memref<!tpu.dma_semaphore, #tpu.memory_space<semaphore_mem>>)
        %dma_start3A_863 = arith.constant 200 : i32
        %dma_start3A_864 = arith.constant 0 : i32
        %dma_start3A_865 = tpu.memref_slice %arg9[%dma_start3A_863, %dma_start3A_864] : memref<800x64xf32, #tpu.memory_space<vmem>> -> memref<104x64xf32, #tpu.memory_space<vmem>>
        %dma_start3A_866 = tpu.memref_slice %arg7[%add3A_844] : memref<25600xi32, #tpu.memory_space<vmem>> -> memref<104xi32, #tpu.memory_space<vmem>>
        %dma_start3A_867 = arith.constant 0 : i32
        %dma_start3A_868 = arith.constant 0 : i32
        %dma_start3A_869 = tpu.memref_slice %arg3[%dma_start3A_867, %dma_start3A_868] : memref<1000000x64xf32, #tpu.memory_space<hbm>> -> memref<1000000x64xf32, #tpu.memory_space<hbm>>
        tpu.enqueue_indirect_dma source(%dma_start3A_869 : memref<1000000x64xf32, #tpu.memory_space<hbm>>) target(%dma_start3A_865 : memref<104x64xf32, #tpu.memory_space<vmem>>) offsets(%dma_start3A_866 : memref<104xi32, #tpu.memory_space<vmem>>) semaphore(%arg13 : memref<!tpu.dma_semaphore, #tpu.memory_space<semaphore_mem>>)
        %dma_start3A_870 = arith.constant 304 : i32
        %dma_start3A_871 = arith.constant 0 : i32
        %dma_start3A_872 = tpu.memref_slice %arg9[%dma_start3A_870, %dma_start3A_871] : memref<800x64xf32, #tpu.memory_space<vmem>> -> memref<96x64xf32, #tpu.memory_space<vmem>>
        %dma_start3A_873 = tpu.memref_slice %arg7[%add3A_848] : memref<25600xi32, #tpu.memory_space<vmem>> -> memref<96xi32, #tpu.memory_space<vmem>>
        %dma_start3A_874 = arith.constant 0 : i32
        %dma_start3A_875 = arith.constant 0 : i32
        %dma_start3A_876 = tpu.memref_slice %arg3[%dma_start3A_874, %dma_start3A_875] : memref<1000000x64xf32, #tpu.memory_space<hbm>> -> memref<1000000x64xf32, #tpu.memory_space<hbm>>
        tpu.enqueue_indirect_dma source(%dma_start3A_876 : memref<1000000x64xf32, #tpu.memory_space<hbm>>) target(%dma_start3A_872 : memref<96x64xf32, #tpu.memory_space<vmem>>) offsets(%dma_start3A_873 : memref<96xi32, #tpu.memory_space<vmem>>) semaphore(%arg13 : memref<!tpu.dma_semaphore, #tpu.memory_space<semaphore_mem>>)
      } else {
      }
      %mul3A_764 = arith.constant 800 : i32
      %mul3A_765 = arith.muli %mul3A_764, %scan3A_704 : i32
      %add3A_766 = arith.constant 400 : i32
      %add3A_767 = arith.addi %mul3A_765, %add3A_766 : i32
      %multiple_of3A_768 = tpu.assume_multiple %add3A_767, 8 : i32
      %add3A_769 = arith.constant 0 : i32
      %add3A_770 = arith.addi %multiple_of3A_768, %add3A_769 : i32
      %add3A_771 = arith.constant 0 : i32
      %add3A_772 = arith.addi %add3A_770, %add3A_771 : i32
      %add3A_773 = arith.constant 0 : i32
      %add3A_774 = arith.addi %multiple_of3A_768, %add3A_773 : i32
      %add3A_775 = arith.constant 104 : i32
      %add3A_776 = arith.addi %add3A_774, %add3A_775 : i32
      %add3A_777 = arith.constant 200 : i32
      %add3A_778 = arith.addi %multiple_of3A_768, %add3A_777 : i32
      %add3A_779 = arith.constant 0 : i32
      %add3A_780 = arith.addi %add3A_778, %add3A_779 : i32
      %add3A_781 = arith.constant 200 : i32
      %add3A_782 = arith.addi %multiple_of3A_768, %add3A_781 : i32
      %add3A_783 = arith.constant 104 : i32
      %add3A_784 = arith.addi %add3A_782, %add3A_783 : i32
      %dma_wait3A_785 = arith.constant 400 : i32
      %dma_wait3A_786 = arith.constant 0 : i32
      %dma_wait3A_787 = tpu.memref_slice %arg9[%dma_wait3A_785, %dma_wait3A_786] : memref<800x64xf32, #tpu.memory_space<vmem>> -> memref<104x64xf32, #tpu.memory_space<vmem>>
      %dma_wait3A_788 = tpu.memref_slice %arg7[%add3A_772] : memref<25600xi32, #tpu.memory_space<vmem>> -> memref<104xi32, #tpu.memory_space<vmem>>
      %dma_wait3A_789 = arith.constant 0 : i32
      %dma_wait3A_790 = arith.constant 0 : i32
      %dma_wait3A_791 = tpu.memref_slice %arg3[%dma_wait3A_789, %dma_wait3A_790] : memref<1000000x64xf32, #tpu.memory_space<hbm>> -> memref<1000000x64xf32, #tpu.memory_space<hbm>>
      tpu.wait_indirect_dma semaphore(%arg14 : memref<!tpu.dma_semaphore, #tpu.memory_space<semaphore_mem>>) src(%dma_wait3A_791 : memref<1000000x64xf32, #tpu.memory_space<hbm>>) dst(%dma_wait3A_787 : memref<104x64xf32, #tpu.memory_space<vmem>>)
      %dma_wait3A_792 = arith.constant 504 : i32
      %dma_wait3A_793 = arith.constant 0 : i32
      %dma_wait3A_794 = tpu.memref_slice %arg9[%dma_wait3A_792, %dma_wait3A_793] : memref<800x64xf32, #tpu.memory_space<vmem>> -> memref<96x64xf32, #tpu.memory_space<vmem>>
      %dma_wait3A_795 = tpu.memref_slice %arg7[%add3A_776] : memref<25600xi32, #tpu.memory_space<vmem>> -> memref<96xi32, #tpu.memory_space<vmem>>
      %dma_wait3A_796 = arith.constant 0 : i32
      %dma_wait3A_797 = arith.constant 0 : i32
      %dma_wait3A_798 = tpu.memref_slice %arg3[%dma_wait3A_796, %dma_wait3A_797] : memref<1000000x64xf32, #tpu.memory_space<hbm>> -> memref<1000000x64xf32, #tpu.memory_space<hbm>>
      tpu.wait_indirect_dma semaphore(%arg14 : memref<!tpu.dma_semaphore, #tpu.memory_space<semaphore_mem>>) src(%dma_wait3A_798 : memref<1000000x64xf32, #tpu.memory_space<hbm>>) dst(%dma_wait3A_794 : memref<96x64xf32, #tpu.memory_space<vmem>>)
      %dma_wait3A_799 = arith.constant 600 : i32
      %dma_wait3A_800 = arith.constant 0 : i32
      %dma_wait3A_801 = tpu.memref_slice %arg9[%dma_wait3A_799, %dma_wait3A_800] : memref<800x64xf32, #tpu.memory_space<vmem>> -> memref<104x64xf32, #tpu.memory_space<vmem>>
      %dma_wait3A_802 = tpu.memref_slice %arg7[%add3A_780] : memref<25600xi32, #tpu.memory_space<vmem>> -> memref<104xi32, #tpu.memory_space<vmem>>
      %dma_wait3A_803 = arith.constant 0 : i32
      %dma_wait3A_804 = arith.constant 0 : i32
      %dma_wait3A_805 = tpu.memref_slice %arg3[%dma_wait3A_803, %dma_wait3A_804] : memref<1000000x64xf32, #tpu.memory_space<hbm>> -> memref<1000000x64xf32, #tpu.memory_space<hbm>>
      tpu.wait_indirect_dma semaphore(%arg14 : memref<!tpu.dma_semaphore, #tpu.memory_space<semaphore_mem>>) src(%dma_wait3A_805 : memref<1000000x64xf32, #tpu.memory_space<hbm>>) dst(%dma_wait3A_801 : memref<104x64xf32, #tpu.memory_space<vmem>>)
      %dma_wait3A_806 = arith.constant 704 : i32
      %dma_wait3A_807 = arith.constant 0 : i32
      %dma_wait3A_808 = tpu.memref_slice %arg9[%dma_wait3A_806, %dma_wait3A_807] : memref<800x64xf32, #tpu.memory_space<vmem>> -> memref<96x64xf32, #tpu.memory_space<vmem>>
      %dma_wait3A_809 = tpu.memref_slice %arg7[%add3A_784] : memref<25600xi32, #tpu.memory_space<vmem>> -> memref<96xi32, #tpu.memory_space<vmem>>
      %dma_wait3A_810 = arith.constant 0 : i32
      %dma_wait3A_811 = arith.constant 0 : i32
      %dma_wait3A_812 = tpu.memref_slice %arg3[%dma_wait3A_810, %dma_wait3A_811] : memref<1000000x64xf32, #tpu.memory_space<hbm>> -> memref<1000000x64xf32, #tpu.memory_space<hbm>>
      tpu.wait_indirect_dma semaphore(%arg14 : memref<!tpu.dma_semaphore, #tpu.memory_space<semaphore_mem>>) src(%dma_wait3A_812 : memref<1000000x64xf32, #tpu.memory_space<hbm>>) dst(%dma_wait3A_808 : memref<96x64xf32, #tpu.memory_space<vmem>>)
      %scan3A_813 = arith.constant 0 : i32
      %scan3A_814 = arith.constant 0 : i32
      %scan3A_815 = arith.constant 8 : i32
      %scan3A_816 = arith.addi %scan3A_814, %scan3A_815 : i32
      %scan3A_817 = arith.constant 1 : i32
      scf.for %scan3A_826 = %scan3A_814 to %scan3A_816 step %scan3A_817  : i32 {
        %mul3A_827 = arith.constant 50 : i32
        %mul3A_828 = arith.muli %mul3A_827, %scan3A_826 : i32
        %add3A_829 = arith.constant 400 : i32
        %add3A_830 = arith.addi %add3A_829, %mul3A_828 : i32
        %get3A = arith.index_cast %add3A_830 : i32 to index
        %get3A_831 = arith.constant 0 : index
        %get3A_832 = tpu.vector_load %arg9[%get3A, %get3A_831] {strides = array<i32>} : memref<800x64xf32, #tpu.memory_space<vmem>>, vector<16xf32>,
        %get3A_833 = arith.index_cast %add3A_830 : i32 to index
        %get3A_834 = arith.constant 16 : index
        %get3A_835 = tpu.vector_load %arg9[%get3A_833, %get3A_834] {strides = array<i32>} : memref<800x64xf32, #tpu.memory_space<vmem>>, vector<16xf32>,
        %get3A_836 = arith.index_cast %add3A_830 : i32 to index
        %get3A_837 = arith.constant 32 : index
        %get3A_838 = tpu.vector_load %arg9[%get3A_836, %get3A_837] {strides = array<i32>} : memref<800x64xf32, #tpu.memory_space<vmem>>, vector<16xf32>,
        %get3A_839 = arith.index_cast %add3A_830 : i32 to index
        %get3A_840 = arith.constant 48 : index
        %get3A_841 = tpu.vector_load %arg9[%get3A_839, %get3A_840] {strides = array<i32>} : memref<800x64xf32, #tpu.memory_space<vmem>>, vector<16xf32>,
        %add3A_842 = arith.constant 1 : i32
        %add3A_843 = arith.addi %add3A_830, %add3A_842 : i32
        %get3A_844 = arith.index_cast %add3A_843 : i32 to index
        %get3A_845 = arith.constant 0 : index
        %get3A_846 = tpu.vector_load %arg9[%get3A_844, %get3A_845] {strides = array<i32>} : memref<800x64xf32, #tpu.memory_space<vmem>>, vector<16xf32>,
        %add3A_847 = arith.addf %get3A_832, %get3A_846 : vector<16xf32>
        %add3A_848 = arith.constant 1 : i32
        %add3A_849 = arith.addi %add3A_830, %add3A_848 : i32
        %get3A_850 = arith.index_cast %add3A_849 : i32 to index
        %get3A_851 = arith.constant 16 : index
        %get3A_852 = tpu.vector_load %arg9[%get3A_850, %get3A_851] {strides = array<i32>} : memref<800x64xf32, #tpu.memory_space<vmem>>, vector<16xf32>,
        %add3A_853 = arith.addf %get3A_835, %get3A_852 : vector<16xf32>
        %add3A_854 = arith.constant 1 : i32
        %add3A_855 = arith.addi %add3A_830, %add3A_854 : i32
        %get3A_856 = arith.index_cast %add3A_855 : i32 to index
        %get3A_857 = arith.constant 32 : index
        %get3A_858 = tpu.vector_load %arg9[%get3A_856, %get3A_857] {strides = array<i32>} : memref<800x64xf32, #tpu.memory_space<vmem>>, vector<16xf32>,
        %add3A_859 = arith.addf %get3A_838, %get3A_858 : vector<16xf32>
        %add3A_860 = arith.constant 1 : i32
        %add3A_861 = arith.addi %add3A_830, %add3A_860 : i32
        %get3A_862 = arith.index_cast %add3A_861 : i32 to index
        %get3A_863 = arith.constant 48 : index
        %get3A_864 = tpu.vector_load %arg9[%get3A_862, %get3A_863] {strides = array<i32>} : memref<800x64xf32, #tpu.memory_space<vmem>>, vector<16xf32>,
        %add3A_865 = arith.addf %get3A_841, %get3A_864 : vector<16xf32>
        %add3A_866 = arith.constant 2 : i32
        %add3A_867 = arith.addi %add3A_830, %add3A_866 : i32
        %get3A_868 = arith.index_cast %add3A_867 : i32 to index
        %get3A_869 = arith.constant 0 : index
        %get3A_870 = tpu.vector_load %arg9[%get3A_868, %get3A_869] {strides = array<i32>} : memref<800x64xf32, #tpu.memory_space<vmem>>, vector<16xf32>,
        %add3A_871 = arith.addf %add3A_847, %get3A_870 : vector<16xf32>
        %add3A_872 = arith.constant 2 : i32
        %add3A_873 = arith.addi %add3A_830, %add3A_872 : i32
        %get3A_874 = arith.index_cast %add3A_873 : i32 to index
        %get3A_875 = arith.constant 16 : index
        %get3A_876 = tpu.vector_load %arg9[%get3A_874, %get3A_875] {strides = array<i32>} : memref<800x64xf32, #tpu.memory_space<vmem>>, vector<16xf32>,
        %add3A_877 = arith.addf %add3A_853, %get3A_876 : vector<16xf32>
        %add3A_878 = arith.constant 2 : i32
        %add3A_879 = arith.addi %add3A_830, %add3A_878 : i32
        %get3A_880 = arith.index_cast %add3A_879 : i32 to index
        %get3A_881 = arith.constant 32 : index
        %get3A_882 = tpu.vector_load %arg9[%get3A_880, %get3A_881] {strides = array<i32>} : memref<800x64xf32, #tpu.memory_space<vmem>>, vector<16xf32>,
        %add3A_883 = arith.addf %add3A_859, %get3A_882 : vector<16xf32>
        %add3A_884 = arith.constant 2 : i32
        %add3A_885 = arith.addi %add3A_830, %add3A_884 : i32
        %get3A_886 = arith.index_cast %add3A_885 : i32 to index
        %get3A_887 = arith.constant 48 : index
        %get3A_888 = tpu.vector_load %arg9[%get3A_886, %get3A_887] {strides = array<i32>} : memref<800x64xf32, #tpu.memory_space<vmem>>, vector<16xf32>,
        %add3A_889 = arith.addf %add3A_865, %get3A_888 : vector<16xf32>
        %add3A_890 = arith.constant 3 : i32
        %add3A_891 = arith.addi %add3A_830, %add3A_890 : i32
        %get3A_892 = arith.index_cast %add3A_891 : i32 to index
        %get3A_893 = arith.constant 0 : index
        %get3A_894 = tpu.vector_load %arg9[%get3A_892, %get3A_893] {strides = array<i32>} : memref<800x64xf32, #tpu.memory_space<vmem>>, vector<16xf32>,
        %add3A_895 = arith.addf %add3A_871, %get3A_894 : vector<16xf32>
        %add3A_896 = arith.constant 3 : i32
        %add3A_897 = arith.addi %add3A_830, %add3A_896 : i32
        %get3A_898 = arith.index_cast %add3A_897 : i32 to index
        %get3A_899 = arith.constant 16 : index
        %get3A_900 = tpu.vector_load %arg9[%get3A_898, %get3A_899] {strides = array<i32>} : memref<800x64xf32, #tpu.memory_space<vmem>>, vector<16xf32>,
        %add3A_901 = arith.addf %add3A_877, %get3A_900 : vector<16xf32>
        %add3A_902 = arith.constant 3 : i32
        %add3A_903 = arith.addi %add3A_830, %add3A_902 : i32
        %get3A_904 = arith.index_cast %add3A_903 : i32 to index
        %get3A_905 = arith.constant 32 : index
        %get3A_906 = tpu.vector_load %arg9[%get3A_904, %get3A_905] {strides = array<i32>} : memref<800x64xf32, #tpu.memory_space<vmem>>, vector<16xf32>,
        %add3A_907 = arith.addf %add3A_883, %get3A_906 : vector<16xf32>
        %add3A_908 = arith.constant 3 : i32
        %add3A_909 = arith.addi %add3A_830, %add3A_908 : i32
        %get3A_910 = arith.index_cast %add3A_909 : i32 to index
        %get3A_911 = arith.constant 48 : index
        %get3A_912 = tpu.vector_load %arg9[%get3A_910, %get3A_911] {strides = array<i32>} : memref<800x64xf32, #tpu.memory_space<vmem>>, vector<16xf32>,
        %add3A_913 = arith.addf %add3A_889, %get3A_912 : vector<16xf32>
        %add3A_914 = arith.constant 4 : i32
        %add3A_915 = arith.addi %add3A_830, %add3A_914 : i32
        %get3A_916 = arith.index_cast %add3A_915 : i32 to index
        %get3A_917 = arith.constant 0 : index
        %get3A_918 = tpu.vector_load %arg9[%get3A_916, %get3A_917] {strides = array<i32>} : memref<800x64xf32, #tpu.memory_space<vmem>>, vector<16xf32>,
        %add3A_919 = arith.addf %add3A_895, %get3A_918 : vector<16xf32>
        %add3A_920 = arith.constant 4 : i32
        %add3A_921 = arith.addi %add3A_830, %add3A_920 : i32
        %get3A_922 = arith.index_cast %add3A_921 : i32 to index
        %get3A_923 = arith.constant 16 : index
        %get3A_924 = tpu.vector_load %arg9[%get3A_922, %get3A_923] {strides = array<i32>} : memref<800x64xf32, #tpu.memory_space<vmem>>, vector<16xf32>,
        %add3A_925 = arith.addf %add3A_901, %get3A_924 : vector<16xf32>
        %add3A_926 = arith.constant 4 : i32
        %add3A_927 = arith.addi %add3A_830, %add3A_926 : i32
        %get3A_928 = arith.index_cast %add3A_927 : i32 to index
        %get3A_929 = arith.constant 32 : index
        %get3A_930 = tpu.vector_load %arg9[%get3A_928, %get3A_929] {strides = array<i32>} : memref<800x64xf32, #tpu.memory_space<vmem>>, vector<16xf32>,
        %add3A_931 = arith.addf %add3A_907, %get3A_930 : vector<16xf32>
        %add3A_932 = arith.constant 4 : i32
        %add3A_933 = arith.addi %add3A_830, %add3A_932 : i32
        %get3A_934 = arith.index_cast %add3A_933 : i32 to index
        %get3A_935 = arith.constant 48 : index
        %get3A_936 = tpu.vector_load %arg9[%get3A_934, %get3A_935] {strides = array<i32>} : memref<800x64xf32, #tpu.memory_space<vmem>>, vector<16xf32>,
        %add3A_937 = arith.addf %add3A_913, %get3A_936 : vector<16xf32>
        %add3A_938 = arith.constant 5 : i32
        %add3A_939 = arith.addi %add3A_830, %add3A_938 : i32
        %get3A_940 = arith.index_cast %add3A_939 : i32 to index
        %get3A_941 = arith.constant 0 : index
        %get3A_942 = tpu.vector_load %arg9[%get3A_940, %get3A_941] {strides = array<i32>} : memref<800x64xf32, #tpu.memory_space<vmem>>, vector<16xf32>,
        %add3A_943 = arith.addf %add3A_919, %get3A_942 : vector<16xf32>
        %add3A_944 = arith.constant 5 : i32
        %add3A_945 = arith.addi %add3A_830, %add3A_944 : i32
        %get3A_946 = arith.index_cast %add3A_945 : i32 to index
        %get3A_947 = arith.constant 16 : index
        %get3A_948 = tpu.vector_load %arg9[%get3A_946, %get3A_947] {strides = array<i32>} : memref<800x64xf32, #tpu.memory_space<vmem>>, vector<16xf32>,
        %add3A_949 = arith.addf %add3A_925, %get3A_948 : vector<16xf32>
        %add3A_950 = arith.constant 5 : i32
        %add3A_951 = arith.addi %add3A_830, %add3A_950 : i32
        %get3A_952 = arith.index_cast %add3A_951 : i32 to index
        %get3A_953 = arith.constant 32 : index
        %get3A_954 = tpu.vector_load %arg9[%get3A_952, %get3A_953] {strides = array<i32>} : memref<800x64xf32, #tpu.memory_space<vmem>>, vector<16xf32>,
        %add3A_955 = arith.addf %add3A_931, %get3A_954 : vector<16xf32>
        %add3A_956 = arith.constant 5 : i32
        %add3A_957 = arith.addi %add3A_830, %add3A_956 : i32
        %get3A_958 = arith.index_cast %add3A_957 : i32 to index
        %get3A_959 = arith.constant 48 : index
        %get3A_960 = tpu.vector_load %arg9[%get3A_958, %get3A_959] {strides = array<i32>} : memref<800x64xf32, #tpu.memory_space<vmem>>, vector<16xf32>,
        %add3A_961 = arith.addf %add3A_937, %get3A_960 : vector<16xf32>
        %add3A_962 = arith.constant 6 : i32
        %add3A_963 = arith.addi %add3A_830, %add3A_962 : i32
        %get3A_964 = arith.index_cast %add3A_963 : i32 to index
        %get3A_965 = arith.constant 0 : index
        %get3A_966 = tpu.vector_load %arg9[%get3A_964, %get3A_965] {strides = array<i32>} : memref<800x64xf32, #tpu.memory_space<vmem>>, vector<16xf32>,
        %add3A_967 = arith.addf %add3A_943, %get3A_966 : vector<16xf32>
        %add3A_968 = arith.constant 6 : i32
        %add3A_969 = arith.addi %add3A_830, %add3A_968 : i32
        %get3A_970 = arith.index_cast %add3A_969 : i32 to index
        %get3A_971 = arith.constant 16 : index
        %get3A_972 = tpu.vector_load %arg9[%get3A_970, %get3A_971] {strides = array<i32>} : memref<800x64xf32, #tpu.memory_space<vmem>>, vector<16xf32>,
        %add3A_973 = arith.addf %add3A_949, %get3A_972 : vector<16xf32>
        %add3A_974 = arith.constant 6 : i32
        %add3A_975 = arith.addi %add3A_830, %add3A_974 : i32
        %get3A_976 = arith.index_cast %add3A_975 : i32 to index
        %get3A_977 = arith.constant 32 : index
        %get3A_978 = tpu.vector_load %arg9[%get3A_976, %get3A_977] {strides = array<i32>} : memref<800x64xf32, #tpu.memory_space<vmem>>, vector<16xf32>,
        %add3A_979 = arith.addf %add3A_955, %get3A_978 : vector<16xf32>
        %add3A_980 = arith.constant 6 : i32
        %add3A_981 = arith.addi %add3A_830, %add3A_980 : i32
        %get3A_982 = arith.index_cast %add3A_981 : i32 to index
        %get3A_983 = arith.constant 48 : index
        %get3A_984 = tpu.vector_load %arg9[%get3A_982, %get3A_983] {strides = array<i32>} : memref<800x64xf32, #tpu.memory_space<vmem>>, vector<16xf32>,
        %add3A_985 = arith.addf %add3A_961, %get3A_984 : vector<16xf32>
        %add3A_986 = arith.constant 7 : i32
        %add3A_987 = arith.addi %add3A_830, %add3A_986 : i32
        %get3A_988 = arith.index_cast %add3A_987 : i32 to index
        %get3A_989 = arith.constant 0 : index
        %get3A_990 = tpu.vector_load %arg9[%get3A_988, %get3A_989] {strides = array<i32>} : memref<800x64xf32, #tpu.memory_space<vmem>>, vector<16xf32>,
        %add3A_991 = arith.addf %add3A_967, %get3A_990 : vector<16xf32>
        %add3A_992 = arith.constant 7 : i32
        %add3A_993 = arith.addi %add3A_830, %add3A_992 : i32
        %get3A_994 = arith.index_cast %add3A_993 : i32 to index
        %get3A_995 = arith.constant 16 : index
        %get3A_996 = tpu.vector_load %arg9[%get3A_994, %get3A_995] {strides = array<i32>} : memref<800x64xf32, #tpu.memory_space<vmem>>, vector<16xf32>,
        %add3A_997 = arith.addf %add3A_973, %get3A_996 : vector<16xf32>
        %add3A_998 = arith.constant 7 : i32
        %add3A_999 = arith.addi %add3A_830, %add3A_998 : i32
        %get3A_1000 = arith.index_cast %add3A_999 : i32 to index
        %get3A_1001 = arith.constant 32 : index
        %get3A_1002 = tpu.vector_load %arg9[%get3A_1000, %get3A_1001] {strides = array<i32>} : memref<800x64xf32, #tpu.memory_space<vmem>>, vector<16xf32>,
        %add3A_1003 = arith.addf %add3A_979, %get3A_1002 : vector<16xf32>
        %add3A_1004 = arith.constant 7 : i32
        %add3A_1005 = arith.addi %add3A_830, %add3A_1004 : i32
        %get3A_1006 = arith.index_cast %add3A_1005 : i32 to index
        %get3A_1007 = arith.constant 48 : index
        %get3A_1008 = tpu.vector_load %arg9[%get3A_1006, %get3A_1007] {strides = array<i32>} : memref<800x64xf32, #tpu.memory_space<vmem>>, vector<16xf32>,
        %add3A_1009 = arith.addf %add3A_985, %get3A_1008 : vector<16xf32>
        %add3A_1010 = arith.constant 8 : i32
        %add3A_1011 = arith.addi %add3A_830, %add3A_1010 : i32
        %get3A_1012 = arith.index_cast %add3A_1011 : i32 to index
        %get3A_1013 = arith.constant 0 : index
        %get3A_1014 = tpu.vector_load %arg9[%get3A_1012, %get3A_1013] {strides = array<i32>} : memref<800x64xf32, #tpu.memory_space<vmem>>, vector<16xf32>,
        %add3A_1015 = arith.addf %add3A_991, %get3A_1014 : vector<16xf32>
        %add3A_1016 = arith.constant 8 : i32
        %add3A_1017 = arith.addi %add3A_830, %add3A_1016 : i32
        %get3A_1018 = arith.index_cast %add3A_1017 : i32 to index
        %get3A_1019 = arith.constant 16 : index
        %get3A_1020 = tpu.vector_load %arg9[%get3A_1018, %get3A_1019] {strides = array<i32>} : memref<800x64xf32, #tpu.memory_space<vmem>>, vector<16xf32>,
        %add3A_1021 = arith.addf %add3A_997, %get3A_1020 : vector<16xf32>
        %add3A_1022 = arith.constant 8 : i32
        %add3A_1023 = arith.addi %add3A_830, %add3A_1022 : i32
        %get3A_1024 = arith.index_cast %add3A_1023 : i32 to index
        %get3A_1025 = arith.constant 32 : index
        %get3A_1026 = tpu.vector_load %arg9[%get3A_1024, %get3A_1025] {strides = array<i32>} : memref<800x64xf32, #tpu.memory_space<vmem>>, vector<16xf32>,
        %add3A_1027 = arith.addf %add3A_1003, %get3A_1026 : vector<16xf32>
        %add3A_1028 = arith.constant 8 : i32
        %add3A_1029 = arith.addi %add3A_830, %add3A_1028 : i32
        %get3A_1030 = arith.index_cast %add3A_1029 : i32 to index
        %get3A_1031 = arith.constant 48 : index
        %get3A_1032 = tpu.vector_load %arg9[%get3A_1030, %get3A_1031] {strides = array<i32>} : memref<800x64xf32, #tpu.memory_space<vmem>>, vector<16xf32>,
        %add3A_1033 = arith.addf %add3A_1009, %get3A_1032 : vector<16xf32>
        %add3A_1034 = arith.constant 9 : i32
        %add3A_1035 = arith.addi %add3A_830, %add3A_1034 : i32
        %get3A_1036 = arith.index_cast %add3A_1035 : i32 to index
        %get3A_1037 = arith.constant 0 : index
        %get3A_1038 = tpu.vector_load %arg9[%get3A_1036, %get3A_1037] {strides = array<i32>} : memref<800x64xf32, #tpu.memory_space<vmem>>, vector<16xf32>,
        %add3A_1039 = arith.addf %add3A_1015, %get3A_1038 : vector<16xf32>
        %add3A_1040 = arith.constant 9 : i32
        %add3A_1041 = arith.addi %add3A_830, %add3A_1040 : i32
        %get3A_1042 = arith.index_cast %add3A_1041 : i32 to index
        %get3A_1043 = arith.constant 16 : index
        %get3A_1044 = tpu.vector_load %arg9[%get3A_1042, %get3A_1043] {strides = array<i32>} : memref<800x64xf32, #tpu.memory_space<vmem>>, vector<16xf32>,
        %add3A_1045 = arith.addf %add3A_1021, %get3A_1044 : vector<16xf32>
        %add3A_1046 = arith.constant 9 : i32
        %add3A_1047 = arith.addi %add3A_830, %add3A_1046 : i32
        %get3A_1048 = arith.index_cast %add3A_1047 : i32 to index
        %get3A_1049 = arith.constant 32 : index
        %get3A_1050 = tpu.vector_load %arg9[%get3A_1048, %get3A_1049] {strides = array<i32>} : memref<800x64xf32, #tpu.memory_space<vmem>>, vector<16xf32>,
        %add3A_1051 = arith.addf %add3A_1027, %get3A_1050 : vector<16xf32>
        %add3A_1052 = arith.constant 9 : i32
        %add3A_1053 = arith.addi %add3A_830, %add3A_1052 : i32
        %get3A_1054 = arith.index_cast %add3A_1053 : i32 to index
        %get3A_1055 = arith.constant 48 : index
        %get3A_1056 = tpu.vector_load %arg9[%get3A_1054, %get3A_1055] {strides = array<i32>} : memref<800x64xf32, #tpu.memory_space<vmem>>, vector<16xf32>,
        %add3A_1057 = arith.addf %add3A_1033, %get3A_1056 : vector<16xf32>
        %add3A_1058 = arith.constant 10 : i32
        %add3A_1059 = arith.addi %add3A_830, %add3A_1058 : i32
        %get3A_1060 = arith.index_cast %add3A_1059 : i32 to index
        %get3A_1061 = arith.constant 0 : index
        %get3A_1062 = tpu.vector_load %arg9[%get3A_1060, %get3A_1061] {strides = array<i32>} : memref<800x64xf32, #tpu.memory_space<vmem>>, vector<16xf32>,
        %add3A_1063 = arith.addf %add3A_1039, %get3A_1062 : vector<16xf32>
        %add3A_1064 = arith.constant 10 : i32
        %add3A_1065 = arith.addi %add3A_830, %add3A_1064 : i32
        %get3A_1066 = arith.index_cast %add3A_1065 : i32 to index
        %get3A_1067 = arith.constant 16 : index
        %get3A_1068 = tpu.vector_load %arg9[%get3A_1066, %get3A_1067] {strides = array<i32>} : memref<800x64xf32, #tpu.memory_space<vmem>>, vector<16xf32>,
        %add3A_1069 = arith.addf %add3A_1045, %get3A_1068 : vector<16xf32>
        %add3A_1070 = arith.constant 10 : i32
        %add3A_1071 = arith.addi %add3A_830, %add3A_1070 : i32
        %get3A_1072 = arith.index_cast %add3A_1071 : i32 to index
        %get3A_1073 = arith.constant 32 : index
        %get3A_1074 = tpu.vector_load %arg9[%get3A_1072, %get3A_1073] {strides = array<i32>} : memref<800x64xf32, #tpu.memory_space<vmem>>, vector<16xf32>,
        %add3A_1075 = arith.addf %add3A_1051, %get3A_1074 : vector<16xf32>
        %add3A_1076 = arith.constant 10 : i32
        %add3A_1077 = arith.addi %add3A_830, %add3A_1076 : i32
        %get3A_1078 = arith.index_cast %add3A_1077 : i32 to index
        %get3A_1079 = arith.constant 48 : index
        %get3A_1080 = tpu.vector_load %arg9[%get3A_1078, %get3A_1079] {strides = array<i32>} : memref<800x64xf32, #tpu.memory_space<vmem>>, vector<16xf32>,
        %add3A_1081 = arith.addf %add3A_1057, %get3A_1080 : vector<16xf32>
        %add3A_1082 = arith.constant 11 : i32
        %add3A_1083 = arith.addi %add3A_830, %add3A_1082 : i32
        %get3A_1084 = arith.index_cast %add3A_1083 : i32 to index
        %get3A_1085 = arith.constant 0 : index
        %get3A_1086 = tpu.vector_load %arg9[%get3A_1084, %get3A_1085] {strides = array<i32>} : memref<800x64xf32, #tpu.memory_space<vmem>>, vector<16xf32>,
        %add3A_1087 = arith.addf %add3A_1063, %get3A_1086 : vector<16xf32>
        %add3A_1088 = arith.constant 11 : i32
        %add3A_1089 = arith.addi %add3A_830, %add3A_1088 : i32
        %get3A_1090 = arith.index_cast %add3A_1089 : i32 to index
        %get3A_1091 = arith.constant 16 : index
        %get3A_1092 = tpu.vector_load %arg9[%get3A_1090, %get3A_1091] {strides = array<i32>} : memref<800x64xf32, #tpu.memory_space<vmem>>, vector<16xf32>,
        %add3A_1093 = arith.addf %add3A_1069, %get3A_1092 : vector<16xf32>
        %add3A_1094 = arith.constant 11 : i32
        %add3A_1095 = arith.addi %add3A_830, %add3A_1094 : i32
        %get3A_1096 = arith.index_cast %add3A_1095 : i32 to index
        %get3A_1097 = arith.constant 32 : index
        %get3A_1098 = tpu.vector_load %arg9[%get3A_1096, %get3A_1097] {strides = array<i32>} : memref<800x64xf32, #tpu.memory_space<vmem>>, vector<16xf32>,
        %add3A_1099 = arith.addf %add3A_1075, %get3A_1098 : vector<16xf32>
        %add3A_1100 = arith.constant 11 : i32
        %add3A_1101 = arith.addi %add3A_830, %add3A_1100 : i32
        %get3A_1102 = arith.index_cast %add3A_1101 : i32 to index
        %get3A_1103 = arith.constant 48 : index
        %get3A_1104 = tpu.vector_load %arg9[%get3A_1102, %get3A_1103] {strides = array<i32>} : memref<800x64xf32, #tpu.memory_space<vmem>>, vector<16xf32>,
        %add3A_1105 = arith.addf %add3A_1081, %get3A_1104 : vector<16xf32>
        %add3A_1106 = arith.constant 12 : i32
        %add3A_1107 = arith.addi %add3A_830, %add3A_1106 : i32
        %get3A_1108 = arith.index_cast %add3A_1107 : i32 to index
        %get3A_1109 = arith.constant 0 : index
        %get3A_1110 = tpu.vector_load %arg9[%get3A_1108, %get3A_1109] {strides = array<i32>} : memref<800x64xf32, #tpu.memory_space<vmem>>, vector<16xf32>,
        %add3A_1111 = arith.addf %add3A_1087, %get3A_1110 : vector<16xf32>
        %add3A_1112 = arith.constant 12 : i32
        %add3A_1113 = arith.addi %add3A_830, %add3A_1112 : i32
        %get3A_1114 = arith.index_cast %add3A_1113 : i32 to index
        %get3A_1115 = arith.constant 16 : index
        %get3A_1116 = tpu.vector_load %arg9[%get3A_1114, %get3A_1115] {strides = array<i32>} : memref<800x64xf32, #tpu.memory_space<vmem>>, vector<16xf32>,
        %add3A_1117 = arith.addf %add3A_1093, %get3A_1116 : vector<16xf32>
        %add3A_1118 = arith.constant 12 : i32
        %add3A_1119 = arith.addi %add3A_830, %add3A_1118 : i32
        %get3A_1120 = arith.index_cast %add3A_1119 : i32 to index
        %get3A_1121 = arith.constant 32 : index
        %get3A_1122 = tpu.vector_load %arg9[%get3A_1120, %get3A_1121] {strides = array<i32>} : memref<800x64xf32, #tpu.memory_space<vmem>>, vector<16xf32>,
        %add3A_1123 = arith.addf %add3A_1099, %get3A_1122 : vector<16xf32>
        %add3A_1124 = arith.constant 12 : i32
        %add3A_1125 = arith.addi %add3A_830, %add3A_1124 : i32
        %get3A_1126 = arith.index_cast %add3A_1125 : i32 to index
        %get3A_1127 = arith.constant 48 : index
        %get3A_1128 = tpu.vector_load %arg9[%get3A_1126, %get3A_1127] {strides = array<i32>} : memref<800x64xf32, #tpu.memory_space<vmem>>, vector<16xf32>,
        %add3A_1129 = arith.addf %add3A_1105, %get3A_1128 : vector<16xf32>
        %add3A_1130 = arith.constant 13 : i32
        %add3A_1131 = arith.addi %add3A_830, %add3A_1130 : i32
        %get3A_1132 = arith.index_cast %add3A_1131 : i32 to index
        %get3A_1133 = arith.constant 0 : index
        %get3A_1134 = tpu.vector_load %arg9[%get3A_1132, %get3A_1133] {strides = array<i32>} : memref<800x64xf32, #tpu.memory_space<vmem>>, vector<16xf32>,
        %add3A_1135 = arith.addf %add3A_1111, %get3A_1134 : vector<16xf32>
        %add3A_1136 = arith.constant 13 : i32
        %add3A_1137 = arith.addi %add3A_830, %add3A_1136 : i32
        %get3A_1138 = arith.index_cast %add3A_1137 : i32 to index
        %get3A_1139 = arith.constant 16 : index
        %get3A_1140 = tpu.vector_load %arg9[%get3A_1138, %get3A_1139] {strides = array<i32>} : memref<800x64xf32, #tpu.memory_space<vmem>>, vector<16xf32>,
        %add3A_1141 = arith.addf %add3A_1117, %get3A_1140 : vector<16xf32>
        %add3A_1142 = arith.constant 13 : i32
        %add3A_1143 = arith.addi %add3A_830, %add3A_1142 : i32
        %get3A_1144 = arith.index_cast %add3A_1143 : i32 to index
        %get3A_1145 = arith.constant 32 : index
        %get3A_1146 = tpu.vector_load %arg9[%get3A_1144, %get3A_1145] {strides = array<i32>} : memref<800x64xf32, #tpu.memory_space<vmem>>, vector<16xf32>,
        %add3A_1147 = arith.addf %add3A_1123, %get3A_1146 : vector<16xf32>
        %add3A_1148 = arith.constant 13 : i32
        %add3A_1149 = arith.addi %add3A_830, %add3A_1148 : i32
        %get3A_1150 = arith.index_cast %add3A_1149 : i32 to index
        %get3A_1151 = arith.constant 48 : index
        %get3A_1152 = tpu.vector_load %arg9[%get3A_1150, %get3A_1151] {strides = array<i32>} : memref<800x64xf32, #tpu.memory_space<vmem>>, vector<16xf32>,
        %add3A_1153 = arith.addf %add3A_1129, %get3A_1152 : vector<16xf32>
        %add3A_1154 = arith.constant 14 : i32
        %add3A_1155 = arith.addi %add3A_830, %add3A_1154 : i32
        %get3A_1156 = arith.index_cast %add3A_1155 : i32 to index
        %get3A_1157 = arith.constant 0 : index
        %get3A_1158 = tpu.vector_load %arg9[%get3A_1156, %get3A_1157] {strides = array<i32>} : memref<800x64xf32, #tpu.memory_space<vmem>>, vector<16xf32>,
        %add3A_1159 = arith.addf %add3A_1135, %get3A_1158 : vector<16xf32>
        %add3A_1160 = arith.constant 14 : i32
        %add3A_1161 = arith.addi %add3A_830, %add3A_1160 : i32
        %get3A_1162 = arith.index_cast %add3A_1161 : i32 to index
        %get3A_1163 = arith.constant 16 : index
        %get3A_1164 = tpu.vector_load %arg9[%get3A_1162, %get3A_1163] {strides = array<i32>} : memref<800x64xf32, #tpu.memory_space<vmem>>, vector<16xf32>,
        %add3A_1165 = arith.addf %add3A_1141, %get3A_1164 : vector<16xf32>
        %add3A_1166 = arith.constant 14 : i32
        %add3A_1167 = arith.addi %add3A_830, %add3A_1166 : i32
        %get3A_1168 = arith.index_cast %add3A_1167 : i32 to index
        %get3A_1169 = arith.constant 32 : index
        %get3A_1170 = tpu.vector_load %arg9[%get3A_1168, %get3A_1169] {strides = array<i32>} : memref<800x64xf32, #tpu.memory_space<vmem>>, vector<16xf32>,
        %add3A_1171 = arith.addf %add3A_1147, %get3A_1170 : vector<16xf32>
        %add3A_1172 = arith.constant 14 : i32
        %add3A_1173 = arith.addi %add3A_830, %add3A_1172 : i32
        %get3A_1174 = arith.index_cast %add3A_1173 : i32 to index
        %get3A_1175 = arith.constant 48 : index
        %get3A_1176 = tpu.vector_load %arg9[%get3A_1174, %get3A_1175] {strides = array<i32>} : memref<800x64xf32, #tpu.memory_space<vmem>>, vector<16xf32>,
        %add3A_1177 = arith.addf %add3A_1153, %get3A_1176 : vector<16xf32>
        %add3A_1178 = arith.constant 15 : i32
        %add3A_1179 = arith.addi %add3A_830, %add3A_1178 : i32
        %get3A_1180 = arith.index_cast %add3A_1179 : i32 to index
        %get3A_1181 = arith.constant 0 : index
        %get3A_1182 = tpu.vector_load %arg9[%get3A_1180, %get3A_1181] {strides = array<i32>} : memref<800x64xf32, #tpu.memory_space<vmem>>, vector<16xf32>,
        %add3A_1183 = arith.addf %add3A_1159, %get3A_1182 : vector<16xf32>
        %add3A_1184 = arith.constant 15 : i32
        %add3A_1185 = arith.addi %add3A_830, %add3A_1184 : i32
        %get3A_1186 = arith.index_cast %add3A_1185 : i32 to index
        %get3A_1187 = arith.constant 16 : index
        %get3A_1188 = tpu.vector_load %arg9[%get3A_1186, %get3A_1187] {strides = array<i32>} : memref<800x64xf32, #tpu.memory_space<vmem>>, vector<16xf32>,
        %add3A_1189 = arith.addf %add3A_1165, %get3A_1188 : vector<16xf32>
        %add3A_1190 = arith.constant 15 : i32
        %add3A_1191 = arith.addi %add3A_830, %add3A_1190 : i32
        %get3A_1192 = arith.index_cast %add3A_1191 : i32 to index
        %get3A_1193 = arith.constant 32 : index
        %get3A_1194 = tpu.vector_load %arg9[%get3A_1192, %get3A_1193] {strides = array<i32>} : memref<800x64xf32, #tpu.memory_space<vmem>>, vector<16xf32>,
        %add3A_1195 = arith.addf %add3A_1171, %get3A_1194 : vector<16xf32>
        %add3A_1196 = arith.constant 15 : i32
        %add3A_1197 = arith.addi %add3A_830, %add3A_1196 : i32
        %get3A_1198 = arith.index_cast %add3A_1197 : i32 to index
        %get3A_1199 = arith.constant 48 : index
        %get3A_1200 = tpu.vector_load %arg9[%get3A_1198, %get3A_1199] {strides = array<i32>} : memref<800x64xf32, #tpu.memory_space<vmem>>, vector<16xf32>,
        %add3A_1201 = arith.addf %add3A_1177, %get3A_1200 : vector<16xf32>
        %add3A_1202 = arith.constant 16 : i32
        %add3A_1203 = arith.addi %add3A_830, %add3A_1202 : i32
        %get3A_1204 = arith.index_cast %add3A_1203 : i32 to index
        %get3A_1205 = arith.constant 0 : index
        %get3A_1206 = tpu.vector_load %arg9[%get3A_1204, %get3A_1205] {strides = array<i32>} : memref<800x64xf32, #tpu.memory_space<vmem>>, vector<16xf32>,
        %add3A_1207 = arith.addf %add3A_1183, %get3A_1206 : vector<16xf32>
        %add3A_1208 = arith.constant 16 : i32
        %add3A_1209 = arith.addi %add3A_830, %add3A_1208 : i32
        %get3A_1210 = arith.index_cast %add3A_1209 : i32 to index
        %get3A_1211 = arith.constant 16 : index
        %get3A_1212 = tpu.vector_load %arg9[%get3A_1210, %get3A_1211] {strides = array<i32>} : memref<800x64xf32, #tpu.memory_space<vmem>>, vector<16xf32>,
        %add3A_1213 = arith.addf %add3A_1189, %get3A_1212 : vector<16xf32>
        %add3A_1214 = arith.constant 16 : i32
        %add3A_1215 = arith.addi %add3A_830, %add3A_1214 : i32
        %get3A_1216 = arith.index_cast %add3A_1215 : i32 to index
        %get3A_1217 = arith.constant 32 : index
        %get3A_1218 = tpu.vector_load %arg9[%get3A_1216, %get3A_1217] {strides = array<i32>} : memref<800x64xf32, #tpu.memory_space<vmem>>, vector<16xf32>,
        %add3A_1219 = arith.addf %add3A_1195, %get3A_1218 : vector<16xf32>
        %add3A_1220 = arith.constant 16 : i32
        %add3A_1221 = arith.addi %add3A_830, %add3A_1220 : i32
        %get3A_1222 = arith.index_cast %add3A_1221 : i32 to index
        %get3A_1223 = arith.constant 48 : index
        %get3A_1224 = tpu.vector_load %arg9[%get3A_1222, %get3A_1223] {strides = array<i32>} : memref<800x64xf32, #tpu.memory_space<vmem>>, vector<16xf32>,
        %add3A_1225 = arith.addf %add3A_1201, %get3A_1224 : vector<16xf32>
        %add3A_1226 = arith.constant 17 : i32
        %add3A_1227 = arith.addi %add3A_830, %add3A_1226 : i32
        %get3A_1228 = arith.index_cast %add3A_1227 : i32 to index
        %get3A_1229 = arith.constant 0 : index
        %get3A_1230 = tpu.vector_load %arg9[%get3A_1228, %get3A_1229] {strides = array<i32>} : memref<800x64xf32, #tpu.memory_space<vmem>>, vector<16xf32>,
        %add3A_1231 = arith.addf %add3A_1207, %get3A_1230 : vector<16xf32>
        %add3A_1232 = arith.constant 17 : i32
        %add3A_1233 = arith.addi %add3A_830, %add3A_1232 : i32
        %get3A_1234 = arith.index_cast %add3A_1233 : i32 to index
        %get3A_1235 = arith.constant 16 : index
        %get3A_1236 = tpu.vector_load %arg9[%get3A_1234, %get3A_1235] {strides = array<i32>} : memref<800x64xf32, #tpu.memory_space<vmem>>, vector<16xf32>,
        %add3A_1237 = arith.addf %add3A_1213, %get3A_1236 : vector<16xf32>
        %add3A_1238 = arith.constant 17 : i32
        %add3A_1239 = arith.addi %add3A_830, %add3A_1238 : i32
        %get3A_1240 = arith.index_cast %add3A_1239 : i32 to index
        %get3A_1241 = arith.constant 32 : index
        %get3A_1242 = tpu.vector_load %arg9[%get3A_1240, %get3A_1241] {strides = array<i32>} : memref<800x64xf32, #tpu.memory_space<vmem>>, vector<16xf32>,
        %add3A_1243 = arith.addf %add3A_1219, %get3A_1242 : vector<16xf32>
        %add3A_1244 = arith.constant 17 : i32
        %add3A_1245 = arith.addi %add3A_830, %add3A_1244 : i32
        %get3A_1246 = arith.index_cast %add3A_1245 : i32 to index
        %get3A_1247 = arith.constant 48 : index
        %get3A_1248 = tpu.vector_load %arg9[%get3A_1246, %get3A_1247] {strides = array<i32>} : memref<800x64xf32, #tpu.memory_space<vmem>>, vector<16xf32>,
        %add3A_1249 = arith.addf %add3A_1225, %get3A_1248 : vector<16xf32>
        %add3A_1250 = arith.constant 18 : i32
        %add3A_1251 = arith.addi %add3A_830, %add3A_1250 : i32
        %get3A_1252 = arith.index_cast %add3A_1251 : i32 to index
        %get3A_1253 = arith.constant 0 : index
        %get3A_1254 = tpu.vector_load %arg9[%get3A_1252, %get3A_1253] {strides = array<i32>} : memref<800x64xf32, #tpu.memory_space<vmem>>, vector<16xf32>,
        %add3A_1255 = arith.addf %add3A_1231, %get3A_1254 : vector<16xf32>
        %add3A_1256 = arith.constant 18 : i32
        %add3A_1257 = arith.addi %add3A_830, %add3A_1256 : i32
        %get3A_1258 = arith.index_cast %add3A_1257 : i32 to index
        %get3A_1259 = arith.constant 16 : index
        %get3A_1260 = tpu.vector_load %arg9[%get3A_1258, %get3A_1259] {strides = array<i32>} : memref<800x64xf32, #tpu.memory_space<vmem>>, vector<16xf32>,
        %add3A_1261 = arith.addf %add3A_1237, %get3A_1260 : vector<16xf32>
        %add3A_1262 = arith.constant 18 : i32
        %add3A_1263 = arith.addi %add3A_830, %add3A_1262 : i32
        %get3A_1264 = arith.index_cast %add3A_1263 : i32 to index
        %get3A_1265 = arith.constant 32 : index
        %get3A_1266 = tpu.vector_load %arg9[%get3A_1264, %get3A_1265] {strides = array<i32>} : memref<800x64xf32, #tpu.memory_space<vmem>>, vector<16xf32>,
        %add3A_1267 = arith.addf %add3A_1243, %get3A_1266 : vector<16xf32>
        %add3A_1268 = arith.constant 18 : i32
        %add3A_1269 = arith.addi %add3A_830, %add3A_1268 : i32
        %get3A_1270 = arith.index_cast %add3A_1269 : i32 to index
        %get3A_1271 = arith.constant 48 : index
        %get3A_1272 = tpu.vector_load %arg9[%get3A_1270, %get3A_1271] {strides = array<i32>} : memref<800x64xf32, #tpu.memory_space<vmem>>, vector<16xf32>,
        %add3A_1273 = arith.addf %add3A_1249, %get3A_1272 : vector<16xf32>
        %add3A_1274 = arith.constant 19 : i32
        %add3A_1275 = arith.addi %add3A_830, %add3A_1274 : i32
        %get3A_1276 = arith.index_cast %add3A_1275 : i32 to index
        %get3A_1277 = arith.constant 0 : index
        %get3A_1278 = tpu.vector_load %arg9[%get3A_1276, %get3A_1277] {strides = array<i32>} : memref<800x64xf32, #tpu.memory_space<vmem>>, vector<16xf32>,
        %add3A_1279 = arith.addf %add3A_1255, %get3A_1278 : vector<16xf32>
        %add3A_1280 = arith.constant 19 : i32
        %add3A_1281 = arith.addi %add3A_830, %add3A_1280 : i32
        %get3A_1282 = arith.index_cast %add3A_1281 : i32 to index
        %get3A_1283 = arith.constant 16 : index
        %get3A_1284 = tpu.vector_load %arg9[%get3A_1282, %get3A_1283] {strides = array<i32>} : memref<800x64xf32, #tpu.memory_space<vmem>>, vector<16xf32>,
        %add3A_1285 = arith.addf %add3A_1261, %get3A_1284 : vector<16xf32>
        %add3A_1286 = arith.constant 19 : i32
        %add3A_1287 = arith.addi %add3A_830, %add3A_1286 : i32
        %get3A_1288 = arith.index_cast %add3A_1287 : i32 to index
        %get3A_1289 = arith.constant 32 : index
        %get3A_1290 = tpu.vector_load %arg9[%get3A_1288, %get3A_1289] {strides = array<i32>} : memref<800x64xf32, #tpu.memory_space<vmem>>, vector<16xf32>,
        %add3A_1291 = arith.addf %add3A_1267, %get3A_1290 : vector<16xf32>
        %add3A_1292 = arith.constant 19 : i32
        %add3A_1293 = arith.addi %add3A_830, %add3A_1292 : i32
        %get3A_1294 = arith.index_cast %add3A_1293 : i32 to index
        %get3A_1295 = arith.constant 48 : index
        %get3A_1296 = tpu.vector_load %arg9[%get3A_1294, %get3A_1295] {strides = array<i32>} : memref<800x64xf32, #tpu.memory_space<vmem>>, vector<16xf32>,
        %add3A_1297 = arith.addf %add3A_1273, %get3A_1296 : vector<16xf32>
        %add3A_1298 = arith.constant 20 : i32
        %add3A_1299 = arith.addi %add3A_830, %add3A_1298 : i32
        %get3A_1300 = arith.index_cast %add3A_1299 : i32 to index
        %get3A_1301 = arith.constant 0 : index
        %get3A_1302 = tpu.vector_load %arg9[%get3A_1300, %get3A_1301] {strides = array<i32>} : memref<800x64xf32, #tpu.memory_space<vmem>>, vector<16xf32>,
        %add3A_1303 = arith.addf %add3A_1279, %get3A_1302 : vector<16xf32>
        %add3A_1304 = arith.constant 20 : i32
        %add3A_1305 = arith.addi %add3A_830, %add3A_1304 : i32
        %get3A_1306 = arith.index_cast %add3A_1305 : i32 to index
        %get3A_1307 = arith.constant 16 : index
        %get3A_1308 = tpu.vector_load %arg9[%get3A_1306, %get3A_1307] {strides = array<i32>} : memref<800x64xf32, #tpu.memory_space<vmem>>, vector<16xf32>,
        %add3A_1309 = arith.addf %add3A_1285, %get3A_1308 : vector<16xf32>
        %add3A_1310 = arith.constant 20 : i32
        %add3A_1311 = arith.addi %add3A_830, %add3A_1310 : i32
        %get3A_1312 = arith.index_cast %add3A_1311 : i32 to index
        %get3A_1313 = arith.constant 32 : index
        %get3A_1314 = tpu.vector_load %arg9[%get3A_1312, %get3A_1313] {strides = array<i32>} : memref<800x64xf32, #tpu.memory_space<vmem>>, vector<16xf32>,
        %add3A_1315 = arith.addf %add3A_1291, %get3A_1314 : vector<16xf32>
        %add3A_1316 = arith.constant 20 : i32
        %add3A_1317 = arith.addi %add3A_830, %add3A_1316 : i32
        %get3A_1318 = arith.index_cast %add3A_1317 : i32 to index
        %get3A_1319 = arith.constant 48 : index
        %get3A_1320 = tpu.vector_load %arg9[%get3A_1318, %get3A_1319] {strides = array<i32>} : memref<800x64xf32, #tpu.memory_space<vmem>>, vector<16xf32>,
        %add3A_1321 = arith.addf %add3A_1297, %get3A_1320 : vector<16xf32>
        %add3A_1322 = arith.constant 21 : i32
        %add3A_1323 = arith.addi %add3A_830, %add3A_1322 : i32
        %get3A_1324 = arith.index_cast %add3A_1323 : i32 to index
        %get3A_1325 = arith.constant 0 : index
        %get3A_1326 = tpu.vector_load %arg9[%get3A_1324, %get3A_1325] {strides = array<i32>} : memref<800x64xf32, #tpu.memory_space<vmem>>, vector<16xf32>,
        %add3A_1327 = arith.addf %add3A_1303, %get3A_1326 : vector<16xf32>
        %add3A_1328 = arith.constant 21 : i32
        %add3A_1329 = arith.addi %add3A_830, %add3A_1328 : i32
        %get3A_1330 = arith.index_cast %add3A_1329 : i32 to index
        %get3A_1331 = arith.constant 16 : index
        %get3A_1332 = tpu.vector_load %arg9[%get3A_1330, %get3A_1331] {strides = array<i32>} : memref<800x64xf32, #tpu.memory_space<vmem>>, vector<16xf32>,
        %add3A_1333 = arith.addf %add3A_1309, %get3A_1332 : vector<16xf32>
        %add3A_1334 = arith.constant 21 : i32
        %add3A_1335 = arith.addi %add3A_830, %add3A_1334 : i32
        %get3A_1336 = arith.index_cast %add3A_1335 : i32 to index
        %get3A_1337 = arith.constant 32 : index
        %get3A_1338 = tpu.vector_load %arg9[%get3A_1336, %get3A_1337] {strides = array<i32>} : memref<800x64xf32, #tpu.memory_space<vmem>>, vector<16xf32>,
        %add3A_1339 = arith.addf %add3A_1315, %get3A_1338 : vector<16xf32>
        %add3A_1340 = arith.constant 21 : i32
        %add3A_1341 = arith.addi %add3A_830, %add3A_1340 : i32
        %get3A_1342 = arith.index_cast %add3A_1341 : i32 to index
        %get3A_1343 = arith.constant 48 : index
        %get3A_1344 = tpu.vector_load %arg9[%get3A_1342, %get3A_1343] {strides = array<i32>} : memref<800x64xf32, #tpu.memory_space<vmem>>, vector<16xf32>,
        %add3A_1345 = arith.addf %add3A_1321, %get3A_1344 : vector<16xf32>
        %add3A_1346 = arith.constant 22 : i32
        %add3A_1347 = arith.addi %add3A_830, %add3A_1346 : i32
        %get3A_1348 = arith.index_cast %add3A_1347 : i32 to index
        %get3A_1349 = arith.constant 0 : index
        %get3A_1350 = tpu.vector_load %arg9[%get3A_1348, %get3A_1349] {strides = array<i32>} : memref<800x64xf32, #tpu.memory_space<vmem>>, vector<16xf32>,
        %add3A_1351 = arith.addf %add3A_1327, %get3A_1350 : vector<16xf32>
        %add3A_1352 = arith.constant 22 : i32
        %add3A_1353 = arith.addi %add3A_830, %add3A_1352 : i32
        %get3A_1354 = arith.index_cast %add3A_1353 : i32 to index
        %get3A_1355 = arith.constant 16 : index
        %get3A_1356 = tpu.vector_load %arg9[%get3A_1354, %get3A_1355] {strides = array<i32>} : memref<800x64xf32, #tpu.memory_space<vmem>>, vector<16xf32>,
        %add3A_1357 = arith.addf %add3A_1333, %get3A_1356 : vector<16xf32>
        %add3A_1358 = arith.constant 22 : i32
        %add3A_1359 = arith.addi %add3A_830, %add3A_1358 : i32
        %get3A_1360 = arith.index_cast %add3A_1359 : i32 to index
        %get3A_1361 = arith.constant 32 : index
        %get3A_1362 = tpu.vector_load %arg9[%get3A_1360, %get3A_1361] {strides = array<i32>} : memref<800x64xf32, #tpu.memory_space<vmem>>, vector<16xf32>,
        %add3A_1363 = arith.addf %add3A_1339, %get3A_1362 : vector<16xf32>
        %add3A_1364 = arith.constant 22 : i32
        %add3A_1365 = arith.addi %add3A_830, %add3A_1364 : i32
        %get3A_1366 = arith.index_cast %add3A_1365 : i32 to index
        %get3A_1367 = arith.constant 48 : index
        %get3A_1368 = tpu.vector_load %arg9[%get3A_1366, %get3A_1367] {strides = array<i32>} : memref<800x64xf32, #tpu.memory_space<vmem>>, vector<16xf32>,
        %add3A_1369 = arith.addf %add3A_1345, %get3A_1368 : vector<16xf32>
        %add3A_1370 = arith.constant 23 : i32
        %add3A_1371 = arith.addi %add3A_830, %add3A_1370 : i32
        %get3A_1372 = arith.index_cast %add3A_1371 : i32 to index
        %get3A_1373 = arith.constant 0 : index
        %get3A_1374 = tpu.vector_load %arg9[%get3A_1372, %get3A_1373] {strides = array<i32>} : memref<800x64xf32, #tpu.memory_space<vmem>>, vector<16xf32>,
        %add3A_1375 = arith.addf %add3A_1351, %get3A_1374 : vector<16xf32>
        %add3A_1376 = arith.constant 23 : i32
        %add3A_1377 = arith.addi %add3A_830, %add3A_1376 : i32
        %get3A_1378 = arith.index_cast %add3A_1377 : i32 to index
        %get3A_1379 = arith.constant 16 : index
        %get3A_1380 = tpu.vector_load %arg9[%get3A_1378, %get3A_1379] {strides = array<i32>} : memref<800x64xf32, #tpu.memory_space<vmem>>, vector<16xf32>,
        %add3A_1381 = arith.addf %add3A_1357, %get3A_1380 : vector<16xf32>
        %add3A_1382 = arith.constant 23 : i32
        %add3A_1383 = arith.addi %add3A_830, %add3A_1382 : i32
        %get3A_1384 = arith.index_cast %add3A_1383 : i32 to index
        %get3A_1385 = arith.constant 32 : index
        %get3A_1386 = tpu.vector_load %arg9[%get3A_1384, %get3A_1385] {strides = array<i32>} : memref<800x64xf32, #tpu.memory_space<vmem>>, vector<16xf32>,
        %add3A_1387 = arith.addf %add3A_1363, %get3A_1386 : vector<16xf32>
        %add3A_1388 = arith.constant 23 : i32
        %add3A_1389 = arith.addi %add3A_830, %add3A_1388 : i32
        %get3A_1390 = arith.index_cast %add3A_1389 : i32 to index
        %get3A_1391 = arith.constant 48 : index
        %get3A_1392 = tpu.vector_load %arg9[%get3A_1390, %get3A_1391] {strides = array<i32>} : memref<800x64xf32, #tpu.memory_space<vmem>>, vector<16xf32>,
        %add3A_1393 = arith.addf %add3A_1369, %get3A_1392 : vector<16xf32>
        %add3A_1394 = arith.constant 24 : i32
        %add3A_1395 = arith.addi %add3A_830, %add3A_1394 : i32
        %get3A_1396 = arith.index_cast %add3A_1395 : i32 to index
        %get3A_1397 = arith.constant 0 : index
        %get3A_1398 = tpu.vector_load %arg9[%get3A_1396, %get3A_1397] {strides = array<i32>} : memref<800x64xf32, #tpu.memory_space<vmem>>, vector<16xf32>,
        %add3A_1399 = arith.addf %add3A_1375, %get3A_1398 : vector<16xf32>
        %add3A_1400 = arith.constant 24 : i32
        %add3A_1401 = arith.addi %add3A_830, %add3A_1400 : i32
        %get3A_1402 = arith.index_cast %add3A_1401 : i32 to index
        %get3A_1403 = arith.constant 16 : index
        %get3A_1404 = tpu.vector_load %arg9[%get3A_1402, %get3A_1403] {strides = array<i32>} : memref<800x64xf32, #tpu.memory_space<vmem>>, vector<16xf32>,
        %add3A_1405 = arith.addf %add3A_1381, %get3A_1404 : vector<16xf32>
        %add3A_1406 = arith.constant 24 : i32
        %add3A_1407 = arith.addi %add3A_830, %add3A_1406 : i32
        %get3A_1408 = arith.index_cast %add3A_1407 : i32 to index
        %get3A_1409 = arith.constant 32 : index
        %get3A_1410 = tpu.vector_load %arg9[%get3A_1408, %get3A_1409] {strides = array<i32>} : memref<800x64xf32, #tpu.memory_space<vmem>>, vector<16xf32>,
        %add3A_1411 = arith.addf %add3A_1387, %get3A_1410 : vector<16xf32>
        %add3A_1412 = arith.constant 24 : i32
        %add3A_1413 = arith.addi %add3A_830, %add3A_1412 : i32
        %get3A_1414 = arith.index_cast %add3A_1413 : i32 to index
        %get3A_1415 = arith.constant 48 : index
        %get3A_1416 = tpu.vector_load %arg9[%get3A_1414, %get3A_1415] {strides = array<i32>} : memref<800x64xf32, #tpu.memory_space<vmem>>, vector<16xf32>,
        %add3A_1417 = arith.addf %add3A_1393, %get3A_1416 : vector<16xf32>
        %add3A_1418 = arith.constant 25 : i32
        %add3A_1419 = arith.addi %add3A_830, %add3A_1418 : i32
        %get3A_1420 = arith.index_cast %add3A_1419 : i32 to index
        %get3A_1421 = arith.constant 0 : index
        %get3A_1422 = tpu.vector_load %arg9[%get3A_1420, %get3A_1421] {strides = array<i32>} : memref<800x64xf32, #tpu.memory_space<vmem>>, vector<16xf32>,
        %add3A_1423 = arith.addf %add3A_1399, %get3A_1422 : vector<16xf32>
        %add3A_1424 = arith.constant 25 : i32
        %add3A_1425 = arith.addi %add3A_830, %add3A_1424 : i32
        %get3A_1426 = arith.index_cast %add3A_1425 : i32 to index
        %get3A_1427 = arith.constant 16 : index
        %get3A_1428 = tpu.vector_load %arg9[%get3A_1426, %get3A_1427] {strides = array<i32>} : memref<800x64xf32, #tpu.memory_space<vmem>>, vector<16xf32>,
        %add3A_1429 = arith.addf %add3A_1405, %get3A_1428 : vector<16xf32>
        %add3A_1430 = arith.constant 25 : i32
        %add3A_1431 = arith.addi %add3A_830, %add3A_1430 : i32
        %get3A_1432 = arith.index_cast %add3A_1431 : i32 to index
        %get3A_1433 = arith.constant 32 : index
        %get3A_1434 = tpu.vector_load %arg9[%get3A_1432, %get3A_1433] {strides = array<i32>} : memref<800x64xf32, #tpu.memory_space<vmem>>, vector<16xf32>,
        %add3A_1435 = arith.addf %add3A_1411, %get3A_1434 : vector<16xf32>
        %add3A_1436 = arith.constant 25 : i32
        %add3A_1437 = arith.addi %add3A_830, %add3A_1436 : i32
        %get3A_1438 = arith.index_cast %add3A_1437 : i32 to index
        %get3A_1439 = arith.constant 48 : index
        %get3A_1440 = tpu.vector_load %arg9[%get3A_1438, %get3A_1439] {strides = array<i32>} : memref<800x64xf32, #tpu.memory_space<vmem>>, vector<16xf32>,
        %add3A_1441 = arith.addf %add3A_1417, %get3A_1440 : vector<16xf32>
        %add3A_1442 = arith.constant 26 : i32
        %add3A_1443 = arith.addi %add3A_830, %add3A_1442 : i32
        %get3A_1444 = arith.index_cast %add3A_1443 : i32 to index
        %get3A_1445 = arith.constant 0 : index
        %get3A_1446 = tpu.vector_load %arg9[%get3A_1444, %get3A_1445] {strides = array<i32>} : memref<800x64xf32, #tpu.memory_space<vmem>>, vector<16xf32>,
        %add3A_1447 = arith.addf %add3A_1423, %get3A_1446 : vector<16xf32>
        %add3A_1448 = arith.constant 26 : i32
        %add3A_1449 = arith.addi %add3A_830, %add3A_1448 : i32
        %get3A_1450 = arith.index_cast %add3A_1449 : i32 to index
        %get3A_1451 = arith.constant 16 : index
        %get3A_1452 = tpu.vector_load %arg9[%get3A_1450, %get3A_1451] {strides = array<i32>} : memref<800x64xf32, #tpu.memory_space<vmem>>, vector<16xf32>,
        %add3A_1453 = arith.addf %add3A_1429, %get3A_1452 : vector<16xf32>
        %add3A_1454 = arith.constant 26 : i32
        %add3A_1455 = arith.addi %add3A_830, %add3A_1454 : i32
        %get3A_1456 = arith.index_cast %add3A_1455 : i32 to index
        %get3A_1457 = arith.constant 32 : index
        %get3A_1458 = tpu.vector_load %arg9[%get3A_1456, %get3A_1457] {strides = array<i32>} : memref<800x64xf32, #tpu.memory_space<vmem>>, vector<16xf32>,
        %add3A_1459 = arith.addf %add3A_1435, %get3A_1458 : vector<16xf32>
        %add3A_1460 = arith.constant 26 : i32
        %add3A_1461 = arith.addi %add3A_830, %add3A_1460 : i32
        %get3A_1462 = arith.index_cast %add3A_1461 : i32 to index
        %get3A_1463 = arith.constant 48 : index
        %get3A_1464 = tpu.vector_load %arg9[%get3A_1462, %get3A_1463] {strides = array<i32>} : memref<800x64xf32, #tpu.memory_space<vmem>>, vector<16xf32>,
        %add3A_1465 = arith.addf %add3A_1441, %get3A_1464 : vector<16xf32>
        %add3A_1466 = arith.constant 27 : i32
        %add3A_1467 = arith.addi %add3A_830, %add3A_1466 : i32
        %get3A_1468 = arith.index_cast %add3A_1467 : i32 to index
        %get3A_1469 = arith.constant 0 : index
        %get3A_1470 = tpu.vector_load %arg9[%get3A_1468, %get3A_1469] {strides = array<i32>} : memref<800x64xf32, #tpu.memory_space<vmem>>, vector<16xf32>,
        %add3A_1471 = arith.addf %add3A_1447, %get3A_1470 : vector<16xf32>
        %add3A_1472 = arith.constant 27 : i32
        %add3A_1473 = arith.addi %add3A_830, %add3A_1472 : i32
        %get3A_1474 = arith.index_cast %add3A_1473 : i32 to index
        %get3A_1475 = arith.constant 16 : index
        %get3A_1476 = tpu.vector_load %arg9[%get3A_1474, %get3A_1475] {strides = array<i32>} : memref<800x64xf32, #tpu.memory_space<vmem>>, vector<16xf32>,
        %add3A_1477 = arith.addf %add3A_1453, %get3A_1476 : vector<16xf32>
        %add3A_1478 = arith.constant 27 : i32
        %add3A_1479 = arith.addi %add3A_830, %add3A_1478 : i32
        %get3A_1480 = arith.index_cast %add3A_1479 : i32 to index
        %get3A_1481 = arith.constant 32 : index
        %get3A_1482 = tpu.vector_load %arg9[%get3A_1480, %get3A_1481] {strides = array<i32>} : memref<800x64xf32, #tpu.memory_space<vmem>>, vector<16xf32>,
        %add3A_1483 = arith.addf %add3A_1459, %get3A_1482 : vector<16xf32>
        %add3A_1484 = arith.constant 27 : i32
        %add3A_1485 = arith.addi %add3A_830, %add3A_1484 : i32
        %get3A_1486 = arith.index_cast %add3A_1485 : i32 to index
        %get3A_1487 = arith.constant 48 : index
        %get3A_1488 = tpu.vector_load %arg9[%get3A_1486, %get3A_1487] {strides = array<i32>} : memref<800x64xf32, #tpu.memory_space<vmem>>, vector<16xf32>,
        %add3A_1489 = arith.addf %add3A_1465, %get3A_1488 : vector<16xf32>
        %add3A_1490 = arith.constant 28 : i32
        %add3A_1491 = arith.addi %add3A_830, %add3A_1490 : i32
        %get3A_1492 = arith.index_cast %add3A_1491 : i32 to index
        %get3A_1493 = arith.constant 0 : index
        %get3A_1494 = tpu.vector_load %arg9[%get3A_1492, %get3A_1493] {strides = array<i32>} : memref<800x64xf32, #tpu.memory_space<vmem>>, vector<16xf32>,
        %add3A_1495 = arith.addf %add3A_1471, %get3A_1494 : vector<16xf32>
        %add3A_1496 = arith.constant 28 : i32
        %add3A_1497 = arith.addi %add3A_830, %add3A_1496 : i32
        %get3A_1498 = arith.index_cast %add3A_1497 : i32 to index
        %get3A_1499 = arith.constant 16 : index
        %get3A_1500 = tpu.vector_load %arg9[%get3A_1498, %get3A_1499] {strides = array<i32>} : memref<800x64xf32, #tpu.memory_space<vmem>>, vector<16xf32>,
        %add3A_1501 = arith.addf %add3A_1477, %get3A_1500 : vector<16xf32>
        %add3A_1502 = arith.constant 28 : i32
        %add3A_1503 = arith.addi %add3A_830, %add3A_1502 : i32
        %get3A_1504 = arith.index_cast %add3A_1503 : i32 to index
        %get3A_1505 = arith.constant 32 : index
        %get3A_1506 = tpu.vector_load %arg9[%get3A_1504, %get3A_1505] {strides = array<i32>} : memref<800x64xf32, #tpu.memory_space<vmem>>, vector<16xf32>,
        %add3A_1507 = arith.addf %add3A_1483, %get3A_1506 : vector<16xf32>
        %add3A_1508 = arith.constant 28 : i32
        %add3A_1509 = arith.addi %add3A_830, %add3A_1508 : i32
        %get3A_1510 = arith.index_cast %add3A_1509 : i32 to index
        %get3A_1511 = arith.constant 48 : index
        %get3A_1512 = tpu.vector_load %arg9[%get3A_1510, %get3A_1511] {strides = array<i32>} : memref<800x64xf32, #tpu.memory_space<vmem>>, vector<16xf32>,
        %add3A_1513 = arith.addf %add3A_1489, %get3A_1512 : vector<16xf32>
        %add3A_1514 = arith.constant 29 : i32
        %add3A_1515 = arith.addi %add3A_830, %add3A_1514 : i32
        %get3A_1516 = arith.index_cast %add3A_1515 : i32 to index
        %get3A_1517 = arith.constant 0 : index
        %get3A_1518 = tpu.vector_load %arg9[%get3A_1516, %get3A_1517] {strides = array<i32>} : memref<800x64xf32, #tpu.memory_space<vmem>>, vector<16xf32>,
        %add3A_1519 = arith.addf %add3A_1495, %get3A_1518 : vector<16xf32>
        %add3A_1520 = arith.constant 29 : i32
        %add3A_1521 = arith.addi %add3A_830, %add3A_1520 : i32
        %get3A_1522 = arith.index_cast %add3A_1521 : i32 to index
        %get3A_1523 = arith.constant 16 : index
        %get3A_1524 = tpu.vector_load %arg9[%get3A_1522, %get3A_1523] {strides = array<i32>} : memref<800x64xf32, #tpu.memory_space<vmem>>, vector<16xf32>,
        %add3A_1525 = arith.addf %add3A_1501, %get3A_1524 : vector<16xf32>
        %add3A_1526 = arith.constant 29 : i32
        %add3A_1527 = arith.addi %add3A_830, %add3A_1526 : i32
        %get3A_1528 = arith.index_cast %add3A_1527 : i32 to index
        %get3A_1529 = arith.constant 32 : index
        %get3A_1530 = tpu.vector_load %arg9[%get3A_1528, %get3A_1529] {strides = array<i32>} : memref<800x64xf32, #tpu.memory_space<vmem>>, vector<16xf32>,
        %add3A_1531 = arith.addf %add3A_1507, %get3A_1530 : vector<16xf32>
        %add3A_1532 = arith.constant 29 : i32
        %add3A_1533 = arith.addi %add3A_830, %add3A_1532 : i32
        %get3A_1534 = arith.index_cast %add3A_1533 : i32 to index
        %get3A_1535 = arith.constant 48 : index
        %get3A_1536 = tpu.vector_load %arg9[%get3A_1534, %get3A_1535] {strides = array<i32>} : memref<800x64xf32, #tpu.memory_space<vmem>>, vector<16xf32>,
        %add3A_1537 = arith.addf %add3A_1513, %get3A_1536 : vector<16xf32>
        %add3A_1538 = arith.constant 30 : i32
        %add3A_1539 = arith.addi %add3A_830, %add3A_1538 : i32
        %get3A_1540 = arith.index_cast %add3A_1539 : i32 to index
        %get3A_1541 = arith.constant 0 : index
        %get3A_1542 = tpu.vector_load %arg9[%get3A_1540, %get3A_1541] {strides = array<i32>} : memref<800x64xf32, #tpu.memory_space<vmem>>, vector<16xf32>,
        %add3A_1543 = arith.addf %add3A_1519, %get3A_1542 : vector<16xf32>
        %add3A_1544 = arith.constant 30 : i32
        %add3A_1545 = arith.addi %add3A_830, %add3A_1544 : i32
        %get3A_1546 = arith.index_cast %add3A_1545 : i32 to index
        %get3A_1547 = arith.constant 16 : index
        %get3A_1548 = tpu.vector_load %arg9[%get3A_1546, %get3A_1547] {strides = array<i32>} : memref<800x64xf32, #tpu.memory_space<vmem>>, vector<16xf32>,
        %add3A_1549 = arith.addf %add3A_1525, %get3A_1548 : vector<16xf32>
        %add3A_1550 = arith.constant 30 : i32
        %add3A_1551 = arith.addi %add3A_830, %add3A_1550 : i32
        %get3A_1552 = arith.index_cast %add3A_1551 : i32 to index
        %get3A_1553 = arith.constant 32 : index
        %get3A_1554 = tpu.vector_load %arg9[%get3A_1552, %get3A_1553] {strides = array<i32>} : memref<800x64xf32, #tpu.memory_space<vmem>>, vector<16xf32>,
        %add3A_1555 = arith.addf %add3A_1531, %get3A_1554 : vector<16xf32>
        %add3A_1556 = arith.constant 30 : i32
        %add3A_1557 = arith.addi %add3A_830, %add3A_1556 : i32
        %get3A_1558 = arith.index_cast %add3A_1557 : i32 to index
        %get3A_1559 = arith.constant 48 : index
        %get3A_1560 = tpu.vector_load %arg9[%get3A_1558, %get3A_1559] {strides = array<i32>} : memref<800x64xf32, #tpu.memory_space<vmem>>, vector<16xf32>,
        %add3A_1561 = arith.addf %add3A_1537, %get3A_1560 : vector<16xf32>
        %add3A_1562 = arith.constant 31 : i32
        %add3A_1563 = arith.addi %add3A_830, %add3A_1562 : i32
        %get3A_1564 = arith.index_cast %add3A_1563 : i32 to index
        %get3A_1565 = arith.constant 0 : index
        %get3A_1566 = tpu.vector_load %arg9[%get3A_1564, %get3A_1565] {strides = array<i32>} : memref<800x64xf32, #tpu.memory_space<vmem>>, vector<16xf32>,
        %add3A_1567 = arith.addf %add3A_1543, %get3A_1566 : vector<16xf32>
        %add3A_1568 = arith.constant 31 : i32
        %add3A_1569 = arith.addi %add3A_830, %add3A_1568 : i32
        %get3A_1570 = arith.index_cast %add3A_1569 : i32 to index
        %get3A_1571 = arith.constant 16 : index
        %get3A_1572 = tpu.vector_load %arg9[%get3A_1570, %get3A_1571] {strides = array<i32>} : memref<800x64xf32, #tpu.memory_space<vmem>>, vector<16xf32>,
        %add3A_1573 = arith.addf %add3A_1549, %get3A_1572 : vector<16xf32>
        %add3A_1574 = arith.constant 31 : i32
        %add3A_1575 = arith.addi %add3A_830, %add3A_1574 : i32
        %get3A_1576 = arith.index_cast %add3A_1575 : i32 to index
        %get3A_1577 = arith.constant 32 : index
        %get3A_1578 = tpu.vector_load %arg9[%get3A_1576, %get3A_1577] {strides = array<i32>} : memref<800x64xf32, #tpu.memory_space<vmem>>, vector<16xf32>,
        %add3A_1579 = arith.addf %add3A_1555, %get3A_1578 : vector<16xf32>
        %add3A_1580 = arith.constant 31 : i32
        %add3A_1581 = arith.addi %add3A_830, %add3A_1580 : i32
        %get3A_1582 = arith.index_cast %add3A_1581 : i32 to index
        %get3A_1583 = arith.constant 48 : index
        %get3A_1584 = tpu.vector_load %arg9[%get3A_1582, %get3A_1583] {strides = array<i32>} : memref<800x64xf32, #tpu.memory_space<vmem>>, vector<16xf32>,
        %add3A_1585 = arith.addf %add3A_1561, %get3A_1584 : vector<16xf32>
        %add3A_1586 = arith.constant 32 : i32
        %add3A_1587 = arith.addi %add3A_830, %add3A_1586 : i32
        %get3A_1588 = arith.index_cast %add3A_1587 : i32 to index
        %get3A_1589 = arith.constant 0 : index
        %get3A_1590 = tpu.vector_load %arg9[%get3A_1588, %get3A_1589] {strides = array<i32>} : memref<800x64xf32, #tpu.memory_space<vmem>>, vector<16xf32>,
        %add3A_1591 = arith.addf %add3A_1567, %get3A_1590 : vector<16xf32>
        %add3A_1592 = arith.constant 32 : i32
        %add3A_1593 = arith.addi %add3A_830, %add3A_1592 : i32
        %get3A_1594 = arith.index_cast %add3A_1593 : i32 to index
        %get3A_1595 = arith.constant 16 : index
        %get3A_1596 = tpu.vector_load %arg9[%get3A_1594, %get3A_1595] {strides = array<i32>} : memref<800x64xf32, #tpu.memory_space<vmem>>, vector<16xf32>,
        %add3A_1597 = arith.addf %add3A_1573, %get3A_1596 : vector<16xf32>
        %add3A_1598 = arith.constant 32 : i32
        %add3A_1599 = arith.addi %add3A_830, %add3A_1598 : i32
        %get3A_1600 = arith.index_cast %add3A_1599 : i32 to index
        %get3A_1601 = arith.constant 32 : index
        %get3A_1602 = tpu.vector_load %arg9[%get3A_1600, %get3A_1601] {strides = array<i32>} : memref<800x64xf32, #tpu.memory_space<vmem>>, vector<16xf32>,
        %add3A_1603 = arith.addf %add3A_1579, %get3A_1602 : vector<16xf32>
        %add3A_1604 = arith.constant 32 : i32
        %add3A_1605 = arith.addi %add3A_830, %add3A_1604 : i32
        %get3A_1606 = arith.index_cast %add3A_1605 : i32 to index
        %get3A_1607 = arith.constant 48 : index
        %get3A_1608 = tpu.vector_load %arg9[%get3A_1606, %get3A_1607] {strides = array<i32>} : memref<800x64xf32, #tpu.memory_space<vmem>>, vector<16xf32>,
        %add3A_1609 = arith.addf %add3A_1585, %get3A_1608 : vector<16xf32>
        %add3A_1610 = arith.constant 33 : i32
        %add3A_1611 = arith.addi %add3A_830, %add3A_1610 : i32
        %get3A_1612 = arith.index_cast %add3A_1611 : i32 to index
        %get3A_1613 = arith.constant 0 : index
        %get3A_1614 = tpu.vector_load %arg9[%get3A_1612, %get3A_1613] {strides = array<i32>} : memref<800x64xf32, #tpu.memory_space<vmem>>, vector<16xf32>,
        %add3A_1615 = arith.addf %add3A_1591, %get3A_1614 : vector<16xf32>
        %add3A_1616 = arith.constant 33 : i32
        %add3A_1617 = arith.addi %add3A_830, %add3A_1616 : i32
        %get3A_1618 = arith.index_cast %add3A_1617 : i32 to index
        %get3A_1619 = arith.constant 16 : index
        %get3A_1620 = tpu.vector_load %arg9[%get3A_1618, %get3A_1619] {strides = array<i32>} : memref<800x64xf32, #tpu.memory_space<vmem>>, vector<16xf32>,
        %add3A_1621 = arith.addf %add3A_1597, %get3A_1620 : vector<16xf32>
        %add3A_1622 = arith.constant 33 : i32
        %add3A_1623 = arith.addi %add3A_830, %add3A_1622 : i32
        %get3A_1624 = arith.index_cast %add3A_1623 : i32 to index
        %get3A_1625 = arith.constant 32 : index
        %get3A_1626 = tpu.vector_load %arg9[%get3A_1624, %get3A_1625] {strides = array<i32>} : memref<800x64xf32, #tpu.memory_space<vmem>>, vector<16xf32>,
        %add3A_1627 = arith.addf %add3A_1603, %get3A_1626 : vector<16xf32>
        %add3A_1628 = arith.constant 33 : i32
        %add3A_1629 = arith.addi %add3A_830, %add3A_1628 : i32
        %get3A_1630 = arith.index_cast %add3A_1629 : i32 to index
        %get3A_1631 = arith.constant 48 : index
        %get3A_1632 = tpu.vector_load %arg9[%get3A_1630, %get3A_1631] {strides = array<i32>} : memref<800x64xf32, #tpu.memory_space<vmem>>, vector<16xf32>,
        %add3A_1633 = arith.addf %add3A_1609, %get3A_1632 : vector<16xf32>
        %add3A_1634 = arith.constant 34 : i32
        %add3A_1635 = arith.addi %add3A_830, %add3A_1634 : i32
        %get3A_1636 = arith.index_cast %add3A_1635 : i32 to index
        %get3A_1637 = arith.constant 0 : index
        %get3A_1638 = tpu.vector_load %arg9[%get3A_1636, %get3A_1637] {strides = array<i32>} : memref<800x64xf32, #tpu.memory_space<vmem>>, vector<16xf32>,
        %add3A_1639 = arith.addf %add3A_1615, %get3A_1638 : vector<16xf32>
        %add3A_1640 = arith.constant 34 : i32
        %add3A_1641 = arith.addi %add3A_830, %add3A_1640 : i32
        %get3A_1642 = arith.index_cast %add3A_1641 : i32 to index
        %get3A_1643 = arith.constant 16 : index
        %get3A_1644 = tpu.vector_load %arg9[%get3A_1642, %get3A_1643] {strides = array<i32>} : memref<800x64xf32, #tpu.memory_space<vmem>>, vector<16xf32>,
        %add3A_1645 = arith.addf %add3A_1621, %get3A_1644 : vector<16xf32>
        %add3A_1646 = arith.constant 34 : i32
        %add3A_1647 = arith.addi %add3A_830, %add3A_1646 : i32
        %get3A_1648 = arith.index_cast %add3A_1647 : i32 to index
        %get3A_1649 = arith.constant 32 : index
        %get3A_1650 = tpu.vector_load %arg9[%get3A_1648, %get3A_1649] {strides = array<i32>} : memref<800x64xf32, #tpu.memory_space<vmem>>, vector<16xf32>,
        %add3A_1651 = arith.addf %add3A_1627, %get3A_1650 : vector<16xf32>
        %add3A_1652 = arith.constant 34 : i32
        %add3A_1653 = arith.addi %add3A_830, %add3A_1652 : i32
        %get3A_1654 = arith.index_cast %add3A_1653 : i32 to index
        %get3A_1655 = arith.constant 48 : index
        %get3A_1656 = tpu.vector_load %arg9[%get3A_1654, %get3A_1655] {strides = array<i32>} : memref<800x64xf32, #tpu.memory_space<vmem>>, vector<16xf32>,
        %add3A_1657 = arith.addf %add3A_1633, %get3A_1656 : vector<16xf32>
        %add3A_1658 = arith.constant 35 : i32
        %add3A_1659 = arith.addi %add3A_830, %add3A_1658 : i32
        %get3A_1660 = arith.index_cast %add3A_1659 : i32 to index
        %get3A_1661 = arith.constant 0 : index
        %get3A_1662 = tpu.vector_load %arg9[%get3A_1660, %get3A_1661] {strides = array<i32>} : memref<800x64xf32, #tpu.memory_space<vmem>>, vector<16xf32>,
        %add3A_1663 = arith.addf %add3A_1639, %get3A_1662 : vector<16xf32>
        %add3A_1664 = arith.constant 35 : i32
        %add3A_1665 = arith.addi %add3A_830, %add3A_1664 : i32
        %get3A_1666 = arith.index_cast %add3A_1665 : i32 to index
        %get3A_1667 = arith.constant 16 : index
        %get3A_1668 = tpu.vector_load %arg9[%get3A_1666, %get3A_1667] {strides = array<i32>} : memref<800x64xf32, #tpu.memory_space<vmem>>, vector<16xf32>,
        %add3A_1669 = arith.addf %add3A_1645, %get3A_1668 : vector<16xf32>
        %add3A_1670 = arith.constant 35 : i32
        %add3A_1671 = arith.addi %add3A_830, %add3A_1670 : i32
        %get3A_1672 = arith.index_cast %add3A_1671 : i32 to index
        %get3A_1673 = arith.constant 32 : index
        %get3A_1674 = tpu.vector_load %arg9[%get3A_1672, %get3A_1673] {strides = array<i32>} : memref<800x64xf32, #tpu.memory_space<vmem>>, vector<16xf32>,
        %add3A_1675 = arith.addf %add3A_1651, %get3A_1674 : vector<16xf32>
        %add3A_1676 = arith.constant 35 : i32
        %add3A_1677 = arith.addi %add3A_830, %add3A_1676 : i32
        %get3A_1678 = arith.index_cast %add3A_1677 : i32 to index
        %get3A_1679 = arith.constant 48 : index
        %get3A_1680 = tpu.vector_load %arg9[%get3A_1678, %get3A_1679] {strides = array<i32>} : memref<800x64xf32, #tpu.memory_space<vmem>>, vector<16xf32>,
        %add3A_1681 = arith.addf %add3A_1657, %get3A_1680 : vector<16xf32>
        %add3A_1682 = arith.constant 36 : i32
        %add3A_1683 = arith.addi %add3A_830, %add3A_1682 : i32
        %get3A_1684 = arith.index_cast %add3A_1683 : i32 to index
        %get3A_1685 = arith.constant 0 : index
        %get3A_1686 = tpu.vector_load %arg9[%get3A_1684, %get3A_1685] {strides = array<i32>} : memref<800x64xf32, #tpu.memory_space<vmem>>, vector<16xf32>,
        %add3A_1687 = arith.addf %add3A_1663, %get3A_1686 : vector<16xf32>
        %add3A_1688 = arith.constant 36 : i32
        %add3A_1689 = arith.addi %add3A_830, %add3A_1688 : i32
        %get3A_1690 = arith.index_cast %add3A_1689 : i32 to index
        %get3A_1691 = arith.constant 16 : index
        %get3A_1692 = tpu.vector_load %arg9[%get3A_1690, %get3A_1691] {strides = array<i32>} : memref<800x64xf32, #tpu.memory_space<vmem>>, vector<16xf32>,
        %add3A_1693 = arith.addf %add3A_1669, %get3A_1692 : vector<16xf32>
        %add3A_1694 = arith.constant 36 : i32
        %add3A_1695 = arith.addi %add3A_830, %add3A_1694 : i32
        %get3A_1696 = arith.index_cast %add3A_1695 : i32 to index
        %get3A_1697 = arith.constant 32 : index
        %get3A_1698 = tpu.vector_load %arg9[%get3A_1696, %get3A_1697] {strides = array<i32>} : memref<800x64xf32, #tpu.memory_space<vmem>>, vector<16xf32>,
        %add3A_1699 = arith.addf %add3A_1675, %get3A_1698 : vector<16xf32>
        %add3A_1700 = arith.constant 36 : i32
        %add3A_1701 = arith.addi %add3A_830, %add3A_1700 : i32
        %get3A_1702 = arith.index_cast %add3A_1701 : i32 to index
        %get3A_1703 = arith.constant 48 : index
        %get3A_1704 = tpu.vector_load %arg9[%get3A_1702, %get3A_1703] {strides = array<i32>} : memref<800x64xf32, #tpu.memory_space<vmem>>, vector<16xf32>,
        %add3A_1705 = arith.addf %add3A_1681, %get3A_1704 : vector<16xf32>
        %add3A_1706 = arith.constant 37 : i32
        %add3A_1707 = arith.addi %add3A_830, %add3A_1706 : i32
        %get3A_1708 = arith.index_cast %add3A_1707 : i32 to index
        %get3A_1709 = arith.constant 0 : index
        %get3A_1710 = tpu.vector_load %arg9[%get3A_1708, %get3A_1709] {strides = array<i32>} : memref<800x64xf32, #tpu.memory_space<vmem>>, vector<16xf32>,
        %add3A_1711 = arith.addf %add3A_1687, %get3A_1710 : vector<16xf32>
        %add3A_1712 = arith.constant 37 : i32
        %add3A_1713 = arith.addi %add3A_830, %add3A_1712 : i32
        %get3A_1714 = arith.index_cast %add3A_1713 : i32 to index
        %get3A_1715 = arith.constant 16 : index
        %get3A_1716 = tpu.vector_load %arg9[%get3A_1714, %get3A_1715] {strides = array<i32>} : memref<800x64xf32, #tpu.memory_space<vmem>>, vector<16xf32>,
        %add3A_1717 = arith.addf %add3A_1693, %get3A_1716 : vector<16xf32>
        %add3A_1718 = arith.constant 37 : i32
        %add3A_1719 = arith.addi %add3A_830, %add3A_1718 : i32
        %get3A_1720 = arith.index_cast %add3A_1719 : i32 to index
        %get3A_1721 = arith.constant 32 : index
        %get3A_1722 = tpu.vector_load %arg9[%get3A_1720, %get3A_1721] {strides = array<i32>} : memref<800x64xf32, #tpu.memory_space<vmem>>, vector<16xf32>,
        %add3A_1723 = arith.addf %add3A_1699, %get3A_1722 : vector<16xf32>
        %add3A_1724 = arith.constant 37 : i32
        %add3A_1725 = arith.addi %add3A_830, %add3A_1724 : i32
        %get3A_1726 = arith.index_cast %add3A_1725 : i32 to index
        %get3A_1727 = arith.constant 48 : index
        %get3A_1728 = tpu.vector_load %arg9[%get3A_1726, %get3A_1727] {strides = array<i32>} : memref<800x64xf32, #tpu.memory_space<vmem>>, vector<16xf32>,
        %add3A_1729 = arith.addf %add3A_1705, %get3A_1728 : vector<16xf32>
        %add3A_1730 = arith.constant 38 : i32
        %add3A_1731 = arith.addi %add3A_830, %add3A_1730 : i32
        %get3A_1732 = arith.index_cast %add3A_1731 : i32 to index
        %get3A_1733 = arith.constant 0 : index
        %get3A_1734 = tpu.vector_load %arg9[%get3A_1732, %get3A_1733] {strides = array<i32>} : memref<800x64xf32, #tpu.memory_space<vmem>>, vector<16xf32>,
        %add3A_1735 = arith.addf %add3A_1711, %get3A_1734 : vector<16xf32>
        %add3A_1736 = arith.constant 38 : i32
        %add3A_1737 = arith.addi %add3A_830, %add3A_1736 : i32
        %get3A_1738 = arith.index_cast %add3A_1737 : i32 to index
        %get3A_1739 = arith.constant 16 : index
        %get3A_1740 = tpu.vector_load %arg9[%get3A_1738, %get3A_1739] {strides = array<i32>} : memref<800x64xf32, #tpu.memory_space<vmem>>, vector<16xf32>,
        %add3A_1741 = arith.addf %add3A_1717, %get3A_1740 : vector<16xf32>
        %add3A_1742 = arith.constant 38 : i32
        %add3A_1743 = arith.addi %add3A_830, %add3A_1742 : i32
        %get3A_1744 = arith.index_cast %add3A_1743 : i32 to index
        %get3A_1745 = arith.constant 32 : index
        %get3A_1746 = tpu.vector_load %arg9[%get3A_1744, %get3A_1745] {strides = array<i32>} : memref<800x64xf32, #tpu.memory_space<vmem>>, vector<16xf32>,
        %add3A_1747 = arith.addf %add3A_1723, %get3A_1746 : vector<16xf32>
        %add3A_1748 = arith.constant 38 : i32
        %add3A_1749 = arith.addi %add3A_830, %add3A_1748 : i32
        %get3A_1750 = arith.index_cast %add3A_1749 : i32 to index
        %get3A_1751 = arith.constant 48 : index
        %get3A_1752 = tpu.vector_load %arg9[%get3A_1750, %get3A_1751] {strides = array<i32>} : memref<800x64xf32, #tpu.memory_space<vmem>>, vector<16xf32>,
        %add3A_1753 = arith.addf %add3A_1729, %get3A_1752 : vector<16xf32>
        %add3A_1754 = arith.constant 39 : i32
        %add3A_1755 = arith.addi %add3A_830, %add3A_1754 : i32
        %get3A_1756 = arith.index_cast %add3A_1755 : i32 to index
        %get3A_1757 = arith.constant 0 : index
        %get3A_1758 = tpu.vector_load %arg9[%get3A_1756, %get3A_1757] {strides = array<i32>} : memref<800x64xf32, #tpu.memory_space<vmem>>, vector<16xf32>,
        %add3A_1759 = arith.addf %add3A_1735, %get3A_1758 : vector<16xf32>
        %add3A_1760 = arith.constant 39 : i32
        %add3A_1761 = arith.addi %add3A_830, %add3A_1760 : i32
        %get3A_1762 = arith.index_cast %add3A_1761 : i32 to index
        %get3A_1763 = arith.constant 16 : index
        %get3A_1764 = tpu.vector_load %arg9[%get3A_1762, %get3A_1763] {strides = array<i32>} : memref<800x64xf32, #tpu.memory_space<vmem>>, vector<16xf32>,
        %add3A_1765 = arith.addf %add3A_1741, %get3A_1764 : vector<16xf32>
        %add3A_1766 = arith.constant 39 : i32
        %add3A_1767 = arith.addi %add3A_830, %add3A_1766 : i32
        %get3A_1768 = arith.index_cast %add3A_1767 : i32 to index
        %get3A_1769 = arith.constant 32 : index
        %get3A_1770 = tpu.vector_load %arg9[%get3A_1768, %get3A_1769] {strides = array<i32>} : memref<800x64xf32, #tpu.memory_space<vmem>>, vector<16xf32>,
        %add3A_1771 = arith.addf %add3A_1747, %get3A_1770 : vector<16xf32>
        %add3A_1772 = arith.constant 39 : i32
        %add3A_1773 = arith.addi %add3A_830, %add3A_1772 : i32
        %get3A_1774 = arith.index_cast %add3A_1773 : i32 to index
        %get3A_1775 = arith.constant 48 : index
        %get3A_1776 = tpu.vector_load %arg9[%get3A_1774, %get3A_1775] {strides = array<i32>} : memref<800x64xf32, #tpu.memory_space<vmem>>, vector<16xf32>,
        %add3A_1777 = arith.addf %add3A_1753, %get3A_1776 : vector<16xf32>
        %add3A_1778 = arith.constant 40 : i32
        %add3A_1779 = arith.addi %add3A_830, %add3A_1778 : i32
        %get3A_1780 = arith.index_cast %add3A_1779 : i32 to index
        %get3A_1781 = arith.constant 0 : index
        %get3A_1782 = tpu.vector_load %arg9[%get3A_1780, %get3A_1781] {strides = array<i32>} : memref<800x64xf32, #tpu.memory_space<vmem>>, vector<16xf32>,
        %add3A_1783 = arith.addf %add3A_1759, %get3A_1782 : vector<16xf32>
        %add3A_1784 = arith.constant 40 : i32
        %add3A_1785 = arith.addi %add3A_830, %add3A_1784 : i32
        %get3A_1786 = arith.index_cast %add3A_1785 : i32 to index
        %get3A_1787 = arith.constant 16 : index
        %get3A_1788 = tpu.vector_load %arg9[%get3A_1786, %get3A_1787] {strides = array<i32>} : memref<800x64xf32, #tpu.memory_space<vmem>>, vector<16xf32>,
        %add3A_1789 = arith.addf %add3A_1765, %get3A_1788 : vector<16xf32>
        %add3A_1790 = arith.constant 40 : i32
        %add3A_1791 = arith.addi %add3A_830, %add3A_1790 : i32
        %get3A_1792 = arith.index_cast %add3A_1791 : i32 to index
        %get3A_1793 = arith.constant 32 : index
        %get3A_1794 = tpu.vector_load %arg9[%get3A_1792, %get3A_1793] {strides = array<i32>} : memref<800x64xf32, #tpu.memory_space<vmem>>, vector<16xf32>,
        %add3A_1795 = arith.addf %add3A_1771, %get3A_1794 : vector<16xf32>
        %add3A_1796 = arith.constant 40 : i32
        %add3A_1797 = arith.addi %add3A_830, %add3A_1796 : i32
        %get3A_1798 = arith.index_cast %add3A_1797 : i32 to index
        %get3A_1799 = arith.constant 48 : index
        %get3A_1800 = tpu.vector_load %arg9[%get3A_1798, %get3A_1799] {strides = array<i32>} : memref<800x64xf32, #tpu.memory_space<vmem>>, vector<16xf32>,
        %add3A_1801 = arith.addf %add3A_1777, %get3A_1800 : vector<16xf32>
        %add3A_1802 = arith.constant 41 : i32
        %add3A_1803 = arith.addi %add3A_830, %add3A_1802 : i32
        %get3A_1804 = arith.index_cast %add3A_1803 : i32 to index
        %get3A_1805 = arith.constant 0 : index
        %get3A_1806 = tpu.vector_load %arg9[%get3A_1804, %get3A_1805] {strides = array<i32>} : memref<800x64xf32, #tpu.memory_space<vmem>>, vector<16xf32>,
        %add3A_1807 = arith.addf %add3A_1783, %get3A_1806 : vector<16xf32>
        %add3A_1808 = arith.constant 41 : i32
        %add3A_1809 = arith.addi %add3A_830, %add3A_1808 : i32
        %get3A_1810 = arith.index_cast %add3A_1809 : i32 to index
        %get3A_1811 = arith.constant 16 : index
        %get3A_1812 = tpu.vector_load %arg9[%get3A_1810, %get3A_1811] {strides = array<i32>} : memref<800x64xf32, #tpu.memory_space<vmem>>, vector<16xf32>,
        %add3A_1813 = arith.addf %add3A_1789, %get3A_1812 : vector<16xf32>
        %add3A_1814 = arith.constant 41 : i32
        %add3A_1815 = arith.addi %add3A_830, %add3A_1814 : i32
        %get3A_1816 = arith.index_cast %add3A_1815 : i32 to index
        %get3A_1817 = arith.constant 32 : index
        %get3A_1818 = tpu.vector_load %arg9[%get3A_1816, %get3A_1817] {strides = array<i32>} : memref<800x64xf32, #tpu.memory_space<vmem>>, vector<16xf32>,
        %add3A_1819 = arith.addf %add3A_1795, %get3A_1818 : vector<16xf32>
        %add3A_1820 = arith.constant 41 : i32
        %add3A_1821 = arith.addi %add3A_830, %add3A_1820 : i32
        %get3A_1822 = arith.index_cast %add3A_1821 : i32 to index
        %get3A_1823 = arith.constant 48 : index
        %get3A_1824 = tpu.vector_load %arg9[%get3A_1822, %get3A_1823] {strides = array<i32>} : memref<800x64xf32, #tpu.memory_space<vmem>>, vector<16xf32>,
        %add3A_1825 = arith.addf %add3A_1801, %get3A_1824 : vector<16xf32>
        %add3A_1826 = arith.constant 42 : i32
        %add3A_1827 = arith.addi %add3A_830, %add3A_1826 : i32
        %get3A_1828 = arith.index_cast %add3A_1827 : i32 to index
        %get3A_1829 = arith.constant 0 : index
        %get3A_1830 = tpu.vector_load %arg9[%get3A_1828, %get3A_1829] {strides = array<i32>} : memref<800x64xf32, #tpu.memory_space<vmem>>, vector<16xf32>,
        %add3A_1831 = arith.addf %add3A_1807, %get3A_1830 : vector<16xf32>
        %add3A_1832 = arith.constant 42 : i32
        %add3A_1833 = arith.addi %add3A_830, %add3A_1832 : i32
        %get3A_1834 = arith.index_cast %add3A_1833 : i32 to index
        %get3A_1835 = arith.constant 16 : index
        %get3A_1836 = tpu.vector_load %arg9[%get3A_1834, %get3A_1835] {strides = array<i32>} : memref<800x64xf32, #tpu.memory_space<vmem>>, vector<16xf32>,
        %add3A_1837 = arith.addf %add3A_1813, %get3A_1836 : vector<16xf32>
        %add3A_1838 = arith.constant 42 : i32
        %add3A_1839 = arith.addi %add3A_830, %add3A_1838 : i32
        %get3A_1840 = arith.index_cast %add3A_1839 : i32 to index
        %get3A_1841 = arith.constant 32 : index
        %get3A_1842 = tpu.vector_load %arg9[%get3A_1840, %get3A_1841] {strides = array<i32>} : memref<800x64xf32, #tpu.memory_space<vmem>>, vector<16xf32>,
        %add3A_1843 = arith.addf %add3A_1819, %get3A_1842 : vector<16xf32>
        %add3A_1844 = arith.constant 42 : i32
        %add3A_1845 = arith.addi %add3A_830, %add3A_1844 : i32
        %get3A_1846 = arith.index_cast %add3A_1845 : i32 to index
        %get3A_1847 = arith.constant 48 : index
        %get3A_1848 = tpu.vector_load %arg9[%get3A_1846, %get3A_1847] {strides = array<i32>} : memref<800x64xf32, #tpu.memory_space<vmem>>, vector<16xf32>,
        %add3A_1849 = arith.addf %add3A_1825, %get3A_1848 : vector<16xf32>
        %add3A_1850 = arith.constant 43 : i32
        %add3A_1851 = arith.addi %add3A_830, %add3A_1850 : i32
        %get3A_1852 = arith.index_cast %add3A_1851 : i32 to index
        %get3A_1853 = arith.constant 0 : index
        %get3A_1854 = tpu.vector_load %arg9[%get3A_1852, %get3A_1853] {strides = array<i32>} : memref<800x64xf32, #tpu.memory_space<vmem>>, vector<16xf32>,
        %add3A_1855 = arith.addf %add3A_1831, %get3A_1854 : vector<16xf32>
        %add3A_1856 = arith.constant 43 : i32
        %add3A_1857 = arith.addi %add3A_830, %add3A_1856 : i32
        %get3A_1858 = arith.index_cast %add3A_1857 : i32 to index
        %get3A_1859 = arith.constant 16 : index
        %get3A_1860 = tpu.vector_load %arg9[%get3A_1858, %get3A_1859] {strides = array<i32>} : memref<800x64xf32, #tpu.memory_space<vmem>>, vector<16xf32>,
        %add3A_1861 = arith.addf %add3A_1837, %get3A_1860 : vector<16xf32>
        %add3A_1862 = arith.constant 43 : i32
        %add3A_1863 = arith.addi %add3A_830, %add3A_1862 : i32
        %get3A_1864 = arith.index_cast %add3A_1863 : i32 to index
        %get3A_1865 = arith.constant 32 : index
        %get3A_1866 = tpu.vector_load %arg9[%get3A_1864, %get3A_1865] {strides = array<i32>} : memref<800x64xf32, #tpu.memory_space<vmem>>, vector<16xf32>,
        %add3A_1867 = arith.addf %add3A_1843, %get3A_1866 : vector<16xf32>
        %add3A_1868 = arith.constant 43 : i32
        %add3A_1869 = arith.addi %add3A_830, %add3A_1868 : i32
        %get3A_1870 = arith.index_cast %add3A_1869 : i32 to index
        %get3A_1871 = arith.constant 48 : index
        %get3A_1872 = tpu.vector_load %arg9[%get3A_1870, %get3A_1871] {strides = array<i32>} : memref<800x64xf32, #tpu.memory_space<vmem>>, vector<16xf32>,
        %add3A_1873 = arith.addf %add3A_1849, %get3A_1872 : vector<16xf32>
        %add3A_1874 = arith.constant 44 : i32
        %add3A_1875 = arith.addi %add3A_830, %add3A_1874 : i32
        %get3A_1876 = arith.index_cast %add3A_1875 : i32 to index
        %get3A_1877 = arith.constant 0 : index
        %get3A_1878 = tpu.vector_load %arg9[%get3A_1876, %get3A_1877] {strides = array<i32>} : memref<800x64xf32, #tpu.memory_space<vmem>>, vector<16xf32>,
        %add3A_1879 = arith.addf %add3A_1855, %get3A_1878 : vector<16xf32>
        %add3A_1880 = arith.constant 44 : i32
        %add3A_1881 = arith.addi %add3A_830, %add3A_1880 : i32
        %get3A_1882 = arith.index_cast %add3A_1881 : i32 to index
        %get3A_1883 = arith.constant 16 : index
        %get3A_1884 = tpu.vector_load %arg9[%get3A_1882, %get3A_1883] {strides = array<i32>} : memref<800x64xf32, #tpu.memory_space<vmem>>, vector<16xf32>,
        %add3A_1885 = arith.addf %add3A_1861, %get3A_1884 : vector<16xf32>
        %add3A_1886 = arith.constant 44 : i32
        %add3A_1887 = arith.addi %add3A_830, %add3A_1886 : i32
        %get3A_1888 = arith.index_cast %add3A_1887 : i32 to index
        %get3A_1889 = arith.constant 32 : index
        %get3A_1890 = tpu.vector_load %arg9[%get3A_1888, %get3A_1889] {strides = array<i32>} : memref<800x64xf32, #tpu.memory_space<vmem>>, vector<16xf32>,
        %add3A_1891 = arith.addf %add3A_1867, %get3A_1890 : vector<16xf32>
        %add3A_1892 = arith.constant 44 : i32
        %add3A_1893 = arith.addi %add3A_830, %add3A_1892 : i32
        %get3A_1894 = arith.index_cast %add3A_1893 : i32 to index
        %get3A_1895 = arith.constant 48 : index
        %get3A_1896 = tpu.vector_load %arg9[%get3A_1894, %get3A_1895] {strides = array<i32>} : memref<800x64xf32, #tpu.memory_space<vmem>>, vector<16xf32>,
        %add3A_1897 = arith.addf %add3A_1873, %get3A_1896 : vector<16xf32>
        %add3A_1898 = arith.constant 45 : i32
        %add3A_1899 = arith.addi %add3A_830, %add3A_1898 : i32
        %get3A_1900 = arith.index_cast %add3A_1899 : i32 to index
        %get3A_1901 = arith.constant 0 : index
        %get3A_1902 = tpu.vector_load %arg9[%get3A_1900, %get3A_1901] {strides = array<i32>} : memref<800x64xf32, #tpu.memory_space<vmem>>, vector<16xf32>,
        %add3A_1903 = arith.addf %add3A_1879, %get3A_1902 : vector<16xf32>
        %add3A_1904 = arith.constant 45 : i32
        %add3A_1905 = arith.addi %add3A_830, %add3A_1904 : i32
        %get3A_1906 = arith.index_cast %add3A_1905 : i32 to index
        %get3A_1907 = arith.constant 16 : index
        %get3A_1908 = tpu.vector_load %arg9[%get3A_1906, %get3A_1907] {strides = array<i32>} : memref<800x64xf32, #tpu.memory_space<vmem>>, vector<16xf32>,
        %add3A_1909 = arith.addf %add3A_1885, %get3A_1908 : vector<16xf32>
        %add3A_1910 = arith.constant 45 : i32
        %add3A_1911 = arith.addi %add3A_830, %add3A_1910 : i32
        %get3A_1912 = arith.index_cast %add3A_1911 : i32 to index
        %get3A_1913 = arith.constant 32 : index
        %get3A_1914 = tpu.vector_load %arg9[%get3A_1912, %get3A_1913] {strides = array<i32>} : memref<800x64xf32, #tpu.memory_space<vmem>>, vector<16xf32>,
        %add3A_1915 = arith.addf %add3A_1891, %get3A_1914 : vector<16xf32>
        %add3A_1916 = arith.constant 45 : i32
        %add3A_1917 = arith.addi %add3A_830, %add3A_1916 : i32
        %get3A_1918 = arith.index_cast %add3A_1917 : i32 to index
        %get3A_1919 = arith.constant 48 : index
        %get3A_1920 = tpu.vector_load %arg9[%get3A_1918, %get3A_1919] {strides = array<i32>} : memref<800x64xf32, #tpu.memory_space<vmem>>, vector<16xf32>,
        %add3A_1921 = arith.addf %add3A_1897, %get3A_1920 : vector<16xf32>
        %add3A_1922 = arith.constant 46 : i32
        %add3A_1923 = arith.addi %add3A_830, %add3A_1922 : i32
        %get3A_1924 = arith.index_cast %add3A_1923 : i32 to index
        %get3A_1925 = arith.constant 0 : index
        %get3A_1926 = tpu.vector_load %arg9[%get3A_1924, %get3A_1925] {strides = array<i32>} : memref<800x64xf32, #tpu.memory_space<vmem>>, vector<16xf32>,
        %add3A_1927 = arith.addf %add3A_1903, %get3A_1926 : vector<16xf32>
        %add3A_1928 = arith.constant 46 : i32
        %add3A_1929 = arith.addi %add3A_830, %add3A_1928 : i32
        %get3A_1930 = arith.index_cast %add3A_1929 : i32 to index
        %get3A_1931 = arith.constant 16 : index
        %get3A_1932 = tpu.vector_load %arg9[%get3A_1930, %get3A_1931] {strides = array<i32>} : memref<800x64xf32, #tpu.memory_space<vmem>>, vector<16xf32>,
        %add3A_1933 = arith.addf %add3A_1909, %get3A_1932 : vector<16xf32>
        %add3A_1934 = arith.constant 46 : i32
        %add3A_1935 = arith.addi %add3A_830, %add3A_1934 : i32
        %get3A_1936 = arith.index_cast %add3A_1935 : i32 to index
        %get3A_1937 = arith.constant 32 : index
        %get3A_1938 = tpu.vector_load %arg9[%get3A_1936, %get3A_1937] {strides = array<i32>} : memref<800x64xf32, #tpu.memory_space<vmem>>, vector<16xf32>,
        %add3A_1939 = arith.addf %add3A_1915, %get3A_1938 : vector<16xf32>
        %add3A_1940 = arith.constant 46 : i32
        %add3A_1941 = arith.addi %add3A_830, %add3A_1940 : i32
        %get3A_1942 = arith.index_cast %add3A_1941 : i32 to index
        %get3A_1943 = arith.constant 48 : index
        %get3A_1944 = tpu.vector_load %arg9[%get3A_1942, %get3A_1943] {strides = array<i32>} : memref<800x64xf32, #tpu.memory_space<vmem>>, vector<16xf32>,
        %add3A_1945 = arith.addf %add3A_1921, %get3A_1944 : vector<16xf32>
        %add3A_1946 = arith.constant 47 : i32
        %add3A_1947 = arith.addi %add3A_830, %add3A_1946 : i32
        %get3A_1948 = arith.index_cast %add3A_1947 : i32 to index
        %get3A_1949 = arith.constant 0 : index
        %get3A_1950 = tpu.vector_load %arg9[%get3A_1948, %get3A_1949] {strides = array<i32>} : memref<800x64xf32, #tpu.memory_space<vmem>>, vector<16xf32>,
        %add3A_1951 = arith.addf %add3A_1927, %get3A_1950 : vector<16xf32>
        %add3A_1952 = arith.constant 47 : i32
        %add3A_1953 = arith.addi %add3A_830, %add3A_1952 : i32
        %get3A_1954 = arith.index_cast %add3A_1953 : i32 to index
        %get3A_1955 = arith.constant 16 : index
        %get3A_1956 = tpu.vector_load %arg9[%get3A_1954, %get3A_1955] {strides = array<i32>} : memref<800x64xf32, #tpu.memory_space<vmem>>, vector<16xf32>,
        %add3A_1957 = arith.addf %add3A_1933, %get3A_1956 : vector<16xf32>
        %add3A_1958 = arith.constant 47 : i32
        %add3A_1959 = arith.addi %add3A_830, %add3A_1958 : i32
        %get3A_1960 = arith.index_cast %add3A_1959 : i32 to index
        %get3A_1961 = arith.constant 32 : index
        %get3A_1962 = tpu.vector_load %arg9[%get3A_1960, %get3A_1961] {strides = array<i32>} : memref<800x64xf32, #tpu.memory_space<vmem>>, vector<16xf32>,
        %add3A_1963 = arith.addf %add3A_1939, %get3A_1962 : vector<16xf32>
        %add3A_1964 = arith.constant 47 : i32
        %add3A_1965 = arith.addi %add3A_830, %add3A_1964 : i32
        %get3A_1966 = arith.index_cast %add3A_1965 : i32 to index
        %get3A_1967 = arith.constant 48 : index
        %get3A_1968 = tpu.vector_load %arg9[%get3A_1966, %get3A_1967] {strides = array<i32>} : memref<800x64xf32, #tpu.memory_space<vmem>>, vector<16xf32>,
        %add3A_1969 = arith.addf %add3A_1945, %get3A_1968 : vector<16xf32>
        %add3A_1970 = arith.constant 48 : i32
        %add3A_1971 = arith.addi %add3A_830, %add3A_1970 : i32
        %get3A_1972 = arith.index_cast %add3A_1971 : i32 to index
        %get3A_1973 = arith.constant 0 : index
        %get3A_1974 = tpu.vector_load %arg9[%get3A_1972, %get3A_1973] {strides = array<i32>} : memref<800x64xf32, #tpu.memory_space<vmem>>, vector<16xf32>,
        %add3A_1975 = arith.addf %add3A_1951, %get3A_1974 : vector<16xf32>
        %add3A_1976 = arith.constant 48 : i32
        %add3A_1977 = arith.addi %add3A_830, %add3A_1976 : i32
        %get3A_1978 = arith.index_cast %add3A_1977 : i32 to index
        %get3A_1979 = arith.constant 16 : index
        %get3A_1980 = tpu.vector_load %arg9[%get3A_1978, %get3A_1979] {strides = array<i32>} : memref<800x64xf32, #tpu.memory_space<vmem>>, vector<16xf32>,
        %add3A_1981 = arith.addf %add3A_1957, %get3A_1980 : vector<16xf32>
        %add3A_1982 = arith.constant 48 : i32
        %add3A_1983 = arith.addi %add3A_830, %add3A_1982 : i32
        %get3A_1984 = arith.index_cast %add3A_1983 : i32 to index
        %get3A_1985 = arith.constant 32 : index
        %get3A_1986 = tpu.vector_load %arg9[%get3A_1984, %get3A_1985] {strides = array<i32>} : memref<800x64xf32, #tpu.memory_space<vmem>>, vector<16xf32>,
        %add3A_1987 = arith.addf %add3A_1963, %get3A_1986 : vector<16xf32>
        %add3A_1988 = arith.constant 48 : i32
        %add3A_1989 = arith.addi %add3A_830, %add3A_1988 : i32
        %get3A_1990 = arith.index_cast %add3A_1989 : i32 to index
        %get3A_1991 = arith.constant 48 : index
        %get3A_1992 = tpu.vector_load %arg9[%get3A_1990, %get3A_1991] {strides = array<i32>} : memref<800x64xf32, #tpu.memory_space<vmem>>, vector<16xf32>,
        %add3A_1993 = arith.addf %add3A_1969, %get3A_1992 : vector<16xf32>
        %add3A_1994 = arith.constant 49 : i32
        %add3A_1995 = arith.addi %add3A_830, %add3A_1994 : i32
        %get3A_1996 = arith.index_cast %add3A_1995 : i32 to index
        %get3A_1997 = arith.constant 0 : index
        %get3A_1998 = tpu.vector_load %arg9[%get3A_1996, %get3A_1997] {strides = array<i32>} : memref<800x64xf32, #tpu.memory_space<vmem>>, vector<16xf32>,
        %add3A_1999 = arith.addf %add3A_1975, %get3A_1998 : vector<16xf32>
        %add3A_2000 = arith.constant 49 : i32
        %add3A_2001 = arith.addi %add3A_830, %add3A_2000 : i32
        %get3A_2002 = arith.index_cast %add3A_2001 : i32 to index
        %get3A_2003 = arith.constant 16 : index
        %get3A_2004 = tpu.vector_load %arg9[%get3A_2002, %get3A_2003] {strides = array<i32>} : memref<800x64xf32, #tpu.memory_space<vmem>>, vector<16xf32>,
        %add3A_2005 = arith.addf %add3A_1981, %get3A_2004 : vector<16xf32>
        %add3A_2006 = arith.constant 49 : i32
        %add3A_2007 = arith.addi %add3A_830, %add3A_2006 : i32
        %get3A_2008 = arith.index_cast %add3A_2007 : i32 to index
        %get3A_2009 = arith.constant 32 : index
        %get3A_2010 = tpu.vector_load %arg9[%get3A_2008, %get3A_2009] {strides = array<i32>} : memref<800x64xf32, #tpu.memory_space<vmem>>, vector<16xf32>,
        %add3A_2011 = arith.addf %add3A_1987, %get3A_2010 : vector<16xf32>
        %add3A_2012 = arith.constant 49 : i32
        %add3A_2013 = arith.addi %add3A_830, %add3A_2012 : i32
        %get3A_2014 = arith.index_cast %add3A_2013 : i32 to index
        %get3A_2015 = arith.constant 48 : index
        %get3A_2016 = tpu.vector_load %arg9[%get3A_2014, %get3A_2015] {strides = array<i32>} : memref<800x64xf32, #tpu.memory_space<vmem>>, vector<16xf32>,
        %add3A_2017 = arith.addf %add3A_1993, %get3A_2016 : vector<16xf32>
        %mul3A_2018 = arith.constant 16 : i32
        %mul3A_2019 = arith.muli %mul3A_2018, %scan3A_704 : i32
        %add3A_2020 = arith.constant 8 : i32
        %add3A_2021 = arith.addi %mul3A_2019, %add3A_2020 : i32
        %add3A_2022 = arith.addi %add3A_2021, %scan3A_826 : i32
        %broadcast_in_dim3A_2023 = arith.constant 0 : i32
        %broadcast_in_dim3A_2024 = vector.broadcast %broadcast_in_dim3A_2023 : i32 to vector<16xi32>
        %add3A_2025 = vector.broadcast %add3A_2022 : i32 to vector<16xi32>
        %add3A_2026 = arith.addi %broadcast_in_dim3A_2024, %add3A_2025 : vector<16xi32>
        %gather3A = tpu.vector_load_idx %arg8[%add3A_2026] : memref<512xf32, #tpu.memory_space<vmem>>[vector<16xi32>], vector<16xf32>,
        %mul3A_2027 = arith.mulf %add3A_1999, %gather3A : vector<16xf32>
        %swap3A_2028 = arith.index_cast %add3A_2022 : i32 to index
        %swap3A_2029 = arith.constant 0 : index
        %swap3A_2030 = tpu.vector_load %arg10[%swap3A_2028, %swap3A_2029] {strides = array<i32>} : memref<512x64xf32, #tpu.memory_space<vmem>>, vector<16xf32>,
        tpu.vector_store %arg10[%swap3A_2028, %swap3A_2029], %mul3A_2027 {strides = array<i32>} : memref<512x64xf32, #tpu.memory_space<vmem>>, vector<16xf32>,
        %mul3A_2031 = arith.mulf %add3A_2005, %gather3A : vector<16xf32>
        %swap3A_2032 = arith.index_cast %add3A_2022 : i32 to index
        %swap3A_2033 = arith.constant 16 : index
        %swap3A_2034 = tpu.vector_load %arg10[%swap3A_2032, %swap3A_2033] {strides = array<i32>} : memref<512x64xf32, #tpu.memory_space<vmem>>, vector<16xf32>,
        tpu.vector_store %arg10[%swap3A_2032, %swap3A_2033], %mul3A_2031 {strides = array<i32>} : memref<512x64xf32, #tpu.memory_space<vmem>>, vector<16xf32>,
        %mul3A_2035 = arith.mulf %add3A_2011, %gather3A : vector<16xf32>
        %swap3A_2036 = arith.index_cast %add3A_2022 : i32 to index
        %swap3A_2037 = arith.constant 32 : index
        %swap3A_2038 = tpu.vector_load %arg10[%swap3A_2036, %swap3A_2037] {strides = array<i32>} : memref<512x64xf32, #tpu.memory_space<vmem>>, vector<16xf32>,
        tpu.vector_store %arg10[%swap3A_2036, %swap3A_2037], %mul3A_2035 {strides = array<i32>} : memref<512x64xf32, #tpu.memory_space<vmem>>, vector<16xf32>,
        %mul3A_2039 = arith.mulf %add3A_2017, %gather3A : vector<16xf32>
        %swap3A_2040 = arith.index_cast %add3A_2022 : i32 to index
        %swap3A_2041 = arith.constant 48 : index
        %swap3A_2042 = tpu.vector_load %arg10[%swap3A_2040, %swap3A_2041] {strides = array<i32>} : memref<512x64xf32, #tpu.memory_space<vmem>>, vector<16xf32>,
        tpu.vector_store %arg10[%swap3A_2040, %swap3A_2041], %mul3A_2039 {strides = array<i32>} : memref<512x64xf32, #tpu.memory_space<vmem>>, vector<16xf32>,
      }
      %scan3A_818 = arith.constant 8 : i32
      %add3A_819 = arith.constant 1 : i32
      %add3A_820 = arith.addi %scan3A_704, %add3A_819 : i32
      %lt3A_821 = arith.constant 32 : i32
      %lt3A_822 = arith.cmpi slt, %add3A_820, %lt3A_821 : i32
      %convert_element_type3A_823 = arith.extui %lt3A_822 : i1 to i32
      %cond3A_824 = arith.constant 0 : i32
      %cond3A_825 = arith.cmpi ne, %convert_element_type3A_823, %cond3A_824 : i32
      scf.if %cond3A_825 {
        %add3A_826 = arith.constant 1 : i32
        %add3A_827 = arith.addi %scan3A_704, %add3A_826 : i32
        %mul3A_828 = arith.constant 800 : i32
        %mul3A_829 = arith.muli %mul3A_828, %add3A_827 : i32
        %add3A_830 = arith.constant 400 : i32
        %add3A_831 = arith.addi %mul3A_829, %add3A_830 : i32
        %multiple_of3A_832 = tpu.assume_multiple %add3A_831, 8 : i32
        %add3A_833 = arith.constant 0 : i32
        %add3A_834 = arith.addi %multiple_of3A_832, %add3A_833 : i32
        %add3A_835 = arith.constant 0 : i32
        %add3A_836 = arith.addi %add3A_834, %add3A_835 : i32
        %add3A_837 = arith.constant 0 : i32
        %add3A_838 = arith.addi %multiple_of3A_832, %add3A_837 : i32
        %add3A_839 = arith.constant 104 : i32
        %add3A_840 = arith.addi %add3A_838, %add3A_839 : i32
        %add3A_841 = arith.constant 200 : i32
        %add3A_842 = arith.addi %multiple_of3A_832, %add3A_841 : i32
        %add3A_843 = arith.constant 0 : i32
        %add3A_844 = arith.addi %add3A_842, %add3A_843 : i32
        %add3A_845 = arith.constant 200 : i32
        %add3A_846 = arith.addi %multiple_of3A_832, %add3A_845 : i32
        %add3A_847 = arith.constant 104 : i32
        %add3A_848 = arith.addi %add3A_846, %add3A_847 : i32
        %dma_start3A_849 = arith.constant 400 : i32
        %dma_start3A_850 = arith.constant 0 : i32
        %dma_start3A_851 = tpu.memref_slice %arg9[%dma_start3A_849, %dma_start3A_850] : memref<800x64xf32, #tpu.memory_space<vmem>> -> memref<104x64xf32, #tpu.memory_space<vmem>>
        %dma_start3A_852 = tpu.memref_slice %arg7[%add3A_836] : memref<25600xi32, #tpu.memory_space<vmem>> -> memref<104xi32, #tpu.memory_space<vmem>>
        %dma_start3A_853 = arith.constant 0 : i32
        %dma_start3A_854 = arith.constant 0 : i32
        %dma_start3A_855 = tpu.memref_slice %arg3[%dma_start3A_853, %dma_start3A_854] : memref<1000000x64xf32, #tpu.memory_space<hbm>> -> memref<1000000x64xf32, #tpu.memory_space<hbm>>
        tpu.enqueue_indirect_dma source(%dma_start3A_855 : memref<1000000x64xf32, #tpu.memory_space<hbm>>) target(%dma_start3A_851 : memref<104x64xf32, #tpu.memory_space<vmem>>) offsets(%dma_start3A_852 : memref<104xi32, #tpu.memory_space<vmem>>) semaphore(%arg14 : memref<!tpu.dma_semaphore, #tpu.memory_space<semaphore_mem>>)
        %dma_start3A_856 = arith.constant 504 : i32
        %dma_start3A_857 = arith.constant 0 : i32
        %dma_start3A_858 = tpu.memref_slice %arg9[%dma_start3A_856, %dma_start3A_857] : memref<800x64xf32, #tpu.memory_space<vmem>> -> memref<96x64xf32, #tpu.memory_space<vmem>>
        %dma_start3A_859 = tpu.memref_slice %arg7[%add3A_840] : memref<25600xi32, #tpu.memory_space<vmem>> -> memref<96xi32, #tpu.memory_space<vmem>>
        %dma_start3A_860 = arith.constant 0 : i32
        %dma_start3A_861 = arith.constant 0 : i32
        %dma_start3A_862 = tpu.memref_slice %arg3[%dma_start3A_860, %dma_start3A_861] : memref<1000000x64xf32, #tpu.memory_space<hbm>> -> memref<1000000x64xf32, #tpu.memory_space<hbm>>
        tpu.enqueue_indirect_dma source(%dma_start3A_862 : memref<1000000x64xf32, #tpu.memory_space<hbm>>) target(%dma_start3A_858 : memref<96x64xf32, #tpu.memory_space<vmem>>) offsets(%dma_start3A_859 : memref<96xi32, #tpu.memory_space<vmem>>) semaphore(%arg14 : memref<!tpu.dma_semaphore, #tpu.memory_space<semaphore_mem>>)
        %dma_start3A_863 = arith.constant 600 : i32
        %dma_start3A_864 = arith.constant 0 : i32
        %dma_start3A_865 = tpu.memref_slice %arg9[%dma_start3A_863, %dma_start3A_864] : memref<800x64xf32, #tpu.memory_space<vmem>> -> memref<104x64xf32, #tpu.memory_space<vmem>>
        %dma_start3A_866 = tpu.memref_slice %arg7[%add3A_844] : memref<25600xi32, #tpu.memory_space<vmem>> -> memref<104xi32, #tpu.memory_space<vmem>>
        %dma_start3A_867 = arith.constant 0 : i32
        %dma_start3A_868 = arith.constant 0 : i32
        %dma_start3A_869 = tpu.memref_slice %arg3[%dma_start3A_867, %dma_start3A_868] : memref<1000000x64xf32, #tpu.memory_space<hbm>> -> memref<1000000x64xf32, #tpu.memory_space<hbm>>
        tpu.enqueue_indirect_dma source(%dma_start3A_869 : memref<1000000x64xf32, #tpu.memory_space<hbm>>) target(%dma_start3A_865 : memref<104x64xf32, #tpu.memory_space<vmem>>) offsets(%dma_start3A_866 : memref<104xi32, #tpu.memory_space<vmem>>) semaphore(%arg14 : memref<!tpu.dma_semaphore, #tpu.memory_space<semaphore_mem>>)
        %dma_start3A_870 = arith.constant 704 : i32
        %dma_start3A_871 = arith.constant 0 : i32
        %dma_start3A_872 = tpu.memref_slice %arg9[%dma_start3A_870, %dma_start3A_871] : memref<800x64xf32, #tpu.memory_space<vmem>> -> memref<96x64xf32, #tpu.memory_space<vmem>>
        %dma_start3A_873 = tpu.memref_slice %arg7[%add3A_848] : memref<25600xi32, #tpu.memory_space<vmem>> -> memref<96xi32, #tpu.memory_space<vmem>>
        %dma_start3A_874 = arith.constant 0 : i32
        %dma_start3A_875 = arith.constant 0 : i32
        %dma_start3A_876 = tpu.memref_slice %arg3[%dma_start3A_874, %dma_start3A_875] : memref<1000000x64xf32, #tpu.memory_space<hbm>> -> memref<1000000x64xf32, #tpu.memory_space<hbm>>
        tpu.enqueue_indirect_dma source(%dma_start3A_876 : memref<1000000x64xf32, #tpu.memory_space<hbm>>) target(%dma_start3A_872 : memref<96x64xf32, #tpu.memory_space<vmem>>) offsets(%dma_start3A_873 : memref<96xi32, #tpu.memory_space<vmem>>) semaphore(%arg14 : memref<!tpu.dma_semaphore, #tpu.memory_space<semaphore_mem>>)
      } else {
      }
    }
    %scan3A_703 = arith.constant 32 : i32
    "tpu.region"() ({
      %run_scoped3A = tpu.sem_alloc : memref<!tpu.dma_semaphore, #tpu.memory_space<semaphore_mem>>
      %dma_start3A_704 = arith.constant 0 : i32
      %dma_start3A_705 = tpu.memref_slice %arg4[%mul3A_2, %dma_start3A_704] : memref<16384x64xf32, #tpu.memory_space<hbm>> -> memref<512x64xf32, #tpu.memory_space<hbm>>
      %dma_start3A_706 = arith.constant 0 : i32
      %dma_start3A_707 = tpu.memref_slice %arg4[%mul3A_2, %dma_start3A_706] : memref<16384x64xf32, #tpu.memory_space<hbm>> -> memref<512x64xf32, #tpu.memory_space<hbm>>
      tpu.enqueue_dma source(%arg10 : memref<512x64xf32, #tpu.memory_space<vmem>>) target(%dma_start3A_707 : memref<512x64xf32, #tpu.memory_space<hbm>>) target_semaphore(%run_scoped3A : memref<!tpu.dma_semaphore, #tpu.memory_space<semaphore_mem>>)
      %dma_wait3A_708 = arith.constant 0 : i32
      %dma_wait3A_709 = tpu.memref_slice %arg4[%mul3A_2, %dma_wait3A_708] : memref<16384x64xf32, #tpu.memory_space<hbm>> -> memref<512x64xf32, #tpu.memory_space<hbm>>
      %dma_wait3A_710 = arith.constant 0 : i32
      %dma_wait3A_711 = tpu.memref_slice %arg4[%mul3A_2, %dma_wait3A_710] : memref<16384x64xf32, #tpu.memory_space<hbm>> -> memref<512x64xf32, #tpu.memory_space<hbm>>
      tpu.wait_dma2 semaphore(%run_scoped3A : memref<!tpu.dma_semaphore, #tpu.memory_space<semaphore_mem>>) src(%arg10 : memref<512x64xf32, #tpu.memory_space<vmem>>) dst(%dma_wait3A_711 : memref<512x64xf32, #tpu.memory_space<hbm>>)
      tpu.yield
    }) : () -> ()
    return
  }
}

</mosaic_0001>

<sc_bundles>
// kernel: _qenc.3.cloned.1.call-start
scs
__scs_entry_jumppad:
0x0: {  	(pc) =	sbr.rel $0x88, $3  }
0x1: {  	(tag) =	ssettag $0x0;
	lr =	simm.s32 $0x1  }
0x2: {  	[smem:$0x3F9F] =	sst lr;
	_ =	strace $0xD0000000  }
0x3: {  	_ = 	snop  }
0x4: {  	_ = 	snop  }
0x5: {  	_ = 	snop  }
0x6: {  	_ = 	snop  }
0x7: {  	_ = 	snop  }
__scs_overlays_trampoline_lowered:
0x8: {  	[smem:$0x3FAE] =	sst s0  }
0x9: {  	[smem:$0x3FAF] =	sst s1  }
0xa: {  	[smem:$0x3FB0] =	sst s2  }
0xb: {  	[smem:$0x3FB1] =	sst s3  }
0xc: {  	[smem:$0x3FB2] =	sst s4  }
0xd: {  	[smem:$0x3FB3] =	sst s5  }
0xe: {  	[smem:$0x3FB4] =	sst s6  }
0xf: {  	[smem:$0x3FB5] =	sst s7  }
0x10: {  	[smem:$0x3FB6] =	sst s8  }
0x11: {  	[smem:$0x3FB7] =	sst s9;
	s0 =	simm.s32 @!p0 $0x0  }
0x12: {  	s1 =	sld [smem:$0x3F9D];
	s0 =	simm.s32 @p0 $0x1  }
0x13: {  	[smem:$0x3FB8] =	sst s0;
	s0 =	simm.s32 @!p1 $0x0  }
0x14: {  	s2 =	sld [smem:$0x3F9C];
	s0 =	simm.s32 @p1 $0x1  }
0x15: {  	[smem:$0x3FB9] =	sst s0;
	s0 =	simm.s32 @!p2 $0x0  }
0x16: {  	s3 =	sld [smem:$0x3FDB];
	s0 =	simm.s32 @p2 $0x1  }
0x17: {  	s4 =	simm.s32 $0x1BF5;
	[smem:$0x3FBB] =	sst s0  }
0x18: {  	s0 =	sld [smem:$0x3F9E];
	_ =	swait.ge [sflag:s4], $0x0  }
0x19: {  	s7 =	sld [smem:$0x3F9F]  }
0x1a: {  	s8 =	sadd.s32 $0xFFFFE003, lr  }
0x1b: {  	s9 =	sadd.s32 $0xFFFFFEF7, lr;
	s5 =	simm.s32 $0xFFFFFFFF;
	p2 =	slt.u32 s8, $0xFFFFF086  }
0x1c: {  	p1 =	slt.u32 s9, $0xF7A;
	s5 =	simm.s32 @!p2 $0x0  }
0x1d: {  	s5 =	simm.s32 @p1 $0x1;
	p0 =	seq.s32 s7, s2  }
0x1e: {  	s7 =	smul.u32 @!p0 $0xF7A, s2;
	p2 =	seq.s32 @!p0 s5, $0x0  }
0x1f: {  	s9 =	smul.u32 $0xF7A, s1;
	s8 =	simm.s32 @!p0 $0x1BF5;
	p2 =	por !p2, p0  }
0x20: {  	[sflag:s8] =	ssyncset.s32 @!p0 $0xFFFFF086;
	s6 =	sadd.s32 @!p0 s3, s7;
	s7 =	simm.s32 @!p0 $0x108  }
0x21: {  	s3 =	sadd.s32 s3, s9;
	s6 =	sadd.s32 @!p0 $0x88, s6;
	s7 =	simm.s32 @p2 $0x1082  }
0x22: {  	[simem:s7], [sflag:s8] =	dma.local @!p0 [hbm:s6], $0xF7A  }
0x23: {  	s9 =	sor.u32 $0xD0000000, s2;
	s6 =	simm.s32 $0x108;
	_ =	swait.ge @!p0 [sflag:s8], $0x0  }
0x24: {  	s3 =	sadd.s32 $0x88, s3;
	s6 =	simm.s32 @!p1 $0x1082;
	[sflag:s4] =	ssyncset.s32 $0xFFFFF086  }
0x25: {  	[simem:s6], [sflag:s4] =	dma.local [hbm:s3], $0xF7A  }
0x26: {  	[smem:$0x3F9F] =	sst s1;
	(tag) =	ssettag s2;
	_ =	strace s9  }
0x27: {  	s1 =	sld [smem:$0x3FAF]  }
0x28: {  	s2 =	sld [smem:$0x3FB0]  }
0x29: {  	s4 =	sld [smem:$0x3FB2]  }
0x2a: {  	p0 =	seq.s32 s5, $0x0;
	s5 =	sld [smem:$0x3FB3]  }
0x2b: {  	s6 =	sld [smem:$0x3FB4]  }
0x2c: {  	s7 =	sld [smem:$0x3FB5]  }
0x2d: {  	s3 =	simm.s32 $0x108;
	s8 =	sld [smem:$0x3FB6]  }
0x2e: {  	s3 =	simm.s32 @!p0 $0x1082;
	s9 =	sld [smem:$0x3FB7]  }
0x2f: {  	lr =	sadd.s32 s0, s3;
	s0 =	sld [smem:$0x3FAE]  }
0x30: {  	s3 =	sld [smem:$0x3FB1]  }
0x31: {  	[smem:$0x3FBA] =	sst s10  }
0x32: {  	s10 =	sld [smem:$0x3FB8];
	_ =	sdelay $0x3  }
0x33: {  	p0 =	seq.s32 s10, $0x1;
	s10 =	sld [smem:$0x3FBA];
	_ =	sdelay $0x3  }
0x34: {  	[smem:$0x3FBA] =	sst s10  }
0x35: {  	s10 =	sld [smem:$0x3FB9];
	_ =	sdelay $0x3  }
0x36: {  	p1 =	seq.s32 s10, $0x1;
	s10 =	sld [smem:$0x3FBA];
	_ =	sdelay $0x3  }
0x37: {  	[smem:$0x3FBA] =	sst s10  }
0x38: {  	s10 =	sld [smem:$0x3FBB]  }
0x39: {  	_ = 	snop;
	(pc) =	sbr.ind lr, $3  }
0x3a: {  	_ = 	snop  }
0x3b: {  	_ = 	snop  }
0x3c: {  	p2 =	seq.s32 s10, $0x1;
	s10 =	sld [smem:$0x3FBA]  }
0x3d: {  	_ =	shalt  }
0x3e: {  	_ =	shalt  }
0x3f: {  	_ =	shalt  }
0x40: {  	_ =	shalt  }
0x41: {  	_ =	shalt  }
0x42: {  	_ =	shalt  }
0x43: {  	_ =	shalt  }
0x44: {  	_ =	shalt  }
0x45: {  	_ =	shalt  }
0x46: {  	_ =	shalt  }
0x47: {  	_ =	shalt  }
0x48: {  	_ =	shalt  }
0x49: {  	_ =	shalt  }
0x4a: {  	_ =	shalt  }
0x4b: {  	_ =	shalt  }
0x4c: {  	_ =	shalt  }
0x4d: {  	_ =	shalt  }
0x4e: {  	_ =	shalt  }
0x4f: {  	_ =	shalt  }
0x50: {  	_ =	shalt  }
0x51: {  	_ =	shalt  }
0x52: {  	_ =	shalt  }
0x53: {  	_ =	shalt  }
0x54: {  	_ =	shalt  }
0x55: {  	_ =	shalt  }
0x56: {  	_ =	shalt  }
0x57: {  	_ =	shalt  }
0x58: {  	_ =	shalt  }
0x59: {  	_ =	shalt  }
0x5a: {  	_ =	shalt  }
0x5b: {  	_ =	shalt  }
0x5c: {  	_ =	shalt  }
0x5d: {  	_ =	shalt  }
0x5e: {  	_ =	shalt  }
0x5f: {  	_ =	shalt  }
0x60: {  	_ =	shalt  }
0x61: {  	_ =	shalt  }
0x62: {  	_ =	shalt  }
0x63: {  	_ =	shalt  }
0x64: {  	_ =	shalt  }
0x65: {  	_ =	shalt  }
0x66: {  	_ =	shalt  }
0x67: {  	_ =	shalt  }
0x68: {  	_ =	shalt  }
0x69: {  	_ =	shalt  }
0x6a: {  	_ =	shalt  }
0x6b: {  	_ =	shalt  }
0x6c: {  	_ =	shalt  }
0x6d: {  	_ =	shalt  }
0x6e: {  	_ =	shalt  }
0x6f: {  	_ =	shalt  }
0x70: {  	_ =	shalt  }
0x71: {  	_ =	shalt  }
0x72: {  	_ =	shalt  }
0x73: {  	_ =	shalt  }
0x74: {  	_ =	shalt  }
0x75: {  	_ =	shalt  }
0x76: {  	_ =	shalt  }
0x77: {  	_ =	shalt  }
0x78: {  	_ =	shalt  }
0x79: {  	_ =	shalt  }
0x7a: {  	_ =	shalt  }
0x7b: {  	_ =	shalt  }
0x7c: {  	_ =	shalt  }
0x7d: {  	_ =	shalt  }
0x7e: {  	_ =	shalt  }
0x7f: {  	_ =	shalt  }
0x80: {  	_ =	shalt  }
0x81: {  	_ =	shalt  }
0x82: {  	_ =	shalt  }
0x83: {  	_ =	shalt  }
0x84: {  	_ =	shalt  }
0x85: {  	_ =	shalt  }
0x86: {  	_ =	shalt  }
0x87: {  	_ =	shalt  }
.Lfunc_end0:
.L_simem_size_0:
called_computation_lowered:
.L_overlay_start_0:
0x88: {  	s2 =	sld [smem:$0x3FD9]  }
0x89: {  	s3 =	sld [smem:$0x3FFE];
	_ =	sdelay $0x1  }
0x8a: {  	s1 =	srdreg.scid  }
0x8b: {  	s0 =	sand.u32 $0x1, s1  }
0x8c: {  	s17 =	sshll.u32 s0, $0xA;
	s2 =	sadd.s32 s3, s2  }
0x8d: {  	s2 =	sadd.s32 s2, s17  }
0x8e: {  	[smem:$0x3FC6] =	sst s2  }
0x8f: {  	_ = 	snop  }
0x90: {  	s2 =	sld [smem:$0x3FD0];
	(tm) =	ssettm $0x1  }
0x91: {  	s18 =	sld [smem:$0x3FFB];
	_ =	sdelay $0x3  }
0x92: {  	_ =	strace s18  }
0x93: {  	s3 =	sld [smem:$0x3FFC];
	_ =	sdelay $0x3  }
0x94: {  	_ =	strace s3  }
0x95: {  	s3 =	sld [smem:$0x3FFD];
	_ =	sdelay $0x3  }
0x96: {  	_ =	strace s3  }
0x97: {  	_ =	strace $0x8FFFFFFF  }
0x98: {  	s19 =	sld [smem:$0x3FDB];
	_ =	sdelay $0x1  }
0x99: {  	s4 =	simm.s32 $_scs_section_size  }
0x9a: {  	s5 =	simm.s32 $_size__tile_overlayer_lowered;
	s6 =	simm.s32 $_tile_overlayer_lowered  }
0x9b: {  	s22 =	simm.s32 $0x1BFF;
	s21 =	sshll.u32 s6, $0x1;
	s3 =	sadd.s32 s4, s19  }
0x9c: {  	s7 =	simm.s32 $0x0;
	s20 =	sshll.u32 s5, $0x1;
	s5 =	sadd.s32 s21, s3  }
0x9d: {  	[timem:s7], [sflag:s22] =	dma.local [hbm:s5], s20  }
0x9e: {  	_ =	swait.ge [sflag:s22], s20  }
0x9f: {  	s4 =	ssub.s32 $0x0, s20;
	[sflag:s22] =	ssyncset.done $0x0  }
0xa0: {  	[sflag:s22] =	ssyncadd.s32 s4;
	_ =	sdelay $0x1  }
0xa1: {  	s23 =	simm.s32 $0x1B8B  }
0xa2: {  	_ =	swait.ge [sflag:s23], $0x1  }
0xa3: {  	[sflag:s23] =	ssyncset.done $0x0  }
0xa4: {  	s25 =	simm.s32 $0x1B8E;
	s24 =	sld [smem:$0x3FFE];
	[sflag:s23] =	ssyncadd.s32 $0xFFFFFFFF  }
0xa5: {  	s26 =	simm.s32 $execute0_lowered;
	[smem:$0x3FD2] =	sst s25  }
0xa6: {  	s5 =	sshll.u32 s26, $0x1;
	_ =	strace $0x80000046;
	[dreg:$0x1] =	wrdreg $0xFFFFFFFF  }
0xa7: {  	s28 =	simm.s32 $_size_execute0_lowered;
	s3 =	sadd.s32 s3, s5;
	[dreg:$0x0] =	wrdreg $0x0  }
0xa8: {  	s5 =	sshll.u32 s28, $0x1;
	[dreg:$0x2] =	wrdreg s3  }
0xa9: {  	[dreg:$0x3] =	wrdreg s5  }
0xaa: {  	[dreg:$0x4] =	wrdreg $0xC0  }
0xab: {  	_ =	task [dreg:s7], $0x5FFFF  }
0xac: {  	[dreg:$0x1] =	wrdreg $0xFFFFFFFF  }
0xad: {  	[dreg:$0x0] =	wrdreg $0x60  }
0xae: {  	[dreg:$0x2] =	wrdreg s24  }
0xaf: {  	[dreg:$0x3] =	wrdreg s2  }
0xb0: {  	[dreg:$0x4] =	wrdreg $0x9  }
0xb1: {  	_ =	task.clear_ibuf [dreg:s7], $0x5FFFF;
	_ =	strace $0x90000046  }
0xb2: {  	s29 =	simm.s32 $0x9;
	_ =	strace $0x80000048  }
0xb3: {  	_ =	swait.ge [sflag:s29], $0x1  }
0xb4: {  	[sflag:s29] =	ssyncadd.s32 $0xFFFFFFFF  }
0xb5: {  	_ =	strace $0x90000048  }
0xb6: {  	_ =	sfence  }
0xb7: {  	s30 =	sld [smem:$0x0];
	_ =	sdelay $0x2  }
0xb8: {  	s31 =	sshll.u32 s1, $0xD;
	s1 =	sshrl.u32 s1, $0x2  }
0xb9: {  	s3 =	sand.u32 $0x4000, s31;
	s1 =	sadd.s32 s1, s30  }
0xba: {  	s0 =	sor.u32 s3, s0;
	s1 =	sshll.u32 s1, $0x11  }
0xbb: {  	s0 =	sor.u32 s1, s0  }
0xbc: {  	s0 =	sadd.s32 $0x8F2B, s0  }
0xbd: {  	[sflag:s0] =	ssyncadd.remote.s32 $0x1  }
0xbe: {  	_ =	sfence.sel $0xFFFF  }
0xbf: {  	[dreg:$0x0] =	wrdreg $0xFFFFFFFF;
	(pc) =	sbr.abs _section_cstart, $3  }
0xc0: {  	[dreg:$0x1] =	wrdreg $0xFFFFFFFF  }
0xc1: {  	_ =	task.clear_ibuf [dreg:s7], $0x2FFFF;
	_ =	strace $0x9FFFFFFF  }
0xc2: {  	(tm) =	ssettm $0x7FFFFFFF  }
0xc3: {  	_ =	shalt  }
tec
execute0_lowered:
.L_overlay_start_1:
0x0: {  	(tag) =	ssettag $0x1  }
0x1: {  	s0 =	srdreg.scid  }
0x2: {  	s1 =	rddreg [dreg:$0x0];
	s2 =	stileid.u32  }
0x3: {  	s12 =	rddreg [dreg:$0x1];
	s14 =	simm.s32 $0x40;
	s15 =	simm.s32 $0x4000  }
0x4: {  	s16 =	simm.s32 $0xC80;
	s17 =	simm.s32 $0x1;
	s18 =	simm.s32 $0x1900  }
0x5: {  	s19 =	simm.s32 $0x2;
	s20 =	simm.s32 $0x68;
	s22 =	simm.s32 $0x60  }
0x6: {  	s28 =	simm.s32 $0x7D00;
	s29 =	simm.s32 $0x4;
	s31 =	simm.s32 $0x5  }
0x7: {  	s0 =	sand.u32 $0x1, s0;
	s3 =	sshll.u32 s2, $0xA;
	s2 =	simm.s32 $0x0  }
0x8: {  	s4 =	sshll.u32 s0, $0x9;
	[smem:$0x7FF] =	sst s2;
	s0 =	ssub.s32 $0x2, s0  }
0x9: {  	s10 =	sor.u32 s4, s3;
	_ =	strace $0x80000047;
	s25 =	sshrl.u32 s0, $0x1  }
0xa: {  	s3 =	sshrl.u32 s10, $0x3;
	s0 =	ssub.s32 s0, s25;
	s30 =	sshll.u32 s10, $0x3  }
0xb: {  	s11 =	sadd.s32 s3, s1;
	s3 =	sadd.s32 $0xF42A00, s1;
	s12 =	sadd.s32 s12, s30  }
0xc: {  	s13 =	smax.u32 s0, $0x1;
	s1 =	simm.s32 $0x0;
	s26 =	sadd.s32 $0x600, s11  }
0xd: {  	s5 =	sadd.s32 $0x608, s11;
	s6 =	sadd.s32 $0x610, s11;
	s7 =	sadd.s32 $0x618, s11  }
0xe: {  	v0 =	vlaneseq.u32;
	s8 =	sadd.s32 $0x620, s11;
	s9 =	sadd.s32 $0x628, s11;
	s10 =	sadd.s32 $0x630, s11  }
0xf: {  	v5 =	vimm.f32 $1.000000000e+00;
	v0 =	vmul.u32 $0x32, v0;
	s11 =	sadd.s32 $0x638, s11;
	[dreg:$0x3] =	wrdreg s26;
	s26 =	simm.s32 $0x3  }
.LBB2_1:
0x10: {  	s0 =	rddreg [dreg:$0x3]  }
0x11: {  	[tilespmem:s2], [sflag:$0x1] =	stream.strided.gather [hbm4b:s0+s14], $0xC80, s15, s14, $0x38;
	[tilespmem:$0x1C700] =	vst v63  }
0x12: {  	_ = 	snop  }
0x13: {  	[tilespmem:s16], [sflag:$0x2] =	stream.strided.gather [hbm4b:s5+s14], $0xC80, s15, s14, $0x38;
	[tilespmem:$0x1C700] =	vst v63  }
0x14: {  	_ =	swait.ge [sflag:s17], $0xC80  }
0x15: {  	[sflag:s17] =	ssyncset.done $0x0  }
0x16: {  	[sflag:s17] =	ssyncadd.s32 $0xFFFFF380  }
0x17: {  	v1 =	vimm.f32 $0.0e+00;
	s21 =	simm.s32 $0x0;
	s0 =	simm.s32 $0x1;
	v3 =	vadd.s32 s2, v0;
	v2 =	vld [tilespmem:s2+$0x0]  }
.LBB2_2:
0x18: {  	_ = 	snop  }
0x19: {  	p0 =	sne.s32 s0, $0x31  }
.Ltmp0:
0x1a: {  	_ = 	snop;
	(pc) =	sbr.rel @p0 .LBB2_2-.Ltmp0, $4  }
0x1b: {  	_ = 	snop  }
0x1c: {  	vm0 =	veq.s32 v2, $0x0  }
0x1d: {  	s23 =	smov.u32 s0;
	s21 =	sadd.s32 $0x40, s21;
	[tilespmem:v3+s18+$0x0] =	vst.idx.msk $0xffff, v2;
	v4 =	vsel vm0, $0x0, v5  }
0x1e: {  	s0 =	sadd.s32 $0x1, s0;
	v3 =	vadd.s32 s23, v0;
	v2 =	vld [tilespmem:s21+$0x0];
	v1 =	vadd.f32 v4, v1  }
0x1f: {  	_ =	sdelay $0x3  }
0x20: {  	vm0 =	veq.s32 v2, $0x0  }
0x21: {  	v4 =	vsel vm0, $0x0, v5  }
0x22: {  	v1 =	vadd.f32 v4, v1;
	_ =	sdelay $0x1  }
0x23: {  	v1 =	vmax.f32 v1, $1.000000000e+00  }
0x24: {  	(erf) = vrcp.f32 v1;
	_ =	sdelay $0x8  }
0x25: {  	[tilespmem:v3+s18+$0x0] =	vst.idx.msk $0xffff, v2;
	v1 =	vpop (erf)  }
0x26: {  	s23 =	simm.s32 $0x320;
	s0 =	simm.s32 $0x10;
	[tilespmem:$0x7D00] =	vst v1  }
0x27: {  	s21 =	simm.s32 $0x321;
	v3 =	vadd.s32 s23, v0;
	v1 =	vimm.f32 $0.0e+00;
	v2 =	vld [tilespmem:s0+$0x0]  }
.LBB2_4:
0x28: {  	_ = 	snop  }
0x29: {  	p0 =	sne.s32 s21, $0x351  }
.Ltmp1:
0x2a: {  	_ = 	snop;
	(pc) =	sbr.rel @p0 .LBB2_4-.Ltmp1, $4  }
0x2b: {  	_ = 	snop  }
0x2c: {  	vm0 =	veq.s32 v2, $0x0  }
0x2d: {  	s23 =	smov.u32 s21;
	s0 =	sadd.s32 $0x40, s0;
	[tilespmem:v3+s18+$0x0] =	vst.idx.msk $0xffff, v2;
	v4 =	vsel vm0, $0x0, v5  }
0x2e: {  	s21 =	sadd.s32 $0x1, s21;
	v3 =	vadd.s32 s23, v0;
	v2 =	vld [tilespmem:s0+$0x0];
	v1 =	vadd.f32 v4, v1  }
0x2f: {  	_ =	sdelay $0x3  }
0x30: {  	vm0 =	veq.s32 v2, $0x0  }
0x31: {  	v4 =	vsel vm0, $0x0, v5  }
0x32: {  	v1 =	vadd.f32 v4, v1;
	_ =	sdelay $0x1  }
0x33: {  	v1 =	vmax.f32 v1, $1.000000000e+00  }
0x34: {  	(erf) = vrcp.f32 v1;
	_ =	sdelay $0x8  }
0x35: {  	[tilespmem:v3+s18+$0x0] =	vst.idx.msk $0xffff, v2;
	v1 =	vpop (erf)  }
0x36: {  	s23 =	simm.s32 $0x640;
	s0 =	simm.s32 $0x20;
	[tilespmem:$0x7D10] =	vst v1  }
0x37: {  	s21 =	simm.s32 $0x641;
	v3 =	vadd.s32 s23, v0;
	v1 =	vimm.f32 $0.0e+00;
	v2 =	vld [tilespmem:s0+$0x0]  }
.LBB2_6:
0x38: {  	_ = 	snop  }
0x39: {  	p0 =	sne.s32 s21, $0x671  }
.Ltmp2:
0x3a: {  	_ = 	snop;
	(pc) =	sbr.rel @p0 .LBB2_6-.Ltmp2, $4  }
0x3b: {  	_ = 	snop  }
0x3c: {  	vm0 =	veq.s32 v2, $0x0  }
0x3d: {  	s23 =	smov.u32 s21;
	s0 =	sadd.s32 $0x40, s0;
	[tilespmem:v3+s18+$0x0] =	vst.idx.msk $0xffff, v2;
	v4 =	vsel vm0, $0x0, v5  }
0x3e: {  	s21 =	sadd.s32 $0x1, s21;
	v3 =	vadd.s32 s23, v0;
	v2 =	vld [tilespmem:s0+$0x0];
	v1 =	vadd.f32 v4, v1  }
0x3f: {  	_ =	sdelay $0x3  }
0x40: {  	vm0 =	veq.s32 v2, $0x0  }
0x41: {  	v4 =	vsel vm0, $0x0, v5  }
0x42: {  	v1 =	vadd.f32 v4, v1;
	_ =	sdelay $0x1  }
0x43: {  	v1 =	vmax.f32 v1, $1.000000000e+00  }
0x44: {  	(erf) = vrcp.f32 v1;
	_ =	sdelay $0x8  }
0x45: {  	[tilespmem:v3+s18+$0x0] =	vst.idx.msk $0xffff, v2;
	v1 =	vpop (erf)  }
0x46: {  	s23 =	simm.s32 $0x960;
	s0 =	simm.s32 $0x30;
	[tilespmem:$0x7D20] =	vst v1  }
0x47: {  	s21 =	simm.s32 $0x961;
	v3 =	vadd.s32 s23, v0;
	v1 =	vimm.f32 $0.0e+00;
	v2 =	vld [tilespmem:s0+$0x0]  }
.LBB2_8:
0x48: {  	_ = 	snop  }
0x49: {  	p0 =	sne.s32 s21, $0x991  }
.Ltmp3:
0x4a: {  	_ = 	snop;
	(pc) =	sbr.rel @p0 .LBB2_8-.Ltmp3, $4  }
0x4b: {  	_ = 	snop  }
0x4c: {  	vm0 =	veq.s32 v2, $0x0  }
0x4d: {  	s23 =	smov.u32 s21;
	s0 =	sadd.s32 $0x40, s0;
	[tilespmem:v3+s18+$0x0] =	vst.idx.msk $0xffff, v2;
	v4 =	vsel vm0, $0x0, v5  }
0x4e: {  	s21 =	sadd.s32 $0x1, s21;
	v3 =	vadd.s32 s23, v0;
	v2 =	vld [tilespmem:s0+$0x0];
	v1 =	vadd.f32 v4, v1  }
0x4f: {  	_ =	sdelay $0x3  }
0x50: {  	vm0 =	veq.s32 v2, $0x0  }
0x51: {  	v4 =	vsel vm0, $0x0, v5  }
0x52: {  	v1 =	vadd.f32 v4, v1;
	_ =	sdelay $0x1  }
0x53: {  	v1 =	vmax.f32 v1, $1.000000000e+00  }
0x54: {  	(erf) = vrcp.f32 v1;
	_ =	sdelay $0x8  }
0x55: {  	[tilespmem:v3+s18+$0x0] =	vst.idx.msk $0xffff, v2;
	v1 =	vpop (erf)  }
0x56: {  	[tilespmem:$0x7D30] =	vst v1  }
0x57: {  	[tilespmem:s2], [sflag:$0x1] =	stream.strided.gather [hbm4b:s6+s14], $0xC80, s15, s14, $0x38;
	[tilespmem:$0x1C700] =	vst v63  }
0x58: {  	_ =	swait.ge [sflag:s19], $0xC80  }
0x59: {  	[sflag:s19] =	ssyncset.done $0x0  }
0x5a: {  	s0 =	simm.s32 $0xC80;
	[sflag:s19] =	ssyncadd.s32 $0xFFFFF380  }
0x5b: {  	s21 =	simm.s32 $0xC81;
	v3 =	vadd.s32 s0, v0;
	v1 =	vimm.f32 $0.0e+00;
	v2 =	vld [tilespmem:s0+$0x0]  }
.LBB2_10:
0x5c: {  	_ = 	snop  }
0x5d: {  	p0 =	sne.s32 s21, $0xCB1  }
.Ltmp4:
0x5e: {  	_ = 	snop;
	(pc) =	sbr.rel @p0 .LBB2_10-.Ltmp4, $4  }
0x5f: {  	_ = 	snop  }
0x60: {  	vm0 =	veq.s32 v2, $0x0  }
0x61: {  	s23 =	smov.u32 s21;
	s0 =	sadd.s32 $0x40, s0;
	[tilespmem:v3+s18+$0x0] =	vst.idx.msk $0xffff, v2;
	v4 =	vsel vm0, $0x0, v5  }
0x62: {  	s21 =	sadd.s32 $0x1, s21;
	v3 =	vadd.s32 s23, v0;
	v2 =	vld [tilespmem:s0+$0x0];
	v1 =	vadd.f32 v4, v1  }
0x63: {  	_ =	sdelay $0x3  }
0x64: {  	vm0 =	veq.s32 v2, $0x0  }
0x65: {  	v4 =	vsel vm0, $0x0, v5  }
0x66: {  	v1 =	vadd.f32 v4, v1;
	_ =	sdelay $0x1  }
0x67: {  	v1 =	vmax.f32 v1, $1.000000000e+00  }
0x68: {  	(erf) = vrcp.f32 v1;
	_ =	sdelay $0x8  }
0x69: {  	[tilespmem:v3+s18+$0x0] =	vst.idx.msk $0xffff, v2;
	v1 =	vpop (erf)  }
0x6a: {  	s23 =	simm.s32 $0xFA0;
	s0 =	simm.s32 $0xC90;
	[tilespmem:$0x7D40] =	vst v1  }
0x6b: {  	s21 =	simm.s32 $0xFA1;
	v3 =	vadd.s32 s23, v0;
	v1 =	vimm.f32 $0.0e+00;
	v2 =	vld [tilespmem:s0+$0x0]  }
.LBB2_12:
0x6c: {  	_ = 	snop  }
0x6d: {  	p0 =	sne.s32 s21, $0xFD1  }
.Ltmp5:
0x6e: {  	_ = 	snop;
	(pc) =	sbr.rel @p0 .LBB2_12-.Ltmp5, $4  }
0x6f: {  	_ = 	snop  }
0x70: {  	vm0 =	veq.s32 v2, $0x0  }
0x71: {  	s23 =	smov.u32 s21;
	s0 =	sadd.s32 $0x40, s0;
	[tilespmem:v3+s18+$0x0] =	vst.idx.msk $0xffff, v2;
	v4 =	vsel vm0, $0x0, v5  }
0x72: {  	s21 =	sadd.s32 $0x1, s21;
	v3 =	vadd.s32 s23, v0;
	v2 =	vld [tilespmem:s0+$0x0];
	v1 =	vadd.f32 v4, v1  }
0x73: {  	_ =	sdelay $0x3  }
0x74: {  	vm0 =	veq.s32 v2, $0x0  }
0x75: {  	v4 =	vsel vm0, $0x0, v5  }
0x76: {  	v1 =	vadd.f32 v4, v1;
	_ =	sdelay $0x1  }
0x77: {  	v1 =	vmax.f32 v1, $1.000000000e+00  }
0x78: {  	(erf) = vrcp.f32 v1;
	_ =	sdelay $0x8  }
0x79: {  	[tilespmem:v3+s18+$0x0] =	vst.idx.msk $0xffff, v2;
	v1 =	vpop (erf)  }
0x7a: {  	s23 =	simm.s32 $0x12C0;
	s0 =	simm.s32 $0xCA0;
	[tilespmem:$0x7D50] =	vst v1  }
0x7b: {  	s21 =	simm.s32 $0x12C1;
	v3 =	vadd.s32 s23, v0;
	v1 =	vimm.f32 $0.0e+00;
	v2 =	vld [tilespmem:s0+$0x0]  }
.LBB2_14:
0x7c: {  	_ = 	snop  }
0x7d: {  	p0 =	sne.s32 s21, $0x12F1  }
.Ltmp6:
0x7e: {  	_ = 	snop;
	(pc) =	sbr.rel @p0 .LBB2_14-.Ltmp6, $4  }
0x7f: {  	_ = 	snop  }
0x80: {  	vm0 =	veq.s32 v2, $0x0  }
0x81: {  	s23 =	smov.u32 s21;
	s0 =	sadd.s32 $0x40, s0;
	[tilespmem:v3+s18+$0x0] =	vst.idx.msk $0xffff, v2;
	v4 =	vsel vm0, $0x0, v5  }
0x82: {  	s21 =	sadd.s32 $0x1, s21;
	v3 =	vadd.s32 s23, v0;
	v2 =	vld [tilespmem:s0+$0x0];
	v1 =	vadd.f32 v4, v1  }
0x83: {  	_ =	sdelay $0x3  }
0x84: {  	vm0 =	veq.s32 v2, $0x0  }
0x85: {  	v4 =	vsel vm0, $0x0, v5  }
0x86: {  	v1 =	vadd.f32 v4, v1;
	_ =	sdelay $0x1  }
0x87: {  	v1 =	vmax.f32 v1, $1.000000000e+00  }
0x88: {  	(erf) = vrcp.f32 v1;
	_ =	sdelay $0x8  }
0x89: {  	[tilespmem:v3+s18+$0x0] =	vst.idx.msk $0xffff, v2;
	v1 =	vpop (erf)  }
0x8a: {  	s23 =	simm.s32 $0x15E0;
	s0 =	simm.s32 $0xCB0;
	[tilespmem:$0x7D60] =	vst v1  }
0x8b: {  	s21 =	simm.s32 $0x15E1;
	v3 =	vadd.s32 s23, v0;
	v1 =	vimm.f32 $0.0e+00;
	v2 =	vld [tilespmem:s0+$0x0]  }
.LBB2_16:
0x8c: {  	_ = 	snop  }
0x8d: {  	p0 =	sne.s32 s21, $0x1611  }
.Ltmp7:
0x8e: {  	_ = 	snop;
	(pc) =	sbr.rel @p0 .LBB2_16-.Ltmp7, $4  }
0x8f: {  	_ = 	snop  }
0x90: {  	vm0 =	veq.s32 v2, $0x0  }
0x91: {  	s23 =	smov.u32 s21;
	s0 =	sadd.s32 $0x40, s0;
	[tilespmem:v3+s18+$0x0] =	vst.idx.msk $0xffff, v2;
	v4 =	vsel vm0, $0x0, v5  }
0x92: {  	s21 =	sadd.s32 $0x1, s21;
	v3 =	vadd.s32 s23, v0;
	v2 =	vld [tilespmem:s0+$0x0];
	v1 =	vadd.f32 v4, v1  }
0x93: {  	_ =	sdelay $0x3  }
0x94: {  	vm0 =	veq.s32 v2, $0x0  }
0x95: {  	v4 =	vsel vm0, $0x0, v5  }
0x96: {  	v1 =	vadd.f32 v4, v1;
	_ =	sdelay $0x1  }
0x97: {  	v1 =	vmax.f32 v1, $1.000000000e+00  }
0x98: {  	(erf) = vrcp.f32 v1;
	_ =	sdelay $0x8  }
0x99: {  	[tilespmem:v3+s18+$0x0] =	vst.idx.msk $0xffff, v2;
	v1 =	vpop (erf)  }
0x9a: {  	[tilespmem:$0x7D70] =	vst v1  }
0x9b: {  	[tilespmem:s16], [sflag:$0x2] =	stream.strided.gather [hbm4b:s7+s14], $0xC80, s15, s14, $0x38;
	[tilespmem:$0x1C700] =	vst v63  }
0x9c: {  	_ =	swait.ge [sflag:s17], $0xC80  }
0x9d: {  	[sflag:s17] =	ssyncset.done $0x0  }
0x9e: {  	s23 =	simm.s32 $0x1900;
	s0 =	simm.s32 $0x0;
	[sflag:s17] =	ssyncadd.s32 $0xFFFFF380  }
0x9f: {  	s21 =	simm.s32 $0x1901;
	v3 =	vadd.s32 s23, v0;
	v1 =	vimm.f32 $0.0e+00;
	v2 =	vld [tilespmem:s0+$0x0]  }
.LBB2_18:
0xa0: {  	_ = 	snop  }
0xa1: {  	p0 =	sne.s32 s21, $0x1931  }
.Ltmp8:
0xa2: {  	_ = 	snop;
	(pc) =	sbr.rel @p0 .LBB2_18-.Ltmp8, $4  }
0xa3: {  	_ = 	snop  }
0xa4: {  	vm0 =	veq.s32 v2, $0x0  }
0xa5: {  	s23 =	smov.u32 s21;
	s0 =	sadd.s32 $0x40, s0;
	[tilespmem:v3+s18+$0x0] =	vst.idx.msk $0xffff, v2;
	v4 =	vsel vm0, $0x0, v5  }
0xa6: {  	s21 =	sadd.s32 $0x1, s21;
	v3 =	vadd.s32 s23, v0;
	v2 =	vld [tilespmem:s0+$0x0];
	v1 =	vadd.f32 v4, v1  }
0xa7: {  	_ =	sdelay $0x3  }
0xa8: {  	vm0 =	veq.s32 v2, $0x0  }
0xa9: {  	v4 =	vsel vm0, $0x0, v5  }
0xaa: {  	v1 =	vadd.f32 v4, v1;
	_ =	sdelay $0x1  }
0xab: {  	v1 =	vmax.f32 v1, $1.000000000e+00  }
0xac: {  	(erf) = vrcp.f32 v1;
	_ =	sdelay $0x8  }
0xad: {  	[tilespmem:v3+s18+$0x0] =	vst.idx.msk $0xffff, v2;
	v1 =	vpop (erf)  }
0xae: {  	s23 =	simm.s32 $0x1C20;
	s0 =	simm.s32 $0x10;
	[tilespmem:$0x7D80] =	vst v1  }
0xaf: {  	s21 =	simm.s32 $0x1C21;
	v3 =	vadd.s32 s23, v0;
	v1 =	vimm.f32 $0.0e+00;
	v2 =	vld [tilespmem:s0+$0x0]  }
.LBB2_20:
0xb0: {  	_ = 	snop  }
0xb1: {  	p0 =	sne.s32 s21, $0x1C51  }
.Ltmp9:
0xb2: {  	_ = 	snop;
	(pc) =	sbr.rel @p0 .LBB2_20-.Ltmp9, $4  }
0xb3: {  	_ = 	snop  }
0xb4: {  	vm0 =	veq.s32 v2, $0x0  }
0xb5: {  	s23 =	smov.u32 s21;
	s0 =	sadd.s32 $0x40, s0;
	[tilespmem:v3+s18+$0x0] =	vst.idx.msk $0xffff, v2;
	v4 =	vsel vm0, $0x0, v5  }
0xb6: {  	s21 =	sadd.s32 $0x1, s21;
	v3 =	vadd.s32 s23, v0;
	v2 =	vld [tilespmem:s0+$0x0];
	v1 =	vadd.f32 v4, v1  }
0xb7: {  	_ =	sdelay $0x3  }
0xb8: {  	vm0 =	veq.s32 v2, $0x0  }
0xb9: {  	v4 =	vsel vm0, $0x0, v5  }
0xba: {  	v1 =	vadd.f32 v4, v1;
	_ =	sdelay $0x1  }
0xbb: {  	v1 =	vmax.f32 v1, $1.000000000e+00  }
0xbc: {  	(erf) = vrcp.f32 v1;
	_ =	sdelay $0x8  }
0xbd: {  	[tilespmem:v3+s18+$0x0] =	vst.idx.msk $0xffff, v2;
	v1 =	vpop (erf)  }
0xbe: {  	s23 =	simm.s32 $0x1F40;
	s0 =	simm.s32 $0x20;
	[tilespmem:$0x7D90] =	vst v1  }
0xbf: {  	s21 =	simm.s32 $0x1F41;
	v3 =	vadd.s32 s23, v0;
	v1 =	vimm.f32 $0.0e+00;
	v2 =	vld [tilespmem:s0+$0x0]  }
.LBB2_22:
0xc0: {  	_ = 	snop  }
0xc1: {  	p0 =	sne.s32 s21, $0x1F71  }
.Ltmp10:
0xc2: {  	_ = 	snop;
	(pc) =	sbr.rel @p0 .LBB2_22-.Ltmp10, $4  }
0xc3: {  	_ = 	snop  }
0xc4: {  	vm0 =	veq.s32 v2, $0x0  }
0xc5: {  	s23 =	smov.u32 s21;
	s0 =	sadd.s32 $0x40, s0;
	[tilespmem:v3+s18+$0x0] =	vst.idx.msk $0xffff, v2;
	v4 =	vsel vm0, $0x0, v5  }
0xc6: {  	s21 =	sadd.s32 $0x1, s21;
	v3 =	vadd.s32 s23, v0;
	v2 =	vld [tilespmem:s0+$0x0];
	v1 =	vadd.f32 v4, v1  }
0xc7: {  	_ =	sdelay $0x3  }
0xc8: {  	vm0 =	veq.s32 v2, $0x0  }
0xc9: {  	v4 =	vsel vm0, $0x0, v5  }
0xca: {  	v1 =	vadd.f32 v4, v1;
	_ =	sdelay $0x1  }
0xcb: {  	v1 =	vmax.f32 v1, $1.000000000e+00  }
0xcc: {  	(erf) = vrcp.f32 v1;
	_ =	sdelay $0x8  }
0xcd: {  	[tilespmem:v3+s18+$0x0] =	vst.idx.msk $0xffff, v2;
	v1 =	vpop (erf)  }
0xce: {  	s23 =	simm.s32 $0x2260;
	s0 =	simm.s32 $0x30;
	[tilespmem:$0x7DA0] =	vst v1  }
0xcf: {  	s21 =	simm.s32 $0x2261;
	v3 =	vadd.s32 s23, v0;
	v1 =	vimm.f32 $0.0e+00;
	v2 =	vld [tilespmem:s0+$0x0]  }
.LBB2_24:
0xd0: {  	_ = 	snop  }
0xd1: {  	p0 =	sne.s32 s21, $0x2291  }
.Ltmp11:
0xd2: {  	_ = 	snop;
	(pc) =	sbr.rel @p0 .LBB2_24-.Ltmp11, $4  }
0xd3: {  	_ = 	snop  }
0xd4: {  	vm0 =	veq.s32 v2, $0x0  }
0xd5: {  	s23 =	smov.u32 s21;
	s0 =	sadd.s32 $0x40, s0;
	[tilespmem:v3+s18+$0x0] =	vst.idx.msk $0xffff, v2;
	v4 =	vsel vm0, $0x0, v5  }
0xd6: {  	s21 =	sadd.s32 $0x1, s21;
	v3 =	vadd.s32 s23, v0;
	v2 =	vld [tilespmem:s0+$0x0];
	v1 =	vadd.f32 v4, v1  }
0xd7: {  	_ =	sdelay $0x3  }
0xd8: {  	vm0 =	veq.s32 v2, $0x0  }
0xd9: {  	v4 =	vsel vm0, $0x0, v5  }
0xda: {  	v1 =	vadd.f32 v4, v1;
	_ =	sdelay $0x1  }
0xdb: {  	v1 =	vmax.f32 v1, $1.000000000e+00  }
0xdc: {  	(erf) = vrcp.f32 v1;
	_ =	sdelay $0x8  }
0xdd: {  	[tilespmem:v3+s18+$0x0] =	vst.idx.msk $0xffff, v2;
	v1 =	vpop (erf)  }
0xde: {  	[tilespmem:$0x7DB0] =	vst v1  }
0xdf: {  	[tilespmem:s2], [sflag:$0x1] =	stream.strided.gather [hbm4b:s8+s14], $0xC80, s15, s14, $0x38;
	[tilespmem:$0x1C700] =	vst v63  }
0xe0: {  	_ =	swait.ge [sflag:s19], $0xC80  }
0xe1: {  	[sflag:s19] =	ssyncset.done $0x0  }
0xe2: {  	s23 =	simm.s32 $0x2580;
	s0 =	simm.s32 $0xC80;
	[sflag:s19] =	ssyncadd.s32 $0xFFFFF380  }
0xe3: {  	s21 =	simm.s32 $0x2581;
	v3 =	vadd.s32 s23, v0;
	v1 =	vimm.f32 $0.0e+00;
	v2 =	vld [tilespmem:s0+$0x0]  }
.LBB2_26:
0xe4: {  	_ = 	snop  }
0xe5: {  	p0 =	sne.s32 s21, $0x25B1  }
.Ltmp12:
0xe6: {  	_ = 	snop;
	(pc) =	sbr.rel @p0 .LBB2_26-.Ltmp12, $4  }
0xe7: {  	_ = 	snop  }
0xe8: {  	vm0 =	veq.s32 v2, $0x0  }
0xe9: {  	s23 =	smov.u32 s21;
	s0 =	sadd.s32 $0x40, s0;
	[tilespmem:v3+s18+$0x0] =	vst.idx.msk $0xffff, v2;
	v4 =	vsel vm0, $0x0, v5  }
0xea: {  	s21 =	sadd.s32 $0x1, s21;
	v3 =	vadd.s32 s23, v0;
	v2 =	vld [tilespmem:s0+$0x0];
	v1 =	vadd.f32 v4, v1  }
0xeb: {  	_ =	sdelay $0x3  }
0xec: {  	vm0 =	veq.s32 v2, $0x0  }
0xed: {  	v4 =	vsel vm0, $0x0, v5  }
0xee: {  	v1 =	vadd.f32 v4, v1;
	_ =	sdelay $0x1  }
0xef: {  	v1 =	vmax.f32 v1, $1.000000000e+00  }
0xf0: {  	(erf) = vrcp.f32 v1;
	_ =	sdelay $0x8  }
0xf1: {  	[tilespmem:v3+s18+$0x0] =	vst.idx.msk $0xffff, v2;
	v1 =	vpop (erf)  }
0xf2: {  	s23 =	simm.s32 $0x28A0;
	s0 =	simm.s32 $0xC90;
	[tilespmem:$0x7DC0] =	vst v1  }
0xf3: {  	s21 =	simm.s32 $0x28A1;
	v3 =	vadd.s32 s23, v0;
	v1 =	vimm.f32 $0.0e+00;
	v2 =	vld [tilespmem:s0+$0x0]  }
.LBB2_28:
0xf4: {  	_ = 	snop  }
0xf5: {  	p0 =	sne.s32 s21, $0x28D1  }
.Ltmp13:
0xf6: {  	_ = 	snop;
	(pc) =	sbr.rel @p0 .LBB2_28-.Ltmp13, $4  }
0xf7: {  	_ = 	snop  }
0xf8: {  	vm0 =	veq.s32 v2, $0x0  }
0xf9: {  	s23 =	smov.u32 s21;
	s0 =	sadd.s32 $0x40, s0;
	[tilespmem:v3+s18+$0x0] =	vst.idx.msk $0xffff, v2;
	v4 =	vsel vm0, $0x0, v5  }
0xfa: {  	s21 =	sadd.s32 $0x1, s21;
	v3 =	vadd.s32 s23, v0;
	v2 =	vld [tilespmem:s0+$0x0];
	v1 =	vadd.f32 v4, v1  }
0xfb: {  	_ =	sdelay $0x3  }
0xfc: {  	vm0 =	veq.s32 v2, $0x0  }
0xfd: {  	v4 =	vsel vm0, $0x0, v5  }
0xfe: {  	v1 =	vadd.f32 v4, v1;
	_ =	sdelay $0x1  }
0xff: {  	v1 =	vmax.f32 v1, $1.000000000e+00  }
0x100: {  	(erf) = vrcp.f32 v1;
	_ =	sdelay $0x8  }
0x101: {  	[tilespmem:v3+s18+$0x0] =	vst.idx.msk $0xffff, v2;
	v1 =	vpop (erf)  }
0x102: {  	s23 =	simm.s32 $0x2BC0;
	s0 =	simm.s32 $0xCA0;
	[tilespmem:$0x7DD0] =	vst v1  }
0x103: {  	s21 =	simm.s32 $0x2BC1;
	v3 =	vadd.s32 s23, v0;
	v1 =	vimm.f32 $0.0e+00;
	v2 =	vld [tilespmem:s0+$0x0]  }
.LBB2_30:
0x104: {  	_ = 	snop  }
0x105: {  	p0 =	sne.s32 s21, $0x2BF1  }
.Ltmp14:
0x106: {  	_ = 	snop;
	(pc) =	sbr.rel @p0 .LBB2_30-.Ltmp14, $4  }
0x107: {  	_ = 	snop  }
0x108: {  	vm0 =	veq.s32 v2, $0x0  }
0x109: {  	s23 =	smov.u32 s21;
	s0 =	sadd.s32 $0x40, s0;
	[tilespmem:v3+s18+$0x0] =	vst.idx.msk $0xffff, v2;
	v4 =	vsel vm0, $0x0, v5  }
0x10a: {  	s21 =	sadd.s32 $0x1, s21;
	v3 =	vadd.s32 s23, v0;
	v2 =	vld [tilespmem:s0+$0x0];
	v1 =	vadd.f32 v4, v1  }
0x10b: {  	_ =	sdelay $0x3  }
0x10c: {  	vm0 =	veq.s32 v2, $0x0  }
0x10d: {  	v4 =	vsel vm0, $0x0, v5  }
0x10e: {  	v1 =	vadd.f32 v4, v1;
	_ =	sdelay $0x1  }
0x10f: {  	v1 =	vmax.f32 v1, $1.000000000e+00  }
0x110: {  	(erf) = vrcp.f32 v1;
	_ =	sdelay $0x8  }
0x111: {  	[tilespmem:v3+s18+$0x0] =	vst.idx.msk $0xffff, v2;
	v1 =	vpop (erf)  }
0x112: {  	s23 =	simm.s32 $0x2EE0;
	s0 =	simm.s32 $0xCB0;
	[tilespmem:$0x7DE0] =	vst v1  }
0x113: {  	s21 =	simm.s32 $0x2EE1;
	v3 =	vadd.s32 s23, v0;
	v1 =	vimm.f32 $0.0e+00;
	v2 =	vld [tilespmem:s0+$0x0]  }
.LBB2_32:
0x114: {  	_ = 	snop  }
0x115: {  	p0 =	sne.s32 s21, $0x2F11  }
.Ltmp15:
0x116: {  	_ = 	snop;
	(pc) =	sbr.rel @p0 .LBB2_32-.Ltmp15, $4  }
0x117: {  	_ = 	snop  }
0x118: {  	vm0 =	veq.s32 v2, $0x0  }
0x119: {  	s23 =	smov.u32 s21;
	s0 =	sadd.s32 $0x40, s0;
	[tilespmem:v3+s18+$0x0] =	vst.idx.msk $0xffff, v2;
	v4 =	vsel vm0, $0x0, v5  }
0x11a: {  	s21 =	sadd.s32 $0x1, s21;
	v3 =	vadd.s32 s23, v0;
	v2 =	vld [tilespmem:s0+$0x0];
	v1 =	vadd.f32 v4, v1  }
0x11b: {  	_ =	sdelay $0x3  }
0x11c: {  	vm0 =	veq.s32 v2, $0x0  }
0x11d: {  	v4 =	vsel vm0, $0x0, v5  }
0x11e: {  	v1 =	vadd.f32 v4, v1;
	_ =	sdelay $0x1  }
0x11f: {  	v1 =	vmax.f32 v1, $1.000000000e+00  }
0x120: {  	(erf) = vrcp.f32 v1;
	_ =	sdelay $0x8  }
0x121: {  	[tilespmem:v3+s18+$0x0] =	vst.idx.msk $0xffff, v2;
	v1 =	vpop (erf)  }
0x122: {  	[tilespmem:$0x7DF0] =	vst v1  }
0x123: {  	[tilespmem:s16], [sflag:$0x2] =	stream.strided.gather [hbm4b:s9+s14], $0xC80, s15, s14, $0x38;
	[tilespmem:$0x1C700] =	vst v63  }
0x124: {  	_ =	swait.ge [sflag:s17], $0xC80  }
0x125: {  	[sflag:s17] =	ssyncset.done $0x0  }
0x126: {  	s23 =	simm.s32 $0x3200;
	s0 =	simm.s32 $0x0;
	[sflag:s17] =	ssyncadd.s32 $0xFFFFF380  }
0x127: {  	s21 =	simm.s32 $0x3201;
	v3 =	vadd.s32 s23, v0;
	v1 =	vimm.f32 $0.0e+00;
	v2 =	vld [tilespmem:s0+$0x0]  }
.LBB2_34:
0x128: {  	_ = 	snop  }
0x129: {  	p0 =	sne.s32 s21, $0x3231  }
.Ltmp16:
0x12a: {  	_ = 	snop;
	(pc) =	sbr.rel @p0 .LBB2_34-.Ltmp16, $4  }
0x12b: {  	_ = 	snop  }
0x12c: {  	vm0 =	veq.s32 v2, $0x0  }
0x12d: {  	s23 =	smov.u32 s21;
	s0 =	sadd.s32 $0x40, s0;
	[tilespmem:v3+s18+$0x0] =	vst.idx.msk $0xffff, v2;
	v4 =	vsel vm0, $0x0, v5  }
0x12e: {  	s21 =	sadd.s32 $0x1, s21;
	v3 =	vadd.s32 s23, v0;
	v2 =	vld [tilespmem:s0+$0x0];
	v1 =	vadd.f32 v4, v1  }
0x12f: {  	_ =	sdelay $0x3  }
0x130: {  	vm0 =	veq.s32 v2, $0x0  }
0x131: {  	v4 =	vsel vm0, $0x0, v5  }
0x132: {  	v1 =	vadd.f32 v4, v1;
	_ =	sdelay $0x1  }
0x133: {  	v1 =	vmax.f32 v1, $1.000000000e+00  }
0x134: {  	(erf) = vrcp.f32 v1;
	_ =	sdelay $0x8  }
0x135: {  	[tilespmem:v3+s18+$0x0] =	vst.idx.msk $0xffff, v2;
	v1 =	vpop (erf)  }
0x136: {  	s23 =	simm.s32 $0x3520;
	s0 =	simm.s32 $0x10;
	[tilespmem:$0x7E00] =	vst v1  }
0x137: {  	s21 =	simm.s32 $0x3521;
	v3 =	vadd.s32 s23, v0;
	v1 =	vimm.f32 $0.0e+00;
	v2 =	vld [tilespmem:s0+$0x0]  }
.LBB2_36:
0x138: {  	_ = 	snop  }
0x139: {  	p0 =	sne.s32 s21, $0x3551  }
.Ltmp17:
0x13a: {  	_ = 	snop;
	(pc) =	sbr.rel @p0 .LBB2_36-.Ltmp17, $4  }
0x13b: {  	_ = 	snop  }
0x13c: {  	vm0 =	veq.s32 v2, $0x0  }
0x13d: {  	s23 =	smov.u32 s21;
	s0 =	sadd.s32 $0x40, s0;
	[tilespmem:v3+s18+$0x0] =	vst.idx.msk $0xffff, v2;
	v4 =	vsel vm0, $0x0, v5  }
0x13e: {  	s21 =	sadd.s32 $0x1, s21;
	v3 =	vadd.s32 s23, v0;
	v2 =	vld [tilespmem:s0+$0x0];
	v1 =	vadd.f32 v4, v1  }
0x13f: {  	_ =	sdelay $0x3  }
0x140: {  	vm0 =	veq.s32 v2, $0x0  }
0x141: {  	v4 =	vsel vm0, $0x0, v5  }
0x142: {  	v1 =	vadd.f32 v4, v1;
	_ =	sdelay $0x1  }
0x143: {  	v1 =	vmax.f32 v1, $1.000000000e+00  }
0x144: {  	(erf) = vrcp.f32 v1;
	_ =	sdelay $0x8  }
0x145: {  	[tilespmem:v3+s18+$0x0] =	vst.idx.msk $0xffff, v2;
	v1 =	vpop (erf)  }
0x146: {  	s23 =	simm.s32 $0x3840;
	s0 =	simm.s32 $0x20;
	[tilespmem:$0x7E10] =	vst v1  }
0x147: {  	s21 =	simm.s32 $0x3841;
	v3 =	vadd.s32 s23, v0;
	v1 =	vimm.f32 $0.0e+00;
	v2 =	vld [tilespmem:s0+$0x0]  }
.LBB2_38:
0x148: {  	_ = 	snop  }
0x149: {  	p0 =	sne.s32 s21, $0x3871  }
.Ltmp18:
0x14a: {  	_ = 	snop;
	(pc) =	sbr.rel @p0 .LBB2_38-.Ltmp18, $4  }
0x14b: {  	_ = 	snop  }
0x14c: {  	vm0 =	veq.s32 v2, $0x0  }
0x14d: {  	s23 =	smov.u32 s21;
	s0 =	sadd.s32 $0x40, s0;
	[tilespmem:v3+s18+$0x0] =	vst.idx.msk $0xffff, v2;
	v4 =	vsel vm0, $0x0, v5  }
0x14e: {  	s21 =	sadd.s32 $0x1, s21;
	v3 =	vadd.s32 s23, v0;
	v2 =	vld [tilespmem:s0+$0x0];
	v1 =	vadd.f32 v4, v1  }
0x14f: {  	_ =	sdelay $0x3  }
0x150: {  	vm0 =	veq.s32 v2, $0x0  }
0x151: {  	v4 =	vsel vm0, $0x0, v5  }
0x152: {  	v1 =	vadd.f32 v4, v1;
	_ =	sdelay $0x1  }
0x153: {  	v1 =	vmax.f32 v1, $1.000000000e+00  }
0x154: {  	(erf) = vrcp.f32 v1;
	_ =	sdelay $0x8  }
0x155: {  	[tilespmem:v3+s18+$0x0] =	vst.idx.msk $0xffff, v2;
	v1 =	vpop (erf)  }
0x156: {  	s23 =	simm.s32 $0x3B60;
	s0 =	simm.s32 $0x30;
	[tilespmem:$0x7E20] =	vst v1  }
0x157: {  	s21 =	simm.s32 $0x3B61;
	v3 =	vadd.s32 s23, v0;
	v1 =	vimm.f32 $0.0e+00;
	v2 =	vld [tilespmem:s0+$0x0]  }
.LBB2_40:
0x158: {  	_ = 	snop  }
0x159: {  	p0 =	sne.s32 s21, $0x3B91  }
.Ltmp19:
0x15a: {  	_ = 	snop;
	(pc) =	sbr.rel @p0 .LBB2_40-.Ltmp19, $4  }
0x15b: {  	_ = 	snop  }
0x15c: {  	vm0 =	veq.s32 v2, $0x0  }
0x15d: {  	s23 =	smov.u32 s21;
	s0 =	sadd.s32 $0x40, s0;
	[tilespmem:v3+s18+$0x0] =	vst.idx.msk $0xffff, v2;
	v4 =	vsel vm0, $0x0, v5  }
0x15e: {  	s21 =	sadd.s32 $0x1, s21;
	v3 =	vadd.s32 s23, v0;
	v2 =	vld [tilespmem:s0+$0x0];
	v1 =	vadd.f32 v4, v1  }
0x15f: {  	_ =	sdelay $0x3  }
0x160: {  	vm0 =	veq.s32 v2, $0x0  }
0x161: {  	v4 =	vsel vm0, $0x0, v5  }
0x162: {  	v1 =	vadd.f32 v4, v1;
	_ =	sdelay $0x1  }
0x163: {  	v1 =	vmax.f32 v1, $1.000000000e+00  }
0x164: {  	(erf) = vrcp.f32 v1;
	_ =	sdelay $0x8  }
0x165: {  	[tilespmem:v3+s18+$0x0] =	vst.idx.msk $0xffff, v2;
	v1 =	vpop (erf)  }
0x166: {  	[tilespmem:$0x7E30] =	vst v1  }
0x167: {  	[tilespmem:s2], [sflag:$0x1] =	stream.strided.gather [hbm4b:s10+s14], $0xC80, s15, s14, $0x38;
	[tilespmem:$0x1C700] =	vst v63  }
0x168: {  	_ =	swait.ge [sflag:s19], $0xC80  }
0x169: {  	[sflag:s19] =	ssyncset.done $0x0  }
0x16a: {  	s23 =	simm.s32 $0x3E80;
	s0 =	simm.s32 $0xC80;
	[sflag:s19] =	ssyncadd.s32 $0xFFFFF380  }
0x16b: {  	s21 =	simm.s32 $0x3E81;
	v3 =	vadd.s32 s23, v0;
	v1 =	vimm.f32 $0.0e+00;
	v2 =	vld [tilespmem:s0+$0x0]  }
.LBB2_42:
0x16c: {  	_ = 	snop  }
0x16d: {  	p0 =	sne.s32 s21, $0x3EB1  }
.Ltmp20:
0x16e: {  	_ = 	snop;
	(pc) =	sbr.rel @p0 .LBB2_42-.Ltmp20, $4  }
0x16f: {  	_ = 	snop  }
0x170: {  	vm0 =	veq.s32 v2, $0x0  }
0x171: {  	s23 =	smov.u32 s21;
	s0 =	sadd.s32 $0x40, s0;
	[tilespmem:v3+s18+$0x0] =	vst.idx.msk $0xffff, v2;
	v4 =	vsel vm0, $0x0, v5  }
0x172: {  	s21 =	sadd.s32 $0x1, s21;
	v3 =	vadd.s32 s23, v0;
	v2 =	vld [tilespmem:s0+$0x0];
	v1 =	vadd.f32 v4, v1  }
0x173: {  	_ =	sdelay $0x3  }
0x174: {  	vm0 =	veq.s32 v2, $0x0  }
0x175: {  	v4 =	vsel vm0, $0x0, v5  }
0x176: {  	v1 =	vadd.f32 v4, v1;
	_ =	sdelay $0x1  }
0x177: {  	v1 =	vmax.f32 v1, $1.000000000e+00  }
0x178: {  	(erf) = vrcp.f32 v1;
	_ =	sdelay $0x8  }
0x179: {  	[tilespmem:v3+s18+$0x0] =	vst.idx.msk $0xffff, v2;
	v1 =	vpop (erf)  }
0x17a: {  	s23 =	simm.s32 $0x41A0;
	s0 =	simm.s32 $0xC90;
	[tilespmem:$0x7E40] =	vst v1  }
0x17b: {  	s21 =	simm.s32 $0x41A1;
	v3 =	vadd.s32 s23, v0;
	v1 =	vimm.f32 $0.0e+00;
	v2 =	vld [tilespmem:s0+$0x0]  }
.LBB2_44:
0x17c: {  	_ = 	snop  }
0x17d: {  	p0 =	sne.s32 s21, $0x41D1  }
.Ltmp21:
0x17e: {  	_ = 	snop;
	(pc) =	sbr.rel @p0 .LBB2_44-.Ltmp21, $4  }
0x17f: {  	_ = 	snop  }
0x180: {  	vm0 =	veq.s32 v2, $0x0  }
0x181: {  	s23 =	smov.u32 s21;
	s0 =	sadd.s32 $0x40, s0;
	[tilespmem:v3+s18+$0x0] =	vst.idx.msk $0xffff, v2;
	v4 =	vsel vm0, $0x0, v5  }
0x182: {  	s21 =	sadd.s32 $0x1, s21;
	v3 =	vadd.s32 s23, v0;
	v2 =	vld [tilespmem:s0+$0x0];
	v1 =	vadd.f32 v4, v1  }
0x183: {  	_ =	sdelay $0x3  }
0x184: {  	vm0 =	veq.s32 v2, $0x0  }
0x185: {  	v4 =	vsel vm0, $0x0, v5  }
0x186: {  	v1 =	vadd.f32 v4, v1;
	_ =	sdelay $0x1  }
0x187: {  	v1 =	vmax.f32 v1, $1.000000000e+00  }
0x188: {  	(erf) = vrcp.f32 v1;
	_ =	sdelay $0x8  }
0x189: {  	[tilespmem:v3+s18+$0x0] =	vst.idx.msk $0xffff, v2;
	v1 =	vpop (erf)  }
0x18a: {  	s23 =	simm.s32 $0x44C0;
	s0 =	simm.s32 $0xCA0;
	[tilespmem:$0x7E50] =	vst v1  }
0x18b: {  	s21 =	simm.s32 $0x44C1;
	v3 =	vadd.s32 s23, v0;
	v1 =	vimm.f32 $0.0e+00;
	v2 =	vld [tilespmem:s0+$0x0]  }
.LBB2_46:
0x18c: {  	_ = 	snop  }
0x18d: {  	p0 =	sne.s32 s21, $0x44F1  }
.Ltmp22:
0x18e: {  	_ = 	snop;
	(pc) =	sbr.rel @p0 .LBB2_46-.Ltmp22, $4  }
0x18f: {  	_ = 	snop  }
0x190: {  	vm0 =	veq.s32 v2, $0x0  }
0x191: {  	s23 =	smov.u32 s21;
	s0 =	sadd.s32 $0x40, s0;
	[tilespmem:v3+s18+$0x0] =	vst.idx.msk $0xffff, v2;
	v4 =	vsel vm0, $0x0, v5  }
0x192: {  	s21 =	sadd.s32 $0x1, s21;
	v3 =	vadd.s32 s23, v0;
	v2 =	vld [tilespmem:s0+$0x0];
	v1 =	vadd.f32 v4, v1  }
0x193: {  	_ =	sdelay $0x3  }
0x194: {  	vm0 =	veq.s32 v2, $0x0  }
0x195: {  	v4 =	vsel vm0, $0x0, v5  }
0x196: {  	v1 =	vadd.f32 v4, v1;
	_ =	sdelay $0x1  }
0x197: {  	v1 =	vmax.f32 v1, $1.000000000e+00  }
0x198: {  	(erf) = vrcp.f32 v1;
	_ =	sdelay $0x8  }
0x199: {  	[tilespmem:v3+s18+$0x0] =	vst.idx.msk $0xffff, v2;
	v1 =	vpop (erf)  }
0x19a: {  	s23 =	simm.s32 $0x47E0;
	s0 =	simm.s32 $0xCB0;
	[tilespmem:$0x7E60] =	vst v1  }
0x19b: {  	s21 =	simm.s32 $0x47E1;
	v3 =	vadd.s32 s23, v0;
	v1 =	vimm.f32 $0.0e+00;
	v2 =	vld [tilespmem:s0+$0x0]  }
.LBB2_48:
0x19c: {  	_ = 	snop  }
0x19d: {  	p0 =	sne.s32 s21, $0x4811  }
.Ltmp23:
0x19e: {  	_ = 	snop;
	(pc) =	sbr.rel @p0 .LBB2_48-.Ltmp23, $4  }
0x19f: {  	_ = 	snop  }
0x1a0: {  	vm0 =	veq.s32 v2, $0x0  }
0x1a1: {  	s23 =	smov.u32 s21;
	s0 =	sadd.s32 $0x40, s0;
	[tilespmem:v3+s18+$0x0] =	vst.idx.msk $0xffff, v2;
	v4 =	vsel vm0, $0x0, v5  }
0x1a2: {  	s21 =	sadd.s32 $0x1, s21;
	v3 =	vadd.s32 s23, v0;
	v2 =	vld [tilespmem:s0+$0x0];
	v1 =	vadd.f32 v4, v1  }
0x1a3: {  	_ =	sdelay $0x3  }
0x1a4: {  	vm0 =	veq.s32 v2, $0x0  }
0x1a5: {  	v4 =	vsel vm0, $0x0, v5  }
0x1a6: {  	v1 =	vadd.f32 v4, v1;
	_ =	sdelay $0x1  }
0x1a7: {  	v1 =	vmax.f32 v1, $1.000000000e+00  }
0x1a8: {  	(erf) = vrcp.f32 v1;
	_ =	sdelay $0x8  }
0x1a9: {  	[tilespmem:v3+s18+$0x0] =	vst.idx.msk $0xffff, v2;
	v1 =	vpop (erf)  }
0x1aa: {  	[tilespmem:$0x7E70] =	vst v1  }
0x1ab: {  	[tilespmem:s16], [sflag:$0x2] =	stream.strided.gather [hbm4b:s11+s14], $0xC80, s15, s14, $0x38;
	[tilespmem:$0x1C700] =	vst v63  }
0x1ac: {  	_ =	swait.ge [sflag:s17], $0xC80  }
0x1ad: {  	[sflag:s17] =	ssyncset.done $0x0  }
0x1ae: {  	s23 =	simm.s32 $0x4B00;
	s0 =	simm.s32 $0x0;
	[sflag:s17] =	ssyncadd.s32 $0xFFFFF380  }
0x1af: {  	s21 =	simm.s32 $0x4B01;
	v3 =	vadd.s32 s23, v0;
	v1 =	vimm.f32 $0.0e+00;
	v2 =	vld [tilespmem:s0+$0x0]  }
.LBB2_50:
0x1b0: {  	_ = 	snop  }
0x1b1: {  	p0 =	sne.s32 s21, $0x4B31  }
.Ltmp24:
0x1b2: {  	_ = 	snop;
	(pc) =	sbr.rel @p0 .LBB2_50-.Ltmp24, $4  }
0x1b3: {  	_ = 	snop  }
0x1b4: {  	vm0 =	veq.s32 v2, $0x0  }
0x1b5: {  	s23 =	smov.u32 s21;
	s0 =	sadd.s32 $0x40, s0;
	[tilespmem:v3+s18+$0x0] =	vst.idx.msk $0xffff, v2;
	v4 =	vsel vm0, $0x0, v5  }
0x1b6: {  	s21 =	sadd.s32 $0x1, s21;
	v3 =	vadd.s32 s23, v0;
	v2 =	vld [tilespmem:s0+$0x0];
	v1 =	vadd.f32 v4, v1  }
0x1b7: {  	_ =	sdelay $0x3  }
0x1b8: {  	vm0 =	veq.s32 v2, $0x0  }
0x1b9: {  	v4 =	vsel vm0, $0x0, v5  }
0x1ba: {  	v1 =	vadd.f32 v4, v1;
	_ =	sdelay $0x1  }
0x1bb: {  	v1 =	vmax.f32 v1, $1.000000000e+00  }
0x1bc: {  	(erf) = vrcp.f32 v1;
	_ =	sdelay $0x8  }
0x1bd: {  	[tilespmem:v3+s18+$0x0] =	vst.idx.msk $0xffff, v2;
	v1 =	vpop (erf)  }
0x1be: {  	s23 =	simm.s32 $0x4E20;
	s0 =	simm.s32 $0x10;
	[tilespmem:$0x7E80] =	vst v1  }
0x1bf: {  	s21 =	simm.s32 $0x4E21;
	v3 =	vadd.s32 s23, v0;
	v1 =	vimm.f32 $0.0e+00;
	v2 =	vld [tilespmem:s0+$0x0]  }
.LBB2_52:
0x1c0: {  	_ = 	snop  }
0x1c1: {  	p0 =	sne.s32 s21, $0x4E51  }
.Ltmp25:
0x1c2: {  	_ = 	snop;
	(pc) =	sbr.rel @p0 .LBB2_52-.Ltmp25, $4  }
0x1c3: {  	_ = 	snop  }
0x1c4: {  	vm0 =	veq.s32 v2, $0x0  }
0x1c5: {  	s23 =	smov.u32 s21;
	s0 =	sadd.s32 $0x40, s0;
	[tilespmem:v3+s18+$0x0] =	vst.idx.msk $0xffff, v2;
	v4 =	vsel vm0, $0x0, v5  }
0x1c6: {  	s21 =	sadd.s32 $0x1, s21;
	v3 =	vadd.s32 s23, v0;
	v2 =	vld [tilespmem:s0+$0x0];
	v1 =	vadd.f32 v4, v1  }
0x1c7: {  	_ =	sdelay $0x3  }
0x1c8: {  	vm0 =	veq.s32 v2, $0x0  }
0x1c9: {  	v4 =	vsel vm0, $0x0, v5  }
0x1ca: {  	v1 =	vadd.f32 v4, v1;
	_ =	sdelay $0x1  }
0x1cb: {  	v1 =	vmax.f32 v1, $1.000000000e+00  }
0x1cc: {  	(erf) = vrcp.f32 v1;
	_ =	sdelay $0x8  }
0x1cd: {  	[tilespmem:v3+s18+$0x0] =	vst.idx.msk $0xffff, v2;
	v1 =	vpop (erf)  }
0x1ce: {  	s23 =	simm.s32 $0x5140;
	s0 =	simm.s32 $0x20;
	[tilespmem:$0x7E90] =	vst v1  }
0x1cf: {  	s21 =	simm.s32 $0x5141;
	v3 =	vadd.s32 s23, v0;
	v1 =	vimm.f32 $0.0e+00;
	v2 =	vld [tilespmem:s0+$0x0]  }
.LBB2_54:
0x1d0: {  	_ = 	snop  }
0x1d1: {  	p0 =	sne.s32 s21, $0x5171  }
.Ltmp26:
0x1d2: {  	_ = 	snop;
	(pc) =	sbr.rel @p0 .LBB2_54-.Ltmp26, $4  }
0x1d3: {  	_ = 	snop  }
0x1d4: {  	vm0 =	veq.s32 v2, $0x0  }
0x1d5: {  	s23 =	smov.u32 s21;
	s0 =	sadd.s32 $0x40, s0;
	[tilespmem:v3+s18+$0x0] =	vst.idx.msk $0xffff, v2;
	v4 =	vsel vm0, $0x0, v5  }
0x1d6: {  	s21 =	sadd.s32 $0x1, s21;
	v3 =	vadd.s32 s23, v0;
	v2 =	vld [tilespmem:s0+$0x0];
	v1 =	vadd.f32 v4, v1  }
0x1d7: {  	_ =	sdelay $0x3  }
0x1d8: {  	vm0 =	veq.s32 v2, $0x0  }
0x1d9: {  	v4 =	vsel vm0, $0x0, v5  }
0x1da: {  	v1 =	vadd.f32 v4, v1;
	_ =	sdelay $0x1  }
0x1db: {  	v1 =	vmax.f32 v1, $1.000000000e+00  }
0x1dc: {  	(erf) = vrcp.f32 v1;
	_ =	sdelay $0x8  }
0x1dd: {  	[tilespmem:v3+s18+$0x0] =	vst.idx.msk $0xffff, v2;
	v1 =	vpop (erf)  }
0x1de: {  	s23 =	simm.s32 $0x5460;
	s0 =	simm.s32 $0x30;
	[tilespmem:$0x7EA0] =	vst v1  }
0x1df: {  	s21 =	simm.s32 $0x5461;
	v3 =	vadd.s32 s23, v0;
	v1 =	vimm.f32 $0.0e+00;
	v2 =	vld [tilespmem:s0+$0x0]  }
.LBB2_56:
0x1e0: {  	_ = 	snop  }
0x1e1: {  	p0 =	sne.s32 s21, $0x5491  }
.Ltmp27:
0x1e2: {  	_ = 	snop;
	(pc) =	sbr.rel @p0 .LBB2_56-.Ltmp27, $4  }
0x1e3: {  	_ = 	snop  }
0x1e4: {  	vm0 =	veq.s32 v2, $0x0  }
0x1e5: {  	s23 =	smov.u32 s21;
	s0 =	sadd.s32 $0x40, s0;
	[tilespmem:v3+s18+$0x0] =	vst.idx.msk $0xffff, v2;
	v4 =	vsel vm0, $0x0, v5  }
0x1e6: {  	s21 =	sadd.s32 $0x1, s21;
	v3 =	vadd.s32 s23, v0;
	v2 =	vld [tilespmem:s0+$0x0];
	v1 =	vadd.f32 v4, v1  }
0x1e7: {  	_ =	sdelay $0x3  }
0x1e8: {  	vm0 =	veq.s32 v2, $0x0  }
0x1e9: {  	v4 =	vsel vm0, $0x0, v5  }
0x1ea: {  	v1 =	vadd.f32 v4, v1;
	_ =	sdelay $0x1  }
0x1eb: {  	v1 =	vmax.f32 v1, $1.000000000e+00  }
0x1ec: {  	(erf) = vrcp.f32 v1;
	_ =	sdelay $0x8  }
0x1ed: {  	[tilespmem:v3+s18+$0x0] =	vst.idx.msk $0xffff, v2;
	v1 =	vpop (erf)  }
0x1ee: {  	[tilespmem:$0x7EB0] =	vst v1  }
0x1ef: {  	_ =	swait.ge [sflag:s19], $0xC80  }
0x1f0: {  	[sflag:s19] =	ssyncset.done $0x0  }
0x1f1: {  	s23 =	simm.s32 $0x5780;
	s0 =	simm.s32 $0xC80;
	[sflag:s19] =	ssyncadd.s32 $0xFFFFF380  }
0x1f2: {  	s21 =	simm.s32 $0x5781;
	v3 =	vadd.s32 s23, v0;
	v1 =	vimm.f32 $0.0e+00;
	v2 =	vld [tilespmem:s0+$0x0]  }
.LBB2_58:
0x1f3: {  	_ = 	snop  }
0x1f4: {  	p0 =	sne.s32 s21, $0x57B1  }
.Ltmp28:
0x1f5: {  	_ = 	snop;
	(pc) =	sbr.rel @p0 .LBB2_58-.Ltmp28, $4  }
0x1f6: {  	_ = 	snop  }
0x1f7: {  	vm0 =	veq.s32 v2, $0x0  }
0x1f8: {  	s23 =	smov.u32 s21;
	s0 =	sadd.s32 $0x40, s0;
	[tilespmem:v3+s18+$0x0] =	vst.idx.msk $0xffff, v2;
	v4 =	vsel vm0, $0x0, v5  }
0x1f9: {  	s21 =	sadd.s32 $0x1, s21;
	v3 =	vadd.s32 s23, v0;
	v2 =	vld [tilespmem:s0+$0x0];
	v1 =	vadd.f32 v4, v1  }
0x1fa: {  	_ =	sdelay $0x3  }
0x1fb: {  	vm0 =	veq.s32 v2, $0x0  }
0x1fc: {  	v4 =	vsel vm0, $0x0, v5  }
0x1fd: {  	v1 =	vadd.f32 v4, v1;
	_ =	sdelay $0x1  }
0x1fe: {  	v1 =	vmax.f32 v1, $1.000000000e+00  }
0x1ff: {  	(erf) = vrcp.f32 v1;
	_ =	sdelay $0x8  }
0x200: {  	[tilespmem:v3+s18+$0x0] =	vst.idx.msk $0xffff, v2;
	v1 =	vpop (erf)  }
0x201: {  	s23 =	simm.s32 $0x5AA0;
	s0 =	simm.s32 $0xC90;
	[tilespmem:$0x7EC0] =	vst v1  }
0x202: {  	s21 =	simm.s32 $0x5AA1;
	v3 =	vadd.s32 s23, v0;
	v1 =	vimm.f32 $0.0e+00;
	v2 =	vld [tilespmem:s0+$0x0]  }
.LBB2_60:
0x203: {  	_ = 	snop  }
0x204: {  	p0 =	sne.s32 s21, $0x5AD1  }
.Ltmp29:
0x205: {  	_ = 	snop;
	(pc) =	sbr.rel @p0 .LBB2_60-.Ltmp29, $4  }
0x206: {  	_ = 	snop  }
0x207: {  	vm0 =	veq.s32 v2, $0x0  }
0x208: {  	s23 =	smov.u32 s21;
	s0 =	sadd.s32 $0x40, s0;
	[tilespmem:v3+s18+$0x0] =	vst.idx.msk $0xffff, v2;
	v4 =	vsel vm0, $0x0, v5  }
0x209: {  	s21 =	sadd.s32 $0x1, s21;
	v3 =	vadd.s32 s23, v0;
	v2 =	vld [tilespmem:s0+$0x0];
	v1 =	vadd.f32 v4, v1  }
0x20a: {  	_ =	sdelay $0x3  }
0x20b: {  	vm0 =	veq.s32 v2, $0x0  }
0x20c: {  	v4 =	vsel vm0, $0x0, v5  }
0x20d: {  	v1 =	vadd.f32 v4, v1;
	_ =	sdelay $0x1  }
0x20e: {  	v1 =	vmax.f32 v1, $1.000000000e+00  }
0x20f: {  	(erf) = vrcp.f32 v1;
	_ =	sdelay $0x8  }
0x210: {  	[tilespmem:v3+s18+$0x0] =	vst.idx.msk $0xffff, v2;
	v1 =	vpop (erf)  }
0x211: {  	s23 =	simm.s32 $0x5DC0;
	s0 =	simm.s32 $0xCA0;
	[tilespmem:$0x7ED0] =	vst v1  }
0x212: {  	s21 =	simm.s32 $0x5DC1;
	v3 =	vadd.s32 s23, v0;
	v1 =	vimm.f32 $0.0e+00;
	v2 =	vld [tilespmem:s0+$0x0]  }
.LBB2_62:
0x213: {  	_ = 	snop  }
0x214: {  	p0 =	sne.s32 s21, $0x5DF1  }
.Ltmp30:
0x215: {  	_ = 	snop;
	(pc) =	sbr.rel @p0 .LBB2_62-.Ltmp30, $4  }
0x216: {  	_ = 	snop  }
0x217: {  	vm0 =	veq.s32 v2, $0x0  }
0x218: {  	s23 =	smov.u32 s21;
	s0 =	sadd.s32 $0x40, s0;
	[tilespmem:v3+s18+$0x0] =	vst.idx.msk $0xffff, v2;
	v4 =	vsel vm0, $0x0, v5  }
0x219: {  	s21 =	sadd.s32 $0x1, s21;
	v3 =	vadd.s32 s23, v0;
	v2 =	vld [tilespmem:s0+$0x0];
	v1 =	vadd.f32 v4, v1  }
0x21a: {  	_ =	sdelay $0x3  }
0x21b: {  	vm0 =	veq.s32 v2, $0x0  }
0x21c: {  	v4 =	vsel vm0, $0x0, v5  }
0x21d: {  	v1 =	vadd.f32 v4, v1;
	_ =	sdelay $0x1  }
0x21e: {  	v1 =	vmax.f32 v1, $1.000000000e+00  }
0x21f: {  	(erf) = vrcp.f32 v1;
	_ =	sdelay $0x8  }
0x220: {  	[tilespmem:v3+s18+$0x0] =	vst.idx.msk $0xffff, v2;
	v1 =	vpop (erf)  }
0x221: {  	s23 =	simm.s32 $0x60E0;
	s0 =	simm.s32 $0xCB0;
	[tilespmem:$0x7EE0] =	vst v1  }
0x222: {  	s21 =	simm.s32 $0x60E1;
	v3 =	vadd.s32 s23, v0;
	v1 =	vimm.f32 $0.0e+00;
	v2 =	vld [tilespmem:s0+$0x0]  }
.LBB2_64:
0x223: {  	_ = 	snop  }
0x224: {  	p0 =	sne.s32 s21, $0x6111  }
.Ltmp31:
0x225: {  	_ = 	snop;
	(pc) =	sbr.rel @p0 .LBB2_64-.Ltmp31, $4  }
0x226: {  	_ = 	snop  }
0x227: {  	vm0 =	veq.s32 v2, $0x0  }
0x228: {  	s23 =	smov.u32 s21;
	s0 =	sadd.s32 $0x40, s0;
	[tilespmem:v3+s18+$0x0] =	vst.idx.msk $0xffff, v2;
	v4 =	vsel vm0, $0x0, v5  }
0x229: {  	s21 =	sadd.s32 $0x1, s21;
	v3 =	vadd.s32 s23, v0;
	v2 =	vld [tilespmem:s0+$0x0];
	v1 =	vadd.f32 v4, v1  }
0x22a: {  	_ =	sdelay $0x3  }
0x22b: {  	vm0 =	veq.s32 v2, $0x0  }
0x22c: {  	v4 =	vsel vm0, $0x0, v5  }
0x22d: {  	v1 =	vadd.f32 v4, v1;
	_ =	sdelay $0x1  }
0x22e: {  	v1 =	vmax.f32 v1, $1.000000000e+00  }
0x22f: {  	(erf) = vrcp.f32 v1;
	_ =	sdelay $0x8  }
0x230: {  	[tilespmem:v3+s18+$0x0] =	vst.idx.msk $0xffff, v2;
	v1 =	vpop (erf)  }
0x231: {  	s0 =	simm.s32 $0x7F00;
	[tilespmem:$0x7EF0] =	vst v1  }
0x232: {  	[tilespmem:s0], [sflag:$0x3] =	stream.indirect.gather [hbm4b:s3+s20], $0x40, s18, s20, $0xb8;
	[tilespmem:$0x1C700] =	vst v63  }
0x233: {  	s30 =	simm.s32 $0x1968;
	s4 =	simm.s32 $0x9900  }
0x234: {  	[tilespmem:s4], [sflag:$0x3] =	stream.indirect.gather [hbm4b:s3+s22], $0x40, s30, s22, $0xb8;
	[tilespmem:$0x1C700] =	vst v63  }
0x235: {  	s21 =	simm.s32 $0xB100;
	s4 =	simm.s32 $0x19C8  }
0x236: {  	[tilespmem:s21], [sflag:$0x3] =	stream.indirect.gather [hbm4b:s3+s20], $0x40, s4, s20, $0xb8;
	[tilespmem:$0x1C700] =	vst v63  }
0x237: {  	s23 =	simm.s32 $0x1A30;
	s24 =	simm.s32 $0xCB00  }
0x238: {  	[tilespmem:s24], [sflag:$0x3] =	stream.indirect.gather [hbm4b:s3+s22], $0x40, s23, s22, $0xb8;
	[tilespmem:$0x1C700] =	vst v63  }
0x239: {  	s25 =	simm.s32 $0x1A90;
	s30 =	simm.s32 $0xE300  }
0x23a: {  	[tilespmem:s30], [sflag:$0x4] =	stream.indirect.gather [hbm4b:s3+s20], $0x40, s25, s20, $0xb8;
	[tilespmem:$0x1C700] =	vst v63  }
0x23b: {  	s4 =	simm.s32 $0x1AF8;
	s21 =	simm.s32 $0xFD00  }
0x23c: {  	[tilespmem:s21], [sflag:$0x4] =	stream.indirect.gather [hbm4b:s3+s22], $0x40, s4, s22, $0xb8;
	[tilespmem:$0x1C700] =	vst v63  }
0x23d: {  	s23 =	simm.s32 $0x1B58;
	s24 =	simm.s32 $0x11500  }
0x23e: {  	[tilespmem:s24], [sflag:$0x4] =	stream.indirect.gather [hbm4b:s3+s20], $0x40, s23, s20, $0xb8;
	[tilespmem:$0x1C700] =	vst v63  }
0x23f: {  	s25 =	simm.s32 $0x1BC0;
	s30 =	simm.s32 $0x12F00;
	s21 =	simm.s32 $0x0  }
0x240: {  	[tilespmem:s30], [sflag:$0x4] =	stream.indirect.gather [hbm4b:s3+s22], $0x40, s25, s22, $0xb8;
	[tilespmem:$0x1C700] =	vst v63  }
.LBB2_66:
0x241: {  	_ =	swait.ge [sflag:s26], $0x1A00  }
0x242: {  	[sflag:s26] =	ssyncset.done $0x0  }
0x243: {  	[sflag:s26] =	ssyncadd.s32 $0xFFFFE600  }
0x244: {  	_ =	swait.ge [sflag:s26], $0x1800  }
0x245: {  	[sflag:s26] =	ssyncset.done $0x0  }
0x246: {  	[sflag:s26] =	ssyncadd.s32 $0xFFFFE800  }
0x247: {  	_ =	swait.ge [sflag:s26], $0x1A00  }
0x248: {  	[sflag:s26] =	ssyncset.done $0x0  }
0x249: {  	[sflag:s26] =	ssyncadd.s32 $0xFFFFE600  }
0x24a: {  	_ =	swait.ge [sflag:s26], $0x1800  }
0x24b: {  	[sflag:s26] =	ssyncset.done $0x0  }
0x24c: {  	s23 =	sshll.u32 s21, $0x4;
	s0 =	simm.s32 $0x0;
	[sflag:s26] =	ssyncadd.s32 $0xFFFFE800  }
.LBB2_67:
0x24d: {  	s24 =	smul.u32 $0x3200, s0;
	_ =	sdelay $0x1  }
0x24e: {  	s24 =	sshra.s32 s24, $0x2  }
0x24f: {  	v59 =	vld [tilespmem:s24+$0x82E0];
	_ =	sdelay $0x4  }
0x250: {  	[tilespmem:$0x1FD40] =	vst v59;
	v59 =	vld [tilespmem:s24+$0x8310];
	_ =	sdelay $0x4  }
0x251: {  	[tilespmem:$0x1FD60] =	vst v59;
	v59 =	vld [tilespmem:s24+$0x8320];
	_ =	sdelay $0x4  }
0x252: {  	[tilespmem:$0x1FD70] =	vst v59;
	v59 =	vld [tilespmem:s24+$0x8330];
	_ =	sdelay $0x4  }
0x253: {  	[tilespmem:$0x1FD90] =	vst v59;
	v59 =	vld [tilespmem:s24+$0x8340];
	_ =	sdelay $0x1  }
0x254: {  	v3 =	vld [tilespmem:s24+$0x7F00]  }
0x255: {  	v4 =	vld [tilespmem:s24+$0x7F10]  }
0x256: {  	v14 =	vld [tilespmem:s24+$0x7F20]  }
0x257: {  	[tilespmem:$0x1FD80] =	vst v59;
	v59 =	vld [tilespmem:s24+$0x8350]  }
0x258: {  	v15 =	vld [tilespmem:s24+$0x7F30]  }
0x259: {  	v18 =	vld [tilespmem:s24+$0x7F40]  }
0x25a: {  	v19 =	vld [tilespmem:s24+$0x7F50]  }
0x25b: {  	v30 =	vld [tilespmem:s24+$0x7F60]  }
0x25c: {  	[tilespmem:$0x1FDA0] =	vst v59;
	v59 =	vld [tilespmem:s24+$0x8360]  }
0x25d: {  	v31 =	vld [tilespmem:s24+$0x7F70]  }
0x25e: {  	v34 =	vld [tilespmem:s24+$0x7F80]  }
0x25f: {  	v35 =	vld [tilespmem:s24+$0x7F90]  }
0x260: {  	v46 =	vld [tilespmem:s24+$0x7FA0]  }
0x261: {  	[tilespmem:$0x1FDB0] =	vst v59;
	v59 =	vld [tilespmem:s24+$0x8370]  }
0x262: {  	v47 =	vld [tilespmem:s24+$0x7FB0]  }
0x263: {  	v50 =	vld [tilespmem:s24+$0x7FC0]  }
0x264: {  	v51 =	vld [tilespmem:s24+$0x7FD0]  }
0x265: {  	v62 =	vld [tilespmem:s24+$0x7FE0]  }
0x266: {  	[tilespmem:$0x1FDD0] =	vst v59;
	v59 =	vld [tilespmem:s24+$0x8380]  }
0x267: {  	v63 =	vld [tilespmem:s24+$0x7FF0]  }
0x268: {  	v1 =	vld [tilespmem:s24+$0x8000]  }
0x269: {  	v2 =	vld [tilespmem:s24+$0x8010]  }
0x26a: {  	v6 =	vld [tilespmem:s24+$0x8020]  }
0x26b: {  	[tilespmem:$0x1FDC0] =	vst v59;
	v59 =	vld [tilespmem:s24+$0x8390]  }
0x26c: {  	v10 =	vld [tilespmem:s24+$0x8030]  }
0x26d: {  	v5 =	vld [tilespmem:s24+$0x8040]  }
0x26e: {  	v7 =	vld [tilespmem:s24+$0x8050]  }
0x26f: {  	v9 =	vld [tilespmem:s24+$0x8060]  }
0x270: {  	[tilespmem:$0x1FDE0] =	vst v59;
	v59 =	vld [tilespmem:s24+$0x83A0]  }
0x271: {  	v16 =	vld [tilespmem:s24+$0x8070]  }
0x272: {  	v8 =	vld [tilespmem:s24+$0x8080]  }
0x273: {  	v11 =	vld [tilespmem:s24+$0x8090]  }
0x274: {  	v13 =	vld [tilespmem:s24+$0x80A0]  }
0x275: {  	[tilespmem:$0x1FDF0] =	vst v59;
	v59 =	vld [tilespmem:s24+$0x83B0]  }
0x276: {  	v22 =	vld [tilespmem:s24+$0x80B0]  }
0x277: {  	v12 =	vld [tilespmem:s24+$0x80C0]  }
0x278: {  	v17 =	vld [tilespmem:s24+$0x80D0]  }
0x279: {  	v21 =	vld [tilespmem:s24+$0x80E0]  }
0x27a: {  	[tilespmem:$0x1FE10] =	vst v59;
	v59 =	vld [tilespmem:s24+$0x83C0]  }
0x27b: {  	v26 =	vld [tilespmem:s24+$0x80F0]  }
0x27c: {  	v20 =	vld [tilespmem:s24+$0x8100]  }
0x27d: {  	v23 =	vld [tilespmem:s24+$0x8110]  }
0x27e: {  	v25 =	vld [tilespmem:s24+$0x8120]  }
0x27f: {  	[tilespmem:$0x1FE00] =	vst v59;
	v59 =	vld [tilespmem:s24+$0x83D0]  }
0x280: {  	v32 =	vld [tilespmem:s24+$0x8130]  }
0x281: {  	v24 =	vld [tilespmem:s24+$0x8140]  }
0x282: {  	v27 =	vld [tilespmem:s24+$0x8150]  }
0x283: {  	v29 =	vld [tilespmem:s24+$0x8160]  }
0x284: {  	[tilespmem:$0x1FE20] =	vst v59;
	v59 =	vld [tilespmem:s24+$0x83E0]  }
0x285: {  	v38 =	vld [tilespmem:s24+$0x8170]  }
0x286: {  	v28 =	vld [tilespmem:s24+$0x8180]  }
0x287: {  	v33 =	vld [tilespmem:s24+$0x8190]  }
0x288: {  	v37 =	vld [tilespmem:s24+$0x81A0]  }
0x289: {  	[tilespmem:$0x1FE30] =	vst v59;
	v59 =	vld [tilespmem:s24+$0x83F0]  }
0x28a: {  	v42 =	vld [tilespmem:s24+$0x81B0]  }
0x28b: {  	v36 =	vld [tilespmem:s24+$0x81C0]  }
0x28c: {  	v39 =	vld [tilespmem:s24+$0x81D0]  }
0x28d: {  	v41 =	vld [tilespmem:s24+$0x81E0]  }
0x28e: {  	[tilespmem:$0x1FE50] =	vst v59;
	v59 =	vld [tilespmem:s24+$0x8400]  }
0x28f: {  	v48 =	vld [tilespmem:s24+$0x81F0]  }
0x290: {  	v40 =	vld [tilespmem:s24+$0x8200]  }
0x291: {  	v43 =	vld [tilespmem:s24+$0x8210]  }
0x292: {  	v45 =	vld [tilespmem:s24+$0x8220]  }
0x293: {  	[tilespmem:$0x1FE40] =	vst v59;
	v59 =	vld [tilespmem:s24+$0x8410]  }
0x294: {  	v54 =	vld [tilespmem:s24+$0x8230]  }
0x295: {  	v44 =	vld [tilespmem:s24+$0x8240]  }
0x296: {  	v49 =	vld [tilespmem:s24+$0x8250]  }
0x297: {  	v53 =	vld [tilespmem:s24+$0x8260]  }
0x298: {  	[tilespmem:$0x1FE60] =	vst v59;
	v59 =	vld [tilespmem:s24+$0x8420]  }
0x299: {  	v57 =	vld [tilespmem:s24+$0x8270]  }
0x29a: {  	v52 =	vld [tilespmem:s24+$0x8280]  }
0x29b: {  	v55 =	vld [tilespmem:s24+$0x8290]  }
0x29c: {  	v56 =	vld [tilespmem:s24+$0x82B0]  }
0x29d: {  	[tilespmem:$0x1FE70] =	vst v59;
	v59 =	vld [tilespmem:s24+$0x8430]  }
0x29e: {  	v61 =	vld [tilespmem:s24+$0x82F0]  }
0x29f: {  	v58 =	vld [tilespmem:s24+$0x82A0]  }
0x2a0: {  	v60 =	vld [tilespmem:s24+$0x82D0]  }
0x2a1: {  	[tilespmem:$0x1FD30] =	vst v56;
	v56 =	vld [tilespmem:s24+$0x82C0]  }
0x2a2: {  	[tilespmem:$0x1FE90] =	vst v59;
	v59 =	vld [tilespmem:s24+$0x8440]  }
0x2a3: {  	[tilespmem:$0x1FD50] =	vst v61;
	v61 =	vld [tilespmem:s24+$0x8300]  }
0x2a4: {  	v30 =	vadd.f32 v30, v14;
	v14 =	vld [tilespmem:s24+$0x85C0]  }
0x2a5: {  	v3 =	vadd.f32 v18, v3;
	v18 =	vld [tilespmem:s24+$0x85E0]  }
0x2a6: {  	v4 =	vadd.f32 v19, v4;
	v19 =	vld [tilespmem:s24+$0x85F0]  }
0x2a7: {  	[tilespmem:$0x1FE80] =	vst v59;
	v59 =	vld [tilespmem:s24+$0x8450]  }
0x2a8: {  	v3 =	vadd.f32 v34, v3;
	v34 =	vadd.f32 v31, v15;
	v15 =	vld [tilespmem:s24+$0x85D0]  }
0x2a9: {  	v4 =	vadd.f32 v35, v4;
	v30 =	vadd.f32 v46, v30;
	v35 =	vld [tilespmem:s24+$0x8630]  }
0x2aa: {  	v46 =	vld [tilespmem:s24+$0x8640]  }
0x2ab: {  	v62 =	vadd.f32 v62, v30;
	v30 =	vld [tilespmem:s24+$0x8600]  }
0x2ac: {  	[tilespmem:$0x1FEA0] =	vst v59;
	v59 =	vld [tilespmem:s24+$0x8460]  }
0x2ad: {  	v31 =	vadd.f32 v47, v34;
	v34 =	vld [tilespmem:s24+$0x8620]  }
0x2ae: {  	v47 =	vld [tilespmem:s24+$0x8650]  }
0x2af: {  	v3 =	vadd.f32 v50, v3;
	v50 =	vld [tilespmem:s24+$0x8660]  }
0x2b0: {  	v4 =	vadd.f32 v51, v4;
	v51 =	vld [tilespmem:s24+$0x8670]  }
0x2b1: {  	v1 =	vadd.f32 v1, v3;
	[tilespmem:$0x1FEB0] =	vst v59;
	v59 =	vld [tilespmem:s24+$0x8470]  }
0x2b2: {  	v3 =	vadd.f32 v63, v31;
	v31 =	vld [tilespmem:s24+$0x8610];
	v63 =	vadd.f32 v6, v62  }
0x2b3: {  	v2 =	vadd.f32 v2, v4;
	v62 =	vld [tilespmem:s24+$0x8680]  }
0x2b4: {  	v4 =	vadd.f32 v9, v63;
	v63 =	vld [tilespmem:s24+$0x8690]  }
0x2b5: {  	v2 =	vadd.f32 v7, v2;
	v7 =	vld [tilespmem:s24+$0x86C0]  }
0x2b6: {  	[tilespmem:$0x1FED0] =	vst v59;
	v59 =	vld [tilespmem:s24+$0x8480]  }
0x2b7: {  	v1 =	vadd.f32 v5, v1;
	v9 =	vld [tilespmem:s24+$0x86E0]  }
0x2b8: {  	v3 =	vadd.f32 v10, v3;
	v10 =	vld [tilespmem:s24+$0x86F0]  }
0x2b9: {  	v1 =	vadd.f32 v8, v1;
	v8 =	vld [tilespmem:s24+$0x86D0]  }
0x2ba: {  	v2 =	vadd.f32 v11, v2;
	v11 =	vld [tilespmem:s24+$0x8700]  }
0x2bb: {  	[tilespmem:$0x1FEC0] =	vst v59;
	v59 =	vld [tilespmem:s24+$0x8490]  }
0x2bc: {  	v4 =	vadd.f32 v13, v4;
	v13 =	vld [tilespmem:s24+$0x8720]  }
0x2bd: {  	v3 =	vadd.f32 v16, v3;
	v16 =	vld [tilespmem:s24+$0x8730]  }
0x2be: {  	v1 =	vadd.f32 v12, v1;
	v12 =	vld [tilespmem:s24+$0x8710]  }
0x2bf: {  	v2 =	vadd.f32 v17, v2;
	v17 =	vld [tilespmem:s24+$0x8740]  }
0x2c0: {  	v3 =	vadd.f32 v22, v3;
	[tilespmem:$0x1FEE0] =	vst v59;
	v59 =	vld [tilespmem:s24+$0x84A0]  }
0x2c1: {  	v4 =	vadd.f32 v21, v4;
	v21 =	vld [tilespmem:s24+$0x8760]  }
0x2c2: {  	v22 =	vadd.f32 v26, v3;
	v3 =	vld [tilespmem:s24+$0x86A0]  }
0x2c3: {  	v26 =	vadd.f32 v25, v4;
	v4 =	vld [tilespmem:s24+$0x86B0]  }
0x2c4: {  	v1 =	vadd.f32 v20, v1;
	v20 =	vld [tilespmem:s24+$0x8750]  }
0x2c5: {  	[tilespmem:$0x1FEF0] =	vst v59;
	v59 =	vld [tilespmem:s24+$0x84B0]  }
0x2c6: {  	v2 =	vadd.f32 v23, v2;
	v23 =	vld [tilespmem:s24+$0x8780]  }
0x2c7: {  	v25 =	vld [tilespmem:s24+$0x87A0]  }
0x2c8: {  	v5 =	vadd.f32 v32, v22;
	v2 =	vadd.f32 v27, v2;
	v22 =	vld [tilespmem:s24+$0x8770]  }
0x2c9: {  	v1 =	vadd.f32 v24, v1;
	v6 =	vadd.f32 v29, v26;
	v24 =	vld [tilespmem:s24+$0x8790]  }
0x2ca: {  	v2 =	vadd.f32 v33, v2;
	[tilespmem:$0x1FF10] =	vst v59;
	v59 =	vld [tilespmem:s24+$0x84C0]  }
0x2cb: {  	v26 =	vld [tilespmem:s24+$0x87B0];
	v1 =	vadd.f32 v28, v1;
	v6 =	vadd.f32 v37, v6  }
0x2cc: {  	v27 =	vld [tilespmem:s24+$0x87C0];
	v5 =	vadd.f32 v38, v5;
	v2 =	vadd.f32 v39, v2  }
0x2cd: {  	v29 =	vld [tilespmem:s24+$0x87E0];
	v1 =	vadd.f32 v36, v1;
	v6 =	vadd.f32 v41, v6  }
0x2ce: {  	v28 =	vld [tilespmem:s24+$0x87D0];
	v5 =	vadd.f32 v42, v5;
	v2 =	vadd.f32 v43, v2  }
0x2cf: {  	v1 =	vadd.f32 v40, v1;
	v6 =	vadd.f32 v45, v6;
	[tilespmem:$0x1FF00] =	vst v59;
	v59 =	vld [tilespmem:s24+$0x84D0]  }
0x2d0: {  	v5 =	vadd.f32 v48, v5;
	v2 =	vadd.f32 v49, v2;
	v49 =	vld [tilespmem:$0x1FD30]  }
0x2d1: {  	v1 =	vadd.f32 v44, v1;
	v6 =	vadd.f32 v53, v6;
	v53 =	vld [tilespmem:$0x1FD50]  }
0x2d2: {  	v5 =	vadd.f32 v54, v5;
	v54 =	vld [tilespmem:$0x1FD60]  }
0x2d3: {  	v1 =	vadd.f32 v52, v1;
	v52 =	vld [tilespmem:$0x1FD40]  }
0x2d4: {  	[tilespmem:$0x1FF20] =	vst v59;
	v59 =	vld [tilespmem:s24+$0x84E0]  }
0x2d5: {  	v2 =	vadd.f32 v55, v2;
	v55 =	vld [tilespmem:$0x1FD70]  }
0x2d6: {  	v5 =	vadd.f32 v57, v5;
	v57 =	vld [tilespmem:$0x1FD90]  }
0x2d7: {  	v6 =	vadd.f32 v58, v6;
	v58 =	vld [tilespmem:$0x1FDA0]  }
0x2d8: {  	v1 =	vadd.f32 v56, v1;
	v56 =	vld [tilespmem:$0x1FD80]  }
0x2d9: {  	[tilespmem:$0x1FF30] =	vst v59;
	v59 =	vld [tilespmem:s24+$0x84F0]  }
0x2da: {  	v2 =	vadd.f32 v60, v2;
	v5 =	vadd.f32 v49, v5;
	v60 =	vld [tilespmem:$0x1FDB0]  }
0x2db: {  	v32 =	vld [tilespmem:$0x1FDD0]  }
0x2dc: {  	v5 =	vadd.f32 v53, v5;
	v33 =	vld [tilespmem:$0x1FDE0]  }
0x2dd: {  	v1 =	vadd.f32 v61, v1;
	v2 =	vadd.f32 v54, v2;
	v61 =	vld [tilespmem:$0x1FDC0]  }
0x2de: {  	v6 =	vadd.f32 v52, v6;
	v5 =	vadd.f32 v57, v5;
	[tilespmem:$0x1FF50] =	vst v59;
	v59 =	vld [tilespmem:s24+$0x8500]  }
0x2df: {  	v2 =	vadd.f32 v58, v2;
	v36 =	vld [tilespmem:$0x1FDF0]  }
0x2e0: {  	v6 =	vadd.f32 v55, v6;
	v5 =	vadd.f32 v32, v5;
	v32 =	vld [tilespmem:s24+$0x87F0]  }
0x2e1: {  	v2 =	vadd.f32 v33, v2;
	v33 =	vld [tilespmem:s24+$0x8800]  }
0x2e2: {  	v6 =	vadd.f32 v60, v6;
	v38 =	vld [tilespmem:$0x1FE10]  }
0x2e3: {  	[tilespmem:$0x1FF40] =	vst v59;
	v59 =	vld [tilespmem:s24+$0x8510]  }
0x2e4: {  	v6 =	vadd.f32 v36, v6;
	v36 =	vld [tilespmem:s24+$0x8810]  }
0x2e5: {  	v37 =	vld [tilespmem:$0x1FE00]  }
0x2e6: {  	v1 =	vadd.f32 v56, v1;
	v39 =	vld [tilespmem:$0x1FE20]  }
0x2e7: {  	v5 =	vadd.f32 v38, v5;
	v38 =	vld [tilespmem:s24+$0x8830]  }
0x2e8: {  	v1 =	vadd.f32 v61, v1;
	[tilespmem:$0x1FF60] =	vst v59;
	v59 =	vld [tilespmem:s24+$0x8520]  }
0x2e9: {  	v40 =	vld [tilespmem:$0x1FE30]  }
0x2ea: {  	v1 =	vadd.f32 v37, v1;
	v37 =	vld [tilespmem:s24+$0x8820]  }
0x2eb: {  	v2 =	vadd.f32 v39, v2;
	v39 =	vld [tilespmem:s24+$0x8840]  }
0x2ec: {  	v42 =	vld [tilespmem:$0x1FE50]  }
0x2ed: {  	[tilespmem:$0x1FF70] =	vst v59;
	v59 =	vld [tilespmem:s24+$0x8530]  }
0x2ee: {  	v6 =	vadd.f32 v40, v6;
	v40 =	vld [tilespmem:s24+$0x8850]  }
0x2ef: {  	v41 =	vld [tilespmem:$0x1FE40]  }
0x2f0: {  	v43 =	vld [tilespmem:$0x1FE60]  }
0x2f1: {  	v5 =	vadd.f32 v42, v5;
	v42 =	vld [tilespmem:s24+$0x8870]  }
0x2f2: {  	[tilespmem:$0x1FF90] =	vst v59;
	v59 =	vld [tilespmem:s24+$0x8540]  }
0x2f3: {  	v44 =	vld [tilespmem:$0x1FE70]  }
0x2f4: {  	v1 =	vadd.f32 v41, v1;
	v41 =	vld [tilespmem:s24+$0x8860]  }
0x2f5: {  	v2 =	vadd.f32 v43, v2;
	v43 =	vld [tilespmem:s24+$0x8880]  }
0x2f6: {  	v48 =	vld [tilespmem:$0x1FE90]  }
0x2f7: {  	[tilespmem:$0x1FF80] =	vst v59;
	v59 =	vld [tilespmem:s24+$0x8550]  }
0x2f8: {  	v6 =	vadd.f32 v44, v6;
	v44 =	vld [tilespmem:s24+$0x8890]  }
0x2f9: {  	v45 =	vld [tilespmem:$0x1FE80]  }
0x2fa: {  	v49 =	vld [tilespmem:$0x1FEA0]  }
0x2fb: {  	v52 =	vld [tilespmem:$0x1FEB0]  }
0x2fc: {  	[tilespmem:$0x1FFA0] =	vst v59;
	v59 =	vld [tilespmem:s24+$0x8560]  }
0x2fd: {  	v54 =	vld [tilespmem:$0x1FED0]  }
0x2fe: {  	v53 =	vld [tilespmem:$0x1FEC0]  }
0x2ff: {  	v55 =	vld [tilespmem:$0x1FEE0]  }
0x300: {  	v56 =	vld [tilespmem:$0x1FEF0]  }
0x301: {  	[tilespmem:$0x1FFB0] =	vst v59;
	v59 =	vld [tilespmem:s24+$0x8570]  }
0x302: {  	v58 =	vld [tilespmem:$0x1FF10]  }
0x303: {  	v5 =	vadd.f32 v48, v5;
	v57 =	vld [tilespmem:$0x1FF00]  }
0x304: {  	v48 =	vld [tilespmem:$0x1FF50]  }
0x305: {  	v5 =	vadd.f32 v54, v5;
	v60 =	vld [tilespmem:$0x1FF20]  }
0x306: {  	[tilespmem:$0x1FFD0] =	vst v59;
	v59 =	vld [tilespmem:s24+$0x8580]  }
0x307: {  	v5 =	vadd.f32 v58, v5;
	v61 =	vld [tilespmem:$0x1FF30]  }
0x308: {  	v1 =	vadd.f32 v45, v1;
	v45 =	vld [tilespmem:$0x1FF40]  }
0x309: {  	v5 =	vadd.f32 v48, v5;
	v48 =	vld [tilespmem:s24+$0x88B0]  }
0x30a: {  	v2 =	vadd.f32 v49, v2;
	v49 =	vld [tilespmem:$0x1FF60]  }
0x30b: {  	[tilespmem:$0x1FFC0] =	vst v59;
	v59 =	vld [tilespmem:s24+$0x8590]  }
0x30c: {  	v6 =	vadd.f32 v52, v6;
	v52 =	vld [tilespmem:$0x1FF70]  }
0x30d: {  	v54 =	vld [tilespmem:$0x1FF90]  }
0x30e: {  	v1 =	vadd.f32 v53, v1;
	v53 =	vld [tilespmem:$0x1FF80]  }
0x30f: {  	v2 =	vadd.f32 v55, v2;
	v55 =	vld [tilespmem:$0x1FFA0]  }
0x310: {  	[tilespmem:$0x1FFE0] =	vst v59;
	v59 =	vld [tilespmem:s24+$0x85A0]  }
0x311: {  	v6 =	vadd.f32 v56, v6;
	v56 =	vld [tilespmem:$0x1FFB0]  }
0x312: {  	v2 =	vadd.f32 v60, v2;
	v58 =	vld [tilespmem:$0x1FFD0]  }
0x313: {  	v1 =	vadd.f32 v57, v1;
	v60 =	vld [tilespmem:$0x1FFE0]  }
0x314: {  	v2 =	vadd.f32 v49, v2;
	v57 =	vld [tilespmem:$0x1FFC0]  }
0x315: {  	v6 =	vadd.f32 v61, v6;
	v1 =	vadd.f32 v45, v1;
	[tilespmem:$0x1FFF0] =	vst v59;
	v59 =	vld [tilespmem:s24+$0x85B0]  }
0x316: {  	v5 =	vadd.f32 v54, v5;
	v2 =	vadd.f32 v55, v2;
	v61 =	vld [tilespmem:$0x1FFF0]  }
0x317: {  	v45 =	vld [tilespmem:s24+$0x88A0];
	v6 =	vadd.f32 v52, v6;
	v1 =	vadd.f32 v53, v1  }
0x318: {  	v49 =	vld [tilespmem:s24+$0x88C0];
	v5 =	vadd.f32 v58, v5;
	v2 =	vadd.f32 v60, v2  }
0x319: {  	v52 =	vld [tilespmem:s24+$0x88D0];
	v6 =	vadd.f32 v56, v6;
	v1 =	vadd.f32 v57, v1  }
0x31a: {  	v54 =	vld [tilespmem:s24+$0x8950];
	v2 =	vadd.f32 v15, v2;
	v5 =	vadd.f32 v59, v5  }
0x31b: {  	v53 =	vld [tilespmem:s24+$0x8940];
	v1 =	vadd.f32 v14, v1;
	v6 =	vadd.f32 v61, v6  }
0x31c: {  	v55 =	vld [tilespmem:s24+$0x8960];
	v2 =	vadd.f32 v31, v2;
	v5 =	vadd.f32 v19, v5  }
0x31d: {  	v56 =	vld [tilespmem:s24+$0x8970];
	v1 =	vadd.f32 v30, v1;
	v6 =	vadd.f32 v18, v6  }
0x31e: {  	v58 =	vld [tilespmem:s24+$0x8990];
	v2 =	vadd.f32 v47, v2;
	v5 =	vadd.f32 v35, v5  }
0x31f: {  	v57 =	vld [tilespmem:s24+$0x8980];
	v1 =	vadd.f32 v46, v1;
	v6 =	vadd.f32 v34, v6  }
0x320: {  	v14 =	vld [tilespmem:s24+$0x88E0];
	v2 =	vadd.f32 v63, v2;
	v5 =	vadd.f32 v51, v5  }
0x321: {  	v30 =	vld [tilespmem:s24+$0x8920];
	v1 =	vadd.f32 v62, v1;
	v6 =	vadd.f32 v50, v6  }
0x322: {  	v60 =	vld [tilespmem:s24+$0x89B0];
	v2 =	vadd.f32 v8, v2;
	v4 =	vadd.f32 v4, v5  }
0x323: {  	v46 =	vld [tilespmem:s24+$0x8A80];
	v1 =	vadd.f32 v7, v1;
	v3 =	vadd.f32 v3, v6  }
0x324: {  	v15 =	vld [tilespmem:s24+$0x88F0];
	v2 =	vadd.f32 v12, v2;
	v4 =	vadd.f32 v10, v4  }
0x325: {  	v62 =	vld [tilespmem:s24+$0x89D0];
	v1 =	vadd.f32 v11, v1;
	v3 =	vadd.f32 v9, v3  }
0x326: {  	v31 =	vld [tilespmem:s24+$0x8930];
	v2 =	vadd.f32 v20, v2;
	v4 =	vadd.f32 v16, v4  }
0x327: {  	v59 =	vld [tilespmem:s24+$0x89A0];
	v1 =	vadd.f32 v17, v1;
	v3 =	vadd.f32 v13, v3  }
0x328: {  	v61 =	vld [tilespmem:s24+$0x89C0];
	v2 =	vadd.f32 v24, v2;
	v4 =	vadd.f32 v22, v4  }
0x329: {  	v19 =	vld [tilespmem:s24+$0x8910];
	v1 =	vadd.f32 v23, v1;
	v3 =	vadd.f32 v21, v3  }
0x32a: {  	v47 =	vld [tilespmem:s24+$0x8A90];
	v2 =	vadd.f32 v28, v2;
	v4 =	vadd.f32 v26, v4  }
0x32b: {  	v18 =	vld [tilespmem:s24+$0x8900];
	v1 =	vadd.f32 v27, v1;
	v3 =	vadd.f32 v25, v3  }
0x32c: {  	v63 =	vld [tilespmem:s24+$0x89E0];
	v2 =	vadd.f32 v36, v2;
	v4 =	vadd.f32 v32, v4  }
0x32d: {  	v51 =	vld [tilespmem:s24+$0x8AD0];
	v1 =	vadd.f32 v33, v1;
	v3 =	vadd.f32 v29, v3  }
0x32e: {  	v50 =	vld [tilespmem:s24+$0x8AC0];
	v2 =	vadd.f32 v40, v2;
	v4 =	vadd.f32 v38, v4  }
0x32f: {  	v33 =	vld [tilespmem:s24+$0x8A00];
	v1 =	vadd.f32 v39, v1;
	v3 =	vadd.f32 v37, v3  }
0x330: {  	v39 =	vld [tilespmem:s24+$0x8A20];
	v2 =	vadd.f32 v44, v2;
	v4 =	vadd.f32 v42, v4  }
0x331: {  	v28 =	vld [tilespmem:s24+$0x89F0];
	v1 =	vadd.f32 v43, v1;
	v3 =	vadd.f32 v41, v3  }
0x332: {  	v43 =	vld [tilespmem:s24+$0x8A50];
	v2 =	vadd.f32 v52, v2;
	v4 =	vadd.f32 v48, v4  }
0x333: {  	v36 =	vld [tilespmem:s24+$0x8A10];
	v1 =	vadd.f32 v49, v1;
	v3 =	vadd.f32 v45, v3  }
0x334: {  	v49 =	vld [tilespmem:s24+$0x8AB0];
	v2 =	vadd.f32 v19, v2;
	v4 =	vadd.f32 v15, v4  }
0x335: {  	v40 =	vld [tilespmem:s24+$0x8A30];
	v1 =	vadd.f32 v18, v1;
	v3 =	vadd.f32 v14, v3  }
0x336: {  	v44 =	vld [tilespmem:s24+$0x8A60];
	v2 =	vadd.f32 v54, v2;
	v4 =	vadd.f32 v31, v4  }
0x337: {  	v1 =	vadd.f32 v53, v1;
	v53 =	vld [tilespmem:s24+$0x8AF0];
	v3 =	vadd.f32 v30, v3  }
0x338: {  	v52 =	vld [tilespmem:s24+$0x8AE0];
	v2 =	vadd.f32 v58, v2;
	v4 =	vadd.f32 v56, v4  }
0x339: {  	v41 =	vld [tilespmem:s24+$0x8A40];
	v1 =	vadd.f32 v57, v1;
	v3 =	vadd.f32 v55, v3  }
0x33a: {  	s25 =	sadd.s32 s23, s0;
	v48 =	vld [tilespmem:s24+$0x8AA0];
	v2 =	vadd.f32 v62, v2;
	v4 =	vadd.f32 v60, v4  }
0x33b: {  	v57 =	vmov s25;
	v45 =	vld [tilespmem:s24+$0x8A70];
	v1 =	vadd.f32 v61, v1;
	v3 =	vadd.f32 v59, v3  }
0x33c: {  	v54 =	vld [tilespmem:s24+$0x8B00];
	v2 =	vadd.f32 v36, v2;
	v4 =	vadd.f32 v28, v4  }
0x33d: {  	v1 =	vadd.f32 v33, v1;
	v58 =	vld [tilespmem:s24+$0x8B30];
	v3 =	vadd.f32 v63, v3  }
0x33e: {  	v56 =	vld [tilespmem:s24+$0x8B20];
	v2 =	vadd.f32 v43, v2;
	v4 =	vadd.f32 v40, v4  }
0x33f: {  	v1 =	vadd.f32 v41, v1;
	v55 =	vld [tilespmem:s24+$0x8B10];
	v3 =	vadd.f32 v39, v3  }
0x340: {  	v62 =	vld.idx.msk [tilespmem:v57+s28+$0x0], $0xffff;
	v2 =	vadd.f32 v47, v2;
	v4 =	vadd.f32 v45, v4  }
0x341: {  	v1 =	vadd.f32 v46, v1;
	v60 =	vld [tilespmem:s24+$0x8B50];
	v3 =	vadd.f32 v44, v3  }
0x342: {  	v59 =	vld [tilespmem:s24+$0x8B40];
	v2 =	vadd.f32 v51, v2;
	v4 =	vadd.f32 v49, v4  }
0x343: {  	v1 =	vadd.f32 v50, v1;
	v63 =	vld [tilespmem:s24+$0x8B70];
	v3 =	vadd.f32 v48, v3  }
0x344: {  	v61 =	vld [tilespmem:s24+$0x8B60];
	v2 =	vadd.f32 v55, v2;
	v4 =	vadd.f32 v53, v4  }
0x345: {  	v1 =	vadd.f32 v54, v1;
	v3 =	vadd.f32 v52, v3  }
0x346: {  	v2 =	vadd.f32 v60, v2;
	v4 =	vadd.f32 v58, v4  }
0x347: {  	v1 =	vadd.f32 v59, v1;
	v3 =	vadd.f32 v56, v3  }
0x348: {  	p0 =	sne.s32 s0, $0x7;
	s30 =	sshll.u32 s25, $0x6;
	v2 =	vmul.f32 v62, v2;
	v4 =	vadd.f32 v63, v4  }
.Ltmp32:
0x349: {  	s24 =	sand.u32 $0x3FFFFFC0, s30;
	v1 =	vmul.f32 v62, v1;
	v3 =	vadd.f32 v61, v3;
	(pc) =	sbr.rel @p0 .LBB2_67-.Ltmp32, $4  }
0x34a: {  	[tilespmem:s24+$0x14710] =	vst v2;
	v2 =	vmul.f32 v62, v4  }
0x34b: {  	[tilespmem:s24+$0x14700] =	vst v1;
	v1 =	vmul.f32 v62, v3  }
0x34c: {  	[tilespmem:s24+$0x14730] =	vst v2  }
0x34d: {  	s0 =	sadd.s32 $0x1, s0;
	[tilespmem:s24+$0x14720] =	vst v1  }
0x34e: {  	s0 =	sadd.s32 $0x1, s21;
	p0 =	seq.s32 s21, $0x1F  }
0x34f: {  	s21 =	smul.u32 @!p0 $0xC80, s0;
	_ =	sdelay $0x1  }
0x350: {  	s21 =	sshra.s32 @!p0 s21, $0x2  }
0x351: {  	s25 =	simm.s32 @!p0 $0x68;
	s30 =	simm.s32 @!p0 $0x7F00;
	s24 =	sadd.s32 @!p0 $0x1900, s21  }
0x352: {  	[tilespmem:s30], [sflag:$0x3] =	stream.indirect.gather @!p0 [hbm4b:s3+s25], $0x40, s24, s25, $0xb8;
	[tilespmem:$0x1C700] =	vst v63  }
0x353: {  	s4 =	simm.s32 @!p0 $0x9900;
	s24 =	sadd.s32 @!p0 $0x1968, s21;
	s30 =	simm.s32 @!p0 $0x60  }
0x354: {  	[tilespmem:s4], [sflag:$0x3] =	stream.indirect.gather @!p0 [hbm4b:s3+s30], $0x40, s24, s30, $0xb8;
	[tilespmem:$0x1C700] =	vst v63  }
0x355: {  	s4 =	sadd.s32 @!p0 $0x19C8, s21;
	s24 =	simm.s32 @!p0 $0xB100  }
0x356: {  	[tilespmem:s24], [sflag:$0x3] =	stream.indirect.gather @!p0 [hbm4b:s3+s25], $0x40, s4, s25, $0xb8;
	[tilespmem:$0x1C700] =	vst v63  }
0x357: {  	s4 =	sadd.s32 @!p0 $0x1A30, s21;
	s24 =	simm.s32 @!p0 $0xCB00  }
0x358: {  	[tilespmem:s24], [sflag:$0x3] =	stream.indirect.gather @!p0 [hbm4b:s3+s30], $0x40, s4, s30, $0xb8;
	[tilespmem:$0x1C700] =	vst v63  }
0x359: {  	_ =	swait.ge [sflag:s29], $0x1A00  }
0x35a: {  	[sflag:s29] =	ssyncset.done $0x0  }
0x35b: {  	[sflag:s29] =	ssyncadd.s32 $0xFFFFE600  }
0x35c: {  	_ =	swait.ge [sflag:s29], $0x1800  }
0x35d: {  	[sflag:s29] =	ssyncset.done $0x0  }
0x35e: {  	[sflag:s29] =	ssyncadd.s32 $0xFFFFE800  }
0x35f: {  	_ =	swait.ge [sflag:s29], $0x1A00  }
0x360: {  	[sflag:s29] =	ssyncset.done $0x0  }
0x361: {  	[sflag:s29] =	ssyncadd.s32 $0xFFFFE600  }
0x362: {  	_ =	swait.ge [sflag:s29], $0x1800  }
0x363: {  	[sflag:s29] =	ssyncset.done $0x0  }
0x364: {  	s23 =	sor.u32 $0x8, s23;
	s24 =	simm.s32 $0x0;
	[sflag:s29] =	ssyncadd.s32 $0xFFFFE800  }
.LBB2_69:
0x365: {  	s4 =	smul.u32 $0x3200, s24;
	_ =	sdelay $0x1  }
0x366: {  	s25 =	sshra.s32 s4, $0x2  }
0x367: {  	v59 =	vld [tilespmem:s25+$0xE6E0];
	_ =	sdelay $0x4  }
0x368: {  	[tilespmem:$0x1FA70] =	vst v59;
	v59 =	vld [tilespmem:s25+$0xE710];
	_ =	sdelay $0x4  }
0x369: {  	[tilespmem:$0x1FA90] =	vst v59;
	v59 =	vld [tilespmem:s25+$0xE720];
	_ =	sdelay $0x4  }
0x36a: {  	[tilespmem:$0x1FAA0] =	vst v59;
	v59 =	vld [tilespmem:s25+$0xE730];
	_ =	sdelay $0x4  }
0x36b: {  	[tilespmem:$0x1FAC0] =	vst v59;
	v59 =	vld [tilespmem:s25+$0xE740];
	_ =	sdelay $0x1  }
0x36c: {  	v3 =	vld [tilespmem:s25+$0xE300]  }
0x36d: {  	v4 =	vld [tilespmem:s25+$0xE310]  }
0x36e: {  	v14 =	vld [tilespmem:s25+$0xE320]  }
0x36f: {  	[tilespmem:$0x1FAB0] =	vst v59;
	v59 =	vld [tilespmem:s25+$0xE750]  }
0x370: {  	v15 =	vld [tilespmem:s25+$0xE330]  }
0x371: {  	v18 =	vld [tilespmem:s25+$0xE340]  }
0x372: {  	v19 =	vld [tilespmem:s25+$0xE350]  }
0x373: {  	v30 =	vld [tilespmem:s25+$0xE360]  }
0x374: {  	[tilespmem:$0x1FAD0] =	vst v59;
	v59 =	vld [tilespmem:s25+$0xE760]  }
0x375: {  	v31 =	vld [tilespmem:s25+$0xE370]  }
0x376: {  	v34 =	vld [tilespmem:s25+$0xE380]  }
0x377: {  	v35 =	vld [tilespmem:s25+$0xE390]  }
0x378: {  	v46 =	vld [tilespmem:s25+$0xE3A0]  }
0x379: {  	[tilespmem:$0x1FAE0] =	vst v59;
	v59 =	vld [tilespmem:s25+$0xE770]  }
0x37a: {  	v47 =	vld [tilespmem:s25+$0xE3B0]  }
0x37b: {  	v50 =	vld [tilespmem:s25+$0xE3C0]  }
0x37c: {  	v51 =	vld [tilespmem:s25+$0xE3D0]  }
0x37d: {  	v62 =	vld [tilespmem:s25+$0xE3E0]  }
0x37e: {  	[tilespmem:$0x1FB00] =	vst v59;
	v59 =	vld [tilespmem:s25+$0xE780]  }
0x37f: {  	v63 =	vld [tilespmem:s25+$0xE3F0]  }
0x380: {  	v1 =	vld [tilespmem:s25+$0xE400]  }
0x381: {  	v2 =	vld [tilespmem:s25+$0xE410]  }
0x382: {  	v6 =	vld [tilespmem:s25+$0xE420]  }
0x383: {  	[tilespmem:$0x1FAF0] =	vst v59;
	v59 =	vld [tilespmem:s25+$0xE790]  }
0x384: {  	v10 =	vld [tilespmem:s25+$0xE430]  }
0x385: {  	v5 =	vld [tilespmem:s25+$0xE440]  }
0x386: {  	v7 =	vld [tilespmem:s25+$0xE450]  }
0x387: {  	v9 =	vld [tilespmem:s25+$0xE460]  }
0x388: {  	[tilespmem:$0x1FB10] =	vst v59;
	v59 =	vld [tilespmem:s25+$0xE7A0]  }
0x389: {  	v16 =	vld [tilespmem:s25+$0xE470]  }
0x38a: {  	v8 =	vld [tilespmem:s25+$0xE480]  }
0x38b: {  	v11 =	vld [tilespmem:s25+$0xE490]  }
0x38c: {  	v13 =	vld [tilespmem:s25+$0xE4A0]  }
0x38d: {  	[tilespmem:$0x1FB20] =	vst v59;
	v59 =	vld [tilespmem:s25+$0xE7B0]  }
0x38e: {  	v22 =	vld [tilespmem:s25+$0xE4B0]  }
0x38f: {  	v12 =	vld [tilespmem:s25+$0xE4C0]  }
0x390: {  	v17 =	vld [tilespmem:s25+$0xE4D0]  }
0x391: {  	v21 =	vld [tilespmem:s25+$0xE4E0]  }
0x392: {  	[tilespmem:$0x1FB40] =	vst v59;
	v59 =	vld [tilespmem:s25+$0xE7C0]  }
0x393: {  	v26 =	vld [tilespmem:s25+$0xE4F0]  }
0x394: {  	v20 =	vld [tilespmem:s25+$0xE500]  }
0x395: {  	v23 =	vld [tilespmem:s25+$0xE510]  }
0x396: {  	v25 =	vld [tilespmem:s25+$0xE520]  }
0x397: {  	[tilespmem:$0x1FB30] =	vst v59;
	v59 =	vld [tilespmem:s25+$0xE7D0]  }
0x398: {  	v32 =	vld [tilespmem:s25+$0xE530]  }
0x399: {  	v24 =	vld [tilespmem:s25+$0xE540]  }
0x39a: {  	v27 =	vld [tilespmem:s25+$0xE550]  }
0x39b: {  	v29 =	vld [tilespmem:s25+$0xE560]  }
0x39c: {  	[tilespmem:$0x1FB50] =	vst v59;
	v59 =	vld [tilespmem:s25+$0xE7E0]  }
0x39d: {  	v38 =	vld [tilespmem:s25+$0xE570]  }
0x39e: {  	v28 =	vld [tilespmem:s25+$0xE580]  }
0x39f: {  	v33 =	vld [tilespmem:s25+$0xE590]  }
0x3a0: {  	v37 =	vld [tilespmem:s25+$0xE5A0]  }
0x3a1: {  	[tilespmem:$0x1FB60] =	vst v59;
	v59 =	vld [tilespmem:s25+$0xE7F0]  }
0x3a2: {  	v42 =	vld [tilespmem:s25+$0xE5B0]  }
0x3a3: {  	v36 =	vld [tilespmem:s25+$0xE5C0]  }
0x3a4: {  	v39 =	vld [tilespmem:s25+$0xE5D0]  }
0x3a5: {  	v41 =	vld [tilespmem:s25+$0xE5E0]  }
0x3a6: {  	[tilespmem:$0x1FB80] =	vst v59;
	v59 =	vld [tilespmem:s25+$0xE800]  }
0x3a7: {  	v48 =	vld [tilespmem:s25+$0xE5F0]  }
0x3a8: {  	v40 =	vld [tilespmem:s25+$0xE600]  }
0x3a9: {  	v43 =	vld [tilespmem:s25+$0xE610]  }
0x3aa: {  	v45 =	vld [tilespmem:s25+$0xE620]  }
0x3ab: {  	[tilespmem:$0x1FB70] =	vst v59;
	v59 =	vld [tilespmem:s25+$0xE810]  }
0x3ac: {  	v54 =	vld [tilespmem:s25+$0xE630]  }
0x3ad: {  	v44 =	vld [tilespmem:s25+$0xE640]  }
0x3ae: {  	v49 =	vld [tilespmem:s25+$0xE650]  }
0x3af: {  	v53 =	vld [tilespmem:s25+$0xE660]  }
0x3b0: {  	[tilespmem:$0x1FB90] =	vst v59;
	v59 =	vld [tilespmem:s25+$0xE820]  }
0x3b1: {  	v57 =	vld [tilespmem:s25+$0xE670]  }
0x3b2: {  	v52 =	vld [tilespmem:s25+$0xE680]  }
0x3b3: {  	v55 =	vld [tilespmem:s25+$0xE690]  }
0x3b4: {  	v56 =	vld [tilespmem:s25+$0xE6B0]  }
0x3b5: {  	[tilespmem:$0x1FBA0] =	vst v59;
	v59 =	vld [tilespmem:s25+$0xE830]  }
0x3b6: {  	v61 =	vld [tilespmem:s25+$0xE6F0]  }
0x3b7: {  	v58 =	vld [tilespmem:s25+$0xE6A0]  }
0x3b8: {  	v60 =	vld [tilespmem:s25+$0xE6D0]  }
0x3b9: {  	[tilespmem:$0x1FA60] =	vst v56;
	v56 =	vld [tilespmem:s25+$0xE6C0]  }
0x3ba: {  	[tilespmem:$0x1FBC0] =	vst v59;
	v59 =	vld [tilespmem:s25+$0xE840]  }
0x3bb: {  	[tilespmem:$0x1FA80] =	vst v61;
	v61 =	vld [tilespmem:s25+$0xE700]  }
0x3bc: {  	v30 =	vadd.f32 v30, v14;
	v14 =	vld [tilespmem:s25+$0xE9C0]  }
0x3bd: {  	v3 =	vadd.f32 v18, v3;
	v18 =	vld [tilespmem:s25+$0xE9E0]  }
0x3be: {  	v4 =	vadd.f32 v19, v4;
	v19 =	vld [tilespmem:s25+$0xE9F0]  }
0x3bf: {  	[tilespmem:$0x1FBB0] =	vst v59;
	v59 =	vld [tilespmem:s25+$0xE850]  }
0x3c0: {  	v3 =	vadd.f32 v34, v3;
	v34 =	vadd.f32 v31, v15;
	v15 =	vld [tilespmem:s25+$0xE9D0]  }
0x3c1: {  	v4 =	vadd.f32 v35, v4;
	v30 =	vadd.f32 v46, v30;
	v35 =	vld [tilespmem:s25+$0xEA30]  }
0x3c2: {  	v46 =	vld [tilespmem:s25+$0xEA40]  }
0x3c3: {  	v62 =	vadd.f32 v62, v30;
	v30 =	vld [tilespmem:s25+$0xEA00]  }
0x3c4: {  	[tilespmem:$0x1FBD0] =	vst v59;
	v59 =	vld [tilespmem:s25+$0xE860]  }
0x3c5: {  	v31 =	vadd.f32 v47, v34;
	v34 =	vld [tilespmem:s25+$0xEA20]  }
0x3c6: {  	v47 =	vld [tilespmem:s25+$0xEA50]  }
0x3c7: {  	v3 =	vadd.f32 v50, v3;
	v50 =	vld [tilespmem:s25+$0xEA60]  }
0x3c8: {  	v4 =	vadd.f32 v51, v4;
	v51 =	vld [tilespmem:s25+$0xEA70]  }
0x3c9: {  	v1 =	vadd.f32 v1, v3;
	[tilespmem:$0x1FBE0] =	vst v59;
	v59 =	vld [tilespmem:s25+$0xE870]  }
0x3ca: {  	v3 =	vadd.f32 v63, v31;
	v31 =	vld [tilespmem:s25+$0xEA10];
	v63 =	vadd.f32 v6, v62  }
0x3cb: {  	v2 =	vadd.f32 v2, v4;
	v62 =	vld [tilespmem:s25+$0xEA80]  }
0x3cc: {  	v4 =	vadd.f32 v9, v63;
	v63 =	vld [tilespmem:s25+$0xEA90]  }
0x3cd: {  	v2 =	vadd.f32 v7, v2;
	v7 =	vld [tilespmem:s25+$0xEAC0]  }
0x3ce: {  	[tilespmem:$0x1FC00] =	vst v59;
	v59 =	vld [tilespmem:s25+$0xE880]  }
0x3cf: {  	v1 =	vadd.f32 v5, v1;
	v9 =	vld [tilespmem:s25+$0xEAE0]  }
0x3d0: {  	v3 =	vadd.f32 v10, v3;
	v10 =	vld [tilespmem:s25+$0xEAF0]  }
0x3d1: {  	v1 =	vadd.f32 v8, v1;
	v8 =	vld [tilespmem:s25+$0xEAD0]  }
0x3d2: {  	v2 =	vadd.f32 v11, v2;
	v11 =	vld [tilespmem:s25+$0xEB00]  }
0x3d3: {  	[tilespmem:$0x1FBF0] =	vst v59;
	v59 =	vld [tilespmem:s25+$0xE890]  }
0x3d4: {  	v4 =	vadd.f32 v13, v4;
	v13 =	vld [tilespmem:s25+$0xEB20]  }
0x3d5: {  	v3 =	vadd.f32 v16, v3;
	v16 =	vld [tilespmem:s25+$0xEB30]  }
0x3d6: {  	v1 =	vadd.f32 v12, v1;
	v12 =	vld [tilespmem:s25+$0xEB10]  }
0x3d7: {  	v2 =	vadd.f32 v17, v2;
	v17 =	vld [tilespmem:s25+$0xEB40]  }
0x3d8: {  	v3 =	vadd.f32 v22, v3;
	[tilespmem:$0x1FC10] =	vst v59;
	v59 =	vld [tilespmem:s25+$0xE8A0]  }
0x3d9: {  	v4 =	vadd.f32 v21, v4;
	v21 =	vld [tilespmem:s25+$0xEB60]  }
0x3da: {  	v22 =	vadd.f32 v26, v3;
	v3 =	vld [tilespmem:s25+$0xEAA0]  }
0x3db: {  	v26 =	vadd.f32 v25, v4;
	v4 =	vld [tilespmem:s25+$0xEAB0]  }
0x3dc: {  	v1 =	vadd.f32 v20, v1;
	v20 =	vld [tilespmem:s25+$0xEB50]  }
0x3dd: {  	[tilespmem:$0x1FC20] =	vst v59;
	v59 =	vld [tilespmem:s25+$0xE8B0]  }
0x3de: {  	v2 =	vadd.f32 v23, v2;
	v23 =	vld [tilespmem:s25+$0xEB80]  }
0x3df: {  	v25 =	vld [tilespmem:s25+$0xEBA0]  }
0x3e0: {  	v5 =	vadd.f32 v32, v22;
	v2 =	vadd.f32 v27, v2;
	v22 =	vld [tilespmem:s25+$0xEB70]  }
0x3e1: {  	v1 =	vadd.f32 v24, v1;
	v6 =	vadd.f32 v29, v26;
	v24 =	vld [tilespmem:s25+$0xEB90]  }
0x3e2: {  	v2 =	vadd.f32 v33, v2;
	[tilespmem:$0x1FC40] =	vst v59;
	v59 =	vld [tilespmem:s25+$0xE8C0]  }
0x3e3: {  	v26 =	vld [tilespmem:s25+$0xEBB0];
	v1 =	vadd.f32 v28, v1;
	v6 =	vadd.f32 v37, v6  }
0x3e4: {  	v27 =	vld [tilespmem:s25+$0xEBC0];
	v5 =	vadd.f32 v38, v5;
	v2 =	vadd.f32 v39, v2  }
0x3e5: {  	v29 =	vld [tilespmem:s25+$0xEBE0];
	v1 =	vadd.f32 v36, v1;
	v6 =	vadd.f32 v41, v6  }
0x3e6: {  	v28 =	vld [tilespmem:s25+$0xEBD0];
	v5 =	vadd.f32 v42, v5;
	v2 =	vadd.f32 v43, v2  }
0x3e7: {  	v1 =	vadd.f32 v40, v1;
	v6 =	vadd.f32 v45, v6;
	[tilespmem:$0x1FC30] =	vst v59;
	v59 =	vld [tilespmem:s25+$0xE8D0]  }
0x3e8: {  	v5 =	vadd.f32 v48, v5;
	v2 =	vadd.f32 v49, v2;
	v49 =	vld [tilespmem:$0x1FA60]  }
0x3e9: {  	v1 =	vadd.f32 v44, v1;
	v6 =	vadd.f32 v53, v6;
	v53 =	vld [tilespmem:$0x1FA80]  }
0x3ea: {  	v5 =	vadd.f32 v54, v5;
	v54 =	vld [tilespmem:$0x1FA90]  }
0x3eb: {  	v1 =	vadd.f32 v52, v1;
	v52 =	vld [tilespmem:$0x1FA70]  }
0x3ec: {  	[tilespmem:$0x1FC50] =	vst v59;
	v59 =	vld [tilespmem:s25+$0xE8E0]  }
0x3ed: {  	v2 =	vadd.f32 v55, v2;
	v55 =	vld [tilespmem:$0x1FAA0]  }
0x3ee: {  	v5 =	vadd.f32 v57, v5;
	v57 =	vld [tilespmem:$0x1FAC0]  }
0x3ef: {  	v6 =	vadd.f32 v58, v6;
	v58 =	vld [tilespmem:$0x1FAD0]  }
0x3f0: {  	v1 =	vadd.f32 v56, v1;
	v56 =	vld [tilespmem:$0x1FAB0]  }
0x3f1: {  	[tilespmem:$0x1FC60] =	vst v59;
	v59 =	vld [tilespmem:s25+$0xE8F0]  }
0x3f2: {  	v2 =	vadd.f32 v60, v2;
	v5 =	vadd.f32 v49, v5;
	v60 =	vld [tilespmem:$0x1FAE0]  }
0x3f3: {  	v32 =	vld [tilespmem:$0x1FB00]  }
0x3f4: {  	v5 =	vadd.f32 v53, v5;
	v33 =	vld [tilespmem:$0x1FB10]  }
0x3f5: {  	v1 =	vadd.f32 v61, v1;
	v2 =	vadd.f32 v54, v2;
	v61 =	vld [tilespmem:$0x1FAF0]  }
0x3f6: {  	v6 =	vadd.f32 v52, v6;
	v5 =	vadd.f32 v57, v5;
	[tilespmem:$0x1FC80] =	vst v59;
	v59 =	vld [tilespmem:s25+$0xE900]  }
0x3f7: {  	v2 =	vadd.f32 v58, v2;
	v36 =	vld [tilespmem:$0x1FB20]  }
0x3f8: {  	v6 =	vadd.f32 v55, v6;
	v5 =	vadd.f32 v32, v5;
	v32 =	vld [tilespmem:s25+$0xEBF0]  }
0x3f9: {  	v2 =	vadd.f32 v33, v2;
	v33 =	vld [tilespmem:s25+$0xEC00]  }
0x3fa: {  	v6 =	vadd.f32 v60, v6;
	v38 =	vld [tilespmem:$0x1FB40]  }
0x3fb: {  	[tilespmem:$0x1FC70] =	vst v59;
	v59 =	vld [tilespmem:s25+$0xE910]  }
0x3fc: {  	v6 =	vadd.f32 v36, v6;
	v36 =	vld [tilespmem:s25+$0xEC10]  }
0x3fd: {  	v37 =	vld [tilespmem:$0x1FB30]  }
0x3fe: {  	v1 =	vadd.f32 v56, v1;
	v39 =	vld [tilespmem:$0x1FB50]  }
0x3ff: {  	v5 =	vadd.f32 v38, v5;
	v38 =	vld [tilespmem:s25+$0xEC30]  }
0x400: {  	v1 =	vadd.f32 v61, v1;
	[tilespmem:$0x1FC90] =	vst v59;
	v59 =	vld [tilespmem:s25+$0xE920]  }
0x401: {  	v40 =	vld [tilespmem:$0x1FB60]  }
0x402: {  	v1 =	vadd.f32 v37, v1;
	v37 =	vld [tilespmem:s25+$0xEC20]  }
0x403: {  	v2 =	vadd.f32 v39, v2;
	v39 =	vld [tilespmem:s25+$0xEC40]  }
0x404: {  	v42 =	vld [tilespmem:$0x1FB80]  }
0x405: {  	[tilespmem:$0x1FCA0] =	vst v59;
	v59 =	vld [tilespmem:s25+$0xE930]  }
0x406: {  	v6 =	vadd.f32 v40, v6;
	v40 =	vld [tilespmem:s25+$0xEC50]  }
0x407: {  	v41 =	vld [tilespmem:$0x1FB70]  }
0x408: {  	v43 =	vld [tilespmem:$0x1FB90]  }
0x409: {  	v5 =	vadd.f32 v42, v5;
	v42 =	vld [tilespmem:s25+$0xEC70]  }
0x40a: {  	[tilespmem:$0x1FCC0] =	vst v59;
	v59 =	vld [tilespmem:s25+$0xE940]  }
0x40b: {  	v44 =	vld [tilespmem:$0x1FBA0]  }
0x40c: {  	v1 =	vadd.f32 v41, v1;
	v41 =	vld [tilespmem:s25+$0xEC60]  }
0x40d: {  	v2 =	vadd.f32 v43, v2;
	v43 =	vld [tilespmem:s25+$0xEC80]  }
0x40e: {  	v48 =	vld [tilespmem:$0x1FBC0]  }
0x40f: {  	[tilespmem:$0x1FCB0] =	vst v59;
	v59 =	vld [tilespmem:s25+$0xE950]  }
0x410: {  	v6 =	vadd.f32 v44, v6;
	v44 =	vld [tilespmem:s25+$0xEC90]  }
0x411: {  	v45 =	vld [tilespmem:$0x1FBB0]  }
0x412: {  	v49 =	vld [tilespmem:$0x1FBD0]  }
0x413: {  	v52 =	vld [tilespmem:$0x1FBE0]  }
0x414: {  	[tilespmem:$0x1FCD0] =	vst v59;
	v59 =	vld [tilespmem:s25+$0xE960]  }
0x415: {  	v54 =	vld [tilespmem:$0x1FC00]  }
0x416: {  	v53 =	vld [tilespmem:$0x1FBF0]  }
0x417: {  	v55 =	vld [tilespmem:$0x1FC10]  }
0x418: {  	v56 =	vld [tilespmem:$0x1FC20]  }
0x419: {  	[tilespmem:$0x1FCE0] =	vst v59;
	v59 =	vld [tilespmem:s25+$0xE970]  }
0x41a: {  	v58 =	vld [tilespmem:$0x1FC40]  }
0x41b: {  	v5 =	vadd.f32 v48, v5;
	v57 =	vld [tilespmem:$0x1FC30]  }
0x41c: {  	v48 =	vld [tilespmem:$0x1FC80]  }
0x41d: {  	v5 =	vadd.f32 v54, v5;
	v60 =	vld [tilespmem:$0x1FC50]  }
0x41e: {  	[tilespmem:$0x1FD00] =	vst v59;
	v59 =	vld [tilespmem:s25+$0xE980]  }
0x41f: {  	v5 =	vadd.f32 v58, v5;
	v61 =	vld [tilespmem:$0x1FC60]  }
0x420: {  	v1 =	vadd.f32 v45, v1;
	v45 =	vld [tilespmem:$0x1FC70]  }
0x421: {  	v5 =	vadd.f32 v48, v5;
	v48 =	vld [tilespmem:s25+$0xECB0]  }
0x422: {  	v2 =	vadd.f32 v49, v2;
	v49 =	vld [tilespmem:$0x1FC90]  }
0x423: {  	[tilespmem:$0x1FCF0] =	vst v59;
	v59 =	vld [tilespmem:s25+$0xE990]  }
0x424: {  	v6 =	vadd.f32 v52, v6;
	v52 =	vld [tilespmem:$0x1FCA0]  }
0x425: {  	v54 =	vld [tilespmem:$0x1FCC0]  }
0x426: {  	v1 =	vadd.f32 v53, v1;
	v53 =	vld [tilespmem:$0x1FCB0]  }
0x427: {  	v2 =	vadd.f32 v55, v2;
	v55 =	vld [tilespmem:$0x1FCD0]  }
0x428: {  	[tilespmem:$0x1FD10] =	vst v59;
	v59 =	vld [tilespmem:s25+$0xE9A0]  }
0x429: {  	v6 =	vadd.f32 v56, v6;
	v56 =	vld [tilespmem:$0x1FCE0]  }
0x42a: {  	v2 =	vadd.f32 v60, v2;
	v58 =	vld [tilespmem:$0x1FD00]  }
0x42b: {  	v1 =	vadd.f32 v57, v1;
	v60 =	vld [tilespmem:$0x1FD10]  }
0x42c: {  	v2 =	vadd.f32 v49, v2;
	v57 =	vld [tilespmem:$0x1FCF0]  }
0x42d: {  	v6 =	vadd.f32 v61, v6;
	v1 =	vadd.f32 v45, v1;
	[tilespmem:$0x1FD20] =	vst v59;
	v59 =	vld [tilespmem:s25+$0xE9B0]  }
0x42e: {  	v5 =	vadd.f32 v54, v5;
	v2 =	vadd.f32 v55, v2;
	v61 =	vld [tilespmem:$0x1FD20]  }
0x42f: {  	v45 =	vld [tilespmem:s25+$0xECA0];
	v6 =	vadd.f32 v52, v6;
	v1 =	vadd.f32 v53, v1  }
0x430: {  	v49 =	vld [tilespmem:s25+$0xECC0];
	v5 =	vadd.f32 v58, v5;
	v2 =	vadd.f32 v60, v2  }
0x431: {  	v52 =	vld [tilespmem:s25+$0xECD0];
	v6 =	vadd.f32 v56, v6;
	v1 =	vadd.f32 v57, v1  }
0x432: {  	v54 =	vld [tilespmem:s25+$0xED50];
	v2 =	vadd.f32 v15, v2;
	v5 =	vadd.f32 v59, v5  }
0x433: {  	v53 =	vld [tilespmem:s25+$0xED40];
	v1 =	vadd.f32 v14, v1;
	v6 =	vadd.f32 v61, v6  }
0x434: {  	v55 =	vld [tilespmem:s25+$0xED60];
	v2 =	vadd.f32 v31, v2;
	v5 =	vadd.f32 v19, v5  }
0x435: {  	v56 =	vld [tilespmem:s25+$0xED70];
	v1 =	vadd.f32 v30, v1;
	v6 =	vadd.f32 v18, v6  }
0x436: {  	v58 =	vld [tilespmem:s25+$0xED90];
	v2 =	vadd.f32 v47, v2;
	v5 =	vadd.f32 v35, v5  }
0x437: {  	v57 =	vld [tilespmem:s25+$0xED80];
	v1 =	vadd.f32 v46, v1;
	v6 =	vadd.f32 v34, v6  }
0x438: {  	v14 =	vld [tilespmem:s25+$0xECE0];
	v2 =	vadd.f32 v63, v2;
	v5 =	vadd.f32 v51, v5  }
0x439: {  	v30 =	vld [tilespmem:s25+$0xED20];
	v1 =	vadd.f32 v62, v1;
	v6 =	vadd.f32 v50, v6  }
0x43a: {  	v60 =	vld [tilespmem:s25+$0xEDB0];
	v2 =	vadd.f32 v8, v2;
	v4 =	vadd.f32 v4, v5  }
0x43b: {  	v46 =	vld [tilespmem:s25+$0xEE80];
	v1 =	vadd.f32 v7, v1;
	v3 =	vadd.f32 v3, v6  }
0x43c: {  	v15 =	vld [tilespmem:s25+$0xECF0];
	v2 =	vadd.f32 v12, v2;
	v4 =	vadd.f32 v10, v4  }
0x43d: {  	v62 =	vld [tilespmem:s25+$0xEDD0];
	v1 =	vadd.f32 v11, v1;
	v3 =	vadd.f32 v9, v3  }
0x43e: {  	v31 =	vld [tilespmem:s25+$0xED30];
	v2 =	vadd.f32 v20, v2;
	v4 =	vadd.f32 v16, v4  }
0x43f: {  	v59 =	vld [tilespmem:s25+$0xEDA0];
	v1 =	vadd.f32 v17, v1;
	v3 =	vadd.f32 v13, v3  }
0x440: {  	v61 =	vld [tilespmem:s25+$0xEDC0];
	v2 =	vadd.f32 v24, v2;
	v4 =	vadd.f32 v22, v4  }
0x441: {  	v19 =	vld [tilespmem:s25+$0xED10];
	v1 =	vadd.f32 v23, v1;
	v3 =	vadd.f32 v21, v3  }
0x442: {  	v47 =	vld [tilespmem:s25+$0xEE90];
	v2 =	vadd.f32 v28, v2;
	v4 =	vadd.f32 v26, v4  }
0x443: {  	v18 =	vld [tilespmem:s25+$0xED00];
	v1 =	vadd.f32 v27, v1;
	v3 =	vadd.f32 v25, v3  }
0x444: {  	v63 =	vld [tilespmem:s25+$0xEDE0];
	v2 =	vadd.f32 v36, v2;
	v4 =	vadd.f32 v32, v4  }
0x445: {  	v51 =	vld [tilespmem:s25+$0xEED0];
	v1 =	vadd.f32 v33, v1;
	v3 =	vadd.f32 v29, v3  }
0x446: {  	v50 =	vld [tilespmem:s25+$0xEEC0];
	v2 =	vadd.f32 v40, v2;
	v4 =	vadd.f32 v38, v4  }
0x447: {  	v33 =	vld [tilespmem:s25+$0xEE00];
	v1 =	vadd.f32 v39, v1;
	v3 =	vadd.f32 v37, v3  }
0x448: {  	v39 =	vld [tilespmem:s25+$0xEE20];
	v2 =	vadd.f32 v44, v2;
	v4 =	vadd.f32 v42, v4  }
0x449: {  	v28 =	vld [tilespmem:s25+$0xEDF0];
	v1 =	vadd.f32 v43, v1;
	v3 =	vadd.f32 v41, v3  }
0x44a: {  	v43 =	vld [tilespmem:s25+$0xEE50];
	v2 =	vadd.f32 v52, v2;
	v4 =	vadd.f32 v48, v4  }
0x44b: {  	v36 =	vld [tilespmem:s25+$0xEE10];
	v1 =	vadd.f32 v49, v1;
	v3 =	vadd.f32 v45, v3  }
0x44c: {  	v49 =	vld [tilespmem:s25+$0xEEB0];
	v2 =	vadd.f32 v19, v2;
	v4 =	vadd.f32 v15, v4  }
0x44d: {  	v40 =	vld [tilespmem:s25+$0xEE30];
	v1 =	vadd.f32 v18, v1;
	v3 =	vadd.f32 v14, v3  }
0x44e: {  	v44 =	vld [tilespmem:s25+$0xEE60];
	v2 =	vadd.f32 v54, v2;
	v4 =	vadd.f32 v31, v4  }
0x44f: {  	v1 =	vadd.f32 v53, v1;
	v53 =	vld [tilespmem:s25+$0xEEF0];
	v3 =	vadd.f32 v30, v3  }
0x450: {  	v52 =	vld [tilespmem:s25+$0xEEE0];
	v2 =	vadd.f32 v58, v2;
	v4 =	vadd.f32 v56, v4  }
0x451: {  	v41 =	vld [tilespmem:s25+$0xEE40];
	v1 =	vadd.f32 v57, v1;
	v3 =	vadd.f32 v55, v3  }
0x452: {  	s30 =	sadd.s32 s23, s24;
	v48 =	vld [tilespmem:s25+$0xEEA0];
	v2 =	vadd.f32 v62, v2;
	v4 =	vadd.f32 v60, v4  }
0x453: {  	v57 =	vmov s30;
	v45 =	vld [tilespmem:s25+$0xEE70];
	v1 =	vadd.f32 v61, v1;
	v3 =	vadd.f32 v59, v3  }
0x454: {  	v54 =	vld [tilespmem:s25+$0xEF00];
	v2 =	vadd.f32 v36, v2;
	v4 =	vadd.f32 v28, v4  }
0x455: {  	v1 =	vadd.f32 v33, v1;
	v58 =	vld [tilespmem:s25+$0xEF30];
	v3 =	vadd.f32 v63, v3  }
0x456: {  	v56 =	vld [tilespmem:s25+$0xEF20];
	v2 =	vadd.f32 v43, v2;
	v4 =	vadd.f32 v40, v4  }
0x457: {  	v1 =	vadd.f32 v41, v1;
	v55 =	vld [tilespmem:s25+$0xEF10];
	v3 =	vadd.f32 v39, v3  }
0x458: {  	v62 =	vld.idx.msk [tilespmem:v57+s28+$0x0], $0xffff;
	v2 =	vadd.f32 v47, v2;
	v4 =	vadd.f32 v45, v4  }
0x459: {  	v1 =	vadd.f32 v46, v1;
	v60 =	vld [tilespmem:s25+$0xEF50];
	v3 =	vadd.f32 v44, v3  }
0x45a: {  	v59 =	vld [tilespmem:s25+$0xEF40];
	v2 =	vadd.f32 v51, v2;
	v4 =	vadd.f32 v49, v4  }
0x45b: {  	v1 =	vadd.f32 v50, v1;
	v63 =	vld [tilespmem:s25+$0xEF70];
	v3 =	vadd.f32 v48, v3  }
0x45c: {  	v61 =	vld [tilespmem:s25+$0xEF60];
	v2 =	vadd.f32 v55, v2;
	v4 =	vadd.f32 v53, v4  }
0x45d: {  	v1 =	vadd.f32 v54, v1;
	v3 =	vadd.f32 v52, v3  }
0x45e: {  	v2 =	vadd.f32 v60, v2;
	v4 =	vadd.f32 v58, v4  }
0x45f: {  	v1 =	vadd.f32 v59, v1;
	v3 =	vadd.f32 v56, v3  }
0x460: {  	p1 =	sne.s32 s24, $0x7;
	s4 =	sshll.u32 s30, $0x6;
	v2 =	vmul.f32 v62, v2;
	v4 =	vadd.f32 v63, v4  }
.Ltmp33:
0x461: {  	s4 =	sand.u32 $0x3FFFFFC0, s4;
	v1 =	vmul.f32 v62, v1;
	v3 =	vadd.f32 v61, v3;
	(pc) =	sbr.rel @p1 .LBB2_69-.Ltmp33, $4  }
0x462: {  	[tilespmem:s4+$0x14710] =	vst v2;
	v2 =	vmul.f32 v62, v4  }
0x463: {  	[tilespmem:s4+$0x14700] =	vst v1;
	v1 =	vmul.f32 v62, v3  }
0x464: {  	[tilespmem:s4+$0x14730] =	vst v2  }
0x465: {  	s24 =	sadd.s32 $0x1, s24;
	[tilespmem:s4+$0x14720] =	vst v1  }
0x466: {  	s4 =	sadd.s32 @!p0 $0x1A90, s21;
	s23 =	simm.s32 @!p0 $0x68;
	s24 =	simm.s32 @!p0 $0xE300  }
0x467: {  	[tilespmem:s24], [sflag:$0x4] =	stream.indirect.gather @!p0 [hbm4b:s3+s23], $0x40, s4, s23, $0xb8;
	[tilespmem:$0x1C700] =	vst v63  }
0x468: {  	s25 =	simm.s32 @!p0 $0xFD00;
	s4 =	sadd.s32 @!p0 $0x1AF8, s21;
	s24 =	simm.s32 @!p0 $0x60  }
0x469: {  	[tilespmem:s25], [sflag:$0x4] =	stream.indirect.gather @!p0 [hbm4b:s3+s24], $0x40, s4, s24, $0xb8;
	[tilespmem:$0x1C700] =	vst v63  }
0x46a: {  	s4 =	sadd.s32 @!p0 $0x1B58, s21;
	s25 =	simm.s32 @!p0 $0x11500  }
0x46b: {  	[tilespmem:s25], [sflag:$0x4] =	stream.indirect.gather @!p0 [hbm4b:s3+s23], $0x40, s4, s23, $0xb8;
	[tilespmem:$0x1C700] =	vst v63  }
0x46c: {  	p1 =	sne.s32 @!p0 s0, $0x20;
	s4 =	sadd.s32 @!p0 $0x1BC0, s21;
	s21 =	simm.s32 @!p0 $0x12F00  }
0x46d: {  	[tilespmem:s21], [sflag:$0x4] =	stream.indirect.gather @!p0 [hbm4b:s3+s24], $0x40, s4, s24, $0xb8;
	[tilespmem:$0x1C700] =	vst v63  }
0x46e: {  	p0 =	por p0, !p1  }
.Ltmp34:
0x46f: {  	_ = 	snop;
	(pc) =	sbr.rel @!p0 .LBB2_66-.Ltmp34, $2  }
0x470: {  	_ =	sdelay $0x2  }
0x471: {  	s21 =	smov.u32 s0  }
0x472: {  	s1 =	sadd.s32 $0x1, s1  }
0x473: {  	p0 =	sne.s32 s1, s13  }
.Ltmp35:
0x474: {  	s0 =	simm.s32 $0x14700;
	(pc) =	sbr.rel @p0 .LBB2_1-.Ltmp35, $4  }
0x475: {  	[hbm4b:s12+s2] =	stream.linear.scatter [tilespmem:s0], [sflag:$0x5], $0x8000, $0x38;
	[tilespmem:$0x1C700] =	vst v63  }
0x476: {  	_ =	swait.ge [sflag:s31], $0x8000  }
0x477: {  	[sflag:s31] =	ssyncset.done $0x0  }
0x478: {  	v5 =	vimm.f32 $1.000000000e+00;
	[sflag:s31] =	ssyncadd.s32 $0xFFFF8000  }
0x479: {  	_ =	sfence.sel $0x180000  }
0x47a: {  	[bflag:$0x0] =	sbarrier.arrive $0xFFFF  }
0x47b: {  	_ =	strace $0x90000047  }
0x47c: {  	s0 =	stileid.u32;
	[bflag:$0x2] =	sbarrier.arrive $0xFFFF  }
0x47d: {  	p0 =	sne.s32 s0, $0x0;
	s0 =	rddreg [dreg:$0x2]  }
0x47e: {  	s0 =	sadd.s32 @!p0 $0x100000, s0  }
0x47f: {  	[sflag:s0] =	ssyncadd.tile.s32 @!p0 $0x1;
	_ =	shalt  }
.Lfunc_end2:
_tile_overlayer_lowered:
.L_overlay_start_2:
0x480: {  	(tag) =	ssettag $0x2  }
0x481: {  	s0 =	rddreg [dreg:$0x0];
	s2 =	stileid.u32  }
0x482: {  	s1 =	rddreg [dreg:$0x1];
	p0 =	sne.s32 s2, $0x0  }
0x483: {  	s3 =	rddreg [dreg:$0x2];
	[bflag:$0x3] =	sbarrier.arrive $0xFFFF;
	s2 =	simm.s32 @!p0 $0x1C05  }
0x484: {  	[timem:s3], [sflag:s2] =	dma.local @!p0 [hbm:s0], s1  }
0x485: {  	s0 =	simm.s32 @!p0 $0x5  }
0x486: {  	_ =	swait.ge @!p0 [sflag:s0], s1  }
0x487: {  	s1 =	ssub.s32 @!p0 $0x0, s1;
	[sflag:s0] =	ssyncset.done @!p0 $0x0  }
0x488: {  	[sflag:s0] =	ssyncadd.s32 @!p0 s1  }
0x489: {  	[bflag:$0x3] =	sbarrier.arrive $0xFFFF  }
0x48a: {  	_ =	shalt  }

</sc_bundles>
